<compile_context>
chip_gen: v7x
topology: tpu7x:2x2x1
jax: 0.10.2.dev20260603
libtpu: 0.0.44.dev20260713+nightly
codegen_flags: <defaults>
</compile_context>

<pallas_src>
import functools

import jax
import jax.numpy as jnp
from jax import lax
from jax.experimental import pallas as pl
from jax.experimental.pallas import tpu as pltpu
from jax.experimental.pallas import tpu_sc as plsc

N = 10000
E = 320000
CHUNK = 128
NCHUNKS = E // CHUNK
NCORES = 2
NSUB = 16
NW = NCORES * NSUB
CPT = NCHUNKS // NW
NEXTRA = NCHUNKS - CPT * NW
RPT = N // NSUB
BLK = 2000
GRID = N // BLK
DEGW = 8


def _make_agg(d_feat):
    mesh = plsc.VectorSubcoreMesh(core_axis_name="c", subcore_axis_name="s")
    nbuf = {64: 3, 32: 6, 16: 6}[d_feat]

    @functools.partial(
        pl.kernel,
        out_type=jax.ShapeDtypeStruct((N, 128), jnp.float32),
        mesh=mesh,
        compiler_params=pltpu.CompilerParams(use_tc_tiling_on_sc=False,
                                             needs_layout_passes=False),
        scratch_types=[
            pltpu.VMEM((CPT + 1, CHUNK), jnp.int32),
            pltpu.VMEM((CPT + 1, CHUNK), jnp.int32),
            pltpu.VMEM((nbuf, CHUNK, d_feat), jnp.float32),
            pltpu.VMEM_SHARED((N, d_feat), jnp.float32),
            pltpu.VMEM_SHARED((N, d_feat), jnp.float32),
            [pltpu.SemaphoreType.DMA] * nbuf,
        ],
    )
    def agg(src_hbm, dst_hbm, y_hbm, zeros_hbm, out_hbm,
            src_v, dst_v, rows_v, acc_sh, ytab_sh, gsems):
        c = lax.axis_index("c")
        s = lax.axis_index("s")
        wid = c * NSUB + s
        row0 = s * RPT
        pltpu.sync_copy(src_hbm.at[pl.ds(wid * CPT, CPT)],
                        src_v.at[pl.ds(0, CPT)])
        pltpu.sync_copy(dst_hbm.at[pl.ds(wid * CPT, CPT)],
                        dst_v.at[pl.ds(0, CPT)])

        @pl.when(wid < NEXTRA)
        def _():
            pltpu.sync_copy(src_hbm.at[pl.ds(NW * CPT + wid, 1)],
                            src_v.at[pl.ds(CPT, 1)])
            pltpu.sync_copy(dst_hbm.at[pl.ds(NW * CPT + wid, 1)],
                            dst_v.at[pl.ds(CPT, 1)])

        pltpu.sync_copy(y_hbm.at[pl.ds(row0, RPT), pl.ds(0, d_feat)],
                        ytab_sh.at[pl.ds(row0, RPT)])
        pltpu.sync_copy(zeros_hbm, acc_sh.at[pl.ds(row0, RPT)])
        plsc.subcore_barrier()

        def gather(i, b):
            pltpu.async_copy(ytab_sh.at[src_v.at[i]], rows_v.at[b], gsems[b])

        for b in range(nbuf):
            gather(b, b)

        @pl.loop(0, CPT, step=nbuf)
        def _(j):
            for b in range(nbuf):
                i = j + b
                pltpu.make_async_copy(ytab_sh.at[src_v.at[i]],
                                      rows_v.at[b], gsems[b]).wait()
                pltpu.sync_copy(rows_v.at[b], acc_sh.at[dst_v.at[i]], add=True)

                @pl.when(i + nbuf < CPT)
                def _():
                    gather(i + nbuf, b)

        @pl.when(wid < NEXTRA)
        def _():
            pltpu.async_copy(ytab_sh.at[src_v.at[CPT]], rows_v.at[0],
                             gsems[0]).wait()
            pltpu.sync_copy(rows_v.at[0], acc_sh.at[dst_v.at[CPT]], add=True)

        plsc.subcore_barrier()
        pltpu.sync_copy(acc_sh.at[pl.ds(row0, RPT)],
                        out_hbm.at[pl.ds(row0, RPT), pl.ds(c * d_feat, d_feat)])

    return agg


def _make_deg():
    mesh = plsc.VectorSubcoreMesh(core_axis_name="c", subcore_axis_name="s")

    @functools.partial(
        pl.kernel,
        out_type=jax.ShapeDtypeStruct((N, 128), jnp.float32),
        mesh=mesh,
        compiler_params=pltpu.CompilerParams(use_tc_tiling_on_sc=False,
                                             needs_layout_passes=False),
        scratch_types=[
            pltpu.VMEM((CPT + 1, CHUNK), jnp.int32),
            pltpu.VMEM((CHUNK, DEGW), jnp.float32),
            pltpu.VMEM_SHARED((N, DEGW), jnp.float32),
            pltpu.SemaphoreType.DMA,
        ],
    )
    def deg(dst_hbm, ones_hbm, zeros_hbm, out_hbm, dst_v, ones_v, acc_sh, sem):
        c = lax.axis_index("c")
        s = lax.axis_index("s")
        wid = c * NSUB + s
        row0 = s * RPT
        pltpu.sync_copy(dst_hbm.at[pl.ds(wid * CPT, CPT)],
                        dst_v.at[pl.ds(0, CPT)])

        @pl.when(wid < NEXTRA)
        def _():
            pltpu.sync_copy(dst_hbm.at[pl.ds(NW * CPT + wid, 1)],
                            dst_v.at[pl.ds(CPT, 1)])

        pltpu.sync_copy(ones_hbm, ones_v)
        pltpu.sync_copy(zeros_hbm, acc_sh.at[pl.ds(row0, RPT)])
        plsc.subcore_barrier()

        @pl.loop(0, CPT)
        def _(j):
            pltpu.async_copy(ones_v, acc_sh.at[dst_v.at[j]], sem, add=True)

        @pl.when(wid < NEXTRA)
        def _():
            pltpu.async_copy(ones_v, acc_sh.at[dst_v.at[CPT]], sem, add=True)

        @pl.loop(0, CPT)
        def _(j):
            pltpu.make_async_copy(ones_v, acc_sh.at[dst_v.at[j]], sem).wait()

        @pl.when(wid < NEXTRA)
        def _():
            pltpu.make_async_copy(ones_v, acc_sh.at[dst_v.at[CPT]], sem).wait()

        plsc.subcore_barrier()
        pltpu.sync_copy(acc_sh.at[pl.ds(row0, RPT)],
                        out_hbm.at[pl.ds(row0, RPT), pl.ds(c * 64, DEGW)])

    return deg


_deg = _make_deg()


def _stage_a(degp, x, W1p):
    def body(degp_ref, x_ref, w_ref, y_ref, dis_ref):
        deg = degp_ref[:, 0:1] + degp_ref[:, 64:65] + 1.0
        dis = lax.rsqrt(deg)
        dis_ref[...] = dis
        y_ref[...] = dis * jnp.dot(x_ref[...], w_ref[...],
                                   preferred_element_type=jnp.float32)

    return pl.pallas_call(
        body,
        grid=(GRID,),
        in_specs=[
            pl.BlockSpec((BLK, 128), lambda i: (i, 0)),
            pl.BlockSpec((BLK, 128), lambda i: (i, 0)),
            pl.BlockSpec((128, 128), lambda i: (0, 0)),
        ],
        out_specs=[
            pl.BlockSpec((BLK, 128), lambda i: (i, 0)),
            pl.BlockSpec((BLK, 1), lambda i: (i, 0)),
        ],
        out_shape=[
            jax.ShapeDtypeStruct((N, 128), jnp.float32),
            jax.ShapeDtypeStruct((N, 1), jnp.float32),
        ],
    )(degp, x, W1p)


def _stage_b(q, y, dis, b, Wn, d_in):
    d_out = Wn.shape[1]

    def body(q_ref, y_ref, dis_ref, b_ref, w_ref, f_ref, yn_ref):
        agg = q_ref[:, 0:d_in] + q_ref[:, d_in:2 * d_in] + y_ref[:, 0:d_in]
        f = jnp.maximum(dis_ref[...] * agg + b_ref[...], 0.0)
        f_ref[...] = f
        yn_ref[...] = dis_ref[...] * jnp.dot(f, w_ref[...],
                                             preferred_element_type=jnp.float32)

    return pl.pallas_call(
        body,
        grid=(GRID,),
        in_specs=[
            pl.BlockSpec((BLK, 128), lambda i: (i, 0)),
            pl.BlockSpec((BLK, 128), lambda i: (i, 0)),
            pl.BlockSpec((BLK, 1), lambda i: (i, 0)),
            pl.BlockSpec((1, d_in), lambda i: (0, 0)),
            pl.BlockSpec((d_in, 128), lambda i: (0, 0)),
        ],
        out_specs=[
            pl.BlockSpec((BLK, d_in), lambda i: (i, 0)),
            pl.BlockSpec((BLK, 128), lambda i: (i, 0)),
        ],
        out_shape=[
            jax.ShapeDtypeStruct((N, d_in), jnp.float32),
            jax.ShapeDtypeStruct((N, 128), jnp.float32),
        ],
    )(q, y, dis, b, Wn)


def _stage_c(q3, y3, dis, b3, f1, f2, Wa, Wb, Wc, bfc):
    def body(q_ref, y_ref, dis_ref, b_ref, f1_ref, f2_ref,
             wa_ref, wb_ref, wc_ref, bfc_ref, out_ref):
        agg = q_ref[:, 0:16] + q_ref[:, 16:32] + y_ref[:, 0:16]
        f3 = jnp.maximum(dis_ref[...] * agg + b_ref[...], 0.0)
        acc = jnp.dot(f1_ref[...], wa_ref[...], preferred_element_type=jnp.float32)
        acc = acc + jnp.dot(f2_ref[...], wb_ref[...], preferred_element_type=jnp.float32)
        acc = acc + jnp.dot(f3, wc_ref[...], preferred_element_type=jnp.float32)
        out_ref[...] = jnp.maximum(acc + bfc_ref[...], 0.0)

    return pl.pallas_call(
        body,
        grid=(GRID,),
        in_specs=[
            pl.BlockSpec((BLK, 128), lambda i: (i, 0)),
            pl.BlockSpec((BLK, 128), lambda i: (i, 0)),
            pl.BlockSpec((BLK, 1), lambda i: (i, 0)),
            pl.BlockSpec((1, 16), lambda i: (0, 0)),
            pl.BlockSpec((BLK, 64), lambda i: (i, 0)),
            pl.BlockSpec((BLK, 32), lambda i: (i, 0)),
            pl.BlockSpec((64, 16), lambda i: (0, 0)),
            pl.BlockSpec((32, 16), lambda i: (0, 0)),
            pl.BlockSpec((16, 16), lambda i: (0, 0)),
            pl.BlockSpec((1, 16), lambda i: (0, 0)),
        ],
        out_specs=pl.BlockSpec((BLK, 16), lambda i: (i, 0)),
        out_shape=jax.ShapeDtypeStruct((N, 16), jnp.float32),
    )(q3, y3, dis, b3, f1, f2, Wa, Wb, Wc, bfc)


_agg = {d: _make_agg(d) for d in (16, 32, 64)}


def kernel(edges, features, W1, b1, W2, b2, W3, b3, Wfc, bfc):
    srcp = edges[0].astype(jnp.int32).reshape(NCHUNKS, CHUNK)
    dstp = edges[1].astype(jnp.int32).reshape(NCHUNKS, CHUNK)

    ones_c = jnp.ones((CHUNK, DEGW), jnp.float32)
    zdeg = jnp.zeros((RPT, DEGW), jnp.float32)
    z16 = jnp.zeros((RPT, 16), jnp.float32)
    z32 = jnp.zeros((RPT, 32), jnp.float32)
    z64 = jnp.zeros((RPT, 64), jnp.float32)
    W1p = jnp.pad(W1, ((0, 0), (0, 64)))
    W2p = jnp.pad(W2, ((0, 0), (0, 96)))
    W3p = jnp.pad(W3, ((0, 0), (0, 112)))

    degp = _deg(dstp, ones_c, zdeg)
    y1, dis = _stage_a(degp, features, W1p)
    q1 = _agg[64](srcp, dstp, y1, z64)
    f1, y2 = _stage_b(q1, y1, dis, b1.reshape(1, -1), W2p, 64)
    q2 = _agg[32](srcp, dstp, y2, z32)
    f2, y3 = _stage_b(q2, y2, dis, b2.reshape(1, -1), W3p, 32)
    q3 = _agg[16](srcp, dstp, y3, z16)
    ret = _stage_c(q3, y3, dis, b3.reshape(1, -1), f1, f2,
                   Wfc[:64], Wfc[64:96], Wfc[96:112], bfc.reshape(1, -1))
    return ret

# --- scband reference (transcript-rebuilt; emitter-appended) ---
"""Pipeline reference for scband-dense-gcn-40355512713502 (READ-ONLY COPY).

The authoritative reference and input builder live on the scoring server;
editing this copy changes nothing except your own understanding.
"""

import jax, jax.numpy as jnp
import numpy as np

N_NODES = 10000
N_EDGES = 320000
D_FEAT = 128


def _glorot(key, fan_in, fan_out):
    limit = float(np.sqrt(6.0 / (fan_in + fan_out)))
    return jax.random.uniform(key, (fan_in, fan_out), minval=-limit, maxval=limit, dtype=jnp.float32)


def _kaiming(key, fan_in, fan_out):
    std = float(np.sqrt(2.0 / fan_in))
    return jax.random.normal(key, (fan_in, fan_out), dtype=jnp.float32) * std


def setup_inputs(seed: int = 0) -> dict:
    key = jax.random.key(seed)
    ks = [jax.random.fold_in(key, i) for i in range(10)]
    edges = jax.random.randint(ks[0], (2, N_EDGES), 0, N_NODES, dtype=jnp.int64 if jax.config.jax_enable_x64 else jnp.int32).astype(jnp.int32)
    features = jax.random.normal(ks[1], (N_NODES, D_FEAT), dtype=jnp.float32)
    W1 = _glorot(ks[2], D_FEAT, 64)
    b1 = jnp.zeros((64,), dtype=jnp.float32)
    W2 = _glorot(ks[3], 64, 32)
    b2 = jnp.zeros((32,), dtype=jnp.float32)
    W3 = _glorot(ks[4], 32, 16)
    b3 = jnp.zeros((16,), dtype=jnp.float32)
    Wfc = _kaiming(ks[5], 64 + 32 + 16, 16)
    bfc = jnp.zeros((16,), dtype=jnp.float32)
    return {"edges": edges, "features": features, "W1": W1, "b1": b1, "W2": W2, "b2": b2, "W3": W3, "b3": b3, "Wfc": Wfc, "bfc": bfc}


def _gcn_conv(x, src, dst, W, b):
    # torch_geometric GCNConv: x @ W, add self-loops, symmetric deg normalization, scatter-add, + bias
    n = x.shape[0]
    x = x @ W
    loop = jnp.arange(n, dtype=src.dtype)
    s = jnp.concatenate([src, loop])
    d = jnp.concatenate([dst, loop])
    deg = jax.ops.segment_sum(jnp.ones(s.shape[0], dtype=x.dtype), d, num_segments=n)
    dis = jnp.where(deg > 0, deg ** -0.5, 0.0)
    norm = dis[s] * dis[d]
    msg = norm[:, None] * x[s]
    out = jax.ops.segment_sum(msg, d, num_segments=n)
    return out + b


def reference(edges, features, W1, b1, W2, b2, W3, b3, Wfc, bfc):
    src = edges[0]
    dst = edges[1]
    f1 = jax.nn.relu(_gcn_conv(features, src, dst, W1, b1))
    # dropout is identity in eval mode
    f2 = jax.nn.relu(_gcn_conv(f1, src, dst, W2, b2))
    f3 = jax.nn.relu(_gcn_conv(f2, src, dst, W3, b3))
    cat = jnp.concatenate([f1, f2, f3], axis=1)
    ret = jax.nn.relu(cat @ Wfc + bfc)
    return ret

if __name__ == "__main__":
    import jax
    _d = setup_inputs()
    print(jax.jit(kernel)(*tuple(_d.values())))

</pallas_src>

<mosaic_0001>
#map = affine_map<(d0, d1) -> (0, 0)>
module attributes {stable_mosaic.version = 14 : i64} {
  func.func @deg(%arg0: i32, %arg1: i32, %arg2: memref<2500x128xi32, #tpu.memory_space<hbm>>, %arg3: memref<128x8xf32, #tpu.memory_space<hbm>>, %arg4: memref<625x8xf32, #tpu.memory_space<hbm>>, %arg5: memref<10000x128xf32, #tpu.memory_space<hbm>>, %arg6: memref<79x128xi32, #tpu.memory_space<vmem>>, %arg7: memref<128x8xf32, #tpu.memory_space<vmem>>, %arg8: memref<10000x8xf32, #tpu.memory_space<vmem_shared>>, %arg9: memref<!tpu.dma_semaphore, #tpu.memory_space<semaphore_mem>>) attributes {dimension_semantics = [#tpu.dimension_semantics<core_parallel>, #tpu.dimension_semantics<subcore_parallel>], iteration_bounds = array<i64: 2, 16>, scalar_prefetch = 0 : i64, scratch_operands = 4 : i64, tpu.core_type = #tpu.core_type<sc_vector_subcore>, window_params = [{transform_indices = #map}, {transform_indices = #map}, {transform_indices = #map}, {transform_indices = #map}]} {
    %mul3A = arith.constant 16 : i32
    %mul3A_0 = arith.muli %arg0, %mul3A : i32
    %add3A = arith.addi %mul3A_0, %arg1 : i32
    %mul3A_1 = arith.constant 625 : i32
    %mul3A_2 = arith.muli %arg1, %mul3A_1 : i32
    %mul3A_3 = arith.constant 78 : i32
    %mul3A_4 = arith.muli %add3A, %mul3A_3 : i32
    "tpu.region"() ({
      %run_scoped3A = tpu.sem_alloc : memref<!tpu.dma_semaphore, #tpu.memory_space<semaphore_mem>>
      %dma_start3A = arith.constant 0 : i32
      %dma_start3A_29 = arith.constant 0 : i32
      %dma_start3A_30 = tpu.memref_slice %arg6[%dma_start3A, %dma_start3A_29] : memref<79x128xi32, #tpu.memory_space<vmem>> -> memref<78x128xi32, #tpu.memory_space<vmem>>
      %dma_start3A_31 = arith.constant 0 : i32
      %dma_start3A_32 = tpu.memref_slice %arg2[%mul3A_4, %dma_start3A_31] : memref<2500x128xi32, #tpu.memory_space<hbm>> -> memref<78x128xi32, #tpu.memory_space<hbm>>
      %dma_start3A_33 = arith.constant 0 : i32
      %dma_start3A_34 = arith.constant 0 : i32
      %dma_start3A_35 = tpu.memref_slice %arg6[%dma_start3A_33, %dma_start3A_34] : memref<79x128xi32, #tpu.memory_space<vmem>> -> memref<78x128xi32, #tpu.memory_space<vmem>>
      %dma_start3A_36 = arith.constant 0 : i32
      %dma_start3A_37 = tpu.memref_slice %arg2[%mul3A_4, %dma_start3A_36] : memref<2500x128xi32, #tpu.memory_space<hbm>> -> memref<78x128xi32, #tpu.memory_space<hbm>>
      tpu.enqueue_dma source(%dma_start3A_37 : memref<78x128xi32, #tpu.memory_space<hbm>>) target(%dma_start3A_35 : memref<78x128xi32, #tpu.memory_space<vmem>>) target_semaphore(%run_scoped3A : memref<!tpu.dma_semaphore, #tpu.memory_space<semaphore_mem>>)
      %dma_wait3A = arith.constant 0 : i32
      %dma_wait3A_38 = arith.constant 0 : i32
      %dma_wait3A_39 = tpu.memref_slice %arg6[%dma_wait3A, %dma_wait3A_38] : memref<79x128xi32, #tpu.memory_space<vmem>> -> memref<78x128xi32, #tpu.memory_space<vmem>>
      %dma_wait3A_40 = arith.constant 0 : i32
      %dma_wait3A_41 = tpu.memref_slice %arg2[%mul3A_4, %dma_wait3A_40] : memref<2500x128xi32, #tpu.memory_space<hbm>> -> memref<78x128xi32, #tpu.memory_space<hbm>>
      %dma_wait3A_42 = arith.constant 0 : i32
      %dma_wait3A_43 = arith.constant 0 : i32
      %dma_wait3A_44 = tpu.memref_slice %arg6[%dma_wait3A_42, %dma_wait3A_43] : memref<79x128xi32, #tpu.memory_space<vmem>> -> memref<78x128xi32, #tpu.memory_space<vmem>>
      %dma_wait3A_45 = arith.constant 0 : i32
      %dma_wait3A_46 = tpu.memref_slice %arg2[%mul3A_4, %dma_wait3A_45] : memref<2500x128xi32, #tpu.memory_space<hbm>> -> memref<78x128xi32, #tpu.memory_space<hbm>>
      tpu.wait_dma2 semaphore(%run_scoped3A : memref<!tpu.dma_semaphore, #tpu.memory_space<semaphore_mem>>) src(%dma_wait3A_46 : memref<78x128xi32, #tpu.memory_space<hbm>>) dst(%dma_wait3A_44 : memref<78x128xi32, #tpu.memory_space<vmem>>)
      tpu.yield
    }) : () -> ()
    %lt3A = arith.constant 4 : i32
    %lt3A_5 = arith.cmpi slt, %add3A, %lt3A : i32
    %convert_element_type3A = arith.extui %lt3A_5 : i1 to i32
    %cond3A = arith.constant 0 : i32
    %cond3A_6 = arith.cmpi ne, %convert_element_type3A, %cond3A : i32
    scf.if %cond3A_6 {
      %add3A_29 = arith.constant 2496 : i32
      %add3A_30 = arith.addi %add3A_29, %add3A : i32
      "tpu.region"() ({
        %run_scoped3A = tpu.sem_alloc : memref<!tpu.dma_semaphore, #tpu.memory_space<semaphore_mem>>
        %dma_start3A = arith.constant 78 : i32
        %dma_start3A_31 = arith.constant 0 : i32
        %dma_start3A_32 = tpu.memref_slice %arg6[%dma_start3A, %dma_start3A_31] : memref<79x128xi32, #tpu.memory_space<vmem>> -> memref<1x128xi32, #tpu.memory_space<vmem>>
        %dma_start3A_33 = arith.constant 0 : i32
        %dma_start3A_34 = tpu.memref_slice %arg2[%add3A_30, %dma_start3A_33] : memref<2500x128xi32, #tpu.memory_space<hbm>> -> memref<1x128xi32, #tpu.memory_space<hbm>>
        %dma_start3A_35 = arith.constant 78 : i32
        %dma_start3A_36 = arith.constant 0 : i32
        %dma_start3A_37 = tpu.memref_slice %arg6[%dma_start3A_35, %dma_start3A_36] : memref<79x128xi32, #tpu.memory_space<vmem>> -> memref<1x128xi32, #tpu.memory_space<vmem>>
        %dma_start3A_38 = arith.constant 0 : i32
        %dma_start3A_39 = tpu.memref_slice %arg2[%add3A_30, %dma_start3A_38] : memref<2500x128xi32, #tpu.memory_space<hbm>> -> memref<1x128xi32, #tpu.memory_space<hbm>>
        tpu.enqueue_dma source(%dma_start3A_39 : memref<1x128xi32, #tpu.memory_space<hbm>>) target(%dma_start3A_37 : memref<1x128xi32, #tpu.memory_space<vmem>>) target_semaphore(%run_scoped3A : memref<!tpu.dma_semaphore, #tpu.memory_space<semaphore_mem>>)
        %dma_wait3A = arith.constant 78 : i32
        %dma_wait3A_40 = arith.constant 0 : i32
        %dma_wait3A_41 = tpu.memref_slice %arg6[%dma_wait3A, %dma_wait3A_40] : memref<79x128xi32, #tpu.memory_space<vmem>> -> memref<1x128xi32, #tpu.memory_space<vmem>>
        %dma_wait3A_42 = arith.constant 0 : i32
        %dma_wait3A_43 = tpu.memref_slice %arg2[%add3A_30, %dma_wait3A_42] : memref<2500x128xi32, #tpu.memory_space<hbm>> -> memref<1x128xi32, #tpu.memory_space<hbm>>
        %dma_wait3A_44 = arith.constant 78 : i32
        %dma_wait3A_45 = arith.constant 0 : i32
        %dma_wait3A_46 = tpu.memref_slice %arg6[%dma_wait3A_44, %dma_wait3A_45] : memref<79x128xi32, #tpu.memory_space<vmem>> -> memref<1x128xi32, #tpu.memory_space<vmem>>
        %dma_wait3A_47 = arith.constant 0 : i32
        %dma_wait3A_48 = tpu.memref_slice %arg2[%add3A_30, %dma_wait3A_47] : memref<2500x128xi32, #tpu.memory_space<hbm>> -> memref<1x128xi32, #tpu.memory_space<hbm>>
        tpu.wait_dma2 semaphore(%run_scoped3A : memref<!tpu.dma_semaphore, #tpu.memory_space<semaphore_mem>>) src(%dma_wait3A_48 : memref<1x128xi32, #tpu.memory_space<hbm>>) dst(%dma_wait3A_46 : memref<1x128xi32, #tpu.memory_space<vmem>>)
        tpu.yield
      }) : () -> ()
    } else {
    }
    "tpu.region"() ({
      %run_scoped3A = tpu.sem_alloc : memref<!tpu.dma_semaphore, #tpu.memory_space<semaphore_mem>>
      tpu.enqueue_dma source(%arg3 : memref<128x8xf32, #tpu.memory_space<hbm>>) target(%arg7 : memref<128x8xf32, #tpu.memory_space<vmem>>) target_semaphore(%run_scoped3A : memref<!tpu.dma_semaphore, #tpu.memory_space<semaphore_mem>>)
      tpu.wait_dma2 semaphore(%run_scoped3A : memref<!tpu.dma_semaphore, #tpu.memory_space<semaphore_mem>>) src(%arg3 : memref<128x8xf32, #tpu.memory_space<hbm>>) dst(%arg7 : memref<128x8xf32, #tpu.memory_space<vmem>>)
      tpu.yield
    }) : () -> ()
    "tpu.region"() ({
      %run_scoped3A = tpu.sem_alloc : memref<!tpu.dma_semaphore, #tpu.memory_space<semaphore_mem>>
      %dma_start3A = arith.constant 0 : i32
      %dma_start3A_29 = tpu.memref_slice %arg8[%mul3A_2, %dma_start3A] : memref<10000x8xf32, #tpu.memory_space<vmem_shared>> -> memref<625x8xf32, #tpu.memory_space<vmem_shared>>
      tpu.enqueue_dma source(%arg4 : memref<625x8xf32, #tpu.memory_space<hbm>>) target(%dma_start3A_29 : memref<625x8xf32, #tpu.memory_space<vmem_shared>>) target_semaphore(%run_scoped3A : memref<!tpu.dma_semaphore, #tpu.memory_space<semaphore_mem>>)
      %dma_wait3A = arith.constant 0 : i32
      %dma_wait3A_30 = tpu.memref_slice %arg8[%mul3A_2, %dma_wait3A] : memref<10000x8xf32, #tpu.memory_space<vmem_shared>> -> memref<625x8xf32, #tpu.memory_space<vmem_shared>>
      tpu.wait_dma2 semaphore(%run_scoped3A : memref<!tpu.dma_semaphore, #tpu.memory_space<semaphore_mem>>) src(%arg4 : memref<625x8xf32, #tpu.memory_space<hbm>>) dst(%dma_wait3A_30 : memref<625x8xf32, #tpu.memory_space<vmem_shared>>)
      tpu.yield
    }) : () -> ()
    %barrier3A = arith.constant 0 : index
    tpu.barrier barrier_id(%barrier3A)
    %scan3A = arith.constant 0 : i32
    %scan3A_7 = arith.constant 78 : i32
    %scan3A_8 = arith.addi %scan3A, %scan3A_7 : i32
    %scan3A_9 = arith.constant 1 : i32
    scf.for %scan3A_29 = %scan3A to %scan3A_8 step %scan3A_9  : i32 {
      %mul3A_30 = arith.constant 1 : i32
      %mul3A_31 = arith.muli %scan3A_29, %mul3A_30 : i32
      %add3A_32 = arith.constant 0 : i32
      %add3A_33 = arith.addi %add3A_32, %mul3A_31 : i32
      %dma_start3A = arith.constant 0 : i32
      %dma_start3A_34 = tpu.memref_slice %arg6[%add3A_33, %dma_start3A] : memref<79x128xi32, #tpu.memory_space<vmem>> -> memref<1x128xi32, #tpu.memory_space<vmem>>
      %dma_start3A_35 = tpu.memref_squeeze %dma_start3A_34 : memref<1x128xi32, #tpu.memory_space<vmem>> -> memref<128xi32, #tpu.memory_space<vmem>>
      %dma_start3A_36 = arith.constant 0 : i32
      %dma_start3A_37 = arith.constant 0 : i32
      %dma_start3A_38 = tpu.memref_slice %arg8[%dma_start3A_36, %dma_start3A_37] : memref<10000x8xf32, #tpu.memory_space<vmem_shared>> -> memref<10000x8xf32, #tpu.memory_space<vmem_shared>>
      tpu.enqueue_indirect_dma source(%arg7 : memref<128x8xf32, #tpu.memory_space<vmem>>) target(%dma_start3A_38 : memref<10000x8xf32, #tpu.memory_space<vmem_shared>>) offsets(%dma_start3A_35 : memref<128xi32, #tpu.memory_space<vmem>>) semaphore(%arg9 : memref<!tpu.dma_semaphore, #tpu.memory_space<semaphore_mem>>) {add = true}
    }
    %scan3A_10 = arith.constant 78 : i32
    %lt3A_11 = arith.constant 4 : i32
    %lt3A_12 = arith.cmpi slt, %add3A, %lt3A_11 : i32
    %convert_element_type3A_13 = arith.extui %lt3A_12 : i1 to i32
    %cond3A_14 = arith.constant 0 : i32
    %cond3A_15 = arith.cmpi ne, %convert_element_type3A_13, %cond3A_14 : i32
    scf.if %cond3A_15 {
      %dma_start3A = arith.constant 78 : i32
      %dma_start3A_29 = arith.constant 0 : i32
      %dma_start3A_30 = tpu.memref_slice %arg6[%dma_start3A, %dma_start3A_29] : memref<79x128xi32, #tpu.memory_space<vmem>> -> memref<1x128xi32, #tpu.memory_space<vmem>>
      %dma_start3A_31 = tpu.memref_squeeze %dma_start3A_30 : memref<1x128xi32, #tpu.memory_space<vmem>> -> memref<128xi32, #tpu.memory_space<vmem>>
      %dma_start3A_32 = arith.constant 0 : i32
      %dma_start3A_33 = arith.constant 0 : i32
      %dma_start3A_34 = tpu.memref_slice %arg8[%dma_start3A_32, %dma_start3A_33] : memref<10000x8xf32, #tpu.memory_space<vmem_shared>> -> memref<10000x8xf32, #tpu.memory_space<vmem_shared>>
      tpu.enqueue_indirect_dma source(%arg7 : memref<128x8xf32, #tpu.memory_space<vmem>>) target(%dma_start3A_34 : memref<10000x8xf32, #tpu.memory_space<vmem_shared>>) offsets(%dma_start3A_31 : memref<128xi32, #tpu.memory_space<vmem>>) semaphore(%arg9 : memref<!tpu.dma_semaphore, #tpu.memory_space<semaphore_mem>>) {add = true}
    } else {
    }
    %scan3A_16 = arith.constant 0 : i32
    %scan3A_17 = arith.constant 78 : i32
    %scan3A_18 = arith.addi %scan3A_16, %scan3A_17 : i32
    %scan3A_19 = arith.constant 1 : i32
    scf.for %scan3A_29 = %scan3A_16 to %scan3A_18 step %scan3A_19  : i32 {
      %mul3A_30 = arith.constant 1 : i32
      %mul3A_31 = arith.muli %scan3A_29, %mul3A_30 : i32
      %add3A_32 = arith.constant 0 : i32
      %add3A_33 = arith.addi %add3A_32, %mul3A_31 : i32
      %dma_wait3A = arith.constant 0 : i32
      %dma_wait3A_34 = tpu.memref_slice %arg6[%add3A_33, %dma_wait3A] : memref<79x128xi32, #tpu.memory_space<vmem>> -> memref<1x128xi32, #tpu.memory_space<vmem>>
      %dma_wait3A_35 = tpu.memref_squeeze %dma_wait3A_34 : memref<1x128xi32, #tpu.memory_space<vmem>> -> memref<128xi32, #tpu.memory_space<vmem>>
      %dma_wait3A_36 = arith.constant 0 : i32
      %dma_wait3A_37 = arith.constant 0 : i32
      %dma_wait3A_38 = tpu.memref_slice %arg8[%dma_wait3A_36, %dma_wait3A_37] : memref<10000x8xf32, #tpu.memory_space<vmem_shared>> -> memref<10000x8xf32, #tpu.memory_space<vmem_shared>>
      tpu.wait_indirect_dma semaphore(%arg9 : memref<!tpu.dma_semaphore, #tpu.memory_space<semaphore_mem>>) src(%arg7 : memref<128x8xf32, #tpu.memory_space<vmem>>) dst(%dma_wait3A_38 : memref<10000x8xf32, #tpu.memory_space<vmem_shared>>)
    }
    %scan3A_20 = arith.constant 78 : i32
    %lt3A_21 = arith.constant 4 : i32
    %lt3A_22 = arith.cmpi slt, %add3A, %lt3A_21 : i32
    %convert_element_type3A_23 = arith.extui %lt3A_22 : i1 to i32
    %cond3A_24 = arith.constant 0 : i32
    %cond3A_25 = arith.cmpi ne, %convert_element_type3A_23, %cond3A_24 : i32
    scf.if %cond3A_25 {
      %dma_wait3A = arith.constant 78 : i32
      %dma_wait3A_29 = arith.constant 0 : i32
      %dma_wait3A_30 = tpu.memref_slice %arg6[%dma_wait3A, %dma_wait3A_29] : memref<79x128xi32, #tpu.memory_space<vmem>> -> memref<1x128xi32, #tpu.memory_space<vmem>>
      %dma_wait3A_31 = tpu.memref_squeeze %dma_wait3A_30 : memref<1x128xi32, #tpu.memory_space<vmem>> -> memref<128xi32, #tpu.memory_space<vmem>>
      %dma_wait3A_32 = arith.constant 0 : i32
      %dma_wait3A_33 = arith.constant 0 : i32
      %dma_wait3A_34 = tpu.memref_slice %arg8[%dma_wait3A_32, %dma_wait3A_33] : memref<10000x8xf32, #tpu.memory_space<vmem_shared>> -> memref<10000x8xf32, #tpu.memory_space<vmem_shared>>
      tpu.wait_indirect_dma semaphore(%arg9 : memref<!tpu.dma_semaphore, #tpu.memory_space<semaphore_mem>>) src(%arg7 : memref<128x8xf32, #tpu.memory_space<vmem>>) dst(%dma_wait3A_34 : memref<10000x8xf32, #tpu.memory_space<vmem_shared>>)
    } else {
    }
    %barrier3A_26 = arith.constant 0 : index
    tpu.barrier barrier_id(%barrier3A_26)
    %mul3A_27 = arith.constant 64 : i32
    %mul3A_28 = arith.muli %arg0, %mul3A_27 : i32
    "tpu.region"() ({
      %run_scoped3A = tpu.sem_alloc : memref<!tpu.dma_semaphore, #tpu.memory_space<semaphore_mem>>
      %dma_start3A = tpu.memref_slice %arg5[%mul3A_2, %mul3A_28] : memref<10000x128xf32, #tpu.memory_space<hbm>> -> memref<625x8xf32, #tpu.memory_space<hbm>>
      %dma_start3A_29 = arith.constant 0 : i32
      %dma_start3A_30 = tpu.memref_slice %arg8[%mul3A_2, %dma_start3A_29] : memref<10000x8xf32, #tpu.memory_space<vmem_shared>> -> memref<625x8xf32, #tpu.memory_space<vmem_shared>>
      tpu.enqueue_dma source(%dma_start3A_30 : memref<625x8xf32, #tpu.memory_space<vmem_shared>>) target(%dma_start3A : memref<625x8xf32, #tpu.memory_space<hbm>>) target_semaphore(%run_scoped3A : memref<!tpu.dma_semaphore, #tpu.memory_space<semaphore_mem>>)
      %dma_wait3A = tpu.memref_slice %arg5[%mul3A_2, %mul3A_28] : memref<10000x128xf32, #tpu.memory_space<hbm>> -> memref<625x8xf32, #tpu.memory_space<hbm>>
      %dma_wait3A_31 = arith.constant 0 : i32
      %dma_wait3A_32 = tpu.memref_slice %arg8[%mul3A_2, %dma_wait3A_31] : memref<10000x8xf32, #tpu.memory_space<vmem_shared>> -> memref<625x8xf32, #tpu.memory_space<vmem_shared>>
      tpu.wait_dma2 semaphore(%run_scoped3A : memref<!tpu.dma_semaphore, #tpu.memory_space<semaphore_mem>>) src(%dma_wait3A_32 : memref<625x8xf32, #tpu.memory_space<vmem_shared>>) dst(%dma_wait3A : memref<625x8xf32, #tpu.memory_space<hbm>>)
      tpu.yield
    }) : () -> ()
    return
  }
}

#map = affine_map<(d0, d1) -> (0, 0)>
module attributes {stable_mosaic.version = 14 : i64} {
  func.func @agg(%arg0: i32, %arg1: i32, %arg2: memref<2500x128xi32, #tpu.memory_space<hbm>>, %arg3: memref<2500x128xi32, #tpu.memory_space<hbm>>, %arg4: memref<10000x128xf32, #tpu.memory_space<hbm>>, %arg5: memref<625x16xf32, #tpu.memory_space<hbm>>, %arg6: memref<10000x128xf32, #tpu.memory_space<hbm>>, %arg7: memref<79x128xi32, #tpu.memory_space<vmem>>, %arg8: memref<79x128xi32, #tpu.memory_space<vmem>>, %arg9: memref<6x128x16xf32, #tpu.memory_space<vmem>>, %arg10: memref<10000x16xf32, #tpu.memory_space<vmem_shared>>, %arg11: memref<10000x16xf32, #tpu.memory_space<vmem_shared>>, %arg12: memref<!tpu.dma_semaphore, #tpu.memory_space<semaphore_mem>>, %arg13: memref<!tpu.dma_semaphore, #tpu.memory_space<semaphore_mem>>, %arg14: memref<!tpu.dma_semaphore, #tpu.memory_space<semaphore_mem>>, %arg15: memref<!tpu.dma_semaphore, #tpu.memory_space<semaphore_mem>>, %arg16: memref<!tpu.dma_semaphore, #tpu.memory_space<semaphore_mem>>, %arg17: memref<!tpu.dma_semaphore, #tpu.memory_space<semaphore_mem>>) attributes {dimension_semantics = [#tpu.dimension_semantics<core_parallel>, #tpu.dimension_semantics<subcore_parallel>], iteration_bounds = array<i64: 2, 16>, scalar_prefetch = 0 : i64, scratch_operands = 11 : i64, tpu.core_type = #tpu.core_type<sc_vector_subcore>, window_params = [{transform_indices = #map}, {transform_indices = #map}, {transform_indices = #map}, {transform_indices = #map}, {transform_indices = #map}]} {
    %mul3A = arith.constant 16 : i32
    %mul3A_0 = arith.muli %arg0, %mul3A : i32
    %add3A = arith.addi %mul3A_0, %arg1 : i32
    %mul3A_1 = arith.constant 625 : i32
    %mul3A_2 = arith.muli %arg1, %mul3A_1 : i32
    %mul3A_3 = arith.constant 78 : i32
    %mul3A_4 = arith.muli %add3A, %mul3A_3 : i32
    "tpu.region"() ({
      %run_scoped3A = tpu.sem_alloc : memref<!tpu.dma_semaphore, #tpu.memory_space<semaphore_mem>>
      %dma_start3A_92 = arith.constant 0 : i32
      %dma_start3A_93 = arith.constant 0 : i32
      %dma_start3A_94 = tpu.memref_slice %arg7[%dma_start3A_92, %dma_start3A_93] : memref<79x128xi32, #tpu.memory_space<vmem>> -> memref<78x128xi32, #tpu.memory_space<vmem>>
      %dma_start3A_95 = arith.constant 0 : i32
      %dma_start3A_96 = tpu.memref_slice %arg2[%mul3A_4, %dma_start3A_95] : memref<2500x128xi32, #tpu.memory_space<hbm>> -> memref<78x128xi32, #tpu.memory_space<hbm>>
      %dma_start3A_97 = arith.constant 0 : i32
      %dma_start3A_98 = arith.constant 0 : i32
      %dma_start3A_99 = tpu.memref_slice %arg7[%dma_start3A_97, %dma_start3A_98] : memref<79x128xi32, #tpu.memory_space<vmem>> -> memref<78x128xi32, #tpu.memory_space<vmem>>
      %dma_start3A_100 = arith.constant 0 : i32
      %dma_start3A_101 = tpu.memref_slice %arg2[%mul3A_4, %dma_start3A_100] : memref<2500x128xi32, #tpu.memory_space<hbm>> -> memref<78x128xi32, #tpu.memory_space<hbm>>
      tpu.enqueue_dma source(%dma_start3A_101 : memref<78x128xi32, #tpu.memory_space<hbm>>) target(%dma_start3A_99 : memref<78x128xi32, #tpu.memory_space<vmem>>) target_semaphore(%run_scoped3A : memref<!tpu.dma_semaphore, #tpu.memory_space<semaphore_mem>>)
      %dma_wait3A = arith.constant 0 : i32
      %dma_wait3A_102 = arith.constant 0 : i32
      %dma_wait3A_103 = tpu.memref_slice %arg7[%dma_wait3A, %dma_wait3A_102] : memref<79x128xi32, #tpu.memory_space<vmem>> -> memref<78x128xi32, #tpu.memory_space<vmem>>
      %dma_wait3A_104 = arith.constant 0 : i32
      %dma_wait3A_105 = tpu.memref_slice %arg2[%mul3A_4, %dma_wait3A_104] : memref<2500x128xi32, #tpu.memory_space<hbm>> -> memref<78x128xi32, #tpu.memory_space<hbm>>
      %dma_wait3A_106 = arith.constant 0 : i32
      %dma_wait3A_107 = arith.constant 0 : i32
      %dma_wait3A_108 = tpu.memref_slice %arg7[%dma_wait3A_106, %dma_wait3A_107] : memref<79x128xi32, #tpu.memory_space<vmem>> -> memref<78x128xi32, #tpu.memory_space<vmem>>
      %dma_wait3A_109 = arith.constant 0 : i32
      %dma_wait3A_110 = tpu.memref_slice %arg2[%mul3A_4, %dma_wait3A_109] : memref<2500x128xi32, #tpu.memory_space<hbm>> -> memref<78x128xi32, #tpu.memory_space<hbm>>
      tpu.wait_dma2 semaphore(%run_scoped3A : memref<!tpu.dma_semaphore, #tpu.memory_space<semaphore_mem>>) src(%dma_wait3A_110 : memref<78x128xi32, #tpu.memory_space<hbm>>) dst(%dma_wait3A_108 : memref<78x128xi32, #tpu.memory_space<vmem>>)
      tpu.yield
    }) : () -> ()
    %mul3A_5 = arith.constant 78 : i32
    %mul3A_6 = arith.muli %add3A, %mul3A_5 : i32
    "tpu.region"() ({
      %run_scoped3A = tpu.sem_alloc : memref<!tpu.dma_semaphore, #tpu.memory_space<semaphore_mem>>
      %dma_start3A_92 = arith.constant 0 : i32
      %dma_start3A_93 = arith.constant 0 : i32
      %dma_start3A_94 = tpu.memref_slice %arg8[%dma_start3A_92, %dma_start3A_93] : memref<79x128xi32, #tpu.memory_space<vmem>> -> memref<78x128xi32, #tpu.memory_space<vmem>>
      %dma_start3A_95 = arith.constant 0 : i32
      %dma_start3A_96 = tpu.memref_slice %arg3[%mul3A_6, %dma_start3A_95] : memref<2500x128xi32, #tpu.memory_space<hbm>> -> memref<78x128xi32, #tpu.memory_space<hbm>>
      %dma_start3A_97 = arith.constant 0 : i32
      %dma_start3A_98 = arith.constant 0 : i32
      %dma_start3A_99 = tpu.memref_slice %arg8[%dma_start3A_97, %dma_start3A_98] : memref<79x128xi32, #tpu.memory_space<vmem>> -> memref<78x128xi32, #tpu.memory_space<vmem>>
      %dma_start3A_100 = arith.constant 0 : i32
      %dma_start3A_101 = tpu.memref_slice %arg3[%mul3A_6, %dma_start3A_100] : memref<2500x128xi32, #tpu.memory_space<hbm>> -> memref<78x128xi32, #tpu.memory_space<hbm>>
      tpu.enqueue_dma source(%dma_start3A_101 : memref<78x128xi32, #tpu.memory_space<hbm>>) target(%dma_start3A_99 : memref<78x128xi32, #tpu.memory_space<vmem>>) target_semaphore(%run_scoped3A : memref<!tpu.dma_semaphore, #tpu.memory_space<semaphore_mem>>)
      %dma_wait3A = arith.constant 0 : i32
      %dma_wait3A_102 = arith.constant 0 : i32
      %dma_wait3A_103 = tpu.memref_slice %arg8[%dma_wait3A, %dma_wait3A_102] : memref<79x128xi32, #tpu.memory_space<vmem>> -> memref<78x128xi32, #tpu.memory_space<vmem>>
      %dma_wait3A_104 = arith.constant 0 : i32
      %dma_wait3A_105 = tpu.memref_slice %arg3[%mul3A_6, %dma_wait3A_104] : memref<2500x128xi32, #tpu.memory_space<hbm>> -> memref<78x128xi32, #tpu.memory_space<hbm>>
      %dma_wait3A_106 = arith.constant 0 : i32
      %dma_wait3A_107 = arith.constant 0 : i32
      %dma_wait3A_108 = tpu.memref_slice %arg8[%dma_wait3A_106, %dma_wait3A_107] : memref<79x128xi32, #tpu.memory_space<vmem>> -> memref<78x128xi32, #tpu.memory_space<vmem>>
      %dma_wait3A_109 = arith.constant 0 : i32
      %dma_wait3A_110 = tpu.memref_slice %arg3[%mul3A_6, %dma_wait3A_109] : memref<2500x128xi32, #tpu.memory_space<hbm>> -> memref<78x128xi32, #tpu.memory_space<hbm>>
      tpu.wait_dma2 semaphore(%run_scoped3A : memref<!tpu.dma_semaphore, #tpu.memory_space<semaphore_mem>>) src(%dma_wait3A_110 : memref<78x128xi32, #tpu.memory_space<hbm>>) dst(%dma_wait3A_108 : memref<78x128xi32, #tpu.memory_space<vmem>>)
      tpu.yield
    }) : () -> ()
    %lt3A = arith.constant 4 : i32
    %lt3A_7 = arith.cmpi slt, %add3A, %lt3A : i32
    %convert_element_type3A = arith.extui %lt3A_7 : i1 to i32
    %cond3A = arith.constant 0 : i32
    %cond3A_8 = arith.cmpi ne, %convert_element_type3A, %cond3A : i32
    scf.if %cond3A_8 {
      %add3A_92 = arith.constant 2496 : i32
      %add3A_93 = arith.addi %add3A_92, %add3A : i32
      "tpu.region"() ({
        %run_scoped3A = tpu.sem_alloc : memref<!tpu.dma_semaphore, #tpu.memory_space<semaphore_mem>>
        %dma_start3A_96 = arith.constant 78 : i32
        %dma_start3A_97 = arith.constant 0 : i32
        %dma_start3A_98 = tpu.memref_slice %arg7[%dma_start3A_96, %dma_start3A_97] : memref<79x128xi32, #tpu.memory_space<vmem>> -> memref<1x128xi32, #tpu.memory_space<vmem>>
        %dma_start3A_99 = arith.constant 0 : i32
        %dma_start3A_100 = tpu.memref_slice %arg2[%add3A_93, %dma_start3A_99] : memref<2500x128xi32, #tpu.memory_space<hbm>> -> memref<1x128xi32, #tpu.memory_space<hbm>>
        %dma_start3A_101 = arith.constant 78 : i32
        %dma_start3A_102 = arith.constant 0 : i32
        %dma_start3A_103 = tpu.memref_slice %arg7[%dma_start3A_101, %dma_start3A_102] : memref<79x128xi32, #tpu.memory_space<vmem>> -> memref<1x128xi32, #tpu.memory_space<vmem>>
        %dma_start3A_104 = arith.constant 0 : i32
        %dma_start3A_105 = tpu.memref_slice %arg2[%add3A_93, %dma_start3A_104] : memref<2500x128xi32, #tpu.memory_space<hbm>> -> memref<1x128xi32, #tpu.memory_space<hbm>>
        tpu.enqueue_dma source(%dma_start3A_105 : memref<1x128xi32, #tpu.memory_space<hbm>>) target(%dma_start3A_103 : memref<1x128xi32, #tpu.memory_space<vmem>>) target_semaphore(%run_scoped3A : memref<!tpu.dma_semaphore, #tpu.memory_space<semaphore_mem>>)
        %dma_wait3A = arith.constant 78 : i32
        %dma_wait3A_106 = arith.constant 0 : i32
        %dma_wait3A_107 = tpu.memref_slice %arg7[%dma_wait3A, %dma_wait3A_106] : memref<79x128xi32, #tpu.memory_space<vmem>> -> memref<1x128xi32, #tpu.memory_space<vmem>>
        %dma_wait3A_108 = arith.constant 0 : i32
        %dma_wait3A_109 = tpu.memref_slice %arg2[%add3A_93, %dma_wait3A_108] : memref<2500x128xi32, #tpu.memory_space<hbm>> -> memref<1x128xi32, #tpu.memory_space<hbm>>
        %dma_wait3A_110 = arith.constant 78 : i32
        %dma_wait3A_111 = arith.constant 0 : i32
        %dma_wait3A_112 = tpu.memref_slice %arg7[%dma_wait3A_110, %dma_wait3A_111] : memref<79x128xi32, #tpu.memory_space<vmem>> -> memref<1x128xi32, #tpu.memory_space<vmem>>
        %dma_wait3A_113 = arith.constant 0 : i32
        %dma_wait3A_114 = tpu.memref_slice %arg2[%add3A_93, %dma_wait3A_113] : memref<2500x128xi32, #tpu.memory_space<hbm>> -> memref<1x128xi32, #tpu.memory_space<hbm>>
        tpu.wait_dma2 semaphore(%run_scoped3A : memref<!tpu.dma_semaphore, #tpu.memory_space<semaphore_mem>>) src(%dma_wait3A_114 : memref<1x128xi32, #tpu.memory_space<hbm>>) dst(%dma_wait3A_112 : memref<1x128xi32, #tpu.memory_space<vmem>>)
        tpu.yield
      }) : () -> ()
      %add3A_94 = arith.constant 2496 : i32
      %add3A_95 = arith.addi %add3A_94, %add3A : i32
      "tpu.region"() ({
        %run_scoped3A = tpu.sem_alloc : memref<!tpu.dma_semaphore, #tpu.memory_space<semaphore_mem>>
        %dma_start3A_96 = arith.constant 78 : i32
        %dma_start3A_97 = arith.constant 0 : i32
        %dma_start3A_98 = tpu.memref_slice %arg8[%dma_start3A_96, %dma_start3A_97] : memref<79x128xi32, #tpu.memory_space<vmem>> -> memref<1x128xi32, #tpu.memory_space<vmem>>
        %dma_start3A_99 = arith.constant 0 : i32
        %dma_start3A_100 = tpu.memref_slice %arg3[%add3A_95, %dma_start3A_99] : memref<2500x128xi32, #tpu.memory_space<hbm>> -> memref<1x128xi32, #tpu.memory_space<hbm>>
        %dma_start3A_101 = arith.constant 78 : i32
        %dma_start3A_102 = arith.constant 0 : i32
        %dma_start3A_103 = tpu.memref_slice %arg8[%dma_start3A_101, %dma_start3A_102] : memref<79x128xi32, #tpu.memory_space<vmem>> -> memref<1x128xi32, #tpu.memory_space<vmem>>
        %dma_start3A_104 = arith.constant 0 : i32
        %dma_start3A_105 = tpu.memref_slice %arg3[%add3A_95, %dma_start3A_104] : memref<2500x128xi32, #tpu.memory_space<hbm>> -> memref<1x128xi32, #tpu.memory_space<hbm>>
        tpu.enqueue_dma source(%dma_start3A_105 : memref<1x128xi32, #tpu.memory_space<hbm>>) target(%dma_start3A_103 : memref<1x128xi32, #tpu.memory_space<vmem>>) target_semaphore(%run_scoped3A : memref<!tpu.dma_semaphore, #tpu.memory_space<semaphore_mem>>)
        %dma_wait3A = arith.constant 78 : i32
        %dma_wait3A_106 = arith.constant 0 : i32
        %dma_wait3A_107 = tpu.memref_slice %arg8[%dma_wait3A, %dma_wait3A_106] : memref<79x128xi32, #tpu.memory_space<vmem>> -> memref<1x128xi32, #tpu.memory_space<vmem>>
        %dma_wait3A_108 = arith.constant 0 : i32
        %dma_wait3A_109 = tpu.memref_slice %arg3[%add3A_95, %dma_wait3A_108] : memref<2500x128xi32, #tpu.memory_space<hbm>> -> memref<1x128xi32, #tpu.memory_space<hbm>>
        %dma_wait3A_110 = arith.constant 78 : i32
        %dma_wait3A_111 = arith.constant 0 : i32
        %dma_wait3A_112 = tpu.memref_slice %arg8[%dma_wait3A_110, %dma_wait3A_111] : memref<79x128xi32, #tpu.memory_space<vmem>> -> memref<1x128xi32, #tpu.memory_space<vmem>>
        %dma_wait3A_113 = arith.constant 0 : i32
        %dma_wait3A_114 = tpu.memref_slice %arg3[%add3A_95, %dma_wait3A_113] : memref<2500x128xi32, #tpu.memory_space<hbm>> -> memref<1x128xi32, #tpu.memory_space<hbm>>
        tpu.wait_dma2 semaphore(%run_scoped3A : memref<!tpu.dma_semaphore, #tpu.memory_space<semaphore_mem>>) src(%dma_wait3A_114 : memref<1x128xi32, #tpu.memory_space<hbm>>) dst(%dma_wait3A_112 : memref<1x128xi32, #tpu.memory_space<vmem>>)
        tpu.yield
      }) : () -> ()
    } else {
    }
    "tpu.region"() ({
      %run_scoped3A = tpu.sem_alloc : memref<!tpu.dma_semaphore, #tpu.memory_space<semaphore_mem>>
      %dma_start3A_92 = arith.constant 0 : i32
      %dma_start3A_93 = tpu.memref_slice %arg11[%mul3A_2, %dma_start3A_92] : memref<10000x16xf32, #tpu.memory_space<vmem_shared>> -> memref<625x16xf32, #tpu.memory_space<vmem_shared>>
      %dma_start3A_94 = arith.constant 0 : i32
      %dma_start3A_95 = tpu.memref_slice %arg4[%mul3A_2, %dma_start3A_94] : memref<10000x128xf32, #tpu.memory_space<hbm>> -> memref<625x16xf32, #tpu.memory_space<hbm>>
      tpu.enqueue_dma source(%dma_start3A_95 : memref<625x16xf32, #tpu.memory_space<hbm>>) target(%dma_start3A_93 : memref<625x16xf32, #tpu.memory_space<vmem_shared>>) target_semaphore(%run_scoped3A : memref<!tpu.dma_semaphore, #tpu.memory_space<semaphore_mem>>)
      %dma_wait3A = arith.constant 0 : i32
      %dma_wait3A_96 = tpu.memref_slice %arg11[%mul3A_2, %dma_wait3A] : memref<10000x16xf32, #tpu.memory_space<vmem_shared>> -> memref<625x16xf32, #tpu.memory_space<vmem_shared>>
      %dma_wait3A_97 = arith.constant 0 : i32
      %dma_wait3A_98 = tpu.memref_slice %arg4[%mul3A_2, %dma_wait3A_97] : memref<10000x128xf32, #tpu.memory_space<hbm>> -> memref<625x16xf32, #tpu.memory_space<hbm>>
      tpu.wait_dma2 semaphore(%run_scoped3A : memref<!tpu.dma_semaphore, #tpu.memory_space<semaphore_mem>>) src(%dma_wait3A_98 : memref<625x16xf32, #tpu.memory_space<hbm>>) dst(%dma_wait3A_96 : memref<625x16xf32, #tpu.memory_space<vmem_shared>>)
      tpu.yield
    }) : () -> ()
    "tpu.region"() ({
      %run_scoped3A = tpu.sem_alloc : memref<!tpu.dma_semaphore, #tpu.memory_space<semaphore_mem>>
      %dma_start3A_92 = arith.constant 0 : i32
      %dma_start3A_93 = tpu.memref_slice %arg10[%mul3A_2, %dma_start3A_92] : memref<10000x16xf32, #tpu.memory_space<vmem_shared>> -> memref<625x16xf32, #tpu.memory_space<vmem_shared>>
      tpu.enqueue_dma source(%arg5 : memref<625x16xf32, #tpu.memory_space<hbm>>) target(%dma_start3A_93 : memref<625x16xf32, #tpu.memory_space<vmem_shared>>) target_semaphore(%run_scoped3A : memref<!tpu.dma_semaphore, #tpu.memory_space<semaphore_mem>>)
      %dma_wait3A = arith.constant 0 : i32
      %dma_wait3A_94 = tpu.memref_slice %arg10[%mul3A_2, %dma_wait3A] : memref<10000x16xf32, #tpu.memory_space<vmem_shared>> -> memref<625x16xf32, #tpu.memory_space<vmem_shared>>
      tpu.wait_dma2 semaphore(%run_scoped3A : memref<!tpu.dma_semaphore, #tpu.memory_space<semaphore_mem>>) src(%arg5 : memref<625x16xf32, #tpu.memory_space<hbm>>) dst(%dma_wait3A_94 : memref<625x16xf32, #tpu.memory_space<vmem_shared>>)
      tpu.yield
    }) : () -> ()
    %barrier3A = arith.constant 0 : index
    tpu.barrier barrier_id(%barrier3A)
    %dma_start3A = arith.constant 0 : i32
    %dma_start3A_9 = arith.constant 0 : i32
    %dma_start3A_10 = arith.constant 0 : i32
    %dma_start3A_11 = arith.constant 0 : i32
    %dma_start3A_12 = tpu.memref_slice %arg9[%dma_start3A_9, %dma_start3A_10, %dma_start3A_11] : memref<6x128x16xf32, #tpu.memory_space<vmem>> -> memref<1x128x16xf32, #tpu.memory_space<vmem>>
    %dma_start3A_13 = tpu.memref_squeeze %dma_start3A_12 : memref<1x128x16xf32, #tpu.memory_space<vmem>> -> memref<128x16xf32, #tpu.memory_space<vmem>>
    %dma_start3A_14 = arith.constant 0 : i32
    %dma_start3A_15 = tpu.memref_slice %arg7[%dma_start3A, %dma_start3A_14] : memref<79x128xi32, #tpu.memory_space<vmem>> -> memref<1x128xi32, #tpu.memory_space<vmem>>
    %dma_start3A_16 = tpu.memref_squeeze %dma_start3A_15 : memref<1x128xi32, #tpu.memory_space<vmem>> -> memref<128xi32, #tpu.memory_space<vmem>>
    %dma_start3A_17 = arith.constant 0 : i32
    %dma_start3A_18 = arith.constant 0 : i32
    %dma_start3A_19 = tpu.memref_slice %arg11[%dma_start3A_17, %dma_start3A_18] : memref<10000x16xf32, #tpu.memory_space<vmem_shared>> -> memref<10000x16xf32, #tpu.memory_space<vmem_shared>>
    tpu.enqueue_indirect_dma source(%dma_start3A_19 : memref<10000x16xf32, #tpu.memory_space<vmem_shared>>) target(%dma_start3A_13 : memref<128x16xf32, #tpu.memory_space<vmem>>) offsets(%dma_start3A_16 : memref<128xi32, #tpu.memory_space<vmem>>) semaphore(%arg12 : memref<!tpu.dma_semaphore, #tpu.memory_space<semaphore_mem>>)
    %dma_start3A_20 = arith.constant 1 : i32
    %dma_start3A_21 = arith.constant 1 : i32
    %dma_start3A_22 = arith.constant 0 : i32
    %dma_start3A_23 = arith.constant 0 : i32
    %dma_start3A_24 = tpu.memref_slice %arg9[%dma_start3A_21, %dma_start3A_22, %dma_start3A_23] : memref<6x128x16xf32, #tpu.memory_space<vmem>> -> memref<1x128x16xf32, #tpu.memory_space<vmem>>
    %dma_start3A_25 = tpu.memref_squeeze %dma_start3A_24 : memref<1x128x16xf32, #tpu.memory_space<vmem>> -> memref<128x16xf32, #tpu.memory_space<vmem>>
    %dma_start3A_26 = arith.constant 0 : i32
    %dma_start3A_27 = tpu.memref_slice %arg7[%dma_start3A_20, %dma_start3A_26] : memref<79x128xi32, #tpu.memory_space<vmem>> -> memref<1x128xi32, #tpu.memory_space<vmem>>
    %dma_start3A_28 = tpu.memref_squeeze %dma_start3A_27 : memref<1x128xi32, #tpu.memory_space<vmem>> -> memref<128xi32, #tpu.memory_space<vmem>>
    %dma_start3A_29 = arith.constant 0 : i32
    %dma_start3A_30 = arith.constant 0 : i32
    %dma_start3A_31 = tpu.memref_slice %arg11[%dma_start3A_29, %dma_start3A_30] : memref<10000x16xf32, #tpu.memory_space<vmem_shared>> -> memref<10000x16xf32, #tpu.memory_space<vmem_shared>>
    tpu.enqueue_indirect_dma source(%dma_start3A_31 : memref<10000x16xf32, #tpu.memory_space<vmem_shared>>) target(%dma_start3A_25 : memref<128x16xf32, #tpu.memory_space<vmem>>) offsets(%dma_start3A_28 : memref<128xi32, #tpu.memory_space<vmem>>) semaphore(%arg13 : memref<!tpu.dma_semaphore, #tpu.memory_space<semaphore_mem>>)
    %dma_start3A_32 = arith.constant 2 : i32
    %dma_start3A_33 = arith.constant 2 : i32
    %dma_start3A_34 = arith.constant 0 : i32
    %dma_start3A_35 = arith.constant 0 : i32
    %dma_start3A_36 = tpu.memref_slice %arg9[%dma_start3A_33, %dma_start3A_34, %dma_start3A_35] : memref<6x128x16xf32, #tpu.memory_space<vmem>> -> memref<1x128x16xf32, #tpu.memory_space<vmem>>
    %dma_start3A_37 = tpu.memref_squeeze %dma_start3A_36 : memref<1x128x16xf32, #tpu.memory_space<vmem>> -> memref<128x16xf32, #tpu.memory_space<vmem>>
    %dma_start3A_38 = arith.constant 0 : i32
    %dma_start3A_39 = tpu.memref_slice %arg7[%dma_start3A_32, %dma_start3A_38] : memref<79x128xi32, #tpu.memory_space<vmem>> -> memref<1x128xi32, #tpu.memory_space<vmem>>
    %dma_start3A_40 = tpu.memref_squeeze %dma_start3A_39 : memref<1x128xi32, #tpu.memory_space<vmem>> -> memref<128xi32, #tpu.memory_space<vmem>>
    %dma_start3A_41 = arith.constant 0 : i32
    %dma_start3A_42 = arith.constant 0 : i32
    %dma_start3A_43 = tpu.memref_slice %arg11[%dma_start3A_41, %dma_start3A_42] : memref<10000x16xf32, #tpu.memory_space<vmem_shared>> -> memref<10000x16xf32, #tpu.memory_space<vmem_shared>>
    tpu.enqueue_indirect_dma source(%dma_start3A_43 : memref<10000x16xf32, #tpu.memory_space<vmem_shared>>) target(%dma_start3A_37 : memref<128x16xf32, #tpu.memory_space<vmem>>) offsets(%dma_start3A_40 : memref<128xi32, #tpu.memory_space<vmem>>) semaphore(%arg14 : memref<!tpu.dma_semaphore, #tpu.memory_space<semaphore_mem>>)
    %dma_start3A_44 = arith.constant 3 : i32
    %dma_start3A_45 = arith.constant 3 : i32
    %dma_start3A_46 = arith.constant 0 : i32
    %dma_start3A_47 = arith.constant 0 : i32
    %dma_start3A_48 = tpu.memref_slice %arg9[%dma_start3A_45, %dma_start3A_46, %dma_start3A_47] : memref<6x128x16xf32, #tpu.memory_space<vmem>> -> memref<1x128x16xf32, #tpu.memory_space<vmem>>
    %dma_start3A_49 = tpu.memref_squeeze %dma_start3A_48 : memref<1x128x16xf32, #tpu.memory_space<vmem>> -> memref<128x16xf32, #tpu.memory_space<vmem>>
    %dma_start3A_50 = arith.constant 0 : i32
    %dma_start3A_51 = tpu.memref_slice %arg7[%dma_start3A_44, %dma_start3A_50] : memref<79x128xi32, #tpu.memory_space<vmem>> -> memref<1x128xi32, #tpu.memory_space<vmem>>
    %dma_start3A_52 = tpu.memref_squeeze %dma_start3A_51 : memref<1x128xi32, #tpu.memory_space<vmem>> -> memref<128xi32, #tpu.memory_space<vmem>>
    %dma_start3A_53 = arith.constant 0 : i32
    %dma_start3A_54 = arith.constant 0 : i32
    %dma_start3A_55 = tpu.memref_slice %arg11[%dma_start3A_53, %dma_start3A_54] : memref<10000x16xf32, #tpu.memory_space<vmem_shared>> -> memref<10000x16xf32, #tpu.memory_space<vmem_shared>>
    tpu.enqueue_indirect_dma source(%dma_start3A_55 : memref<10000x16xf32, #tpu.memory_space<vmem_shared>>) target(%dma_start3A_49 : memref<128x16xf32, #tpu.memory_space<vmem>>) offsets(%dma_start3A_52 : memref<128xi32, #tpu.memory_space<vmem>>) semaphore(%arg15 : memref<!tpu.dma_semaphore, #tpu.memory_space<semaphore_mem>>)
    %dma_start3A_56 = arith.constant 4 : i32
    %dma_start3A_57 = arith.constant 4 : i32
    %dma_start3A_58 = arith.constant 0 : i32
    %dma_start3A_59 = arith.constant 0 : i32
    %dma_start3A_60 = tpu.memref_slice %arg9[%dma_start3A_57, %dma_start3A_58, %dma_start3A_59] : memref<6x128x16xf32, #tpu.memory_space<vmem>> -> memref<1x128x16xf32, #tpu.memory_space<vmem>>
    %dma_start3A_61 = tpu.memref_squeeze %dma_start3A_60 : memref<1x128x16xf32, #tpu.memory_space<vmem>> -> memref<128x16xf32, #tpu.memory_space<vmem>>
    %dma_start3A_62 = arith.constant 0 : i32
    %dma_start3A_63 = tpu.memref_slice %arg7[%dma_start3A_56, %dma_start3A_62] : memref<79x128xi32, #tpu.memory_space<vmem>> -> memref<1x128xi32, #tpu.memory_space<vmem>>
    %dma_start3A_64 = tpu.memref_squeeze %dma_start3A_63 : memref<1x128xi32, #tpu.memory_space<vmem>> -> memref<128xi32, #tpu.memory_space<vmem>>
    %dma_start3A_65 = arith.constant 0 : i32
    %dma_start3A_66 = arith.constant 0 : i32
    %dma_start3A_67 = tpu.memref_slice %arg11[%dma_start3A_65, %dma_start3A_66] : memref<10000x16xf32, #tpu.memory_space<vmem_shared>> -> memref<10000x16xf32, #tpu.memory_space<vmem_shared>>
    tpu.enqueue_indirect_dma source(%dma_start3A_67 : memref<10000x16xf32, #tpu.memory_space<vmem_shared>>) target(%dma_start3A_61 : memref<128x16xf32, #tpu.memory_space<vmem>>) offsets(%dma_start3A_64 : memref<128xi32, #tpu.memory_space<vmem>>) semaphore(%arg16 : memref<!tpu.dma_semaphore, #tpu.memory_space<semaphore_mem>>)
    %dma_start3A_68 = arith.constant 5 : i32
    %dma_start3A_69 = arith.constant 5 : i32
    %dma_start3A_70 = arith.constant 0 : i32
    %dma_start3A_71 = arith.constant 0 : i32
    %dma_start3A_72 = tpu.memref_slice %arg9[%dma_start3A_69, %dma_start3A_70, %dma_start3A_71] : memref<6x128x16xf32, #tpu.memory_space<vmem>> -> memref<1x128x16xf32, #tpu.memory_space<vmem>>
    %dma_start3A_73 = tpu.memref_squeeze %dma_start3A_72 : memref<1x128x16xf32, #tpu.memory_space<vmem>> -> memref<128x16xf32, #tpu.memory_space<vmem>>
    %dma_start3A_74 = arith.constant 0 : i32
    %dma_start3A_75 = tpu.memref_slice %arg7[%dma_start3A_68, %dma_start3A_74] : memref<79x128xi32, #tpu.memory_space<vmem>> -> memref<1x128xi32, #tpu.memory_space<vmem>>
    %dma_start3A_76 = tpu.memref_squeeze %dma_start3A_75 : memref<1x128xi32, #tpu.memory_space<vmem>> -> memref<128xi32, #tpu.memory_space<vmem>>
    %dma_start3A_77 = arith.constant 0 : i32
    %dma_start3A_78 = arith.constant 0 : i32
    %dma_start3A_79 = tpu.memref_slice %arg11[%dma_start3A_77, %dma_start3A_78] : memref<10000x16xf32, #tpu.memory_space<vmem_shared>> -> memref<10000x16xf32, #tpu.memory_space<vmem_shared>>
    tpu.enqueue_indirect_dma source(%dma_start3A_79 : memref<10000x16xf32, #tpu.memory_space<vmem_shared>>) target(%dma_start3A_73 : memref<128x16xf32, #tpu.memory_space<vmem>>) offsets(%dma_start3A_76 : memref<128xi32, #tpu.memory_space<vmem>>) semaphore(%arg17 : memref<!tpu.dma_semaphore, #tpu.memory_space<semaphore_mem>>)
    %scan3A = arith.constant 0 : i32
    %scan3A_80 = arith.constant 13 : i32
    %scan3A_81 = arith.addi %scan3A, %scan3A_80 : i32
    %scan3A_82 = arith.constant 1 : i32
    scf.for %scan3A_92 = %scan3A to %scan3A_81 step %scan3A_82  : i32 {
      %mul3A_93 = arith.constant 6 : i32
      %mul3A_94 = arith.muli %scan3A_92, %mul3A_93 : i32
      %add3A_95 = arith.constant 0 : i32
      %add3A_96 = arith.addi %add3A_95, %mul3A_94 : i32
      %add3A_97 = arith.constant 0 : i32
      %add3A_98 = arith.addi %add3A_96, %add3A_97 : i32
      %dma_wait3A = arith.constant 0 : i32
      %dma_wait3A_99 = arith.constant 0 : i32
      %dma_wait3A_100 = arith.constant 0 : i32
      %dma_wait3A_101 = tpu.memref_slice %arg9[%dma_wait3A, %dma_wait3A_99, %dma_wait3A_100] : memref<6x128x16xf32, #tpu.memory_space<vmem>> -> memref<1x128x16xf32, #tpu.memory_space<vmem>>
      %dma_wait3A_102 = tpu.memref_squeeze %dma_wait3A_101 : memref<1x128x16xf32, #tpu.memory_space<vmem>> -> memref<128x16xf32, #tpu.memory_space<vmem>>
      %dma_wait3A_103 = arith.constant 0 : i32
      %dma_wait3A_104 = tpu.memref_slice %arg7[%add3A_98, %dma_wait3A_103] : memref<79x128xi32, #tpu.memory_space<vmem>> -> memref<1x128xi32, #tpu.memory_space<vmem>>
      %dma_wait3A_105 = tpu.memref_squeeze %dma_wait3A_104 : memref<1x128xi32, #tpu.memory_space<vmem>> -> memref<128xi32, #tpu.memory_space<vmem>>
      %dma_wait3A_106 = arith.constant 0 : i32
      %dma_wait3A_107 = arith.constant 0 : i32
      %dma_wait3A_108 = tpu.memref_slice %arg11[%dma_wait3A_106, %dma_wait3A_107] : memref<10000x16xf32, #tpu.memory_space<vmem_shared>> -> memref<10000x16xf32, #tpu.memory_space<vmem_shared>>
      tpu.wait_indirect_dma semaphore(%arg12 : memref<!tpu.dma_semaphore, #tpu.memory_space<semaphore_mem>>) src(%dma_wait3A_108 : memref<10000x16xf32, #tpu.memory_space<vmem_shared>>) dst(%dma_wait3A_102 : memref<128x16xf32, #tpu.memory_space<vmem>>)
      %run_scoped3A = arith.constant 0 : i32
      "tpu.region"() ({
        %run_scoped3A_221 = tpu.sem_alloc : memref<!tpu.dma_semaphore, #tpu.memory_space<semaphore_mem>>
        %dma_start3A_222 = arith.constant 0 : i32
        %dma_start3A_223 = arith.constant 0 : i32
        %dma_start3A_224 = tpu.memref_slice %arg9[%run_scoped3A, %dma_start3A_222, %dma_start3A_223] : memref<6x128x16xf32, #tpu.memory_space<vmem>> -> memref<1x128x16xf32, #tpu.memory_space<vmem>>
        %dma_start3A_225 = tpu.memref_squeeze %dma_start3A_224 : memref<1x128x16xf32, #tpu.memory_space<vmem>> -> memref<128x16xf32, #tpu.memory_space<vmem>>
        %dma_start3A_226 = arith.constant 0 : i32
        %dma_start3A_227 = tpu.memref_slice %arg8[%add3A_98, %dma_start3A_226] : memref<79x128xi32, #tpu.memory_space<vmem>> -> memref<1x128xi32, #tpu.memory_space<vmem>>
        %dma_start3A_228 = tpu.memref_squeeze %dma_start3A_227 : memref<1x128xi32, #tpu.memory_space<vmem>> -> memref<128xi32, #tpu.memory_space<vmem>>
        %dma_start3A_229 = arith.constant 0 : i32
        %dma_start3A_230 = arith.constant 0 : i32
        %dma_start3A_231 = tpu.memref_slice %arg10[%dma_start3A_229, %dma_start3A_230] : memref<10000x16xf32, #tpu.memory_space<vmem_shared>> -> memref<10000x16xf32, #tpu.memory_space<vmem_shared>>
        tpu.enqueue_indirect_dma source(%dma_start3A_225 : memref<128x16xf32, #tpu.memory_space<vmem>>) target(%dma_start3A_231 : memref<10000x16xf32, #tpu.memory_space<vmem_shared>>) offsets(%dma_start3A_228 : memref<128xi32, #tpu.memory_space<vmem>>) semaphore(%run_scoped3A_221 : memref<!tpu.dma_semaphore, #tpu.memory_space<semaphore_mem>>) {add = true}
        %dma_wait3A_232 = arith.constant 0 : i32
        %dma_wait3A_233 = arith.constant 0 : i32
        %dma_wait3A_234 = tpu.memref_slice %arg9[%run_scoped3A, %dma_wait3A_232, %dma_wait3A_233] : memref<6x128x16xf32, #tpu.memory_space<vmem>> -> memref<1x128x16xf32, #tpu.memory_space<vmem>>
        %dma_wait3A_235 = tpu.memref_squeeze %dma_wait3A_234 : memref<1x128x16xf32, #tpu.memory_space<vmem>> -> memref<128x16xf32, #tpu.memory_space<vmem>>
        %dma_wait3A_236 = arith.constant 0 : i32
        %dma_wait3A_237 = tpu.memref_slice %arg8[%add3A_98, %dma_wait3A_236] : memref<79x128xi32, #tpu.memory_space<vmem>> -> memref<1x128xi32, #tpu.memory_space<vmem>>
        %dma_wait3A_238 = tpu.memref_squeeze %dma_wait3A_237 : memref<1x128xi32, #tpu.memory_space<vmem>> -> memref<128xi32, #tpu.memory_space<vmem>>
        %dma_wait3A_239 = arith.constant 0 : i32
        %dma_wait3A_240 = arith.constant 0 : i32
        %dma_wait3A_241 = tpu.memref_slice %arg10[%dma_wait3A_239, %dma_wait3A_240] : memref<10000x16xf32, #tpu.memory_space<vmem_shared>> -> memref<10000x16xf32, #tpu.memory_space<vmem_shared>>
        tpu.wait_indirect_dma semaphore(%run_scoped3A_221 : memref<!tpu.dma_semaphore, #tpu.memory_space<semaphore_mem>>) src(%dma_wait3A_235 : memref<128x16xf32, #tpu.memory_space<vmem>>) dst(%dma_wait3A_241 : memref<10000x16xf32, #tpu.memory_space<vmem_shared>>)
        tpu.yield
      }) : () -> ()
      %add3A_109 = arith.constant 6 : i32
      %add3A_110 = arith.addi %add3A_98, %add3A_109 : i32
      %lt3A_111 = arith.constant 78 : i32
      %lt3A_112 = arith.cmpi slt, %add3A_110, %lt3A_111 : i32
      %convert_element_type3A_113 = arith.extui %lt3A_112 : i1 to i32
      %cond3A_114 = arith.constant 0 : i32
      %cond3A_115 = arith.cmpi ne, %convert_element_type3A_113, %cond3A_114 : i32
      scf.if %cond3A_115 {
        %add3A_221 = arith.constant 6 : i32
        %add3A_222 = arith.addi %add3A_98, %add3A_221 : i32
        %dma_start3A_223 = arith.constant 0 : i32
        %dma_start3A_224 = arith.constant 0 : i32
        %dma_start3A_225 = arith.constant 0 : i32
        %dma_start3A_226 = tpu.memref_slice %arg9[%dma_start3A_223, %dma_start3A_224, %dma_start3A_225] : memref<6x128x16xf32, #tpu.memory_space<vmem>> -> memref<1x128x16xf32, #tpu.memory_space<vmem>>
        %dma_start3A_227 = tpu.memref_squeeze %dma_start3A_226 : memref<1x128x16xf32, #tpu.memory_space<vmem>> -> memref<128x16xf32, #tpu.memory_space<vmem>>
        %dma_start3A_228 = arith.constant 0 : i32
        %dma_start3A_229 = tpu.memref_slice %arg7[%add3A_222, %dma_start3A_228] : memref<79x128xi32, #tpu.memory_space<vmem>> -> memref<1x128xi32, #tpu.memory_space<vmem>>
        %dma_start3A_230 = tpu.memref_squeeze %dma_start3A_229 : memref<1x128xi32, #tpu.memory_space<vmem>> -> memref<128xi32, #tpu.memory_space<vmem>>
        %dma_start3A_231 = arith.constant 0 : i32
        %dma_start3A_232 = arith.constant 0 : i32
        %dma_start3A_233 = tpu.memref_slice %arg11[%dma_start3A_231, %dma_start3A_232] : memref<10000x16xf32, #tpu.memory_space<vmem_shared>> -> memref<10000x16xf32, #tpu.memory_space<vmem_shared>>
        tpu.enqueue_indirect_dma source(%dma_start3A_233 : memref<10000x16xf32, #tpu.memory_space<vmem_shared>>) target(%dma_start3A_227 : memref<128x16xf32, #tpu.memory_space<vmem>>) offsets(%dma_start3A_230 : memref<128xi32, #tpu.memory_space<vmem>>) semaphore(%arg12 : memref<!tpu.dma_semaphore, #tpu.memory_space<semaphore_mem>>)
      } else {
      }
      %add3A_116 = arith.constant 1 : i32
      %add3A_117 = arith.addi %add3A_96, %add3A_116 : i32
      %dma_wait3A_118 = arith.constant 1 : i32
      %dma_wait3A_119 = arith.constant 0 : i32
      %dma_wait3A_120 = arith.constant 0 : i32
      %dma_wait3A_121 = tpu.memref_slice %arg9[%dma_wait3A_118, %dma_wait3A_119, %dma_wait3A_120] : memref<6x128x16xf32, #tpu.memory_space<vmem>> -> memref<1x128x16xf32, #tpu.memory_space<vmem>>
      %dma_wait3A_122 = tpu.memref_squeeze %dma_wait3A_121 : memref<1x128x16xf32, #tpu.memory_space<vmem>> -> memref<128x16xf32, #tpu.memory_space<vmem>>
      %dma_wait3A_123 = arith.constant 0 : i32
      %dma_wait3A_124 = tpu.memref_slice %arg7[%add3A_117, %dma_wait3A_123] : memref<79x128xi32, #tpu.memory_space<vmem>> -> memref<1x128xi32, #tpu.memory_space<vmem>>
      %dma_wait3A_125 = tpu.memref_squeeze %dma_wait3A_124 : memref<1x128xi32, #tpu.memory_space<vmem>> -> memref<128xi32, #tpu.memory_space<vmem>>
      %dma_wait3A_126 = arith.constant 0 : i32
      %dma_wait3A_127 = arith.constant 0 : i32
      %dma_wait3A_128 = tpu.memref_slice %arg11[%dma_wait3A_126, %dma_wait3A_127] : memref<10000x16xf32, #tpu.memory_space<vmem_shared>> -> memref<10000x16xf32, #tpu.memory_space<vmem_shared>>
      tpu.wait_indirect_dma semaphore(%arg13 : memref<!tpu.dma_semaphore, #tpu.memory_space<semaphore_mem>>) src(%dma_wait3A_128 : memref<10000x16xf32, #tpu.memory_space<vmem_shared>>) dst(%dma_wait3A_122 : memref<128x16xf32, #tpu.memory_space<vmem>>)
      %run_scoped3A_129 = arith.constant 1 : i32
      "tpu.region"() ({
        %run_scoped3A_221 = tpu.sem_alloc : memref<!tpu.dma_semaphore, #tpu.memory_space<semaphore_mem>>
        %dma_start3A_222 = arith.constant 0 : i32
        %dma_start3A_223 = arith.constant 0 : i32
        %dma_start3A_224 = tpu.memref_slice %arg9[%run_scoped3A_129, %dma_start3A_222, %dma_start3A_223] : memref<6x128x16xf32, #tpu.memory_space<vmem>> -> memref<1x128x16xf32, #tpu.memory_space<vmem>>
        %dma_start3A_225 = tpu.memref_squeeze %dma_start3A_224 : memref<1x128x16xf32, #tpu.memory_space<vmem>> -> memref<128x16xf32, #tpu.memory_space<vmem>>
        %dma_start3A_226 = arith.constant 0 : i32
        %dma_start3A_227 = tpu.memref_slice %arg8[%add3A_117, %dma_start3A_226] : memref<79x128xi32, #tpu.memory_space<vmem>> -> memref<1x128xi32, #tpu.memory_space<vmem>>
        %dma_start3A_228 = tpu.memref_squeeze %dma_start3A_227 : memref<1x128xi32, #tpu.memory_space<vmem>> -> memref<128xi32, #tpu.memory_space<vmem>>
        %dma_start3A_229 = arith.constant 0 : i32
        %dma_start3A_230 = arith.constant 0 : i32
        %dma_start3A_231 = tpu.memref_slice %arg10[%dma_start3A_229, %dma_start3A_230] : memref<10000x16xf32, #tpu.memory_space<vmem_shared>> -> memref<10000x16xf32, #tpu.memory_space<vmem_shared>>
        tpu.enqueue_indirect_dma source(%dma_start3A_225 : memref<128x16xf32, #tpu.memory_space<vmem>>) target(%dma_start3A_231 : memref<10000x16xf32, #tpu.memory_space<vmem_shared>>) offsets(%dma_start3A_228 : memref<128xi32, #tpu.memory_space<vmem>>) semaphore(%run_scoped3A_221 : memref<!tpu.dma_semaphore, #tpu.memory_space<semaphore_mem>>) {add = true}
        %dma_wait3A_232 = arith.constant 0 : i32
        %dma_wait3A_233 = arith.constant 0 : i32
        %dma_wait3A_234 = tpu.memref_slice %arg9[%run_scoped3A_129, %dma_wait3A_232, %dma_wait3A_233] : memref<6x128x16xf32, #tpu.memory_space<vmem>> -> memref<1x128x16xf32, #tpu.memory_space<vmem>>
        %dma_wait3A_235 = tpu.memref_squeeze %dma_wait3A_234 : memref<1x128x16xf32, #tpu.memory_space<vmem>> -> memref<128x16xf32, #tpu.memory_space<vmem>>
        %dma_wait3A_236 = arith.constant 0 : i32
        %dma_wait3A_237 = tpu.memref_slice %arg8[%add3A_117, %dma_wait3A_236] : memref<79x128xi32, #tpu.memory_space<vmem>> -> memref<1x128xi32, #tpu.memory_space<vmem>>
        %dma_wait3A_238 = tpu.memref_squeeze %dma_wait3A_237 : memref<1x128xi32, #tpu.memory_space<vmem>> -> memref<128xi32, #tpu.memory_space<vmem>>
        %dma_wait3A_239 = arith.constant 0 : i32
        %dma_wait3A_240 = arith.constant 0 : i32
        %dma_wait3A_241 = tpu.memref_slice %arg10[%dma_wait3A_239, %dma_wait3A_240] : memref<10000x16xf32, #tpu.memory_space<vmem_shared>> -> memref<10000x16xf32, #tpu.memory_space<vmem_shared>>
        tpu.wait_indirect_dma semaphore(%run_scoped3A_221 : memref<!tpu.dma_semaphore, #tpu.memory_space<semaphore_mem>>) src(%dma_wait3A_235 : memref<128x16xf32, #tpu.memory_space<vmem>>) dst(%dma_wait3A_241 : memref<10000x16xf32, #tpu.memory_space<vmem_shared>>)
        tpu.yield
      }) : () -> ()
      %add3A_130 = arith.constant 6 : i32
      %add3A_131 = arith.addi %add3A_117, %add3A_130 : i32
      %lt3A_132 = arith.constant 78 : i32
      %lt3A_133 = arith.cmpi slt, %add3A_131, %lt3A_132 : i32
      %convert_element_type3A_134 = arith.extui %lt3A_133 : i1 to i32
      %cond3A_135 = arith.constant 0 : i32
      %cond3A_136 = arith.cmpi ne, %convert_element_type3A_134, %cond3A_135 : i32
      scf.if %cond3A_136 {
        %add3A_221 = arith.constant 6 : i32
        %add3A_222 = arith.addi %add3A_117, %add3A_221 : i32
        %dma_start3A_223 = arith.constant 1 : i32
        %dma_start3A_224 = arith.constant 0 : i32
        %dma_start3A_225 = arith.constant 0 : i32
        %dma_start3A_226 = tpu.memref_slice %arg9[%dma_start3A_223, %dma_start3A_224, %dma_start3A_225] : memref<6x128x16xf32, #tpu.memory_space<vmem>> -> memref<1x128x16xf32, #tpu.memory_space<vmem>>
        %dma_start3A_227 = tpu.memref_squeeze %dma_start3A_226 : memref<1x128x16xf32, #tpu.memory_space<vmem>> -> memref<128x16xf32, #tpu.memory_space<vmem>>
        %dma_start3A_228 = arith.constant 0 : i32
        %dma_start3A_229 = tpu.memref_slice %arg7[%add3A_222, %dma_start3A_228] : memref<79x128xi32, #tpu.memory_space<vmem>> -> memref<1x128xi32, #tpu.memory_space<vmem>>
        %dma_start3A_230 = tpu.memref_squeeze %dma_start3A_229 : memref<1x128xi32, #tpu.memory_space<vmem>> -> memref<128xi32, #tpu.memory_space<vmem>>
        %dma_start3A_231 = arith.constant 0 : i32
        %dma_start3A_232 = arith.constant 0 : i32
        %dma_start3A_233 = tpu.memref_slice %arg11[%dma_start3A_231, %dma_start3A_232] : memref<10000x16xf32, #tpu.memory_space<vmem_shared>> -> memref<10000x16xf32, #tpu.memory_space<vmem_shared>>
        tpu.enqueue_indirect_dma source(%dma_start3A_233 : memref<10000x16xf32, #tpu.memory_space<vmem_shared>>) target(%dma_start3A_227 : memref<128x16xf32, #tpu.memory_space<vmem>>) offsets(%dma_start3A_230 : memref<128xi32, #tpu.memory_space<vmem>>) semaphore(%arg13 : memref<!tpu.dma_semaphore, #tpu.memory_space<semaphore_mem>>)
      } else {
      }
      %add3A_137 = arith.constant 2 : i32
      %add3A_138 = arith.addi %add3A_96, %add3A_137 : i32
      %dma_wait3A_139 = arith.constant 2 : i32
      %dma_wait3A_140 = arith.constant 0 : i32
      %dma_wait3A_141 = arith.constant 0 : i32
      %dma_wait3A_142 = tpu.memref_slice %arg9[%dma_wait3A_139, %dma_wait3A_140, %dma_wait3A_141] : memref<6x128x16xf32, #tpu.memory_space<vmem>> -> memref<1x128x16xf32, #tpu.memory_space<vmem>>
      %dma_wait3A_143 = tpu.memref_squeeze %dma_wait3A_142 : memref<1x128x16xf32, #tpu.memory_space<vmem>> -> memref<128x16xf32, #tpu.memory_space<vmem>>
      %dma_wait3A_144 = arith.constant 0 : i32
      %dma_wait3A_145 = tpu.memref_slice %arg7[%add3A_138, %dma_wait3A_144] : memref<79x128xi32, #tpu.memory_space<vmem>> -> memref<1x128xi32, #tpu.memory_space<vmem>>
      %dma_wait3A_146 = tpu.memref_squeeze %dma_wait3A_145 : memref<1x128xi32, #tpu.memory_space<vmem>> -> memref<128xi32, #tpu.memory_space<vmem>>
      %dma_wait3A_147 = arith.constant 0 : i32
      %dma_wait3A_148 = arith.constant 0 : i32
      %dma_wait3A_149 = tpu.memref_slice %arg11[%dma_wait3A_147, %dma_wait3A_148] : memref<10000x16xf32, #tpu.memory_space<vmem_shared>> -> memref<10000x16xf32, #tpu.memory_space<vmem_shared>>
      tpu.wait_indirect_dma semaphore(%arg14 : memref<!tpu.dma_semaphore, #tpu.memory_space<semaphore_mem>>) src(%dma_wait3A_149 : memref<10000x16xf32, #tpu.memory_space<vmem_shared>>) dst(%dma_wait3A_143 : memref<128x16xf32, #tpu.memory_space<vmem>>)
      %run_scoped3A_150 = arith.constant 2 : i32
      "tpu.region"() ({
        %run_scoped3A_221 = tpu.sem_alloc : memref<!tpu.dma_semaphore, #tpu.memory_space<semaphore_mem>>
        %dma_start3A_222 = arith.constant 0 : i32
        %dma_start3A_223 = arith.constant 0 : i32
        %dma_start3A_224 = tpu.memref_slice %arg9[%run_scoped3A_150, %dma_start3A_222, %dma_start3A_223] : memref<6x128x16xf32, #tpu.memory_space<vmem>> -> memref<1x128x16xf32, #tpu.memory_space<vmem>>
        %dma_start3A_225 = tpu.memref_squeeze %dma_start3A_224 : memref<1x128x16xf32, #tpu.memory_space<vmem>> -> memref<128x16xf32, #tpu.memory_space<vmem>>
        %dma_start3A_226 = arith.constant 0 : i32
        %dma_start3A_227 = tpu.memref_slice %arg8[%add3A_138, %dma_start3A_226] : memref<79x128xi32, #tpu.memory_space<vmem>> -> memref<1x128xi32, #tpu.memory_space<vmem>>
        %dma_start3A_228 = tpu.memref_squeeze %dma_start3A_227 : memref<1x128xi32, #tpu.memory_space<vmem>> -> memref<128xi32, #tpu.memory_space<vmem>>
        %dma_start3A_229 = arith.constant 0 : i32
        %dma_start3A_230 = arith.constant 0 : i32
        %dma_start3A_231 = tpu.memref_slice %arg10[%dma_start3A_229, %dma_start3A_230] : memref<10000x16xf32, #tpu.memory_space<vmem_shared>> -> memref<10000x16xf32, #tpu.memory_space<vmem_shared>>
        tpu.enqueue_indirect_dma source(%dma_start3A_225 : memref<128x16xf32, #tpu.memory_space<vmem>>) target(%dma_start3A_231 : memref<10000x16xf32, #tpu.memory_space<vmem_shared>>) offsets(%dma_start3A_228 : memref<128xi32, #tpu.memory_space<vmem>>) semaphore(%run_scoped3A_221 : memref<!tpu.dma_semaphore, #tpu.memory_space<semaphore_mem>>) {add = true}
        %dma_wait3A_232 = arith.constant 0 : i32
        %dma_wait3A_233 = arith.constant 0 : i32
        %dma_wait3A_234 = tpu.memref_slice %arg9[%run_scoped3A_150, %dma_wait3A_232, %dma_wait3A_233] : memref<6x128x16xf32, #tpu.memory_space<vmem>> -> memref<1x128x16xf32, #tpu.memory_space<vmem>>
        %dma_wait3A_235 = tpu.memref_squeeze %dma_wait3A_234 : memref<1x128x16xf32, #tpu.memory_space<vmem>> -> memref<128x16xf32, #tpu.memory_space<vmem>>
        %dma_wait3A_236 = arith.constant 0 : i32
        %dma_wait3A_237 = tpu.memref_slice %arg8[%add3A_138, %dma_wait3A_236] : memref<79x128xi32, #tpu.memory_space<vmem>> -> memref<1x128xi32, #tpu.memory_space<vmem>>
        %dma_wait3A_238 = tpu.memref_squeeze %dma_wait3A_237 : memref<1x128xi32, #tpu.memory_space<vmem>> -> memref<128xi32, #tpu.memory_space<vmem>>
        %dma_wait3A_239 = arith.constant 0 : i32
        %dma_wait3A_240 = arith.constant 0 : i32
        %dma_wait3A_241 = tpu.memref_slice %arg10[%dma_wait3A_239, %dma_wait3A_240] : memref<10000x16xf32, #tpu.memory_space<vmem_shared>> -> memref<10000x16xf32, #tpu.memory_space<vmem_shared>>
        tpu.wait_indirect_dma semaphore(%run_scoped3A_221 : memref<!tpu.dma_semaphore, #tpu.memory_space<semaphore_mem>>) src(%dma_wait3A_235 : memref<128x16xf32, #tpu.memory_space<vmem>>) dst(%dma_wait3A_241 : memref<10000x16xf32, #tpu.memory_space<vmem_shared>>)
        tpu.yield
      }) : () -> ()
      %add3A_151 = arith.constant 6 : i32
      %add3A_152 = arith.addi %add3A_138, %add3A_151 : i32
      %lt3A_153 = arith.constant 78 : i32
      %lt3A_154 = arith.cmpi slt, %add3A_152, %lt3A_153 : i32
      %convert_element_type3A_155 = arith.extui %lt3A_154 : i1 to i32
      %cond3A_156 = arith.constant 0 : i32
      %cond3A_157 = arith.cmpi ne, %convert_element_type3A_155, %cond3A_156 : i32
      scf.if %cond3A_157 {
        %add3A_221 = arith.constant 6 : i32
        %add3A_222 = arith.addi %add3A_138, %add3A_221 : i32
        %dma_start3A_223 = arith.constant 2 : i32
        %dma_start3A_224 = arith.constant 0 : i32
        %dma_start3A_225 = arith.constant 0 : i32
        %dma_start3A_226 = tpu.memref_slice %arg9[%dma_start3A_223, %dma_start3A_224, %dma_start3A_225] : memref<6x128x16xf32, #tpu.memory_space<vmem>> -> memref<1x128x16xf32, #tpu.memory_space<vmem>>
        %dma_start3A_227 = tpu.memref_squeeze %dma_start3A_226 : memref<1x128x16xf32, #tpu.memory_space<vmem>> -> memref<128x16xf32, #tpu.memory_space<vmem>>
        %dma_start3A_228 = arith.constant 0 : i32
        %dma_start3A_229 = tpu.memref_slice %arg7[%add3A_222, %dma_start3A_228] : memref<79x128xi32, #tpu.memory_space<vmem>> -> memref<1x128xi32, #tpu.memory_space<vmem>>
        %dma_start3A_230 = tpu.memref_squeeze %dma_start3A_229 : memref<1x128xi32, #tpu.memory_space<vmem>> -> memref<128xi32, #tpu.memory_space<vmem>>
        %dma_start3A_231 = arith.constant 0 : i32
        %dma_start3A_232 = arith.constant 0 : i32
        %dma_start3A_233 = tpu.memref_slice %arg11[%dma_start3A_231, %dma_start3A_232] : memref<10000x16xf32, #tpu.memory_space<vmem_shared>> -> memref<10000x16xf32, #tpu.memory_space<vmem_shared>>
        tpu.enqueue_indirect_dma source(%dma_start3A_233 : memref<10000x16xf32, #tpu.memory_space<vmem_shared>>) target(%dma_start3A_227 : memref<128x16xf32, #tpu.memory_space<vmem>>) offsets(%dma_start3A_230 : memref<128xi32, #tpu.memory_space<vmem>>) semaphore(%arg14 : memref<!tpu.dma_semaphore, #tpu.memory_space<semaphore_mem>>)
      } else {
      }
      %add3A_158 = arith.constant 3 : i32
      %add3A_159 = arith.addi %add3A_96, %add3A_158 : i32
      %dma_wait3A_160 = arith.constant 3 : i32
      %dma_wait3A_161 = arith.constant 0 : i32
      %dma_wait3A_162 = arith.constant 0 : i32
      %dma_wait3A_163 = tpu.memref_slice %arg9[%dma_wait3A_160, %dma_wait3A_161, %dma_wait3A_162] : memref<6x128x16xf32, #tpu.memory_space<vmem>> -> memref<1x128x16xf32, #tpu.memory_space<vmem>>
      %dma_wait3A_164 = tpu.memref_squeeze %dma_wait3A_163 : memref<1x128x16xf32, #tpu.memory_space<vmem>> -> memref<128x16xf32, #tpu.memory_space<vmem>>
      %dma_wait3A_165 = arith.constant 0 : i32
      %dma_wait3A_166 = tpu.memref_slice %arg7[%add3A_159, %dma_wait3A_165] : memref<79x128xi32, #tpu.memory_space<vmem>> -> memref<1x128xi32, #tpu.memory_space<vmem>>
      %dma_wait3A_167 = tpu.memref_squeeze %dma_wait3A_166 : memref<1x128xi32, #tpu.memory_space<vmem>> -> memref<128xi32, #tpu.memory_space<vmem>>
      %dma_wait3A_168 = arith.constant 0 : i32
      %dma_wait3A_169 = arith.constant 0 : i32
      %dma_wait3A_170 = tpu.memref_slice %arg11[%dma_wait3A_168, %dma_wait3A_169] : memref<10000x16xf32, #tpu.memory_space<vmem_shared>> -> memref<10000x16xf32, #tpu.memory_space<vmem_shared>>
      tpu.wait_indirect_dma semaphore(%arg15 : memref<!tpu.dma_semaphore, #tpu.memory_space<semaphore_mem>>) src(%dma_wait3A_170 : memref<10000x16xf32, #tpu.memory_space<vmem_shared>>) dst(%dma_wait3A_164 : memref<128x16xf32, #tpu.memory_space<vmem>>)
      %run_scoped3A_171 = arith.constant 3 : i32
      "tpu.region"() ({
        %run_scoped3A_221 = tpu.sem_alloc : memref<!tpu.dma_semaphore, #tpu.memory_space<semaphore_mem>>
        %dma_start3A_222 = arith.constant 0 : i32
        %dma_start3A_223 = arith.constant 0 : i32
        %dma_start3A_224 = tpu.memref_slice %arg9[%run_scoped3A_171, %dma_start3A_222, %dma_start3A_223] : memref<6x128x16xf32, #tpu.memory_space<vmem>> -> memref<1x128x16xf32, #tpu.memory_space<vmem>>
        %dma_start3A_225 = tpu.memref_squeeze %dma_start3A_224 : memref<1x128x16xf32, #tpu.memory_space<vmem>> -> memref<128x16xf32, #tpu.memory_space<vmem>>
        %dma_start3A_226 = arith.constant 0 : i32
        %dma_start3A_227 = tpu.memref_slice %arg8[%add3A_159, %dma_start3A_226] : memref<79x128xi32, #tpu.memory_space<vmem>> -> memref<1x128xi32, #tpu.memory_space<vmem>>
        %dma_start3A_228 = tpu.memref_squeeze %dma_start3A_227 : memref<1x128xi32, #tpu.memory_space<vmem>> -> memref<128xi32, #tpu.memory_space<vmem>>
        %dma_start3A_229 = arith.constant 0 : i32
        %dma_start3A_230 = arith.constant 0 : i32
        %dma_start3A_231 = tpu.memref_slice %arg10[%dma_start3A_229, %dma_start3A_230] : memref<10000x16xf32, #tpu.memory_space<vmem_shared>> -> memref<10000x16xf32, #tpu.memory_space<vmem_shared>>
        tpu.enqueue_indirect_dma source(%dma_start3A_225 : memref<128x16xf32, #tpu.memory_space<vmem>>) target(%dma_start3A_231 : memref<10000x16xf32, #tpu.memory_space<vmem_shared>>) offsets(%dma_start3A_228 : memref<128xi32, #tpu.memory_space<vmem>>) semaphore(%run_scoped3A_221 : memref<!tpu.dma_semaphore, #tpu.memory_space<semaphore_mem>>) {add = true}
        %dma_wait3A_232 = arith.constant 0 : i32
        %dma_wait3A_233 = arith.constant 0 : i32
        %dma_wait3A_234 = tpu.memref_slice %arg9[%run_scoped3A_171, %dma_wait3A_232, %dma_wait3A_233] : memref<6x128x16xf32, #tpu.memory_space<vmem>> -> memref<1x128x16xf32, #tpu.memory_space<vmem>>
        %dma_wait3A_235 = tpu.memref_squeeze %dma_wait3A_234 : memref<1x128x16xf32, #tpu.memory_space<vmem>> -> memref<128x16xf32, #tpu.memory_space<vmem>>
        %dma_wait3A_236 = arith.constant 0 : i32
        %dma_wait3A_237 = tpu.memref_slice %arg8[%add3A_159, %dma_wait3A_236] : memref<79x128xi32, #tpu.memory_space<vmem>> -> memref<1x128xi32, #tpu.memory_space<vmem>>
        %dma_wait3A_238 = tpu.memref_squeeze %dma_wait3A_237 : memref<1x128xi32, #tpu.memory_space<vmem>> -> memref<128xi32, #tpu.memory_space<vmem>>
        %dma_wait3A_239 = arith.constant 0 : i32
        %dma_wait3A_240 = arith.constant 0 : i32
        %dma_wait3A_241 = tpu.memref_slice %arg10[%dma_wait3A_239, %dma_wait3A_240] : memref<10000x16xf32, #tpu.memory_space<vmem_shared>> -> memref<10000x16xf32, #tpu.memory_space<vmem_shared>>
        tpu.wait_indirect_dma semaphore(%run_scoped3A_221 : memref<!tpu.dma_semaphore, #tpu.memory_space<semaphore_mem>>) src(%dma_wait3A_235 : memref<128x16xf32, #tpu.memory_space<vmem>>) dst(%dma_wait3A_241 : memref<10000x16xf32, #tpu.memory_space<vmem_shared>>)
        tpu.yield
      }) : () -> ()
      %add3A_172 = arith.constant 6 : i32
      %add3A_173 = arith.addi %add3A_159, %add3A_172 : i32
      %lt3A_174 = arith.constant 78 : i32
      %lt3A_175 = arith.cmpi slt, %add3A_173, %lt3A_174 : i32
      %convert_element_type3A_176 = arith.extui %lt3A_175 : i1 to i32
      %cond3A_177 = arith.constant 0 : i32
      %cond3A_178 = arith.cmpi ne, %convert_element_type3A_176, %cond3A_177 : i32
      scf.if %cond3A_178 {
        %add3A_221 = arith.constant 6 : i32
        %add3A_222 = arith.addi %add3A_159, %add3A_221 : i32
        %dma_start3A_223 = arith.constant 3 : i32
        %dma_start3A_224 = arith.constant 0 : i32
        %dma_start3A_225 = arith.constant 0 : i32
        %dma_start3A_226 = tpu.memref_slice %arg9[%dma_start3A_223, %dma_start3A_224, %dma_start3A_225] : memref<6x128x16xf32, #tpu.memory_space<vmem>> -> memref<1x128x16xf32, #tpu.memory_space<vmem>>
        %dma_start3A_227 = tpu.memref_squeeze %dma_start3A_226 : memref<1x128x16xf32, #tpu.memory_space<vmem>> -> memref<128x16xf32, #tpu.memory_space<vmem>>
        %dma_start3A_228 = arith.constant 0 : i32
        %dma_start3A_229 = tpu.memref_slice %arg7[%add3A_222, %dma_start3A_228] : memref<79x128xi32, #tpu.memory_space<vmem>> -> memref<1x128xi32, #tpu.memory_space<vmem>>
        %dma_start3A_230 = tpu.memref_squeeze %dma_start3A_229 : memref<1x128xi32, #tpu.memory_space<vmem>> -> memref<128xi32, #tpu.memory_space<vmem>>
        %dma_start3A_231 = arith.constant 0 : i32
        %dma_start3A_232 = arith.constant 0 : i32
        %dma_start3A_233 = tpu.memref_slice %arg11[%dma_start3A_231, %dma_start3A_232] : memref<10000x16xf32, #tpu.memory_space<vmem_shared>> -> memref<10000x16xf32, #tpu.memory_space<vmem_shared>>
        tpu.enqueue_indirect_dma source(%dma_start3A_233 : memref<10000x16xf32, #tpu.memory_space<vmem_shared>>) target(%dma_start3A_227 : memref<128x16xf32, #tpu.memory_space<vmem>>) offsets(%dma_start3A_230 : memref<128xi32, #tpu.memory_space<vmem>>) semaphore(%arg15 : memref<!tpu.dma_semaphore, #tpu.memory_space<semaphore_mem>>)
      } else {
      }
      %add3A_179 = arith.constant 4 : i32
      %add3A_180 = arith.addi %add3A_96, %add3A_179 : i32
      %dma_wait3A_181 = arith.constant 4 : i32
      %dma_wait3A_182 = arith.constant 0 : i32
      %dma_wait3A_183 = arith.constant 0 : i32
      %dma_wait3A_184 = tpu.memref_slice %arg9[%dma_wait3A_181, %dma_wait3A_182, %dma_wait3A_183] : memref<6x128x16xf32, #tpu.memory_space<vmem>> -> memref<1x128x16xf32, #tpu.memory_space<vmem>>
      %dma_wait3A_185 = tpu.memref_squeeze %dma_wait3A_184 : memref<1x128x16xf32, #tpu.memory_space<vmem>> -> memref<128x16xf32, #tpu.memory_space<vmem>>
      %dma_wait3A_186 = arith.constant 0 : i32
      %dma_wait3A_187 = tpu.memref_slice %arg7[%add3A_180, %dma_wait3A_186] : memref<79x128xi32, #tpu.memory_space<vmem>> -> memref<1x128xi32, #tpu.memory_space<vmem>>
      %dma_wait3A_188 = tpu.memref_squeeze %dma_wait3A_187 : memref<1x128xi32, #tpu.memory_space<vmem>> -> memref<128xi32, #tpu.memory_space<vmem>>
      %dma_wait3A_189 = arith.constant 0 : i32
      %dma_wait3A_190 = arith.constant 0 : i32
      %dma_wait3A_191 = tpu.memref_slice %arg11[%dma_wait3A_189, %dma_wait3A_190] : memref<10000x16xf32, #tpu.memory_space<vmem_shared>> -> memref<10000x16xf32, #tpu.memory_space<vmem_shared>>
      tpu.wait_indirect_dma semaphore(%arg16 : memref<!tpu.dma_semaphore, #tpu.memory_space<semaphore_mem>>) src(%dma_wait3A_191 : memref<10000x16xf32, #tpu.memory_space<vmem_shared>>) dst(%dma_wait3A_185 : memref<128x16xf32, #tpu.memory_space<vmem>>)
      %run_scoped3A_192 = arith.constant 4 : i32
      "tpu.region"() ({
        %run_scoped3A_221 = tpu.sem_alloc : memref<!tpu.dma_semaphore, #tpu.memory_space<semaphore_mem>>
        %dma_start3A_222 = arith.constant 0 : i32
        %dma_start3A_223 = arith.constant 0 : i32
        %dma_start3A_224 = tpu.memref_slice %arg9[%run_scoped3A_192, %dma_start3A_222, %dma_start3A_223] : memref<6x128x16xf32, #tpu.memory_space<vmem>> -> memref<1x128x16xf32, #tpu.memory_space<vmem>>
        %dma_start3A_225 = tpu.memref_squeeze %dma_start3A_224 : memref<1x128x16xf32, #tpu.memory_space<vmem>> -> memref<128x16xf32, #tpu.memory_space<vmem>>
        %dma_start3A_226 = arith.constant 0 : i32
        %dma_start3A_227 = tpu.memref_slice %arg8[%add3A_180, %dma_start3A_226] : memref<79x128xi32, #tpu.memory_space<vmem>> -> memref<1x128xi32, #tpu.memory_space<vmem>>
        %dma_start3A_228 = tpu.memref_squeeze %dma_start3A_227 : memref<1x128xi32, #tpu.memory_space<vmem>> -> memref<128xi32, #tpu.memory_space<vmem>>
        %dma_start3A_229 = arith.constant 0 : i32
        %dma_start3A_230 = arith.constant 0 : i32
        %dma_start3A_231 = tpu.memref_slice %arg10[%dma_start3A_229, %dma_start3A_230] : memref<10000x16xf32, #tpu.memory_space<vmem_shared>> -> memref<10000x16xf32, #tpu.memory_space<vmem_shared>>
        tpu.enqueue_indirect_dma source(%dma_start3A_225 : memref<128x16xf32, #tpu.memory_space<vmem>>) target(%dma_start3A_231 : memref<10000x16xf32, #tpu.memory_space<vmem_shared>>) offsets(%dma_start3A_228 : memref<128xi32, #tpu.memory_space<vmem>>) semaphore(%run_scoped3A_221 : memref<!tpu.dma_semaphore, #tpu.memory_space<semaphore_mem>>) {add = true}
        %dma_wait3A_232 = arith.constant 0 : i32
        %dma_wait3A_233 = arith.constant 0 : i32
        %dma_wait3A_234 = tpu.memref_slice %arg9[%run_scoped3A_192, %dma_wait3A_232, %dma_wait3A_233] : memref<6x128x16xf32, #tpu.memory_space<vmem>> -> memref<1x128x16xf32, #tpu.memory_space<vmem>>
        %dma_wait3A_235 = tpu.memref_squeeze %dma_wait3A_234 : memref<1x128x16xf32, #tpu.memory_space<vmem>> -> memref<128x16xf32, #tpu.memory_space<vmem>>
        %dma_wait3A_236 = arith.constant 0 : i32
        %dma_wait3A_237 = tpu.memref_slice %arg8[%add3A_180, %dma_wait3A_236] : memref<79x128xi32, #tpu.memory_space<vmem>> -> memref<1x128xi32, #tpu.memory_space<vmem>>
        %dma_wait3A_238 = tpu.memref_squeeze %dma_wait3A_237 : memref<1x128xi32, #tpu.memory_space<vmem>> -> memref<128xi32, #tpu.memory_space<vmem>>
        %dma_wait3A_239 = arith.constant 0 : i32
        %dma_wait3A_240 = arith.constant 0 : i32
        %dma_wait3A_241 = tpu.memref_slice %arg10[%dma_wait3A_239, %dma_wait3A_240] : memref<10000x16xf32, #tpu.memory_space<vmem_shared>> -> memref<10000x16xf32, #tpu.memory_space<vmem_shared>>
        tpu.wait_indirect_dma semaphore(%run_scoped3A_221 : memref<!tpu.dma_semaphore, #tpu.memory_space<semaphore_mem>>) src(%dma_wait3A_235 : memref<128x16xf32, #tpu.memory_space<vmem>>) dst(%dma_wait3A_241 : memref<10000x16xf32, #tpu.memory_space<vmem_shared>>)
        tpu.yield
      }) : () -> ()
      %add3A_193 = arith.constant 6 : i32
      %add3A_194 = arith.addi %add3A_180, %add3A_193 : i32
      %lt3A_195 = arith.constant 78 : i32
      %lt3A_196 = arith.cmpi slt, %add3A_194, %lt3A_195 : i32
      %convert_element_type3A_197 = arith.extui %lt3A_196 : i1 to i32
      %cond3A_198 = arith.constant 0 : i32
      %cond3A_199 = arith.cmpi ne, %convert_element_type3A_197, %cond3A_198 : i32
      scf.if %cond3A_199 {
        %add3A_221 = arith.constant 6 : i32
        %add3A_222 = arith.addi %add3A_180, %add3A_221 : i32
        %dma_start3A_223 = arith.constant 4 : i32
        %dma_start3A_224 = arith.constant 0 : i32
        %dma_start3A_225 = arith.constant 0 : i32
        %dma_start3A_226 = tpu.memref_slice %arg9[%dma_start3A_223, %dma_start3A_224, %dma_start3A_225] : memref<6x128x16xf32, #tpu.memory_space<vmem>> -> memref<1x128x16xf32, #tpu.memory_space<vmem>>
        %dma_start3A_227 = tpu.memref_squeeze %dma_start3A_226 : memref<1x128x16xf32, #tpu.memory_space<vmem>> -> memref<128x16xf32, #tpu.memory_space<vmem>>
        %dma_start3A_228 = arith.constant 0 : i32
        %dma_start3A_229 = tpu.memref_slice %arg7[%add3A_222, %dma_start3A_228] : memref<79x128xi32, #tpu.memory_space<vmem>> -> memref<1x128xi32, #tpu.memory_space<vmem>>
        %dma_start3A_230 = tpu.memref_squeeze %dma_start3A_229 : memref<1x128xi32, #tpu.memory_space<vmem>> -> memref<128xi32, #tpu.memory_space<vmem>>
        %dma_start3A_231 = arith.constant 0 : i32
        %dma_start3A_232 = arith.constant 0 : i32
        %dma_start3A_233 = tpu.memref_slice %arg11[%dma_start3A_231, %dma_start3A_232] : memref<10000x16xf32, #tpu.memory_space<vmem_shared>> -> memref<10000x16xf32, #tpu.memory_space<vmem_shared>>
        tpu.enqueue_indirect_dma source(%dma_start3A_233 : memref<10000x16xf32, #tpu.memory_space<vmem_shared>>) target(%dma_start3A_227 : memref<128x16xf32, #tpu.memory_space<vmem>>) offsets(%dma_start3A_230 : memref<128xi32, #tpu.memory_space<vmem>>) semaphore(%arg16 : memref<!tpu.dma_semaphore, #tpu.memory_space<semaphore_mem>>)
      } else {
      }
      %add3A_200 = arith.constant 5 : i32
      %add3A_201 = arith.addi %add3A_96, %add3A_200 : i32
      %dma_wait3A_202 = arith.constant 5 : i32
      %dma_wait3A_203 = arith.constant 0 : i32
      %dma_wait3A_204 = arith.constant 0 : i32
      %dma_wait3A_205 = tpu.memref_slice %arg9[%dma_wait3A_202, %dma_wait3A_203, %dma_wait3A_204] : memref<6x128x16xf32, #tpu.memory_space<vmem>> -> memref<1x128x16xf32, #tpu.memory_space<vmem>>
      %dma_wait3A_206 = tpu.memref_squeeze %dma_wait3A_205 : memref<1x128x16xf32, #tpu.memory_space<vmem>> -> memref<128x16xf32, #tpu.memory_space<vmem>>
      %dma_wait3A_207 = arith.constant 0 : i32
      %dma_wait3A_208 = tpu.memref_slice %arg7[%add3A_201, %dma_wait3A_207] : memref<79x128xi32, #tpu.memory_space<vmem>> -> memref<1x128xi32, #tpu.memory_space<vmem>>
      %dma_wait3A_209 = tpu.memref_squeeze %dma_wait3A_208 : memref<1x128xi32, #tpu.memory_space<vmem>> -> memref<128xi32, #tpu.memory_space<vmem>>
      %dma_wait3A_210 = arith.constant 0 : i32
      %dma_wait3A_211 = arith.constant 0 : i32
      %dma_wait3A_212 = tpu.memref_slice %arg11[%dma_wait3A_210, %dma_wait3A_211] : memref<10000x16xf32, #tpu.memory_space<vmem_shared>> -> memref<10000x16xf32, #tpu.memory_space<vmem_shared>>
      tpu.wait_indirect_dma semaphore(%arg17 : memref<!tpu.dma_semaphore, #tpu.memory_space<semaphore_mem>>) src(%dma_wait3A_212 : memref<10000x16xf32, #tpu.memory_space<vmem_shared>>) dst(%dma_wait3A_206 : memref<128x16xf32, #tpu.memory_space<vmem>>)
      %run_scoped3A_213 = arith.constant 5 : i32
      "tpu.region"() ({
        %run_scoped3A_221 = tpu.sem_alloc : memref<!tpu.dma_semaphore, #tpu.memory_space<semaphore_mem>>
        %dma_start3A_222 = arith.constant 0 : i32
        %dma_start3A_223 = arith.constant 0 : i32
        %dma_start3A_224 = tpu.memref_slice %arg9[%run_scoped3A_213, %dma_start3A_222, %dma_start3A_223] : memref<6x128x16xf32, #tpu.memory_space<vmem>> -> memref<1x128x16xf32, #tpu.memory_space<vmem>>
        %dma_start3A_225 = tpu.memref_squeeze %dma_start3A_224 : memref<1x128x16xf32, #tpu.memory_space<vmem>> -> memref<128x16xf32, #tpu.memory_space<vmem>>
        %dma_start3A_226 = arith.constant 0 : i32
        %dma_start3A_227 = tpu.memref_slice %arg8[%add3A_201, %dma_start3A_226] : memref<79x128xi32, #tpu.memory_space<vmem>> -> memref<1x128xi32, #tpu.memory_space<vmem>>
        %dma_start3A_228 = tpu.memref_squeeze %dma_start3A_227 : memref<1x128xi32, #tpu.memory_space<vmem>> -> memref<128xi32, #tpu.memory_space<vmem>>
        %dma_start3A_229 = arith.constant 0 : i32
        %dma_start3A_230 = arith.constant 0 : i32
        %dma_start3A_231 = tpu.memref_slice %arg10[%dma_start3A_229, %dma_start3A_230] : memref<10000x16xf32, #tpu.memory_space<vmem_shared>> -> memref<10000x16xf32, #tpu.memory_space<vmem_shared>>
        tpu.enqueue_indirect_dma source(%dma_start3A_225 : memref<128x16xf32, #tpu.memory_space<vmem>>) target(%dma_start3A_231 : memref<10000x16xf32, #tpu.memory_space<vmem_shared>>) offsets(%dma_start3A_228 : memref<128xi32, #tpu.memory_space<vmem>>) semaphore(%run_scoped3A_221 : memref<!tpu.dma_semaphore, #tpu.memory_space<semaphore_mem>>) {add = true}
        %dma_wait3A_232 = arith.constant 0 : i32
        %dma_wait3A_233 = arith.constant 0 : i32
        %dma_wait3A_234 = tpu.memref_slice %arg9[%run_scoped3A_213, %dma_wait3A_232, %dma_wait3A_233] : memref<6x128x16xf32, #tpu.memory_space<vmem>> -> memref<1x128x16xf32, #tpu.memory_space<vmem>>
        %dma_wait3A_235 = tpu.memref_squeeze %dma_wait3A_234 : memref<1x128x16xf32, #tpu.memory_space<vmem>> -> memref<128x16xf32, #tpu.memory_space<vmem>>
        %dma_wait3A_236 = arith.constant 0 : i32
        %dma_wait3A_237 = tpu.memref_slice %arg8[%add3A_201, %dma_wait3A_236] : memref<79x128xi32, #tpu.memory_space<vmem>> -> memref<1x128xi32, #tpu.memory_space<vmem>>
        %dma_wait3A_238 = tpu.memref_squeeze %dma_wait3A_237 : memref<1x128xi32, #tpu.memory_space<vmem>> -> memref<128xi32, #tpu.memory_space<vmem>>
        %dma_wait3A_239 = arith.constant 0 : i32
        %dma_wait3A_240 = arith.constant 0 : i32
        %dma_wait3A_241 = tpu.memref_slice %arg10[%dma_wait3A_239, %dma_wait3A_240] : memref<10000x16xf32, #tpu.memory_space<vmem_shared>> -> memref<10000x16xf32, #tpu.memory_space<vmem_shared>>
        tpu.wait_indirect_dma semaphore(%run_scoped3A_221 : memref<!tpu.dma_semaphore, #tpu.memory_space<semaphore_mem>>) src(%dma_wait3A_235 : memref<128x16xf32, #tpu.memory_space<vmem>>) dst(%dma_wait3A_241 : memref<10000x16xf32, #tpu.memory_space<vmem_shared>>)
        tpu.yield
      }) : () -> ()
      %add3A_214 = arith.constant 6 : i32
      %add3A_215 = arith.addi %add3A_201, %add3A_214 : i32
      %lt3A_216 = arith.constant 78 : i32
      %lt3A_217 = arith.cmpi slt, %add3A_215, %lt3A_216 : i32
      %convert_element_type3A_218 = arith.extui %lt3A_217 : i1 to i32
      %cond3A_219 = arith.constant 0 : i32
      %cond3A_220 = arith.cmpi ne, %convert_element_type3A_218, %cond3A_219 : i32
      scf.if %cond3A_220 {
        %add3A_221 = arith.constant 6 : i32
        %add3A_222 = arith.addi %add3A_201, %add3A_221 : i32
        %dma_start3A_223 = arith.constant 5 : i32
        %dma_start3A_224 = arith.constant 0 : i32
        %dma_start3A_225 = arith.constant 0 : i32
        %dma_start3A_226 = tpu.memref_slice %arg9[%dma_start3A_223, %dma_start3A_224, %dma_start3A_225] : memref<6x128x16xf32, #tpu.memory_space<vmem>> -> memref<1x128x16xf32, #tpu.memory_space<vmem>>
        %dma_start3A_227 = tpu.memref_squeeze %dma_start3A_226 : memref<1x128x16xf32, #tpu.memory_space<vmem>> -> memref<128x16xf32, #tpu.memory_space<vmem>>
        %dma_start3A_228 = arith.constant 0 : i32
        %dma_start3A_229 = tpu.memref_slice %arg7[%add3A_222, %dma_start3A_228] : memref<79x128xi32, #tpu.memory_space<vmem>> -> memref<1x128xi32, #tpu.memory_space<vmem>>
        %dma_start3A_230 = tpu.memref_squeeze %dma_start3A_229 : memref<1x128xi32, #tpu.memory_space<vmem>> -> memref<128xi32, #tpu.memory_space<vmem>>
        %dma_start3A_231 = arith.constant 0 : i32
        %dma_start3A_232 = arith.constant 0 : i32
        %dma_start3A_233 = tpu.memref_slice %arg11[%dma_start3A_231, %dma_start3A_232] : memref<10000x16xf32, #tpu.memory_space<vmem_shared>> -> memref<10000x16xf32, #tpu.memory_space<vmem_shared>>
        tpu.enqueue_indirect_dma source(%dma_start3A_233 : memref<10000x16xf32, #tpu.memory_space<vmem_shared>>) target(%dma_start3A_227 : memref<128x16xf32, #tpu.memory_space<vmem>>) offsets(%dma_start3A_230 : memref<128xi32, #tpu.memory_space<vmem>>) semaphore(%arg17 : memref<!tpu.dma_semaphore, #tpu.memory_space<semaphore_mem>>)
      } else {
      }
    }
    %scan3A_83 = arith.constant 13 : i32
    %lt3A_84 = arith.constant 4 : i32
    %lt3A_85 = arith.cmpi slt, %add3A, %lt3A_84 : i32
    %convert_element_type3A_86 = arith.extui %lt3A_85 : i1 to i32
    %cond3A_87 = arith.constant 0 : i32
    %cond3A_88 = arith.cmpi ne, %convert_element_type3A_86, %cond3A_87 : i32
    scf.if %cond3A_88 {
      %dma_start3A_92 = arith.constant 78 : i32
      %dma_start3A_93 = arith.constant 0 : i32
      %dma_start3A_94 = arith.constant 0 : i32
      %dma_start3A_95 = arith.constant 0 : i32
      %dma_start3A_96 = tpu.memref_slice %arg9[%dma_start3A_93, %dma_start3A_94, %dma_start3A_95] : memref<6x128x16xf32, #tpu.memory_space<vmem>> -> memref<1x128x16xf32, #tpu.memory_space<vmem>>
      %dma_start3A_97 = tpu.memref_squeeze %dma_start3A_96 : memref<1x128x16xf32, #tpu.memory_space<vmem>> -> memref<128x16xf32, #tpu.memory_space<vmem>>
      %dma_start3A_98 = arith.constant 0 : i32
      %dma_start3A_99 = tpu.memref_slice %arg7[%dma_start3A_92, %dma_start3A_98] : memref<79x128xi32, #tpu.memory_space<vmem>> -> memref<1x128xi32, #tpu.memory_space<vmem>>
      %dma_start3A_100 = tpu.memref_squeeze %dma_start3A_99 : memref<1x128xi32, #tpu.memory_space<vmem>> -> memref<128xi32, #tpu.memory_space<vmem>>
      %dma_start3A_101 = arith.constant 0 : i32
      %dma_start3A_102 = arith.constant 0 : i32
      %dma_start3A_103 = tpu.memref_slice %arg11[%dma_start3A_101, %dma_start3A_102] : memref<10000x16xf32, #tpu.memory_space<vmem_shared>> -> memref<10000x16xf32, #tpu.memory_space<vmem_shared>>
      tpu.enqueue_indirect_dma source(%dma_start3A_103 : memref<10000x16xf32, #tpu.memory_space<vmem_shared>>) target(%dma_start3A_97 : memref<128x16xf32, #tpu.memory_space<vmem>>) offsets(%dma_start3A_100 : memref<128xi32, #tpu.memory_space<vmem>>) semaphore(%arg12 : memref<!tpu.dma_semaphore, #tpu.memory_space<semaphore_mem>>)
      %dma_wait3A = arith.constant 78 : i32
      %dma_wait3A_104 = arith.constant 0 : i32
      %dma_wait3A_105 = arith.constant 0 : i32
      %dma_wait3A_106 = arith.constant 0 : i32
      %dma_wait3A_107 = tpu.memref_slice %arg9[%dma_wait3A_104, %dma_wait3A_105, %dma_wait3A_106] : memref<6x128x16xf32, #tpu.memory_space<vmem>> -> memref<1x128x16xf32, #tpu.memory_space<vmem>>
      %dma_wait3A_108 = tpu.memref_squeeze %dma_wait3A_107 : memref<1x128x16xf32, #tpu.memory_space<vmem>> -> memref<128x16xf32, #tpu.memory_space<vmem>>
      %dma_wait3A_109 = arith.constant 0 : i32
      %dma_wait3A_110 = tpu.memref_slice %arg7[%dma_wait3A, %dma_wait3A_109] : memref<79x128xi32, #tpu.memory_space<vmem>> -> memref<1x128xi32, #tpu.memory_space<vmem>>
      %dma_wait3A_111 = tpu.memref_squeeze %dma_wait3A_110 : memref<1x128xi32, #tpu.memory_space<vmem>> -> memref<128xi32, #tpu.memory_space<vmem>>
      %dma_wait3A_112 = arith.constant 0 : i32
      %dma_wait3A_113 = arith.constant 0 : i32
      %dma_wait3A_114 = tpu.memref_slice %arg11[%dma_wait3A_112, %dma_wait3A_113] : memref<10000x16xf32, #tpu.memory_space<vmem_shared>> -> memref<10000x16xf32, #tpu.memory_space<vmem_shared>>
      tpu.wait_indirect_dma semaphore(%arg12 : memref<!tpu.dma_semaphore, #tpu.memory_space<semaphore_mem>>) src(%dma_wait3A_114 : memref<10000x16xf32, #tpu.memory_space<vmem_shared>>) dst(%dma_wait3A_108 : memref<128x16xf32, #tpu.memory_space<vmem>>)
      %run_scoped3A = arith.constant 0 : i32
      %run_scoped3A_115 = arith.constant 78 : i32
      "tpu.region"() ({
        %run_scoped3A_116 = tpu.sem_alloc : memref<!tpu.dma_semaphore, #tpu.memory_space<semaphore_mem>>
        %dma_start3A_117 = arith.constant 0 : i32
        %dma_start3A_118 = arith.constant 0 : i32
        %dma_start3A_119 = tpu.memref_slice %arg9[%run_scoped3A, %dma_start3A_117, %dma_start3A_118] : memref<6x128x16xf32, #tpu.memory_space<vmem>> -> memref<1x128x16xf32, #tpu.memory_space<vmem>>
        %dma_start3A_120 = tpu.memref_squeeze %dma_start3A_119 : memref<1x128x16xf32, #tpu.memory_space<vmem>> -> memref<128x16xf32, #tpu.memory_space<vmem>>
        %dma_start3A_121 = arith.constant 0 : i32
        %dma_start3A_122 = tpu.memref_slice %arg8[%run_scoped3A_115, %dma_start3A_121] : memref<79x128xi32, #tpu.memory_space<vmem>> -> memref<1x128xi32, #tpu.memory_space<vmem>>
        %dma_start3A_123 = tpu.memref_squeeze %dma_start3A_122 : memref<1x128xi32, #tpu.memory_space<vmem>> -> memref<128xi32, #tpu.memory_space<vmem>>
        %dma_start3A_124 = arith.constant 0 : i32
        %dma_start3A_125 = arith.constant 0 : i32
        %dma_start3A_126 = tpu.memref_slice %arg10[%dma_start3A_124, %dma_start3A_125] : memref<10000x16xf32, #tpu.memory_space<vmem_shared>> -> memref<10000x16xf32, #tpu.memory_space<vmem_shared>>
        tpu.enqueue_indirect_dma source(%dma_start3A_120 : memref<128x16xf32, #tpu.memory_space<vmem>>) target(%dma_start3A_126 : memref<10000x16xf32, #tpu.memory_space<vmem_shared>>) offsets(%dma_start3A_123 : memref<128xi32, #tpu.memory_space<vmem>>) semaphore(%run_scoped3A_116 : memref<!tpu.dma_semaphore, #tpu.memory_space<semaphore_mem>>) {add = true}
        %dma_wait3A_127 = arith.constant 0 : i32
        %dma_wait3A_128 = arith.constant 0 : i32
        %dma_wait3A_129 = tpu.memref_slice %arg9[%run_scoped3A, %dma_wait3A_127, %dma_wait3A_128] : memref<6x128x16xf32, #tpu.memory_space<vmem>> -> memref<1x128x16xf32, #tpu.memory_space<vmem>>
        %dma_wait3A_130 = tpu.memref_squeeze %dma_wait3A_129 : memref<1x128x16xf32, #tpu.memory_space<vmem>> -> memref<128x16xf32, #tpu.memory_space<vmem>>
        %dma_wait3A_131 = arith.constant 0 : i32
        %dma_wait3A_132 = tpu.memref_slice %arg8[%run_scoped3A_115, %dma_wait3A_131] : memref<79x128xi32, #tpu.memory_space<vmem>> -> memref<1x128xi32, #tpu.memory_space<vmem>>
        %dma_wait3A_133 = tpu.memref_squeeze %dma_wait3A_132 : memref<1x128xi32, #tpu.memory_space<vmem>> -> memref<128xi32, #tpu.memory_space<vmem>>
        %dma_wait3A_134 = arith.constant 0 : i32
        %dma_wait3A_135 = arith.constant 0 : i32
        %dma_wait3A_136 = tpu.memref_slice %arg10[%dma_wait3A_134, %dma_wait3A_135] : memref<10000x16xf32, #tpu.memory_space<vmem_shared>> -> memref<10000x16xf32, #tpu.memory_space<vmem_shared>>
        tpu.wait_indirect_dma semaphore(%run_scoped3A_116 : memref<!tpu.dma_semaphore, #tpu.memory_space<semaphore_mem>>) src(%dma_wait3A_130 : memref<128x16xf32, #tpu.memory_space<vmem>>) dst(%dma_wait3A_136 : memref<10000x16xf32, #tpu.memory_space<vmem_shared>>)
        tpu.yield
      }) : () -> ()
    } else {
    }
    %barrier3A_89 = arith.constant 0 : index
    tpu.barrier barrier_id(%barrier3A_89)
    %mul3A_90 = arith.constant 16 : i32
    %mul3A_91 = arith.muli %arg0, %mul3A_90 : i32
    "tpu.region"() ({
      %run_scoped3A = tpu.sem_alloc : memref<!tpu.dma_semaphore, #tpu.memory_space<semaphore_mem>>
      %dma_start3A_92 = tpu.memref_slice %arg6[%mul3A_2, %mul3A_91] : memref<10000x128xf32, #tpu.memory_space<hbm>> -> memref<625x16xf32, #tpu.memory_space<hbm>>
      %dma_start3A_93 = arith.constant 0 : i32
      %dma_start3A_94 = tpu.memref_slice %arg10[%mul3A_2, %dma_start3A_93] : memref<10000x16xf32, #tpu.memory_space<vmem_shared>> -> memref<625x16xf32, #tpu.memory_space<vmem_shared>>
      tpu.enqueue_dma source(%dma_start3A_94 : memref<625x16xf32, #tpu.memory_space<vmem_shared>>) target(%dma_start3A_92 : memref<625x16xf32, #tpu.memory_space<hbm>>) target_semaphore(%run_scoped3A : memref<!tpu.dma_semaphore, #tpu.memory_space<semaphore_mem>>)
      %dma_wait3A = tpu.memref_slice %arg6[%mul3A_2, %mul3A_91] : memref<10000x128xf32, #tpu.memory_space<hbm>> -> memref<625x16xf32, #tpu.memory_space<hbm>>
      %dma_wait3A_95 = arith.constant 0 : i32
      %dma_wait3A_96 = tpu.memref_slice %arg10[%mul3A_2, %dma_wait3A_95] : memref<10000x16xf32, #tpu.memory_space<vmem_shared>> -> memref<625x16xf32, #tpu.memory_space<vmem_shared>>
      tpu.wait_dma2 semaphore(%run_scoped3A : memref<!tpu.dma_semaphore, #tpu.memory_space<semaphore_mem>>) src(%dma_wait3A_96 : memref<625x16xf32, #tpu.memory_space<vmem_shared>>) dst(%dma_wait3A : memref<625x16xf32, #tpu.memory_space<hbm>>)
      tpu.yield
    }) : () -> ()
    return
  }
}

#map = affine_map<(d0, d1) -> (0, 0)>
module attributes {stable_mosaic.version = 14 : i64} {
  func.func @agg(%arg0: i32, %arg1: i32, %arg2: memref<2500x128xi32, #tpu.memory_space<hbm>>, %arg3: memref<2500x128xi32, #tpu.memory_space<hbm>>, %arg4: memref<10000x128xf32, #tpu.memory_space<hbm>>, %arg5: memref<625x64xf32, #tpu.memory_space<hbm>>, %arg6: memref<10000x128xf32, #tpu.memory_space<hbm>>, %arg7: memref<79x128xi32, #tpu.memory_space<vmem>>, %arg8: memref<79x128xi32, #tpu.memory_space<vmem>>, %arg9: memref<3x128x64xf32, #tpu.memory_space<vmem>>, %arg10: memref<10000x64xf32, #tpu.memory_space<vmem_shared>>, %arg11: memref<10000x64xf32, #tpu.memory_space<vmem_shared>>, %arg12: memref<!tpu.dma_semaphore, #tpu.memory_space<semaphore_mem>>, %arg13: memref<!tpu.dma_semaphore, #tpu.memory_space<semaphore_mem>>, %arg14: memref<!tpu.dma_semaphore, #tpu.memory_space<semaphore_mem>>) attributes {dimension_semantics = [#tpu.dimension_semantics<core_parallel>, #tpu.dimension_semantics<subcore_parallel>], iteration_bounds = array<i64: 2, 16>, scalar_prefetch = 0 : i64, scratch_operands = 8 : i64, tpu.core_type = #tpu.core_type<sc_vector_subcore>, window_params = [{transform_indices = #map}, {transform_indices = #map}, {transform_indices = #map}, {transform_indices = #map}, {transform_indices = #map}]} {
    %mul3A = arith.constant 16 : i32
    %mul3A_0 = arith.muli %arg0, %mul3A : i32
    %add3A = arith.addi %mul3A_0, %arg1 : i32
    %mul3A_1 = arith.constant 625 : i32
    %mul3A_2 = arith.muli %arg1, %mul3A_1 : i32
    %mul3A_3 = arith.constant 78 : i32
    %mul3A_4 = arith.muli %add3A, %mul3A_3 : i32
    "tpu.region"() ({
      %run_scoped3A = tpu.sem_alloc : memref<!tpu.dma_semaphore, #tpu.memory_space<semaphore_mem>>
      %dma_start3A_56 = arith.constant 0 : i32
      %dma_start3A_57 = arith.constant 0 : i32
      %dma_start3A_58 = tpu.memref_slice %arg7[%dma_start3A_56, %dma_start3A_57] : memref<79x128xi32, #tpu.memory_space<vmem>> -> memref<78x128xi32, #tpu.memory_space<vmem>>
      %dma_start3A_59 = arith.constant 0 : i32
      %dma_start3A_60 = tpu.memref_slice %arg2[%mul3A_4, %dma_start3A_59] : memref<2500x128xi32, #tpu.memory_space<hbm>> -> memref<78x128xi32, #tpu.memory_space<hbm>>
      %dma_start3A_61 = arith.constant 0 : i32
      %dma_start3A_62 = arith.constant 0 : i32
      %dma_start3A_63 = tpu.memref_slice %arg7[%dma_start3A_61, %dma_start3A_62] : memref<79x128xi32, #tpu.memory_space<vmem>> -> memref<78x128xi32, #tpu.memory_space<vmem>>
      %dma_start3A_64 = arith.constant 0 : i32
      %dma_start3A_65 = tpu.memref_slice %arg2[%mul3A_4, %dma_start3A_64] : memref<2500x128xi32, #tpu.memory_space<hbm>> -> memref<78x128xi32, #tpu.memory_space<hbm>>
      tpu.enqueue_dma source(%dma_start3A_65 : memref<78x128xi32, #tpu.memory_space<hbm>>) target(%dma_start3A_63 : memref<78x128xi32, #tpu.memory_space<vmem>>) target_semaphore(%run_scoped3A : memref<!tpu.dma_semaphore, #tpu.memory_space<semaphore_mem>>)
      %dma_wait3A = arith.constant 0 : i32
      %dma_wait3A_66 = arith.constant 0 : i32
      %dma_wait3A_67 = tpu.memref_slice %arg7[%dma_wait3A, %dma_wait3A_66] : memref<79x128xi32, #tpu.memory_space<vmem>> -> memref<78x128xi32, #tpu.memory_space<vmem>>
      %dma_wait3A_68 = arith.constant 0 : i32
      %dma_wait3A_69 = tpu.memref_slice %arg2[%mul3A_4, %dma_wait3A_68] : memref<2500x128xi32, #tpu.memory_space<hbm>> -> memref<78x128xi32, #tpu.memory_space<hbm>>
      %dma_wait3A_70 = arith.constant 0 : i32
      %dma_wait3A_71 = arith.constant 0 : i32
      %dma_wait3A_72 = tpu.memref_slice %arg7[%dma_wait3A_70, %dma_wait3A_71] : memref<79x128xi32, #tpu.memory_space<vmem>> -> memref<78x128xi32, #tpu.memory_space<vmem>>
      %dma_wait3A_73 = arith.constant 0 : i32
      %dma_wait3A_74 = tpu.memref_slice %arg2[%mul3A_4, %dma_wait3A_73] : memref<2500x128xi32, #tpu.memory_space<hbm>> -> memref<78x128xi32, #tpu.memory_space<hbm>>
      tpu.wait_dma2 semaphore(%run_scoped3A : memref<!tpu.dma_semaphore, #tpu.memory_space<semaphore_mem>>) src(%dma_wait3A_74 : memref<78x128xi32, #tpu.memory_space<hbm>>) dst(%dma_wait3A_72 : memref<78x128xi32, #tpu.memory_space<vmem>>)
      tpu.yield
    }) : () -> ()
    %mul3A_5 = arith.constant 78 : i32
    %mul3A_6 = arith.muli %add3A, %mul3A_5 : i32
    "tpu.region"() ({
      %run_scoped3A = tpu.sem_alloc : memref<!tpu.dma_semaphore, #tpu.memory_space<semaphore_mem>>
      %dma_start3A_56 = arith.constant 0 : i32
      %dma_start3A_57 = arith.constant 0 : i32
      %dma_start3A_58 = tpu.memref_slice %arg8[%dma_start3A_56, %dma_start3A_57] : memref<79x128xi32, #tpu.memory_space<vmem>> -> memref<78x128xi32, #tpu.memory_space<vmem>>
      %dma_start3A_59 = arith.constant 0 : i32
      %dma_start3A_60 = tpu.memref_slice %arg3[%mul3A_6, %dma_start3A_59] : memref<2500x128xi32, #tpu.memory_space<hbm>> -> memref<78x128xi32, #tpu.memory_space<hbm>>
      %dma_start3A_61 = arith.constant 0 : i32
      %dma_start3A_62 = arith.constant 0 : i32
      %dma_start3A_63 = tpu.memref_slice %arg8[%dma_start3A_61, %dma_start3A_62] : memref<79x128xi32, #tpu.memory_space<vmem>> -> memref<78x128xi32, #tpu.memory_space<vmem>>
      %dma_start3A_64 = arith.constant 0 : i32
      %dma_start3A_65 = tpu.memref_slice %arg3[%mul3A_6, %dma_start3A_64] : memref<2500x128xi32, #tpu.memory_space<hbm>> -> memref<78x128xi32, #tpu.memory_space<hbm>>
      tpu.enqueue_dma source(%dma_start3A_65 : memref<78x128xi32, #tpu.memory_space<hbm>>) target(%dma_start3A_63 : memref<78x128xi32, #tpu.memory_space<vmem>>) target_semaphore(%run_scoped3A : memref<!tpu.dma_semaphore, #tpu.memory_space<semaphore_mem>>)
      %dma_wait3A = arith.constant 0 : i32
      %dma_wait3A_66 = arith.constant 0 : i32
      %dma_wait3A_67 = tpu.memref_slice %arg8[%dma_wait3A, %dma_wait3A_66] : memref<79x128xi32, #tpu.memory_space<vmem>> -> memref<78x128xi32, #tpu.memory_space<vmem>>
      %dma_wait3A_68 = arith.constant 0 : i32
      %dma_wait3A_69 = tpu.memref_slice %arg3[%mul3A_6, %dma_wait3A_68] : memref<2500x128xi32, #tpu.memory_space<hbm>> -> memref<78x128xi32, #tpu.memory_space<hbm>>
      %dma_wait3A_70 = arith.constant 0 : i32
      %dma_wait3A_71 = arith.constant 0 : i32
      %dma_wait3A_72 = tpu.memref_slice %arg8[%dma_wait3A_70, %dma_wait3A_71] : memref<79x128xi32, #tpu.memory_space<vmem>> -> memref<78x128xi32, #tpu.memory_space<vmem>>
      %dma_wait3A_73 = arith.constant 0 : i32
      %dma_wait3A_74 = tpu.memref_slice %arg3[%mul3A_6, %dma_wait3A_73] : memref<2500x128xi32, #tpu.memory_space<hbm>> -> memref<78x128xi32, #tpu.memory_space<hbm>>
      tpu.wait_dma2 semaphore(%run_scoped3A : memref<!tpu.dma_semaphore, #tpu.memory_space<semaphore_mem>>) src(%dma_wait3A_74 : memref<78x128xi32, #tpu.memory_space<hbm>>) dst(%dma_wait3A_72 : memref<78x128xi32, #tpu.memory_space<vmem>>)
      tpu.yield
    }) : () -> ()
    %lt3A = arith.constant 4 : i32
    %lt3A_7 = arith.cmpi slt, %add3A, %lt3A : i32
    %convert_element_type3A = arith.extui %lt3A_7 : i1 to i32
    %cond3A = arith.constant 0 : i32
    %cond3A_8 = arith.cmpi ne, %convert_element_type3A, %cond3A : i32
    scf.if %cond3A_8 {
      %add3A_56 = arith.constant 2496 : i32
      %add3A_57 = arith.addi %add3A_56, %add3A : i32
      "tpu.region"() ({
        %run_scoped3A = tpu.sem_alloc : memref<!tpu.dma_semaphore, #tpu.memory_space<semaphore_mem>>
        %dma_start3A_60 = arith.constant 78 : i32
        %dma_start3A_61 = arith.constant 0 : i32
        %dma_start3A_62 = tpu.memref_slice %arg7[%dma_start3A_60, %dma_start3A_61] : memref<79x128xi32, #tpu.memory_space<vmem>> -> memref<1x128xi32, #tpu.memory_space<vmem>>
        %dma_start3A_63 = arith.constant 0 : i32
        %dma_start3A_64 = tpu.memref_slice %arg2[%add3A_57, %dma_start3A_63] : memref<2500x128xi32, #tpu.memory_space<hbm>> -> memref<1x128xi32, #tpu.memory_space<hbm>>
        %dma_start3A_65 = arith.constant 78 : i32
        %dma_start3A_66 = arith.constant 0 : i32
        %dma_start3A_67 = tpu.memref_slice %arg7[%dma_start3A_65, %dma_start3A_66] : memref<79x128xi32, #tpu.memory_space<vmem>> -> memref<1x128xi32, #tpu.memory_space<vmem>>
        %dma_start3A_68 = arith.constant 0 : i32
        %dma_start3A_69 = tpu.memref_slice %arg2[%add3A_57, %dma_start3A_68] : memref<2500x128xi32, #tpu.memory_space<hbm>> -> memref<1x128xi32, #tpu.memory_space<hbm>>
        tpu.enqueue_dma source(%dma_start3A_69 : memref<1x128xi32, #tpu.memory_space<hbm>>) target(%dma_start3A_67 : memref<1x128xi32, #tpu.memory_space<vmem>>) target_semaphore(%run_scoped3A : memref<!tpu.dma_semaphore, #tpu.memory_space<semaphore_mem>>)
        %dma_wait3A = arith.constant 78 : i32
        %dma_wait3A_70 = arith.constant 0 : i32
        %dma_wait3A_71 = tpu.memref_slice %arg7[%dma_wait3A, %dma_wait3A_70] : memref<79x128xi32, #tpu.memory_space<vmem>> -> memref<1x128xi32, #tpu.memory_space<vmem>>
        %dma_wait3A_72 = arith.constant 0 : i32
        %dma_wait3A_73 = tpu.memref_slice %arg2[%add3A_57, %dma_wait3A_72] : memref<2500x128xi32, #tpu.memory_space<hbm>> -> memref<1x128xi32, #tpu.memory_space<hbm>>
        %dma_wait3A_74 = arith.constant 78 : i32
        %dma_wait3A_75 = arith.constant 0 : i32
        %dma_wait3A_76 = tpu.memref_slice %arg7[%dma_wait3A_74, %dma_wait3A_75] : memref<79x128xi32, #tpu.memory_space<vmem>> -> memref<1x128xi32, #tpu.memory_space<vmem>>
        %dma_wait3A_77 = arith.constant 0 : i32
        %dma_wait3A_78 = tpu.memref_slice %arg2[%add3A_57, %dma_wait3A_77] : memref<2500x128xi32, #tpu.memory_space<hbm>> -> memref<1x128xi32, #tpu.memory_space<hbm>>
        tpu.wait_dma2 semaphore(%run_scoped3A : memref<!tpu.dma_semaphore, #tpu.memory_space<semaphore_mem>>) src(%dma_wait3A_78 : memref<1x128xi32, #tpu.memory_space<hbm>>) dst(%dma_wait3A_76 : memref<1x128xi32, #tpu.memory_space<vmem>>)
        tpu.yield
      }) : () -> ()
      %add3A_58 = arith.constant 2496 : i32
      %add3A_59 = arith.addi %add3A_58, %add3A : i32
      "tpu.region"() ({
        %run_scoped3A = tpu.sem_alloc : memref<!tpu.dma_semaphore, #tpu.memory_space<semaphore_mem>>
        %dma_start3A_60 = arith.constant 78 : i32
        %dma_start3A_61 = arith.constant 0 : i32
        %dma_start3A_62 = tpu.memref_slice %arg8[%dma_start3A_60, %dma_start3A_61] : memref<79x128xi32, #tpu.memory_space<vmem>> -> memref<1x128xi32, #tpu.memory_space<vmem>>
        %dma_start3A_63 = arith.constant 0 : i32
        %dma_start3A_64 = tpu.memref_slice %arg3[%add3A_59, %dma_start3A_63] : memref<2500x128xi32, #tpu.memory_space<hbm>> -> memref<1x128xi32, #tpu.memory_space<hbm>>
        %dma_start3A_65 = arith.constant 78 : i32
        %dma_start3A_66 = arith.constant 0 : i32
        %dma_start3A_67 = tpu.memref_slice %arg8[%dma_start3A_65, %dma_start3A_66] : memref<79x128xi32, #tpu.memory_space<vmem>> -> memref<1x128xi32, #tpu.memory_space<vmem>>
        %dma_start3A_68 = arith.constant 0 : i32
        %dma_start3A_69 = tpu.memref_slice %arg3[%add3A_59, %dma_start3A_68] : memref<2500x128xi32, #tpu.memory_space<hbm>> -> memref<1x128xi32, #tpu.memory_space<hbm>>
        tpu.enqueue_dma source(%dma_start3A_69 : memref<1x128xi32, #tpu.memory_space<hbm>>) target(%dma_start3A_67 : memref<1x128xi32, #tpu.memory_space<vmem>>) target_semaphore(%run_scoped3A : memref<!tpu.dma_semaphore, #tpu.memory_space<semaphore_mem>>)
        %dma_wait3A = arith.constant 78 : i32
        %dma_wait3A_70 = arith.constant 0 : i32
        %dma_wait3A_71 = tpu.memref_slice %arg8[%dma_wait3A, %dma_wait3A_70] : memref<79x128xi32, #tpu.memory_space<vmem>> -> memref<1x128xi32, #tpu.memory_space<vmem>>
        %dma_wait3A_72 = arith.constant 0 : i32
        %dma_wait3A_73 = tpu.memref_slice %arg3[%add3A_59, %dma_wait3A_72] : memref<2500x128xi32, #tpu.memory_space<hbm>> -> memref<1x128xi32, #tpu.memory_space<hbm>>
        %dma_wait3A_74 = arith.constant 78 : i32
        %dma_wait3A_75 = arith.constant 0 : i32
        %dma_wait3A_76 = tpu.memref_slice %arg8[%dma_wait3A_74, %dma_wait3A_75] : memref<79x128xi32, #tpu.memory_space<vmem>> -> memref<1x128xi32, #tpu.memory_space<vmem>>
        %dma_wait3A_77 = arith.constant 0 : i32
        %dma_wait3A_78 = tpu.memref_slice %arg3[%add3A_59, %dma_wait3A_77] : memref<2500x128xi32, #tpu.memory_space<hbm>> -> memref<1x128xi32, #tpu.memory_space<hbm>>
        tpu.wait_dma2 semaphore(%run_scoped3A : memref<!tpu.dma_semaphore, #tpu.memory_space<semaphore_mem>>) src(%dma_wait3A_78 : memref<1x128xi32, #tpu.memory_space<hbm>>) dst(%dma_wait3A_76 : memref<1x128xi32, #tpu.memory_space<vmem>>)
        tpu.yield
      }) : () -> ()
    } else {
    }
    "tpu.region"() ({
      %run_scoped3A = tpu.sem_alloc : memref<!tpu.dma_semaphore, #tpu.memory_space<semaphore_mem>>
      %dma_start3A_56 = arith.constant 0 : i32
      %dma_start3A_57 = tpu.memref_slice %arg11[%mul3A_2, %dma_start3A_56] : memref<10000x64xf32, #tpu.memory_space<vmem_shared>> -> memref<625x64xf32, #tpu.memory_space<vmem_shared>>
      %dma_start3A_58 = arith.constant 0 : i32
      %dma_start3A_59 = tpu.memref_slice %arg4[%mul3A_2, %dma_start3A_58] : memref<10000x128xf32, #tpu.memory_space<hbm>> -> memref<625x64xf32, #tpu.memory_space<hbm>>
      tpu.enqueue_dma source(%dma_start3A_59 : memref<625x64xf32, #tpu.memory_space<hbm>>) target(%dma_start3A_57 : memref<625x64xf32, #tpu.memory_space<vmem_shared>>) target_semaphore(%run_scoped3A : memref<!tpu.dma_semaphore, #tpu.memory_space<semaphore_mem>>)
      %dma_wait3A = arith.constant 0 : i32
      %dma_wait3A_60 = tpu.memref_slice %arg11[%mul3A_2, %dma_wait3A] : memref<10000x64xf32, #tpu.memory_space<vmem_shared>> -> memref<625x64xf32, #tpu.memory_space<vmem_shared>>
      %dma_wait3A_61 = arith.constant 0 : i32
      %dma_wait3A_62 = tpu.memref_slice %arg4[%mul3A_2, %dma_wait3A_61] : memref<10000x128xf32, #tpu.memory_space<hbm>> -> memref<625x64xf32, #tpu.memory_space<hbm>>
      tpu.wait_dma2 semaphore(%run_scoped3A : memref<!tpu.dma_semaphore, #tpu.memory_space<semaphore_mem>>) src(%dma_wait3A_62 : memref<625x64xf32, #tpu.memory_space<hbm>>) dst(%dma_wait3A_60 : memref<625x64xf32, #tpu.memory_space<vmem_shared>>)
      tpu.yield
    }) : () -> ()
    "tpu.region"() ({
      %run_scoped3A = tpu.sem_alloc : memref<!tpu.dma_semaphore, #tpu.memory_space<semaphore_mem>>
      %dma_start3A_56 = arith.constant 0 : i32
      %dma_start3A_57 = tpu.memref_slice %arg10[%mul3A_2, %dma_start3A_56] : memref<10000x64xf32, #tpu.memory_space<vmem_shared>> -> memref<625x64xf32, #tpu.memory_space<vmem_shared>>
      tpu.enqueue_dma source(%arg5 : memref<625x64xf32, #tpu.memory_space<hbm>>) target(%dma_start3A_57 : memref<625x64xf32, #tpu.memory_space<vmem_shared>>) target_semaphore(%run_scoped3A : memref<!tpu.dma_semaphore, #tpu.memory_space<semaphore_mem>>)
      %dma_wait3A = arith.constant 0 : i32
      %dma_wait3A_58 = tpu.memref_slice %arg10[%mul3A_2, %dma_wait3A] : memref<10000x64xf32, #tpu.memory_space<vmem_shared>> -> memref<625x64xf32, #tpu.memory_space<vmem_shared>>
      tpu.wait_dma2 semaphore(%run_scoped3A : memref<!tpu.dma_semaphore, #tpu.memory_space<semaphore_mem>>) src(%arg5 : memref<625x64xf32, #tpu.memory_space<hbm>>) dst(%dma_wait3A_58 : memref<625x64xf32, #tpu.memory_space<vmem_shared>>)
      tpu.yield
    }) : () -> ()
    %barrier3A = arith.constant 0 : index
    tpu.barrier barrier_id(%barrier3A)
    %dma_start3A = arith.constant 0 : i32
    %dma_start3A_9 = arith.constant 0 : i32
    %dma_start3A_10 = arith.constant 0 : i32
    %dma_start3A_11 = arith.constant 0 : i32
    %dma_start3A_12 = tpu.memref_slice %arg9[%dma_start3A_9, %dma_start3A_10, %dma_start3A_11] : memref<3x128x64xf32, #tpu.memory_space<vmem>> -> memref<1x128x64xf32, #tpu.memory_space<vmem>>
    %dma_start3A_13 = tpu.memref_squeeze %dma_start3A_12 : memref<1x128x64xf32, #tpu.memory_space<vmem>> -> memref<128x64xf32, #tpu.memory_space<vmem>>
    %dma_start3A_14 = arith.constant 0 : i32
    %dma_start3A_15 = tpu.memref_slice %arg7[%dma_start3A, %dma_start3A_14] : memref<79x128xi32, #tpu.memory_space<vmem>> -> memref<1x128xi32, #tpu.memory_space<vmem>>
    %dma_start3A_16 = tpu.memref_squeeze %dma_start3A_15 : memref<1x128xi32, #tpu.memory_space<vmem>> -> memref<128xi32, #tpu.memory_space<vmem>>
    %dma_start3A_17 = arith.constant 0 : i32
    %dma_start3A_18 = arith.constant 0 : i32
    %dma_start3A_19 = tpu.memref_slice %arg11[%dma_start3A_17, %dma_start3A_18] : memref<10000x64xf32, #tpu.memory_space<vmem_shared>> -> memref<10000x64xf32, #tpu.memory_space<vmem_shared>>
    tpu.enqueue_indirect_dma source(%dma_start3A_19 : memref<10000x64xf32, #tpu.memory_space<vmem_shared>>) target(%dma_start3A_13 : memref<128x64xf32, #tpu.memory_space<vmem>>) offsets(%dma_start3A_16 : memref<128xi32, #tpu.memory_space<vmem>>) semaphore(%arg12 : memref<!tpu.dma_semaphore, #tpu.memory_space<semaphore_mem>>)
    %dma_start3A_20 = arith.constant 1 : i32
    %dma_start3A_21 = arith.constant 1 : i32
    %dma_start3A_22 = arith.constant 0 : i32
    %dma_start3A_23 = arith.constant 0 : i32
    %dma_start3A_24 = tpu.memref_slice %arg9[%dma_start3A_21, %dma_start3A_22, %dma_start3A_23] : memref<3x128x64xf32, #tpu.memory_space<vmem>> -> memref<1x128x64xf32, #tpu.memory_space<vmem>>
    %dma_start3A_25 = tpu.memref_squeeze %dma_start3A_24 : memref<1x128x64xf32, #tpu.memory_space<vmem>> -> memref<128x64xf32, #tpu.memory_space<vmem>>
    %dma_start3A_26 = arith.constant 0 : i32
    %dma_start3A_27 = tpu.memref_slice %arg7[%dma_start3A_20, %dma_start3A_26] : memref<79x128xi32, #tpu.memory_space<vmem>> -> memref<1x128xi32, #tpu.memory_space<vmem>>
    %dma_start3A_28 = tpu.memref_squeeze %dma_start3A_27 : memref<1x128xi32, #tpu.memory_space<vmem>> -> memref<128xi32, #tpu.memory_space<vmem>>
    %dma_start3A_29 = arith.constant 0 : i32
    %dma_start3A_30 = arith.constant 0 : i32
    %dma_start3A_31 = tpu.memref_slice %arg11[%dma_start3A_29, %dma_start3A_30] : memref<10000x64xf32, #tpu.memory_space<vmem_shared>> -> memref<10000x64xf32, #tpu.memory_space<vmem_shared>>
    tpu.enqueue_indirect_dma source(%dma_start3A_31 : memref<10000x64xf32, #tpu.memory_space<vmem_shared>>) target(%dma_start3A_25 : memref<128x64xf32, #tpu.memory_space<vmem>>) offsets(%dma_start3A_28 : memref<128xi32, #tpu.memory_space<vmem>>) semaphore(%arg13 : memref<!tpu.dma_semaphore, #tpu.memory_space<semaphore_mem>>)
    %dma_start3A_32 = arith.constant 2 : i32
    %dma_start3A_33 = arith.constant 2 : i32
    %dma_start3A_34 = arith.constant 0 : i32
    %dma_start3A_35 = arith.constant 0 : i32
    %dma_start3A_36 = tpu.memref_slice %arg9[%dma_start3A_33, %dma_start3A_34, %dma_start3A_35] : memref<3x128x64xf32, #tpu.memory_space<vmem>> -> memref<1x128x64xf32, #tpu.memory_space<vmem>>
    %dma_start3A_37 = tpu.memref_squeeze %dma_start3A_36 : memref<1x128x64xf32, #tpu.memory_space<vmem>> -> memref<128x64xf32, #tpu.memory_space<vmem>>
    %dma_start3A_38 = arith.constant 0 : i32
    %dma_start3A_39 = tpu.memref_slice %arg7[%dma_start3A_32, %dma_start3A_38] : memref<79x128xi32, #tpu.memory_space<vmem>> -> memref<1x128xi32, #tpu.memory_space<vmem>>
    %dma_start3A_40 = tpu.memref_squeeze %dma_start3A_39 : memref<1x128xi32, #tpu.memory_space<vmem>> -> memref<128xi32, #tpu.memory_space<vmem>>
    %dma_start3A_41 = arith.constant 0 : i32
    %dma_start3A_42 = arith.constant 0 : i32
    %dma_start3A_43 = tpu.memref_slice %arg11[%dma_start3A_41, %dma_start3A_42] : memref<10000x64xf32, #tpu.memory_space<vmem_shared>> -> memref<10000x64xf32, #tpu.memory_space<vmem_shared>>
    tpu.enqueue_indirect_dma source(%dma_start3A_43 : memref<10000x64xf32, #tpu.memory_space<vmem_shared>>) target(%dma_start3A_37 : memref<128x64xf32, #tpu.memory_space<vmem>>) offsets(%dma_start3A_40 : memref<128xi32, #tpu.memory_space<vmem>>) semaphore(%arg14 : memref<!tpu.dma_semaphore, #tpu.memory_space<semaphore_mem>>)
    %scan3A = arith.constant 0 : i32
    %scan3A_44 = arith.constant 26 : i32
    %scan3A_45 = arith.addi %scan3A, %scan3A_44 : i32
    %scan3A_46 = arith.constant 1 : i32
    scf.for %scan3A_56 = %scan3A to %scan3A_45 step %scan3A_46  : i32 {
      %mul3A_57 = arith.constant 3 : i32
      %mul3A_58 = arith.muli %scan3A_56, %mul3A_57 : i32
      %add3A_59 = arith.constant 0 : i32
      %add3A_60 = arith.addi %add3A_59, %mul3A_58 : i32
      %add3A_61 = arith.constant 0 : i32
      %add3A_62 = arith.addi %add3A_60, %add3A_61 : i32
      %dma_wait3A = arith.constant 0 : i32
      %dma_wait3A_63 = arith.constant 0 : i32
      %dma_wait3A_64 = arith.constant 0 : i32
      %dma_wait3A_65 = tpu.memref_slice %arg9[%dma_wait3A, %dma_wait3A_63, %dma_wait3A_64] : memref<3x128x64xf32, #tpu.memory_space<vmem>> -> memref<1x128x64xf32, #tpu.memory_space<vmem>>
      %dma_wait3A_66 = tpu.memref_squeeze %dma_wait3A_65 : memref<1x128x64xf32, #tpu.memory_space<vmem>> -> memref<128x64xf32, #tpu.memory_space<vmem>>
      %dma_wait3A_67 = arith.constant 0 : i32
      %dma_wait3A_68 = tpu.memref_slice %arg7[%add3A_62, %dma_wait3A_67] : memref<79x128xi32, #tpu.memory_space<vmem>> -> memref<1x128xi32, #tpu.memory_space<vmem>>
      %dma_wait3A_69 = tpu.memref_squeeze %dma_wait3A_68 : memref<1x128xi32, #tpu.memory_space<vmem>> -> memref<128xi32, #tpu.memory_space<vmem>>
      %dma_wait3A_70 = arith.constant 0 : i32
      %dma_wait3A_71 = arith.constant 0 : i32
      %dma_wait3A_72 = tpu.memref_slice %arg11[%dma_wait3A_70, %dma_wait3A_71] : memref<10000x64xf32, #tpu.memory_space<vmem_shared>> -> memref<10000x64xf32, #tpu.memory_space<vmem_shared>>
      tpu.wait_indirect_dma semaphore(%arg12 : memref<!tpu.dma_semaphore, #tpu.memory_space<semaphore_mem>>) src(%dma_wait3A_72 : memref<10000x64xf32, #tpu.memory_space<vmem_shared>>) dst(%dma_wait3A_66 : memref<128x64xf32, #tpu.memory_space<vmem>>)
      %run_scoped3A = arith.constant 0 : i32
      "tpu.region"() ({
        %run_scoped3A_122 = tpu.sem_alloc : memref<!tpu.dma_semaphore, #tpu.memory_space<semaphore_mem>>
        %dma_start3A_123 = arith.constant 0 : i32
        %dma_start3A_124 = arith.constant 0 : i32
        %dma_start3A_125 = tpu.memref_slice %arg9[%run_scoped3A, %dma_start3A_123, %dma_start3A_124] : memref<3x128x64xf32, #tpu.memory_space<vmem>> -> memref<1x128x64xf32, #tpu.memory_space<vmem>>
        %dma_start3A_126 = tpu.memref_squeeze %dma_start3A_125 : memref<1x128x64xf32, #tpu.memory_space<vmem>> -> memref<128x64xf32, #tpu.memory_space<vmem>>
        %dma_start3A_127 = arith.constant 0 : i32
        %dma_start3A_128 = tpu.memref_slice %arg8[%add3A_62, %dma_start3A_127] : memref<79x128xi32, #tpu.memory_space<vmem>> -> memref<1x128xi32, #tpu.memory_space<vmem>>
        %dma_start3A_129 = tpu.memref_squeeze %dma_start3A_128 : memref<1x128xi32, #tpu.memory_space<vmem>> -> memref<128xi32, #tpu.memory_space<vmem>>
        %dma_start3A_130 = arith.constant 0 : i32
        %dma_start3A_131 = arith.constant 0 : i32
        %dma_start3A_132 = tpu.memref_slice %arg10[%dma_start3A_130, %dma_start3A_131] : memref<10000x64xf32, #tpu.memory_space<vmem_shared>> -> memref<10000x64xf32, #tpu.memory_space<vmem_shared>>
        tpu.enqueue_indirect_dma source(%dma_start3A_126 : memref<128x64xf32, #tpu.memory_space<vmem>>) target(%dma_start3A_132 : memref<10000x64xf32, #tpu.memory_space<vmem_shared>>) offsets(%dma_start3A_129 : memref<128xi32, #tpu.memory_space<vmem>>) semaphore(%run_scoped3A_122 : memref<!tpu.dma_semaphore, #tpu.memory_space<semaphore_mem>>) {add = true}
        %dma_wait3A_133 = arith.constant 0 : i32
        %dma_wait3A_134 = arith.constant 0 : i32
        %dma_wait3A_135 = tpu.memref_slice %arg9[%run_scoped3A, %dma_wait3A_133, %dma_wait3A_134] : memref<3x128x64xf32, #tpu.memory_space<vmem>> -> memref<1x128x64xf32, #tpu.memory_space<vmem>>
        %dma_wait3A_136 = tpu.memref_squeeze %dma_wait3A_135 : memref<1x128x64xf32, #tpu.memory_space<vmem>> -> memref<128x64xf32, #tpu.memory_space<vmem>>
        %dma_wait3A_137 = arith.constant 0 : i32
        %dma_wait3A_138 = tpu.memref_slice %arg8[%add3A_62, %dma_wait3A_137] : memref<79x128xi32, #tpu.memory_space<vmem>> -> memref<1x128xi32, #tpu.memory_space<vmem>>
        %dma_wait3A_139 = tpu.memref_squeeze %dma_wait3A_138 : memref<1x128xi32, #tpu.memory_space<vmem>> -> memref<128xi32, #tpu.memory_space<vmem>>
        %dma_wait3A_140 = arith.constant 0 : i32
        %dma_wait3A_141 = arith.constant 0 : i32
        %dma_wait3A_142 = tpu.memref_slice %arg10[%dma_wait3A_140, %dma_wait3A_141] : memref<10000x64xf32, #tpu.memory_space<vmem_shared>> -> memref<10000x64xf32, #tpu.memory_space<vmem_shared>>
        tpu.wait_indirect_dma semaphore(%run_scoped3A_122 : memref<!tpu.dma_semaphore, #tpu.memory_space<semaphore_mem>>) src(%dma_wait3A_136 : memref<128x64xf32, #tpu.memory_space<vmem>>) dst(%dma_wait3A_142 : memref<10000x64xf32, #tpu.memory_space<vmem_shared>>)
        tpu.yield
      }) : () -> ()
      %add3A_73 = arith.constant 3 : i32
      %add3A_74 = arith.addi %add3A_62, %add3A_73 : i32
      %lt3A_75 = arith.constant 78 : i32
      %lt3A_76 = arith.cmpi slt, %add3A_74, %lt3A_75 : i32
      %convert_element_type3A_77 = arith.extui %lt3A_76 : i1 to i32
      %cond3A_78 = arith.constant 0 : i32
      %cond3A_79 = arith.cmpi ne, %convert_element_type3A_77, %cond3A_78 : i32
      scf.if %cond3A_79 {
        %add3A_122 = arith.constant 3 : i32
        %add3A_123 = arith.addi %add3A_62, %add3A_122 : i32
        %dma_start3A_124 = arith.constant 0 : i32
        %dma_start3A_125 = arith.constant 0 : i32
        %dma_start3A_126 = arith.constant 0 : i32
        %dma_start3A_127 = tpu.memref_slice %arg9[%dma_start3A_124, %dma_start3A_125, %dma_start3A_126] : memref<3x128x64xf32, #tpu.memory_space<vmem>> -> memref<1x128x64xf32, #tpu.memory_space<vmem>>
        %dma_start3A_128 = tpu.memref_squeeze %dma_start3A_127 : memref<1x128x64xf32, #tpu.memory_space<vmem>> -> memref<128x64xf32, #tpu.memory_space<vmem>>
        %dma_start3A_129 = arith.constant 0 : i32
        %dma_start3A_130 = tpu.memref_slice %arg7[%add3A_123, %dma_start3A_129] : memref<79x128xi32, #tpu.memory_space<vmem>> -> memref<1x128xi32, #tpu.memory_space<vmem>>
        %dma_start3A_131 = tpu.memref_squeeze %dma_start3A_130 : memref<1x128xi32, #tpu.memory_space<vmem>> -> memref<128xi32, #tpu.memory_space<vmem>>
        %dma_start3A_132 = arith.constant 0 : i32
        %dma_start3A_133 = arith.constant 0 : i32
        %dma_start3A_134 = tpu.memref_slice %arg11[%dma_start3A_132, %dma_start3A_133] : memref<10000x64xf32, #tpu.memory_space<vmem_shared>> -> memref<10000x64xf32, #tpu.memory_space<vmem_shared>>
        tpu.enqueue_indirect_dma source(%dma_start3A_134 : memref<10000x64xf32, #tpu.memory_space<vmem_shared>>) target(%dma_start3A_128 : memref<128x64xf32, #tpu.memory_space<vmem>>) offsets(%dma_start3A_131 : memref<128xi32, #tpu.memory_space<vmem>>) semaphore(%arg12 : memref<!tpu.dma_semaphore, #tpu.memory_space<semaphore_mem>>)
      } else {
      }
      %add3A_80 = arith.constant 1 : i32
      %add3A_81 = arith.addi %add3A_60, %add3A_80 : i32
      %dma_wait3A_82 = arith.constant 1 : i32
      %dma_wait3A_83 = arith.constant 0 : i32
      %dma_wait3A_84 = arith.constant 0 : i32
      %dma_wait3A_85 = tpu.memref_slice %arg9[%dma_wait3A_82, %dma_wait3A_83, %dma_wait3A_84] : memref<3x128x64xf32, #tpu.memory_space<vmem>> -> memref<1x128x64xf32, #tpu.memory_space<vmem>>
      %dma_wait3A_86 = tpu.memref_squeeze %dma_wait3A_85 : memref<1x128x64xf32, #tpu.memory_space<vmem>> -> memref<128x64xf32, #tpu.memory_space<vmem>>
      %dma_wait3A_87 = arith.constant 0 : i32
      %dma_wait3A_88 = tpu.memref_slice %arg7[%add3A_81, %dma_wait3A_87] : memref<79x128xi32, #tpu.memory_space<vmem>> -> memref<1x128xi32, #tpu.memory_space<vmem>>
      %dma_wait3A_89 = tpu.memref_squeeze %dma_wait3A_88 : memref<1x128xi32, #tpu.memory_space<vmem>> -> memref<128xi32, #tpu.memory_space<vmem>>
      %dma_wait3A_90 = arith.constant 0 : i32
      %dma_wait3A_91 = arith.constant 0 : i32
      %dma_wait3A_92 = tpu.memref_slice %arg11[%dma_wait3A_90, %dma_wait3A_91] : memref<10000x64xf32, #tpu.memory_space<vmem_shared>> -> memref<10000x64xf32, #tpu.memory_space<vmem_shared>>
      tpu.wait_indirect_dma semaphore(%arg13 : memref<!tpu.dma_semaphore, #tpu.memory_space<semaphore_mem>>) src(%dma_wait3A_92 : memref<10000x64xf32, #tpu.memory_space<vmem_shared>>) dst(%dma_wait3A_86 : memref<128x64xf32, #tpu.memory_space<vmem>>)
      %run_scoped3A_93 = arith.constant 1 : i32
      "tpu.region"() ({
        %run_scoped3A_122 = tpu.sem_alloc : memref<!tpu.dma_semaphore, #tpu.memory_space<semaphore_mem>>
        %dma_start3A_123 = arith.constant 0 : i32
        %dma_start3A_124 = arith.constant 0 : i32
        %dma_start3A_125 = tpu.memref_slice %arg9[%run_scoped3A_93, %dma_start3A_123, %dma_start3A_124] : memref<3x128x64xf32, #tpu.memory_space<vmem>> -> memref<1x128x64xf32, #tpu.memory_space<vmem>>
        %dma_start3A_126 = tpu.memref_squeeze %dma_start3A_125 : memref<1x128x64xf32, #tpu.memory_space<vmem>> -> memref<128x64xf32, #tpu.memory_space<vmem>>
        %dma_start3A_127 = arith.constant 0 : i32
        %dma_start3A_128 = tpu.memref_slice %arg8[%add3A_81, %dma_start3A_127] : memref<79x128xi32, #tpu.memory_space<vmem>> -> memref<1x128xi32, #tpu.memory_space<vmem>>
        %dma_start3A_129 = tpu.memref_squeeze %dma_start3A_128 : memref<1x128xi32, #tpu.memory_space<vmem>> -> memref<128xi32, #tpu.memory_space<vmem>>
        %dma_start3A_130 = arith.constant 0 : i32
        %dma_start3A_131 = arith.constant 0 : i32
        %dma_start3A_132 = tpu.memref_slice %arg10[%dma_start3A_130, %dma_start3A_131] : memref<10000x64xf32, #tpu.memory_space<vmem_shared>> -> memref<10000x64xf32, #tpu.memory_space<vmem_shared>>
        tpu.enqueue_indirect_dma source(%dma_start3A_126 : memref<128x64xf32, #tpu.memory_space<vmem>>) target(%dma_start3A_132 : memref<10000x64xf32, #tpu.memory_space<vmem_shared>>) offsets(%dma_start3A_129 : memref<128xi32, #tpu.memory_space<vmem>>) semaphore(%run_scoped3A_122 : memref<!tpu.dma_semaphore, #tpu.memory_space<semaphore_mem>>) {add = true}
        %dma_wait3A_133 = arith.constant 0 : i32
        %dma_wait3A_134 = arith.constant 0 : i32
        %dma_wait3A_135 = tpu.memref_slice %arg9[%run_scoped3A_93, %dma_wait3A_133, %dma_wait3A_134] : memref<3x128x64xf32, #tpu.memory_space<vmem>> -> memref<1x128x64xf32, #tpu.memory_space<vmem>>
        %dma_wait3A_136 = tpu.memref_squeeze %dma_wait3A_135 : memref<1x128x64xf32, #tpu.memory_space<vmem>> -> memref<128x64xf32, #tpu.memory_space<vmem>>
        %dma_wait3A_137 = arith.constant 0 : i32
        %dma_wait3A_138 = tpu.memref_slice %arg8[%add3A_81, %dma_wait3A_137] : memref<79x128xi32, #tpu.memory_space<vmem>> -> memref<1x128xi32, #tpu.memory_space<vmem>>
        %dma_wait3A_139 = tpu.memref_squeeze %dma_wait3A_138 : memref<1x128xi32, #tpu.memory_space<vmem>> -> memref<128xi32, #tpu.memory_space<vmem>>
        %dma_wait3A_140 = arith.constant 0 : i32
        %dma_wait3A_141 = arith.constant 0 : i32
        %dma_wait3A_142 = tpu.memref_slice %arg10[%dma_wait3A_140, %dma_wait3A_141] : memref<10000x64xf32, #tpu.memory_space<vmem_shared>> -> memref<10000x64xf32, #tpu.memory_space<vmem_shared>>
        tpu.wait_indirect_dma semaphore(%run_scoped3A_122 : memref<!tpu.dma_semaphore, #tpu.memory_space<semaphore_mem>>) src(%dma_wait3A_136 : memref<128x64xf32, #tpu.memory_space<vmem>>) dst(%dma_wait3A_142 : memref<10000x64xf32, #tpu.memory_space<vmem_shared>>)
        tpu.yield
      }) : () -> ()
      %add3A_94 = arith.constant 3 : i32
      %add3A_95 = arith.addi %add3A_81, %add3A_94 : i32
      %lt3A_96 = arith.constant 78 : i32
      %lt3A_97 = arith.cmpi slt, %add3A_95, %lt3A_96 : i32
      %convert_element_type3A_98 = arith.extui %lt3A_97 : i1 to i32
      %cond3A_99 = arith.constant 0 : i32
      %cond3A_100 = arith.cmpi ne, %convert_element_type3A_98, %cond3A_99 : i32
      scf.if %cond3A_100 {
        %add3A_122 = arith.constant 3 : i32
        %add3A_123 = arith.addi %add3A_81, %add3A_122 : i32
        %dma_start3A_124 = arith.constant 1 : i32
        %dma_start3A_125 = arith.constant 0 : i32
        %dma_start3A_126 = arith.constant 0 : i32
        %dma_start3A_127 = tpu.memref_slice %arg9[%dma_start3A_124, %dma_start3A_125, %dma_start3A_126] : memref<3x128x64xf32, #tpu.memory_space<vmem>> -> memref<1x128x64xf32, #tpu.memory_space<vmem>>
        %dma_start3A_128 = tpu.memref_squeeze %dma_start3A_127 : memref<1x128x64xf32, #tpu.memory_space<vmem>> -> memref<128x64xf32, #tpu.memory_space<vmem>>
        %dma_start3A_129 = arith.constant 0 : i32
        %dma_start3A_130 = tpu.memref_slice %arg7[%add3A_123, %dma_start3A_129] : memref<79x128xi32, #tpu.memory_space<vmem>> -> memref<1x128xi32, #tpu.memory_space<vmem>>
        %dma_start3A_131 = tpu.memref_squeeze %dma_start3A_130 : memref<1x128xi32, #tpu.memory_space<vmem>> -> memref<128xi32, #tpu.memory_space<vmem>>
        %dma_start3A_132 = arith.constant 0 : i32
        %dma_start3A_133 = arith.constant 0 : i32
        %dma_start3A_134 = tpu.memref_slice %arg11[%dma_start3A_132, %dma_start3A_133] : memref<10000x64xf32, #tpu.memory_space<vmem_shared>> -> memref<10000x64xf32, #tpu.memory_space<vmem_shared>>
        tpu.enqueue_indirect_dma source(%dma_start3A_134 : memref<10000x64xf32, #tpu.memory_space<vmem_shared>>) target(%dma_start3A_128 : memref<128x64xf32, #tpu.memory_space<vmem>>) offsets(%dma_start3A_131 : memref<128xi32, #tpu.memory_space<vmem>>) semaphore(%arg13 : memref<!tpu.dma_semaphore, #tpu.memory_space<semaphore_mem>>)
      } else {
      }
      %add3A_101 = arith.constant 2 : i32
      %add3A_102 = arith.addi %add3A_60, %add3A_101 : i32
      %dma_wait3A_103 = arith.constant 2 : i32
      %dma_wait3A_104 = arith.constant 0 : i32
      %dma_wait3A_105 = arith.constant 0 : i32
      %dma_wait3A_106 = tpu.memref_slice %arg9[%dma_wait3A_103, %dma_wait3A_104, %dma_wait3A_105] : memref<3x128x64xf32, #tpu.memory_space<vmem>> -> memref<1x128x64xf32, #tpu.memory_space<vmem>>
      %dma_wait3A_107 = tpu.memref_squeeze %dma_wait3A_106 : memref<1x128x64xf32, #tpu.memory_space<vmem>> -> memref<128x64xf32, #tpu.memory_space<vmem>>
      %dma_wait3A_108 = arith.constant 0 : i32
      %dma_wait3A_109 = tpu.memref_slice %arg7[%add3A_102, %dma_wait3A_108] : memref<79x128xi32, #tpu.memory_space<vmem>> -> memref<1x128xi32, #tpu.memory_space<vmem>>
      %dma_wait3A_110 = tpu.memref_squeeze %dma_wait3A_109 : memref<1x128xi32, #tpu.memory_space<vmem>> -> memref<128xi32, #tpu.memory_space<vmem>>
      %dma_wait3A_111 = arith.constant 0 : i32
      %dma_wait3A_112 = arith.constant 0 : i32
      %dma_wait3A_113 = tpu.memref_slice %arg11[%dma_wait3A_111, %dma_wait3A_112] : memref<10000x64xf32, #tpu.memory_space<vmem_shared>> -> memref<10000x64xf32, #tpu.memory_space<vmem_shared>>
      tpu.wait_indirect_dma semaphore(%arg14 : memref<!tpu.dma_semaphore, #tpu.memory_space<semaphore_mem>>) src(%dma_wait3A_113 : memref<10000x64xf32, #tpu.memory_space<vmem_shared>>) dst(%dma_wait3A_107 : memref<128x64xf32, #tpu.memory_space<vmem>>)
      %run_scoped3A_114 = arith.constant 2 : i32
      "tpu.region"() ({
        %run_scoped3A_122 = tpu.sem_alloc : memref<!tpu.dma_semaphore, #tpu.memory_space<semaphore_mem>>
        %dma_start3A_123 = arith.constant 0 : i32
        %dma_start3A_124 = arith.constant 0 : i32
        %dma_start3A_125 = tpu.memref_slice %arg9[%run_scoped3A_114, %dma_start3A_123, %dma_start3A_124] : memref<3x128x64xf32, #tpu.memory_space<vmem>> -> memref<1x128x64xf32, #tpu.memory_space<vmem>>
        %dma_start3A_126 = tpu.memref_squeeze %dma_start3A_125 : memref<1x128x64xf32, #tpu.memory_space<vmem>> -> memref<128x64xf32, #tpu.memory_space<vmem>>
        %dma_start3A_127 = arith.constant 0 : i32
        %dma_start3A_128 = tpu.memref_slice %arg8[%add3A_102, %dma_start3A_127] : memref<79x128xi32, #tpu.memory_space<vmem>> -> memref<1x128xi32, #tpu.memory_space<vmem>>
        %dma_start3A_129 = tpu.memref_squeeze %dma_start3A_128 : memref<1x128xi32, #tpu.memory_space<vmem>> -> memref<128xi32, #tpu.memory_space<vmem>>
        %dma_start3A_130 = arith.constant 0 : i32
        %dma_start3A_131 = arith.constant 0 : i32
        %dma_start3A_132 = tpu.memref_slice %arg10[%dma_start3A_130, %dma_start3A_131] : memref<10000x64xf32, #tpu.memory_space<vmem_shared>> -> memref<10000x64xf32, #tpu.memory_space<vmem_shared>>
        tpu.enqueue_indirect_dma source(%dma_start3A_126 : memref<128x64xf32, #tpu.memory_space<vmem>>) target(%dma_start3A_132 : memref<10000x64xf32, #tpu.memory_space<vmem_shared>>) offsets(%dma_start3A_129 : memref<128xi32, #tpu.memory_space<vmem>>) semaphore(%run_scoped3A_122 : memref<!tpu.dma_semaphore, #tpu.memory_space<semaphore_mem>>) {add = true}
        %dma_wait3A_133 = arith.constant 0 : i32
        %dma_wait3A_134 = arith.constant 0 : i32
        %dma_wait3A_135 = tpu.memref_slice %arg9[%run_scoped3A_114, %dma_wait3A_133, %dma_wait3A_134] : memref<3x128x64xf32, #tpu.memory_space<vmem>> -> memref<1x128x64xf32, #tpu.memory_space<vmem>>
        %dma_wait3A_136 = tpu.memref_squeeze %dma_wait3A_135 : memref<1x128x64xf32, #tpu.memory_space<vmem>> -> memref<128x64xf32, #tpu.memory_space<vmem>>
        %dma_wait3A_137 = arith.constant 0 : i32
        %dma_wait3A_138 = tpu.memref_slice %arg8[%add3A_102, %dma_wait3A_137] : memref<79x128xi32, #tpu.memory_space<vmem>> -> memref<1x128xi32, #tpu.memory_space<vmem>>
        %dma_wait3A_139 = tpu.memref_squeeze %dma_wait3A_138 : memref<1x128xi32, #tpu.memory_space<vmem>> -> memref<128xi32, #tpu.memory_space<vmem>>
        %dma_wait3A_140 = arith.constant 0 : i32
        %dma_wait3A_141 = arith.constant 0 : i32
        %dma_wait3A_142 = tpu.memref_slice %arg10[%dma_wait3A_140, %dma_wait3A_141] : memref<10000x64xf32, #tpu.memory_space<vmem_shared>> -> memref<10000x64xf32, #tpu.memory_space<vmem_shared>>
        tpu.wait_indirect_dma semaphore(%run_scoped3A_122 : memref<!tpu.dma_semaphore, #tpu.memory_space<semaphore_mem>>) src(%dma_wait3A_136 : memref<128x64xf32, #tpu.memory_space<vmem>>) dst(%dma_wait3A_142 : memref<10000x64xf32, #tpu.memory_space<vmem_shared>>)
        tpu.yield
      }) : () -> ()
      %add3A_115 = arith.constant 3 : i32
      %add3A_116 = arith.addi %add3A_102, %add3A_115 : i32
      %lt3A_117 = arith.constant 78 : i32
      %lt3A_118 = arith.cmpi slt, %add3A_116, %lt3A_117 : i32
      %convert_element_type3A_119 = arith.extui %lt3A_118 : i1 to i32
      %cond3A_120 = arith.constant 0 : i32
      %cond3A_121 = arith.cmpi ne, %convert_element_type3A_119, %cond3A_120 : i32
      scf.if %cond3A_121 {
        %add3A_122 = arith.constant 3 : i32
        %add3A_123 = arith.addi %add3A_102, %add3A_122 : i32
        %dma_start3A_124 = arith.constant 2 : i32
        %dma_start3A_125 = arith.constant 0 : i32
        %dma_start3A_126 = arith.constant 0 : i32
        %dma_start3A_127 = tpu.memref_slice %arg9[%dma_start3A_124, %dma_start3A_125, %dma_start3A_126] : memref<3x128x64xf32, #tpu.memory_space<vmem>> -> memref<1x128x64xf32, #tpu.memory_space<vmem>>
        %dma_start3A_128 = tpu.memref_squeeze %dma_start3A_127 : memref<1x128x64xf32, #tpu.memory_space<vmem>> -> memref<128x64xf32, #tpu.memory_space<vmem>>
        %dma_start3A_129 = arith.constant 0 : i32
        %dma_start3A_130 = tpu.memref_slice %arg7[%add3A_123, %dma_start3A_129] : memref<79x128xi32, #tpu.memory_space<vmem>> -> memref<1x128xi32, #tpu.memory_space<vmem>>
        %dma_start3A_131 = tpu.memref_squeeze %dma_start3A_130 : memref<1x128xi32, #tpu.memory_space<vmem>> -> memref<128xi32, #tpu.memory_space<vmem>>
        %dma_start3A_132 = arith.constant 0 : i32
        %dma_start3A_133 = arith.constant 0 : i32
        %dma_start3A_134 = tpu.memref_slice %arg11[%dma_start3A_132, %dma_start3A_133] : memref<10000x64xf32, #tpu.memory_space<vmem_shared>> -> memref<10000x64xf32, #tpu.memory_space<vmem_shared>>
        tpu.enqueue_indirect_dma source(%dma_start3A_134 : memref<10000x64xf32, #tpu.memory_space<vmem_shared>>) target(%dma_start3A_128 : memref<128x64xf32, #tpu.memory_space<vmem>>) offsets(%dma_start3A_131 : memref<128xi32, #tpu.memory_space<vmem>>) semaphore(%arg14 : memref<!tpu.dma_semaphore, #tpu.memory_space<semaphore_mem>>)
      } else {
      }
    }
    %scan3A_47 = arith.constant 26 : i32
    %lt3A_48 = arith.constant 4 : i32
    %lt3A_49 = arith.cmpi slt, %add3A, %lt3A_48 : i32
    %convert_element_type3A_50 = arith.extui %lt3A_49 : i1 to i32
    %cond3A_51 = arith.constant 0 : i32
    %cond3A_52 = arith.cmpi ne, %convert_element_type3A_50, %cond3A_51 : i32
    scf.if %cond3A_52 {
      %dma_start3A_56 = arith.constant 78 : i32
      %dma_start3A_57 = arith.constant 0 : i32
      %dma_start3A_58 = arith.constant 0 : i32
      %dma_start3A_59 = arith.constant 0 : i32
      %dma_start3A_60 = tpu.memref_slice %arg9[%dma_start3A_57, %dma_start3A_58, %dma_start3A_59] : memref<3x128x64xf32, #tpu.memory_space<vmem>> -> memref<1x128x64xf32, #tpu.memory_space<vmem>>
      %dma_start3A_61 = tpu.memref_squeeze %dma_start3A_60 : memref<1x128x64xf32, #tpu.memory_space<vmem>> -> memref<128x64xf32, #tpu.memory_space<vmem>>
      %dma_start3A_62 = arith.constant 0 : i32
      %dma_start3A_63 = tpu.memref_slice %arg7[%dma_start3A_56, %dma_start3A_62] : memref<79x128xi32, #tpu.memory_space<vmem>> -> memref<1x128xi32, #tpu.memory_space<vmem>>
      %dma_start3A_64 = tpu.memref_squeeze %dma_start3A_63 : memref<1x128xi32, #tpu.memory_space<vmem>> -> memref<128xi32, #tpu.memory_space<vmem>>
      %dma_start3A_65 = arith.constant 0 : i32
      %dma_start3A_66 = arith.constant 0 : i32
      %dma_start3A_67 = tpu.memref_slice %arg11[%dma_start3A_65, %dma_start3A_66] : memref<10000x64xf32, #tpu.memory_space<vmem_shared>> -> memref<10000x64xf32, #tpu.memory_space<vmem_shared>>
      tpu.enqueue_indirect_dma source(%dma_start3A_67 : memref<10000x64xf32, #tpu.memory_space<vmem_shared>>) target(%dma_start3A_61 : memref<128x64xf32, #tpu.memory_space<vmem>>) offsets(%dma_start3A_64 : memref<128xi32, #tpu.memory_space<vmem>>) semaphore(%arg12 : memref<!tpu.dma_semaphore, #tpu.memory_space<semaphore_mem>>)
      %dma_wait3A = arith.constant 78 : i32
      %dma_wait3A_68 = arith.constant 0 : i32
      %dma_wait3A_69 = arith.constant 0 : i32
      %dma_wait3A_70 = arith.constant 0 : i32
      %dma_wait3A_71 = tpu.memref_slice %arg9[%dma_wait3A_68, %dma_wait3A_69, %dma_wait3A_70] : memref<3x128x64xf32, #tpu.memory_space<vmem>> -> memref<1x128x64xf32, #tpu.memory_space<vmem>>
      %dma_wait3A_72 = tpu.memref_squeeze %dma_wait3A_71 : memref<1x128x64xf32, #tpu.memory_space<vmem>> -> memref<128x64xf32, #tpu.memory_space<vmem>>
      %dma_wait3A_73 = arith.constant 0 : i32
      %dma_wait3A_74 = tpu.memref_slice %arg7[%dma_wait3A, %dma_wait3A_73] : memref<79x128xi32, #tpu.memory_space<vmem>> -> memref<1x128xi32, #tpu.memory_space<vmem>>
      %dma_wait3A_75 = tpu.memref_squeeze %dma_wait3A_74 : memref<1x128xi32, #tpu.memory_space<vmem>> -> memref<128xi32, #tpu.memory_space<vmem>>
      %dma_wait3A_76 = arith.constant 0 : i32
      %dma_wait3A_77 = arith.constant 0 : i32
      %dma_wait3A_78 = tpu.memref_slice %arg11[%dma_wait3A_76, %dma_wait3A_77] : memref<10000x64xf32, #tpu.memory_space<vmem_shared>> -> memref<10000x64xf32, #tpu.memory_space<vmem_shared>>
      tpu.wait_indirect_dma semaphore(%arg12 : memref<!tpu.dma_semaphore, #tpu.memory_space<semaphore_mem>>) src(%dma_wait3A_78 : memref<10000x64xf32, #tpu.memory_space<vmem_shared>>) dst(%dma_wait3A_72 : memref<128x64xf32, #tpu.memory_space<vmem>>)
      %run_scoped3A = arith.constant 0 : i32
      %run_scoped3A_79 = arith.constant 78 : i32
      "tpu.region"() ({
        %run_scoped3A_80 = tpu.sem_alloc : memref<!tpu.dma_semaphore, #tpu.memory_space<semaphore_mem>>
        %dma_start3A_81 = arith.constant 0 : i32
        %dma_start3A_82 = arith.constant 0 : i32
        %dma_start3A_83 = tpu.memref_slice %arg9[%run_scoped3A, %dma_start3A_81, %dma_start3A_82] : memref<3x128x64xf32, #tpu.memory_space<vmem>> -> memref<1x128x64xf32, #tpu.memory_space<vmem>>
        %dma_start3A_84 = tpu.memref_squeeze %dma_start3A_83 : memref<1x128x64xf32, #tpu.memory_space<vmem>> -> memref<128x64xf32, #tpu.memory_space<vmem>>
        %dma_start3A_85 = arith.constant 0 : i32
        %dma_start3A_86 = tpu.memref_slice %arg8[%run_scoped3A_79, %dma_start3A_85] : memref<79x128xi32, #tpu.memory_space<vmem>> -> memref<1x128xi32, #tpu.memory_space<vmem>>
        %dma_start3A_87 = tpu.memref_squeeze %dma_start3A_86 : memref<1x128xi32, #tpu.memory_space<vmem>> -> memref<128xi32, #tpu.memory_space<vmem>>
        %dma_start3A_88 = arith.constant 0 : i32
        %dma_start3A_89 = arith.constant 0 : i32
        %dma_start3A_90 = tpu.memref_slice %arg10[%dma_start3A_88, %dma_start3A_89] : memref<10000x64xf32, #tpu.memory_space<vmem_shared>> -> memref<10000x64xf32, #tpu.memory_space<vmem_shared>>
        tpu.enqueue_indirect_dma source(%dma_start3A_84 : memref<128x64xf32, #tpu.memory_space<vmem>>) target(%dma_start3A_90 : memref<10000x64xf32, #tpu.memory_space<vmem_shared>>) offsets(%dma_start3A_87 : memref<128xi32, #tpu.memory_space<vmem>>) semaphore(%run_scoped3A_80 : memref<!tpu.dma_semaphore, #tpu.memory_space<semaphore_mem>>) {add = true}
        %dma_wait3A_91 = arith.constant 0 : i32
        %dma_wait3A_92 = arith.constant 0 : i32
        %dma_wait3A_93 = tpu.memref_slice %arg9[%run_scoped3A, %dma_wait3A_91, %dma_wait3A_92] : memref<3x128x64xf32, #tpu.memory_space<vmem>> -> memref<1x128x64xf32, #tpu.memory_space<vmem>>
        %dma_wait3A_94 = tpu.memref_squeeze %dma_wait3A_93 : memref<1x128x64xf32, #tpu.memory_space<vmem>> -> memref<128x64xf32, #tpu.memory_space<vmem>>
        %dma_wait3A_95 = arith.constant 0 : i32
        %dma_wait3A_96 = tpu.memref_slice %arg8[%run_scoped3A_79, %dma_wait3A_95] : memref<79x128xi32, #tpu.memory_space<vmem>> -> memref<1x128xi32, #tpu.memory_space<vmem>>
        %dma_wait3A_97 = tpu.memref_squeeze %dma_wait3A_96 : memref<1x128xi32, #tpu.memory_space<vmem>> -> memref<128xi32, #tpu.memory_space<vmem>>
        %dma_wait3A_98 = arith.constant 0 : i32
        %dma_wait3A_99 = arith.constant 0 : i32
        %dma_wait3A_100 = tpu.memref_slice %arg10[%dma_wait3A_98, %dma_wait3A_99] : memref<10000x64xf32, #tpu.memory_space<vmem_shared>> -> memref<10000x64xf32, #tpu.memory_space<vmem_shared>>
        tpu.wait_indirect_dma semaphore(%run_scoped3A_80 : memref<!tpu.dma_semaphore, #tpu.memory_space<semaphore_mem>>) src(%dma_wait3A_94 : memref<128x64xf32, #tpu.memory_space<vmem>>) dst(%dma_wait3A_100 : memref<10000x64xf32, #tpu.memory_space<vmem_shared>>)
        tpu.yield
      }) : () -> ()
    } else {
    }
    %barrier3A_53 = arith.constant 0 : index
    tpu.barrier barrier_id(%barrier3A_53)
    %mul3A_54 = arith.constant 64 : i32
    %mul3A_55 = arith.muli %arg0, %mul3A_54 : i32
    "tpu.region"() ({
      %run_scoped3A = tpu.sem_alloc : memref<!tpu.dma_semaphore, #tpu.memory_space<semaphore_mem>>
      %dma_start3A_56 = tpu.memref_slice %arg6[%mul3A_2, %mul3A_55] : memref<10000x128xf32, #tpu.memory_space<hbm>> -> memref<625x64xf32, #tpu.memory_space<hbm>>
      %dma_start3A_57 = arith.constant 0 : i32
      %dma_start3A_58 = tpu.memref_slice %arg10[%mul3A_2, %dma_start3A_57] : memref<10000x64xf32, #tpu.memory_space<vmem_shared>> -> memref<625x64xf32, #tpu.memory_space<vmem_shared>>
      tpu.enqueue_dma source(%dma_start3A_58 : memref<625x64xf32, #tpu.memory_space<vmem_shared>>) target(%dma_start3A_56 : memref<625x64xf32, #tpu.memory_space<hbm>>) target_semaphore(%run_scoped3A : memref<!tpu.dma_semaphore, #tpu.memory_space<semaphore_mem>>)
      %dma_wait3A = tpu.memref_slice %arg6[%mul3A_2, %mul3A_55] : memref<10000x128xf32, #tpu.memory_space<hbm>> -> memref<625x64xf32, #tpu.memory_space<hbm>>
      %dma_wait3A_59 = arith.constant 0 : i32
      %dma_wait3A_60 = tpu.memref_slice %arg10[%mul3A_2, %dma_wait3A_59] : memref<10000x64xf32, #tpu.memory_space<vmem_shared>> -> memref<625x64xf32, #tpu.memory_space<vmem_shared>>
      tpu.wait_dma2 semaphore(%run_scoped3A : memref<!tpu.dma_semaphore, #tpu.memory_space<semaphore_mem>>) src(%dma_wait3A_60 : memref<625x64xf32, #tpu.memory_space<vmem_shared>>) dst(%dma_wait3A : memref<625x64xf32, #tpu.memory_space<hbm>>)
      tpu.yield
    }) : () -> ()
    return
  }
}

#map = affine_map<(d0, d1) -> (0, 0)>
module attributes {stable_mosaic.version = 14 : i64} {
  func.func @agg(%arg0: i32, %arg1: i32, %arg2: memref<2500x128xi32, #tpu.memory_space<hbm>>, %arg3: memref<2500x128xi32, #tpu.memory_space<hbm>>, %arg4: memref<10000x128xf32, #tpu.memory_space<hbm>>, %arg5: memref<625x32xf32, #tpu.memory_space<hbm>>, %arg6: memref<10000x128xf32, #tpu.memory_space<hbm>>, %arg7: memref<79x128xi32, #tpu.memory_space<vmem>>, %arg8: memref<79x128xi32, #tpu.memory_space<vmem>>, %arg9: memref<6x128x32xf32, #tpu.memory_space<vmem>>, %arg10: memref<10000x32xf32, #tpu.memory_space<vmem_shared>>, %arg11: memref<10000x32xf32, #tpu.memory_space<vmem_shared>>, %arg12: memref<!tpu.dma_semaphore, #tpu.memory_space<semaphore_mem>>, %arg13: memref<!tpu.dma_semaphore, #tpu.memory_space<semaphore_mem>>, %arg14: memref<!tpu.dma_semaphore, #tpu.memory_space<semaphore_mem>>, %arg15: memref<!tpu.dma_semaphore, #tpu.memory_space<semaphore_mem>>, %arg16: memref<!tpu.dma_semaphore, #tpu.memory_space<semaphore_mem>>, %arg17: memref<!tpu.dma_semaphore, #tpu.memory_space<semaphore_mem>>) attributes {dimension_semantics = [#tpu.dimension_semantics<core_parallel>, #tpu.dimension_semantics<subcore_parallel>], iteration_bounds = array<i64: 2, 16>, scalar_prefetch = 0 : i64, scratch_operands = 11 : i64, tpu.core_type = #tpu.core_type<sc_vector_subcore>, window_params = [{transform_indices = #map}, {transform_indices = #map}, {transform_indices = #map}, {transform_indices = #map}, {transform_indices = #map}]} {
    %mul3A = arith.constant 16 : i32
    %mul3A_0 = arith.muli %arg0, %mul3A : i32
    %add3A = arith.addi %mul3A_0, %arg1 : i32
    %mul3A_1 = arith.constant 625 : i32
    %mul3A_2 = arith.muli %arg1, %mul3A_1 : i32
    %mul3A_3 = arith.constant 78 : i32
    %mul3A_4 = arith.muli %add3A, %mul3A_3 : i32
    "tpu.region"() ({
      %run_scoped3A = tpu.sem_alloc : memref<!tpu.dma_semaphore, #tpu.memory_space<semaphore_mem>>
      %dma_start3A_92 = arith.constant 0 : i32
      %dma_start3A_93 = arith.constant 0 : i32
      %dma_start3A_94 = tpu.memref_slice %arg7[%dma_start3A_92, %dma_start3A_93] : memref<79x128xi32, #tpu.memory_space<vmem>> -> memref<78x128xi32, #tpu.memory_space<vmem>>
      %dma_start3A_95 = arith.constant 0 : i32
      %dma_start3A_96 = tpu.memref_slice %arg2[%mul3A_4, %dma_start3A_95] : memref<2500x128xi32, #tpu.memory_space<hbm>> -> memref<78x128xi32, #tpu.memory_space<hbm>>
      %dma_start3A_97 = arith.constant 0 : i32
      %dma_start3A_98 = arith.constant 0 : i32
      %dma_start3A_99 = tpu.memref_slice %arg7[%dma_start3A_97, %dma_start3A_98] : memref<79x128xi32, #tpu.memory_space<vmem>> -> memref<78x128xi32, #tpu.memory_space<vmem>>
      %dma_start3A_100 = arith.constant 0 : i32
      %dma_start3A_101 = tpu.memref_slice %arg2[%mul3A_4, %dma_start3A_100] : memref<2500x128xi32, #tpu.memory_space<hbm>> -> memref<78x128xi32, #tpu.memory_space<hbm>>
      tpu.enqueue_dma source(%dma_start3A_101 : memref<78x128xi32, #tpu.memory_space<hbm>>) target(%dma_start3A_99 : memref<78x128xi32, #tpu.memory_space<vmem>>) target_semaphore(%run_scoped3A : memref<!tpu.dma_semaphore, #tpu.memory_space<semaphore_mem>>)
      %dma_wait3A = arith.constant 0 : i32
      %dma_wait3A_102 = arith.constant 0 : i32
      %dma_wait3A_103 = tpu.memref_slice %arg7[%dma_wait3A, %dma_wait3A_102] : memref<79x128xi32, #tpu.memory_space<vmem>> -> memref<78x128xi32, #tpu.memory_space<vmem>>
      %dma_wait3A_104 = arith.constant 0 : i32
      %dma_wait3A_105 = tpu.memref_slice %arg2[%mul3A_4, %dma_wait3A_104] : memref<2500x128xi32, #tpu.memory_space<hbm>> -> memref<78x128xi32, #tpu.memory_space<hbm>>
      %dma_wait3A_106 = arith.constant 0 : i32
      %dma_wait3A_107 = arith.constant 0 : i32
      %dma_wait3A_108 = tpu.memref_slice %arg7[%dma_wait3A_106, %dma_wait3A_107] : memref<79x128xi32, #tpu.memory_space<vmem>> -> memref<78x128xi32, #tpu.memory_space<vmem>>
      %dma_wait3A_109 = arith.constant 0 : i32
      %dma_wait3A_110 = tpu.memref_slice %arg2[%mul3A_4, %dma_wait3A_109] : memref<2500x128xi32, #tpu.memory_space<hbm>> -> memref<78x128xi32, #tpu.memory_space<hbm>>
      tpu.wait_dma2 semaphore(%run_scoped3A : memref<!tpu.dma_semaphore, #tpu.memory_space<semaphore_mem>>) src(%dma_wait3A_110 : memref<78x128xi32, #tpu.memory_space<hbm>>) dst(%dma_wait3A_108 : memref<78x128xi32, #tpu.memory_space<vmem>>)
      tpu.yield
    }) : () -> ()
    %mul3A_5 = arith.constant 78 : i32
    %mul3A_6 = arith.muli %add3A, %mul3A_5 : i32
    "tpu.region"() ({
      %run_scoped3A = tpu.sem_alloc : memref<!tpu.dma_semaphore, #tpu.memory_space<semaphore_mem>>
      %dma_start3A_92 = arith.constant 0 : i32
      %dma_start3A_93 = arith.constant 0 : i32
      %dma_start3A_94 = tpu.memref_slice %arg8[%dma_start3A_92, %dma_start3A_93] : memref<79x128xi32, #tpu.memory_space<vmem>> -> memref<78x128xi32, #tpu.memory_space<vmem>>
      %dma_start3A_95 = arith.constant 0 : i32
      %dma_start3A_96 = tpu.memref_slice %arg3[%mul3A_6, %dma_start3A_95] : memref<2500x128xi32, #tpu.memory_space<hbm>> -> memref<78x128xi32, #tpu.memory_space<hbm>>
      %dma_start3A_97 = arith.constant 0 : i32
      %dma_start3A_98 = arith.constant 0 : i32
      %dma_start3A_99 = tpu.memref_slice %arg8[%dma_start3A_97, %dma_start3A_98] : memref<79x128xi32, #tpu.memory_space<vmem>> -> memref<78x128xi32, #tpu.memory_space<vmem>>
      %dma_start3A_100 = arith.constant 0 : i32
      %dma_start3A_101 = tpu.memref_slice %arg3[%mul3A_6, %dma_start3A_100] : memref<2500x128xi32, #tpu.memory_space<hbm>> -> memref<78x128xi32, #tpu.memory_space<hbm>>
      tpu.enqueue_dma source(%dma_start3A_101 : memref<78x128xi32, #tpu.memory_space<hbm>>) target(%dma_start3A_99 : memref<78x128xi32, #tpu.memory_space<vmem>>) target_semaphore(%run_scoped3A : memref<!tpu.dma_semaphore, #tpu.memory_space<semaphore_mem>>)
      %dma_wait3A = arith.constant 0 : i32
      %dma_wait3A_102 = arith.constant 0 : i32
      %dma_wait3A_103 = tpu.memref_slice %arg8[%dma_wait3A, %dma_wait3A_102] : memref<79x128xi32, #tpu.memory_space<vmem>> -> memref<78x128xi32, #tpu.memory_space<vmem>>
      %dma_wait3A_104 = arith.constant 0 : i32
      %dma_wait3A_105 = tpu.memref_slice %arg3[%mul3A_6, %dma_wait3A_104] : memref<2500x128xi32, #tpu.memory_space<hbm>> -> memref<78x128xi32, #tpu.memory_space<hbm>>
      %dma_wait3A_106 = arith.constant 0 : i32
      %dma_wait3A_107 = arith.constant 0 : i32
      %dma_wait3A_108 = tpu.memref_slice %arg8[%dma_wait3A_106, %dma_wait3A_107] : memref<79x128xi32, #tpu.memory_space<vmem>> -> memref<78x128xi32, #tpu.memory_space<vmem>>
      %dma_wait3A_109 = arith.constant 0 : i32
      %dma_wait3A_110 = tpu.memref_slice %arg3[%mul3A_6, %dma_wait3A_109] : memref<2500x128xi32, #tpu.memory_space<hbm>> -> memref<78x128xi32, #tpu.memory_space<hbm>>
      tpu.wait_dma2 semaphore(%run_scoped3A : memref<!tpu.dma_semaphore, #tpu.memory_space<semaphore_mem>>) src(%dma_wait3A_110 : memref<78x128xi32, #tpu.memory_space<hbm>>) dst(%dma_wait3A_108 : memref<78x128xi32, #tpu.memory_space<vmem>>)
      tpu.yield
    }) : () -> ()
    %lt3A = arith.constant 4 : i32
    %lt3A_7 = arith.cmpi slt, %add3A, %lt3A : i32
    %convert_element_type3A = arith.extui %lt3A_7 : i1 to i32
    %cond3A = arith.constant 0 : i32
    %cond3A_8 = arith.cmpi ne, %convert_element_type3A, %cond3A : i32
    scf.if %cond3A_8 {
      %add3A_92 = arith.constant 2496 : i32
      %add3A_93 = arith.addi %add3A_92, %add3A : i32
      "tpu.region"() ({
        %run_scoped3A = tpu.sem_alloc : memref<!tpu.dma_semaphore, #tpu.memory_space<semaphore_mem>>
        %dma_start3A_96 = arith.constant 78 : i32
        %dma_start3A_97 = arith.constant 0 : i32
        %dma_start3A_98 = tpu.memref_slice %arg7[%dma_start3A_96, %dma_start3A_97] : memref<79x128xi32, #tpu.memory_space<vmem>> -> memref<1x128xi32, #tpu.memory_space<vmem>>
        %dma_start3A_99 = arith.constant 0 : i32
        %dma_start3A_100 = tpu.memref_slice %arg2[%add3A_93, %dma_start3A_99] : memref<2500x128xi32, #tpu.memory_space<hbm>> -> memref<1x128xi32, #tpu.memory_space<hbm>>
        %dma_start3A_101 = arith.constant 78 : i32
        %dma_start3A_102 = arith.constant 0 : i32
        %dma_start3A_103 = tpu.memref_slice %arg7[%dma_start3A_101, %dma_start3A_102] : memref<79x128xi32, #tpu.memory_space<vmem>> -> memref<1x128xi32, #tpu.memory_space<vmem>>
        %dma_start3A_104 = arith.constant 0 : i32
        %dma_start3A_105 = tpu.memref_slice %arg2[%add3A_93, %dma_start3A_104] : memref<2500x128xi32, #tpu.memory_space<hbm>> -> memref<1x128xi32, #tpu.memory_space<hbm>>
        tpu.enqueue_dma source(%dma_start3A_105 : memref<1x128xi32, #tpu.memory_space<hbm>>) target(%dma_start3A_103 : memref<1x128xi32, #tpu.memory_space<vmem>>) target_semaphore(%run_scoped3A : memref<!tpu.dma_semaphore, #tpu.memory_space<semaphore_mem>>)
        %dma_wait3A = arith.constant 78 : i32
        %dma_wait3A_106 = arith.constant 0 : i32
        %dma_wait3A_107 = tpu.memref_slice %arg7[%dma_wait3A, %dma_wait3A_106] : memref<79x128xi32, #tpu.memory_space<vmem>> -> memref<1x128xi32, #tpu.memory_space<vmem>>
        %dma_wait3A_108 = arith.constant 0 : i32
        %dma_wait3A_109 = tpu.memref_slice %arg2[%add3A_93, %dma_wait3A_108] : memref<2500x128xi32, #tpu.memory_space<hbm>> -> memref<1x128xi32, #tpu.memory_space<hbm>>
        %dma_wait3A_110 = arith.constant 78 : i32
        %dma_wait3A_111 = arith.constant 0 : i32
        %dma_wait3A_112 = tpu.memref_slice %arg7[%dma_wait3A_110, %dma_wait3A_111] : memref<79x128xi32, #tpu.memory_space<vmem>> -> memref<1x128xi32, #tpu.memory_space<vmem>>
        %dma_wait3A_113 = arith.constant 0 : i32
        %dma_wait3A_114 = tpu.memref_slice %arg2[%add3A_93, %dma_wait3A_113] : memref<2500x128xi32, #tpu.memory_space<hbm>> -> memref<1x128xi32, #tpu.memory_space<hbm>>
        tpu.wait_dma2 semaphore(%run_scoped3A : memref<!tpu.dma_semaphore, #tpu.memory_space<semaphore_mem>>) src(%dma_wait3A_114 : memref<1x128xi32, #tpu.memory_space<hbm>>) dst(%dma_wait3A_112 : memref<1x128xi32, #tpu.memory_space<vmem>>)
        tpu.yield
      }) : () -> ()
      %add3A_94 = arith.constant 2496 : i32
      %add3A_95 = arith.addi %add3A_94, %add3A : i32
      "tpu.region"() ({
        %run_scoped3A = tpu.sem_alloc : memref<!tpu.dma_semaphore, #tpu.memory_space<semaphore_mem>>
        %dma_start3A_96 = arith.constant 78 : i32
        %dma_start3A_97 = arith.constant 0 : i32
        %dma_start3A_98 = tpu.memref_slice %arg8[%dma_start3A_96, %dma_start3A_97] : memref<79x128xi32, #tpu.memory_space<vmem>> -> memref<1x128xi32, #tpu.memory_space<vmem>>
        %dma_start3A_99 = arith.constant 0 : i32
        %dma_start3A_100 = tpu.memref_slice %arg3[%add3A_95, %dma_start3A_99] : memref<2500x128xi32, #tpu.memory_space<hbm>> -> memref<1x128xi32, #tpu.memory_space<hbm>>
        %dma_start3A_101 = arith.constant 78 : i32
        %dma_start3A_102 = arith.constant 0 : i32
        %dma_start3A_103 = tpu.memref_slice %arg8[%dma_start3A_101, %dma_start3A_102] : memref<79x128xi32, #tpu.memory_space<vmem>> -> memref<1x128xi32, #tpu.memory_space<vmem>>
        %dma_start3A_104 = arith.constant 0 : i32
        %dma_start3A_105 = tpu.memref_slice %arg3[%add3A_95, %dma_start3A_104] : memref<2500x128xi32, #tpu.memory_space<hbm>> -> memref<1x128xi32, #tpu.memory_space<hbm>>
        tpu.enqueue_dma source(%dma_start3A_105 : memref<1x128xi32, #tpu.memory_space<hbm>>) target(%dma_start3A_103 : memref<1x128xi32, #tpu.memory_space<vmem>>) target_semaphore(%run_scoped3A : memref<!tpu.dma_semaphore, #tpu.memory_space<semaphore_mem>>)
        %dma_wait3A = arith.constant 78 : i32
        %dma_wait3A_106 = arith.constant 0 : i32
        %dma_wait3A_107 = tpu.memref_slice %arg8[%dma_wait3A, %dma_wait3A_106] : memref<79x128xi32, #tpu.memory_space<vmem>> -> memref<1x128xi32, #tpu.memory_space<vmem>>
        %dma_wait3A_108 = arith.constant 0 : i32
        %dma_wait3A_109 = tpu.memref_slice %arg3[%add3A_95, %dma_wait3A_108] : memref<2500x128xi32, #tpu.memory_space<hbm>> -> memref<1x128xi32, #tpu.memory_space<hbm>>
        %dma_wait3A_110 = arith.constant 78 : i32
        %dma_wait3A_111 = arith.constant 0 : i32
        %dma_wait3A_112 = tpu.memref_slice %arg8[%dma_wait3A_110, %dma_wait3A_111] : memref<79x128xi32, #tpu.memory_space<vmem>> -> memref<1x128xi32, #tpu.memory_space<vmem>>
        %dma_wait3A_113 = arith.constant 0 : i32
        %dma_wait3A_114 = tpu.memref_slice %arg3[%add3A_95, %dma_wait3A_113] : memref<2500x128xi32, #tpu.memory_space<hbm>> -> memref<1x128xi32, #tpu.memory_space<hbm>>
        tpu.wait_dma2 semaphore(%run_scoped3A : memref<!tpu.dma_semaphore, #tpu.memory_space<semaphore_mem>>) src(%dma_wait3A_114 : memref<1x128xi32, #tpu.memory_space<hbm>>) dst(%dma_wait3A_112 : memref<1x128xi32, #tpu.memory_space<vmem>>)
        tpu.yield
      }) : () -> ()
    } else {
    }
    "tpu.region"() ({
      %run_scoped3A = tpu.sem_alloc : memref<!tpu.dma_semaphore, #tpu.memory_space<semaphore_mem>>
      %dma_start3A_92 = arith.constant 0 : i32
      %dma_start3A_93 = tpu.memref_slice %arg11[%mul3A_2, %dma_start3A_92] : memref<10000x32xf32, #tpu.memory_space<vmem_shared>> -> memref<625x32xf32, #tpu.memory_space<vmem_shared>>
      %dma_start3A_94 = arith.constant 0 : i32
      %dma_start3A_95 = tpu.memref_slice %arg4[%mul3A_2, %dma_start3A_94] : memref<10000x128xf32, #tpu.memory_space<hbm>> -> memref<625x32xf32, #tpu.memory_space<hbm>>
      tpu.enqueue_dma source(%dma_start3A_95 : memref<625x32xf32, #tpu.memory_space<hbm>>) target(%dma_start3A_93 : memref<625x32xf32, #tpu.memory_space<vmem_shared>>) target_semaphore(%run_scoped3A : memref<!tpu.dma_semaphore, #tpu.memory_space<semaphore_mem>>)
      %dma_wait3A = arith.constant 0 : i32
      %dma_wait3A_96 = tpu.memref_slice %arg11[%mul3A_2, %dma_wait3A] : memref<10000x32xf32, #tpu.memory_space<vmem_shared>> -> memref<625x32xf32, #tpu.memory_space<vmem_shared>>
      %dma_wait3A_97 = arith.constant 0 : i32
      %dma_wait3A_98 = tpu.memref_slice %arg4[%mul3A_2, %dma_wait3A_97] : memref<10000x128xf32, #tpu.memory_space<hbm>> -> memref<625x32xf32, #tpu.memory_space<hbm>>
      tpu.wait_dma2 semaphore(%run_scoped3A : memref<!tpu.dma_semaphore, #tpu.memory_space<semaphore_mem>>) src(%dma_wait3A_98 : memref<625x32xf32, #tpu.memory_space<hbm>>) dst(%dma_wait3A_96 : memref<625x32xf32, #tpu.memory_space<vmem_shared>>)
      tpu.yield
    }) : () -> ()
    "tpu.region"() ({
      %run_scoped3A = tpu.sem_alloc : memref<!tpu.dma_semaphore, #tpu.memory_space<semaphore_mem>>
      %dma_start3A_92 = arith.constant 0 : i32
      %dma_start3A_93 = tpu.memref_slice %arg10[%mul3A_2, %dma_start3A_92] : memref<10000x32xf32, #tpu.memory_space<vmem_shared>> -> memref<625x32xf32, #tpu.memory_space<vmem_shared>>
      tpu.enqueue_dma source(%arg5 : memref<625x32xf32, #tpu.memory_space<hbm>>) target(%dma_start3A_93 : memref<625x32xf32, #tpu.memory_space<vmem_shared>>) target_semaphore(%run_scoped3A : memref<!tpu.dma_semaphore, #tpu.memory_space<semaphore_mem>>)
      %dma_wait3A = arith.constant 0 : i32
      %dma_wait3A_94 = tpu.memref_slice %arg10[%mul3A_2, %dma_wait3A] : memref<10000x32xf32, #tpu.memory_space<vmem_shared>> -> memref<625x32xf32, #tpu.memory_space<vmem_shared>>
      tpu.wait_dma2 semaphore(%run_scoped3A : memref<!tpu.dma_semaphore, #tpu.memory_space<semaphore_mem>>) src(%arg5 : memref<625x32xf32, #tpu.memory_space<hbm>>) dst(%dma_wait3A_94 : memref<625x32xf32, #tpu.memory_space<vmem_shared>>)
      tpu.yield
    }) : () -> ()
    %barrier3A = arith.constant 0 : index
    tpu.barrier barrier_id(%barrier3A)
    %dma_start3A = arith.constant 0 : i32
    %dma_start3A_9 = arith.constant 0 : i32
    %dma_start3A_10 = arith.constant 0 : i32
    %dma_start3A_11 = arith.constant 0 : i32
    %dma_start3A_12 = tpu.memref_slice %arg9[%dma_start3A_9, %dma_start3A_10, %dma_start3A_11] : memref<6x128x32xf32, #tpu.memory_space<vmem>> -> memref<1x128x32xf32, #tpu.memory_space<vmem>>
    %dma_start3A_13 = tpu.memref_squeeze %dma_start3A_12 : memref<1x128x32xf32, #tpu.memory_space<vmem>> -> memref<128x32xf32, #tpu.memory_space<vmem>>
    %dma_start3A_14 = arith.constant 0 : i32
    %dma_start3A_15 = tpu.memref_slice %arg7[%dma_start3A, %dma_start3A_14] : memref<79x128xi32, #tpu.memory_space<vmem>> -> memref<1x128xi32, #tpu.memory_space<vmem>>
    %dma_start3A_16 = tpu.memref_squeeze %dma_start3A_15 : memref<1x128xi32, #tpu.memory_space<vmem>> -> memref<128xi32, #tpu.memory_space<vmem>>
    %dma_start3A_17 = arith.constant 0 : i32
    %dma_start3A_18 = arith.constant 0 : i32
    %dma_start3A_19 = tpu.memref_slice %arg11[%dma_start3A_17, %dma_start3A_18] : memref<10000x32xf32, #tpu.memory_space<vmem_shared>> -> memref<10000x32xf32, #tpu.memory_space<vmem_shared>>
    tpu.enqueue_indirect_dma source(%dma_start3A_19 : memref<10000x32xf32, #tpu.memory_space<vmem_shared>>) target(%dma_start3A_13 : memref<128x32xf32, #tpu.memory_space<vmem>>) offsets(%dma_start3A_16 : memref<128xi32, #tpu.memory_space<vmem>>) semaphore(%arg12 : memref<!tpu.dma_semaphore, #tpu.memory_space<semaphore_mem>>)
    %dma_start3A_20 = arith.constant 1 : i32
    %dma_start3A_21 = arith.constant 1 : i32
    %dma_start3A_22 = arith.constant 0 : i32
    %dma_start3A_23 = arith.constant 0 : i32
    %dma_start3A_24 = tpu.memref_slice %arg9[%dma_start3A_21, %dma_start3A_22, %dma_start3A_23] : memref<6x128x32xf32, #tpu.memory_space<vmem>> -> memref<1x128x32xf32, #tpu.memory_space<vmem>>
    %dma_start3A_25 = tpu.memref_squeeze %dma_start3A_24 : memref<1x128x32xf32, #tpu.memory_space<vmem>> -> memref<128x32xf32, #tpu.memory_space<vmem>>
    %dma_start3A_26 = arith.constant 0 : i32
    %dma_start3A_27 = tpu.memref_slice %arg7[%dma_start3A_20, %dma_start3A_26] : memref<79x128xi32, #tpu.memory_space<vmem>> -> memref<1x128xi32, #tpu.memory_space<vmem>>
    %dma_start3A_28 = tpu.memref_squeeze %dma_start3A_27 : memref<1x128xi32, #tpu.memory_space<vmem>> -> memref<128xi32, #tpu.memory_space<vmem>>
    %dma_start3A_29 = arith.constant 0 : i32
    %dma_start3A_30 = arith.constant 0 : i32
    %dma_start3A_31 = tpu.memref_slice %arg11[%dma_start3A_29, %dma_start3A_30] : memref<10000x32xf32, #tpu.memory_space<vmem_shared>> -> memref<10000x32xf32, #tpu.memory_space<vmem_shared>>
    tpu.enqueue_indirect_dma source(%dma_start3A_31 : memref<10000x32xf32, #tpu.memory_space<vmem_shared>>) target(%dma_start3A_25 : memref<128x32xf32, #tpu.memory_space<vmem>>) offsets(%dma_start3A_28 : memref<128xi32, #tpu.memory_space<vmem>>) semaphore(%arg13 : memref<!tpu.dma_semaphore, #tpu.memory_space<semaphore_mem>>)
    %dma_start3A_32 = arith.constant 2 : i32
    %dma_start3A_33 = arith.constant 2 : i32
    %dma_start3A_34 = arith.constant 0 : i32
    %dma_start3A_35 = arith.constant 0 : i32
    %dma_start3A_36 = tpu.memref_slice %arg9[%dma_start3A_33, %dma_start3A_34, %dma_start3A_35] : memref<6x128x32xf32, #tpu.memory_space<vmem>> -> memref<1x128x32xf32, #tpu.memory_space<vmem>>
    %dma_start3A_37 = tpu.memref_squeeze %dma_start3A_36 : memref<1x128x32xf32, #tpu.memory_space<vmem>> -> memref<128x32xf32, #tpu.memory_space<vmem>>
    %dma_start3A_38 = arith.constant 0 : i32
    %dma_start3A_39 = tpu.memref_slice %arg7[%dma_start3A_32, %dma_start3A_38] : memref<79x128xi32, #tpu.memory_space<vmem>> -> memref<1x128xi32, #tpu.memory_space<vmem>>
    %dma_start3A_40 = tpu.memref_squeeze %dma_start3A_39 : memref<1x128xi32, #tpu.memory_space<vmem>> -> memref<128xi32, #tpu.memory_space<vmem>>
    %dma_start3A_41 = arith.constant 0 : i32
    %dma_start3A_42 = arith.constant 0 : i32
    %dma_start3A_43 = tpu.memref_slice %arg11[%dma_start3A_41, %dma_start3A_42] : memref<10000x32xf32, #tpu.memory_space<vmem_shared>> -> memref<10000x32xf32, #tpu.memory_space<vmem_shared>>
    tpu.enqueue_indirect_dma source(%dma_start3A_43 : memref<10000x32xf32, #tpu.memory_space<vmem_shared>>) target(%dma_start3A_37 : memref<128x32xf32, #tpu.memory_space<vmem>>) offsets(%dma_start3A_40 : memref<128xi32, #tpu.memory_space<vmem>>) semaphore(%arg14 : memref<!tpu.dma_semaphore, #tpu.memory_space<semaphore_mem>>)
    %dma_start3A_44 = arith.constant 3 : i32
    %dma_start3A_45 = arith.constant 3 : i32
    %dma_start3A_46 = arith.constant 0 : i32
    %dma_start3A_47 = arith.constant 0 : i32
    %dma_start3A_48 = tpu.memref_slice %arg9[%dma_start3A_45, %dma_start3A_46, %dma_start3A_47] : memref<6x128x32xf32, #tpu.memory_space<vmem>> -> memref<1x128x32xf32, #tpu.memory_space<vmem>>
    %dma_start3A_49 = tpu.memref_squeeze %dma_start3A_48 : memref<1x128x32xf32, #tpu.memory_space<vmem>> -> memref<128x32xf32, #tpu.memory_space<vmem>>
    %dma_start3A_50 = arith.constant 0 : i32
    %dma_start3A_51 = tpu.memref_slice %arg7[%dma_start3A_44, %dma_start3A_50] : memref<79x128xi32, #tpu.memory_space<vmem>> -> memref<1x128xi32, #tpu.memory_space<vmem>>
    %dma_start3A_52 = tpu.memref_squeeze %dma_start3A_51 : memref<1x128xi32, #tpu.memory_space<vmem>> -> memref<128xi32, #tpu.memory_space<vmem>>
    %dma_start3A_53 = arith.constant 0 : i32
    %dma_start3A_54 = arith.constant 0 : i32
    %dma_start3A_55 = tpu.memref_slice %arg11[%dma_start3A_53, %dma_start3A_54] : memref<10000x32xf32, #tpu.memory_space<vmem_shared>> -> memref<10000x32xf32, #tpu.memory_space<vmem_shared>>
    tpu.enqueue_indirect_dma source(%dma_start3A_55 : memref<10000x32xf32, #tpu.memory_space<vmem_shared>>) target(%dma_start3A_49 : memref<128x32xf32, #tpu.memory_space<vmem>>) offsets(%dma_start3A_52 : memref<128xi32, #tpu.memory_space<vmem>>) semaphore(%arg15 : memref<!tpu.dma_semaphore, #tpu.memory_space<semaphore_mem>>)
    %dma_start3A_56 = arith.constant 4 : i32
    %dma_start3A_57 = arith.constant 4 : i32
    %dma_start3A_58 = arith.constant 0 : i32
    %dma_start3A_59 = arith.constant 0 : i32
    %dma_start3A_60 = tpu.memref_slice %arg9[%dma_start3A_57, %dma_start3A_58, %dma_start3A_59] : memref<6x128x32xf32, #tpu.memory_space<vmem>> -> memref<1x128x32xf32, #tpu.memory_space<vmem>>
    %dma_start3A_61 = tpu.memref_squeeze %dma_start3A_60 : memref<1x128x32xf32, #tpu.memory_space<vmem>> -> memref<128x32xf32, #tpu.memory_space<vmem>>
    %dma_start3A_62 = arith.constant 0 : i32
    %dma_start3A_63 = tpu.memref_slice %arg7[%dma_start3A_56, %dma_start3A_62] : memref<79x128xi32, #tpu.memory_space<vmem>> -> memref<1x128xi32, #tpu.memory_space<vmem>>
    %dma_start3A_64 = tpu.memref_squeeze %dma_start3A_63 : memref<1x128xi32, #tpu.memory_space<vmem>> -> memref<128xi32, #tpu.memory_space<vmem>>
    %dma_start3A_65 = arith.constant 0 : i32
    %dma_start3A_66 = arith.constant 0 : i32
    %dma_start3A_67 = tpu.memref_slice %arg11[%dma_start3A_65, %dma_start3A_66] : memref<10000x32xf32, #tpu.memory_space<vmem_shared>> -> memref<10000x32xf32, #tpu.memory_space<vmem_shared>>
    tpu.enqueue_indirect_dma source(%dma_start3A_67 : memref<10000x32xf32, #tpu.memory_space<vmem_shared>>) target(%dma_start3A_61 : memref<128x32xf32, #tpu.memory_space<vmem>>) offsets(%dma_start3A_64 : memref<128xi32, #tpu.memory_space<vmem>>) semaphore(%arg16 : memref<!tpu.dma_semaphore, #tpu.memory_space<semaphore_mem>>)
    %dma_start3A_68 = arith.constant 5 : i32
    %dma_start3A_69 = arith.constant 5 : i32
    %dma_start3A_70 = arith.constant 0 : i32
    %dma_start3A_71 = arith.constant 0 : i32
    %dma_start3A_72 = tpu.memref_slice %arg9[%dma_start3A_69, %dma_start3A_70, %dma_start3A_71] : memref<6x128x32xf32, #tpu.memory_space<vmem>> -> memref<1x128x32xf32, #tpu.memory_space<vmem>>
    %dma_start3A_73 = tpu.memref_squeeze %dma_start3A_72 : memref<1x128x32xf32, #tpu.memory_space<vmem>> -> memref<128x32xf32, #tpu.memory_space<vmem>>
    %dma_start3A_74 = arith.constant 0 : i32
    %dma_start3A_75 = tpu.memref_slice %arg7[%dma_start3A_68, %dma_start3A_74] : memref<79x128xi32, #tpu.memory_space<vmem>> -> memref<1x128xi32, #tpu.memory_space<vmem>>
    %dma_start3A_76 = tpu.memref_squeeze %dma_start3A_75 : memref<1x128xi32, #tpu.memory_space<vmem>> -> memref<128xi32, #tpu.memory_space<vmem>>
    %dma_start3A_77 = arith.constant 0 : i32
    %dma_start3A_78 = arith.constant 0 : i32
    %dma_start3A_79 = tpu.memref_slice %arg11[%dma_start3A_77, %dma_start3A_78] : memref<10000x32xf32, #tpu.memory_space<vmem_shared>> -> memref<10000x32xf32, #tpu.memory_space<vmem_shared>>
    tpu.enqueue_indirect_dma source(%dma_start3A_79 : memref<10000x32xf32, #tpu.memory_space<vmem_shared>>) target(%dma_start3A_73 : memref<128x32xf32, #tpu.memory_space<vmem>>) offsets(%dma_start3A_76 : memref<128xi32, #tpu.memory_space<vmem>>) semaphore(%arg17 : memref<!tpu.dma_semaphore, #tpu.memory_space<semaphore_mem>>)
    %scan3A = arith.constant 0 : i32
    %scan3A_80 = arith.constant 13 : i32
    %scan3A_81 = arith.addi %scan3A, %scan3A_80 : i32
    %scan3A_82 = arith.constant 1 : i32
    scf.for %scan3A_92 = %scan3A to %scan3A_81 step %scan3A_82  : i32 {
      %mul3A_93 = arith.constant 6 : i32
      %mul3A_94 = arith.muli %scan3A_92, %mul3A_93 : i32
      %add3A_95 = arith.constant 0 : i32
      %add3A_96 = arith.addi %add3A_95, %mul3A_94 : i32
      %add3A_97 = arith.constant 0 : i32
      %add3A_98 = arith.addi %add3A_96, %add3A_97 : i32
      %dma_wait3A = arith.constant 0 : i32
      %dma_wait3A_99 = arith.constant 0 : i32
      %dma_wait3A_100 = arith.constant 0 : i32
      %dma_wait3A_101 = tpu.memref_slice %arg9[%dma_wait3A, %dma_wait3A_99, %dma_wait3A_100] : memref<6x128x32xf32, #tpu.memory_space<vmem>> -> memref<1x128x32xf32, #tpu.memory_space<vmem>>
      %dma_wait3A_102 = tpu.memref_squeeze %dma_wait3A_101 : memref<1x128x32xf32, #tpu.memory_space<vmem>> -> memref<128x32xf32, #tpu.memory_space<vmem>>
      %dma_wait3A_103 = arith.constant 0 : i32
      %dma_wait3A_104 = tpu.memref_slice %arg7[%add3A_98, %dma_wait3A_103] : memref<79x128xi32, #tpu.memory_space<vmem>> -> memref<1x128xi32, #tpu.memory_space<vmem>>
      %dma_wait3A_105 = tpu.memref_squeeze %dma_wait3A_104 : memref<1x128xi32, #tpu.memory_space<vmem>> -> memref<128xi32, #tpu.memory_space<vmem>>
      %dma_wait3A_106 = arith.constant 0 : i32
      %dma_wait3A_107 = arith.constant 0 : i32
      %dma_wait3A_108 = tpu.memref_slice %arg11[%dma_wait3A_106, %dma_wait3A_107] : memref<10000x32xf32, #tpu.memory_space<vmem_shared>> -> memref<10000x32xf32, #tpu.memory_space<vmem_shared>>
      tpu.wait_indirect_dma semaphore(%arg12 : memref<!tpu.dma_semaphore, #tpu.memory_space<semaphore_mem>>) src(%dma_wait3A_108 : memref<10000x32xf32, #tpu.memory_space<vmem_shared>>) dst(%dma_wait3A_102 : memref<128x32xf32, #tpu.memory_space<vmem>>)
      %run_scoped3A = arith.constant 0 : i32
      "tpu.region"() ({
        %run_scoped3A_221 = tpu.sem_alloc : memref<!tpu.dma_semaphore, #tpu.memory_space<semaphore_mem>>
        %dma_start3A_222 = arith.constant 0 : i32
        %dma_start3A_223 = arith.constant 0 : i32
        %dma_start3A_224 = tpu.memref_slice %arg9[%run_scoped3A, %dma_start3A_222, %dma_start3A_223] : memref<6x128x32xf32, #tpu.memory_space<vmem>> -> memref<1x128x32xf32, #tpu.memory_space<vmem>>
        %dma_start3A_225 = tpu.memref_squeeze %dma_start3A_224 : memref<1x128x32xf32, #tpu.memory_space<vmem>> -> memref<128x32xf32, #tpu.memory_space<vmem>>
        %dma_start3A_226 = arith.constant 0 : i32
        %dma_start3A_227 = tpu.memref_slice %arg8[%add3A_98, %dma_start3A_226] : memref<79x128xi32, #tpu.memory_space<vmem>> -> memref<1x128xi32, #tpu.memory_space<vmem>>
        %dma_start3A_228 = tpu.memref_squeeze %dma_start3A_227 : memref<1x128xi32, #tpu.memory_space<vmem>> -> memref<128xi32, #tpu.memory_space<vmem>>
        %dma_start3A_229 = arith.constant 0 : i32
        %dma_start3A_230 = arith.constant 0 : i32
        %dma_start3A_231 = tpu.memref_slice %arg10[%dma_start3A_229, %dma_start3A_230] : memref<10000x32xf32, #tpu.memory_space<vmem_shared>> -> memref<10000x32xf32, #tpu.memory_space<vmem_shared>>
        tpu.enqueue_indirect_dma source(%dma_start3A_225 : memref<128x32xf32, #tpu.memory_space<vmem>>) target(%dma_start3A_231 : memref<10000x32xf32, #tpu.memory_space<vmem_shared>>) offsets(%dma_start3A_228 : memref<128xi32, #tpu.memory_space<vmem>>) semaphore(%run_scoped3A_221 : memref<!tpu.dma_semaphore, #tpu.memory_space<semaphore_mem>>) {add = true}
        %dma_wait3A_232 = arith.constant 0 : i32
        %dma_wait3A_233 = arith.constant 0 : i32
        %dma_wait3A_234 = tpu.memref_slice %arg9[%run_scoped3A, %dma_wait3A_232, %dma_wait3A_233] : memref<6x128x32xf32, #tpu.memory_space<vmem>> -> memref<1x128x32xf32, #tpu.memory_space<vmem>>
        %dma_wait3A_235 = tpu.memref_squeeze %dma_wait3A_234 : memref<1x128x32xf32, #tpu.memory_space<vmem>> -> memref<128x32xf32, #tpu.memory_space<vmem>>
        %dma_wait3A_236 = arith.constant 0 : i32
        %dma_wait3A_237 = tpu.memref_slice %arg8[%add3A_98, %dma_wait3A_236] : memref<79x128xi32, #tpu.memory_space<vmem>> -> memref<1x128xi32, #tpu.memory_space<vmem>>
        %dma_wait3A_238 = tpu.memref_squeeze %dma_wait3A_237 : memref<1x128xi32, #tpu.memory_space<vmem>> -> memref<128xi32, #tpu.memory_space<vmem>>
        %dma_wait3A_239 = arith.constant 0 : i32
        %dma_wait3A_240 = arith.constant 0 : i32
        %dma_wait3A_241 = tpu.memref_slice %arg10[%dma_wait3A_239, %dma_wait3A_240] : memref<10000x32xf32, #tpu.memory_space<vmem_shared>> -> memref<10000x32xf32, #tpu.memory_space<vmem_shared>>
        tpu.wait_indirect_dma semaphore(%run_scoped3A_221 : memref<!tpu.dma_semaphore, #tpu.memory_space<semaphore_mem>>) src(%dma_wait3A_235 : memref<128x32xf32, #tpu.memory_space<vmem>>) dst(%dma_wait3A_241 : memref<10000x32xf32, #tpu.memory_space<vmem_shared>>)
        tpu.yield
      }) : () -> ()
      %add3A_109 = arith.constant 6 : i32
      %add3A_110 = arith.addi %add3A_98, %add3A_109 : i32
      %lt3A_111 = arith.constant 78 : i32
      %lt3A_112 = arith.cmpi slt, %add3A_110, %lt3A_111 : i32
      %convert_element_type3A_113 = arith.extui %lt3A_112 : i1 to i32
      %cond3A_114 = arith.constant 0 : i32
      %cond3A_115 = arith.cmpi ne, %convert_element_type3A_113, %cond3A_114 : i32
      scf.if %cond3A_115 {
        %add3A_221 = arith.constant 6 : i32
        %add3A_222 = arith.addi %add3A_98, %add3A_221 : i32
        %dma_start3A_223 = arith.constant 0 : i32
        %dma_start3A_224 = arith.constant 0 : i32
        %dma_start3A_225 = arith.constant 0 : i32
        %dma_start3A_226 = tpu.memref_slice %arg9[%dma_start3A_223, %dma_start3A_224, %dma_start3A_225] : memref<6x128x32xf32, #tpu.memory_space<vmem>> -> memref<1x128x32xf32, #tpu.memory_space<vmem>>
        %dma_start3A_227 = tpu.memref_squeeze %dma_start3A_226 : memref<1x128x32xf32, #tpu.memory_space<vmem>> -> memref<128x32xf32, #tpu.memory_space<vmem>>
        %dma_start3A_228 = arith.constant 0 : i32
        %dma_start3A_229 = tpu.memref_slice %arg7[%add3A_222, %dma_start3A_228] : memref<79x128xi32, #tpu.memory_space<vmem>> -> memref<1x128xi32, #tpu.memory_space<vmem>>
        %dma_start3A_230 = tpu.memref_squeeze %dma_start3A_229 : memref<1x128xi32, #tpu.memory_space<vmem>> -> memref<128xi32, #tpu.memory_space<vmem>>
        %dma_start3A_231 = arith.constant 0 : i32
        %dma_start3A_232 = arith.constant 0 : i32
        %dma_start3A_233 = tpu.memref_slice %arg11[%dma_start3A_231, %dma_start3A_232] : memref<10000x32xf32, #tpu.memory_space<vmem_shared>> -> memref<10000x32xf32, #tpu.memory_space<vmem_shared>>
        tpu.enqueue_indirect_dma source(%dma_start3A_233 : memref<10000x32xf32, #tpu.memory_space<vmem_shared>>) target(%dma_start3A_227 : memref<128x32xf32, #tpu.memory_space<vmem>>) offsets(%dma_start3A_230 : memref<128xi32, #tpu.memory_space<vmem>>) semaphore(%arg12 : memref<!tpu.dma_semaphore, #tpu.memory_space<semaphore_mem>>)
      } else {
      }
      %add3A_116 = arith.constant 1 : i32
      %add3A_117 = arith.addi %add3A_96, %add3A_116 : i32
      %dma_wait3A_118 = arith.constant 1 : i32
      %dma_wait3A_119 = arith.constant 0 : i32
      %dma_wait3A_120 = arith.constant 0 : i32
      %dma_wait3A_121 = tpu.memref_slice %arg9[%dma_wait3A_118, %dma_wait3A_119, %dma_wait3A_120] : memref<6x128x32xf32, #tpu.memory_space<vmem>> -> memref<1x128x32xf32, #tpu.memory_space<vmem>>
      %dma_wait3A_122 = tpu.memref_squeeze %dma_wait3A_121 : memref<1x128x32xf32, #tpu.memory_space<vmem>> -> memref<128x32xf32, #tpu.memory_space<vmem>>
      %dma_wait3A_123 = arith.constant 0 : i32
      %dma_wait3A_124 = tpu.memref_slice %arg7[%add3A_117, %dma_wait3A_123] : memref<79x128xi32, #tpu.memory_space<vmem>> -> memref<1x128xi32, #tpu.memory_space<vmem>>
      %dma_wait3A_125 = tpu.memref_squeeze %dma_wait3A_124 : memref<1x128xi32, #tpu.memory_space<vmem>> -> memref<128xi32, #tpu.memory_space<vmem>>
      %dma_wait3A_126 = arith.constant 0 : i32
      %dma_wait3A_127 = arith.constant 0 : i32
      %dma_wait3A_128 = tpu.memref_slice %arg11[%dma_wait3A_126, %dma_wait3A_127] : memref<10000x32xf32, #tpu.memory_space<vmem_shared>> -> memref<10000x32xf32, #tpu.memory_space<vmem_shared>>
      tpu.wait_indirect_dma semaphore(%arg13 : memref<!tpu.dma_semaphore, #tpu.memory_space<semaphore_mem>>) src(%dma_wait3A_128 : memref<10000x32xf32, #tpu.memory_space<vmem_shared>>) dst(%dma_wait3A_122 : memref<128x32xf32, #tpu.memory_space<vmem>>)
      %run_scoped3A_129 = arith.constant 1 : i32
      "tpu.region"() ({
        %run_scoped3A_221 = tpu.sem_alloc : memref<!tpu.dma_semaphore, #tpu.memory_space<semaphore_mem>>
        %dma_start3A_222 = arith.constant 0 : i32
        %dma_start3A_223 = arith.constant 0 : i32
        %dma_start3A_224 = tpu.memref_slice %arg9[%run_scoped3A_129, %dma_start3A_222, %dma_start3A_223] : memref<6x128x32xf32, #tpu.memory_space<vmem>> -> memref<1x128x32xf32, #tpu.memory_space<vmem>>
        %dma_start3A_225 = tpu.memref_squeeze %dma_start3A_224 : memref<1x128x32xf32, #tpu.memory_space<vmem>> -> memref<128x32xf32, #tpu.memory_space<vmem>>
        %dma_start3A_226 = arith.constant 0 : i32
        %dma_start3A_227 = tpu.memref_slice %arg8[%add3A_117, %dma_start3A_226] : memref<79x128xi32, #tpu.memory_space<vmem>> -> memref<1x128xi32, #tpu.memory_space<vmem>>
        %dma_start3A_228 = tpu.memref_squeeze %dma_start3A_227 : memref<1x128xi32, #tpu.memory_space<vmem>> -> memref<128xi32, #tpu.memory_space<vmem>>
        %dma_start3A_229 = arith.constant 0 : i32
        %dma_start3A_230 = arith.constant 0 : i32
        %dma_start3A_231 = tpu.memref_slice %arg10[%dma_start3A_229, %dma_start3A_230] : memref<10000x32xf32, #tpu.memory_space<vmem_shared>> -> memref<10000x32xf32, #tpu.memory_space<vmem_shared>>
        tpu.enqueue_indirect_dma source(%dma_start3A_225 : memref<128x32xf32, #tpu.memory_space<vmem>>) target(%dma_start3A_231 : memref<10000x32xf32, #tpu.memory_space<vmem_shared>>) offsets(%dma_start3A_228 : memref<128xi32, #tpu.memory_space<vmem>>) semaphore(%run_scoped3A_221 : memref<!tpu.dma_semaphore, #tpu.memory_space<semaphore_mem>>) {add = true}
        %dma_wait3A_232 = arith.constant 0 : i32
        %dma_wait3A_233 = arith.constant 0 : i32
        %dma_wait3A_234 = tpu.memref_slice %arg9[%run_scoped3A_129, %dma_wait3A_232, %dma_wait3A_233] : memref<6x128x32xf32, #tpu.memory_space<vmem>> -> memref<1x128x32xf32, #tpu.memory_space<vmem>>
        %dma_wait3A_235 = tpu.memref_squeeze %dma_wait3A_234 : memref<1x128x32xf32, #tpu.memory_space<vmem>> -> memref<128x32xf32, #tpu.memory_space<vmem>>
        %dma_wait3A_236 = arith.constant 0 : i32
        %dma_wait3A_237 = tpu.memref_slice %arg8[%add3A_117, %dma_wait3A_236] : memref<79x128xi32, #tpu.memory_space<vmem>> -> memref<1x128xi32, #tpu.memory_space<vmem>>
        %dma_wait3A_238 = tpu.memref_squeeze %dma_wait3A_237 : memref<1x128xi32, #tpu.memory_space<vmem>> -> memref<128xi32, #tpu.memory_space<vmem>>
        %dma_wait3A_239 = arith.constant 0 : i32
        %dma_wait3A_240 = arith.constant 0 : i32
        %dma_wait3A_241 = tpu.memref_slice %arg10[%dma_wait3A_239, %dma_wait3A_240] : memref<10000x32xf32, #tpu.memory_space<vmem_shared>> -> memref<10000x32xf32, #tpu.memory_space<vmem_shared>>
        tpu.wait_indirect_dma semaphore(%run_scoped3A_221 : memref<!tpu.dma_semaphore, #tpu.memory_space<semaphore_mem>>) src(%dma_wait3A_235 : memref<128x32xf32, #tpu.memory_space<vmem>>) dst(%dma_wait3A_241 : memref<10000x32xf32, #tpu.memory_space<vmem_shared>>)
        tpu.yield
      }) : () -> ()
      %add3A_130 = arith.constant 6 : i32
      %add3A_131 = arith.addi %add3A_117, %add3A_130 : i32
      %lt3A_132 = arith.constant 78 : i32
      %lt3A_133 = arith.cmpi slt, %add3A_131, %lt3A_132 : i32
      %convert_element_type3A_134 = arith.extui %lt3A_133 : i1 to i32
      %cond3A_135 = arith.constant 0 : i32
      %cond3A_136 = arith.cmpi ne, %convert_element_type3A_134, %cond3A_135 : i32
      scf.if %cond3A_136 {
        %add3A_221 = arith.constant 6 : i32
        %add3A_222 = arith.addi %add3A_117, %add3A_221 : i32
        %dma_start3A_223 = arith.constant 1 : i32
        %dma_start3A_224 = arith.constant 0 : i32
        %dma_start3A_225 = arith.constant 0 : i32
        %dma_start3A_226 = tpu.memref_slice %arg9[%dma_start3A_223, %dma_start3A_224, %dma_start3A_225] : memref<6x128x32xf32, #tpu.memory_space<vmem>> -> memref<1x128x32xf32, #tpu.memory_space<vmem>>
        %dma_start3A_227 = tpu.memref_squeeze %dma_start3A_226 : memref<1x128x32xf32, #tpu.memory_space<vmem>> -> memref<128x32xf32, #tpu.memory_space<vmem>>
        %dma_start3A_228 = arith.constant 0 : i32
        %dma_start3A_229 = tpu.memref_slice %arg7[%add3A_222, %dma_start3A_228] : memref<79x128xi32, #tpu.memory_space<vmem>> -> memref<1x128xi32, #tpu.memory_space<vmem>>
        %dma_start3A_230 = tpu.memref_squeeze %dma_start3A_229 : memref<1x128xi32, #tpu.memory_space<vmem>> -> memref<128xi32, #tpu.memory_space<vmem>>
        %dma_start3A_231 = arith.constant 0 : i32
        %dma_start3A_232 = arith.constant 0 : i32
        %dma_start3A_233 = tpu.memref_slice %arg11[%dma_start3A_231, %dma_start3A_232] : memref<10000x32xf32, #tpu.memory_space<vmem_shared>> -> memref<10000x32xf32, #tpu.memory_space<vmem_shared>>
        tpu.enqueue_indirect_dma source(%dma_start3A_233 : memref<10000x32xf32, #tpu.memory_space<vmem_shared>>) target(%dma_start3A_227 : memref<128x32xf32, #tpu.memory_space<vmem>>) offsets(%dma_start3A_230 : memref<128xi32, #tpu.memory_space<vmem>>) semaphore(%arg13 : memref<!tpu.dma_semaphore, #tpu.memory_space<semaphore_mem>>)
      } else {
      }
      %add3A_137 = arith.constant 2 : i32
      %add3A_138 = arith.addi %add3A_96, %add3A_137 : i32
      %dma_wait3A_139 = arith.constant 2 : i32
      %dma_wait3A_140 = arith.constant 0 : i32
      %dma_wait3A_141 = arith.constant 0 : i32
      %dma_wait3A_142 = tpu.memref_slice %arg9[%dma_wait3A_139, %dma_wait3A_140, %dma_wait3A_141] : memref<6x128x32xf32, #tpu.memory_space<vmem>> -> memref<1x128x32xf32, #tpu.memory_space<vmem>>
      %dma_wait3A_143 = tpu.memref_squeeze %dma_wait3A_142 : memref<1x128x32xf32, #tpu.memory_space<vmem>> -> memref<128x32xf32, #tpu.memory_space<vmem>>
      %dma_wait3A_144 = arith.constant 0 : i32
      %dma_wait3A_145 = tpu.memref_slice %arg7[%add3A_138, %dma_wait3A_144] : memref<79x128xi32, #tpu.memory_space<vmem>> -> memref<1x128xi32, #tpu.memory_space<vmem>>
      %dma_wait3A_146 = tpu.memref_squeeze %dma_wait3A_145 : memref<1x128xi32, #tpu.memory_space<vmem>> -> memref<128xi32, #tpu.memory_space<vmem>>
      %dma_wait3A_147 = arith.constant 0 : i32
      %dma_wait3A_148 = arith.constant 0 : i32
      %dma_wait3A_149 = tpu.memref_slice %arg11[%dma_wait3A_147, %dma_wait3A_148] : memref<10000x32xf32, #tpu.memory_space<vmem_shared>> -> memref<10000x32xf32, #tpu.memory_space<vmem_shared>>
      tpu.wait_indirect_dma semaphore(%arg14 : memref<!tpu.dma_semaphore, #tpu.memory_space<semaphore_mem>>) src(%dma_wait3A_149 : memref<10000x32xf32, #tpu.memory_space<vmem_shared>>) dst(%dma_wait3A_143 : memref<128x32xf32, #tpu.memory_space<vmem>>)
      %run_scoped3A_150 = arith.constant 2 : i32
      "tpu.region"() ({
        %run_scoped3A_221 = tpu.sem_alloc : memref<!tpu.dma_semaphore, #tpu.memory_space<semaphore_mem>>
        %dma_start3A_222 = arith.constant 0 : i32
        %dma_start3A_223 = arith.constant 0 : i32
        %dma_start3A_224 = tpu.memref_slice %arg9[%run_scoped3A_150, %dma_start3A_222, %dma_start3A_223] : memref<6x128x32xf32, #tpu.memory_space<vmem>> -> memref<1x128x32xf32, #tpu.memory_space<vmem>>
        %dma_start3A_225 = tpu.memref_squeeze %dma_start3A_224 : memref<1x128x32xf32, #tpu.memory_space<vmem>> -> memref<128x32xf32, #tpu.memory_space<vmem>>
        %dma_start3A_226 = arith.constant 0 : i32
        %dma_start3A_227 = tpu.memref_slice %arg8[%add3A_138, %dma_start3A_226] : memref<79x128xi32, #tpu.memory_space<vmem>> -> memref<1x128xi32, #tpu.memory_space<vmem>>
        %dma_start3A_228 = tpu.memref_squeeze %dma_start3A_227 : memref<1x128xi32, #tpu.memory_space<vmem>> -> memref<128xi32, #tpu.memory_space<vmem>>
        %dma_start3A_229 = arith.constant 0 : i32
        %dma_start3A_230 = arith.constant 0 : i32
        %dma_start3A_231 = tpu.memref_slice %arg10[%dma_start3A_229, %dma_start3A_230] : memref<10000x32xf32, #tpu.memory_space<vmem_shared>> -> memref<10000x32xf32, #tpu.memory_space<vmem_shared>>
        tpu.enqueue_indirect_dma source(%dma_start3A_225 : memref<128x32xf32, #tpu.memory_space<vmem>>) target(%dma_start3A_231 : memref<10000x32xf32, #tpu.memory_space<vmem_shared>>) offsets(%dma_start3A_228 : memref<128xi32, #tpu.memory_space<vmem>>) semaphore(%run_scoped3A_221 : memref<!tpu.dma_semaphore, #tpu.memory_space<semaphore_mem>>) {add = true}
        %dma_wait3A_232 = arith.constant 0 : i32
        %dma_wait3A_233 = arith.constant 0 : i32
        %dma_wait3A_234 = tpu.memref_slice %arg9[%run_scoped3A_150, %dma_wait3A_232, %dma_wait3A_233] : memref<6x128x32xf32, #tpu.memory_space<vmem>> -> memref<1x128x32xf32, #tpu.memory_space<vmem>>
        %dma_wait3A_235 = tpu.memref_squeeze %dma_wait3A_234 : memref<1x128x32xf32, #tpu.memory_space<vmem>> -> memref<128x32xf32, #tpu.memory_space<vmem>>
        %dma_wait3A_236 = arith.constant 0 : i32
        %dma_wait3A_237 = tpu.memref_slice %arg8[%add3A_138, %dma_wait3A_236] : memref<79x128xi32, #tpu.memory_space<vmem>> -> memref<1x128xi32, #tpu.memory_space<vmem>>
        %dma_wait3A_238 = tpu.memref_squeeze %dma_wait3A_237 : memref<1x128xi32, #tpu.memory_space<vmem>> -> memref<128xi32, #tpu.memory_space<vmem>>
        %dma_wait3A_239 = arith.constant 0 : i32
        %dma_wait3A_240 = arith.constant 0 : i32
        %dma_wait3A_241 = tpu.memref_slice %arg10[%dma_wait3A_239, %dma_wait3A_240] : memref<10000x32xf32, #tpu.memory_space<vmem_shared>> -> memref<10000x32xf32, #tpu.memory_space<vmem_shared>>
        tpu.wait_indirect_dma semaphore(%run_scoped3A_221 : memref<!tpu.dma_semaphore, #tpu.memory_space<semaphore_mem>>) src(%dma_wait3A_235 : memref<128x32xf32, #tpu.memory_space<vmem>>) dst(%dma_wait3A_241 : memref<10000x32xf32, #tpu.memory_space<vmem_shared>>)
        tpu.yield
      }) : () -> ()
      %add3A_151 = arith.constant 6 : i32
      %add3A_152 = arith.addi %add3A_138, %add3A_151 : i32
      %lt3A_153 = arith.constant 78 : i32
      %lt3A_154 = arith.cmpi slt, %add3A_152, %lt3A_153 : i32
      %convert_element_type3A_155 = arith.extui %lt3A_154 : i1 to i32
      %cond3A_156 = arith.constant 0 : i32
      %cond3A_157 = arith.cmpi ne, %convert_element_type3A_155, %cond3A_156 : i32
      scf.if %cond3A_157 {
        %add3A_221 = arith.constant 6 : i32
        %add3A_222 = arith.addi %add3A_138, %add3A_221 : i32
        %dma_start3A_223 = arith.constant 2 : i32
        %dma_start3A_224 = arith.constant 0 : i32
        %dma_start3A_225 = arith.constant 0 : i32
        %dma_start3A_226 = tpu.memref_slice %arg9[%dma_start3A_223, %dma_start3A_224, %dma_start3A_225] : memref<6x128x32xf32, #tpu.memory_space<vmem>> -> memref<1x128x32xf32, #tpu.memory_space<vmem>>
        %dma_start3A_227 = tpu.memref_squeeze %dma_start3A_226 : memref<1x128x32xf32, #tpu.memory_space<vmem>> -> memref<128x32xf32, #tpu.memory_space<vmem>>
        %dma_start3A_228 = arith.constant 0 : i32
        %dma_start3A_229 = tpu.memref_slice %arg7[%add3A_222, %dma_start3A_228] : memref<79x128xi32, #tpu.memory_space<vmem>> -> memref<1x128xi32, #tpu.memory_space<vmem>>
        %dma_start3A_230 = tpu.memref_squeeze %dma_start3A_229 : memref<1x128xi32, #tpu.memory_space<vmem>> -> memref<128xi32, #tpu.memory_space<vmem>>
        %dma_start3A_231 = arith.constant 0 : i32
        %dma_start3A_232 = arith.constant 0 : i32
        %dma_start3A_233 = tpu.memref_slice %arg11[%dma_start3A_231, %dma_start3A_232] : memref<10000x32xf32, #tpu.memory_space<vmem_shared>> -> memref<10000x32xf32, #tpu.memory_space<vmem_shared>>
        tpu.enqueue_indirect_dma source(%dma_start3A_233 : memref<10000x32xf32, #tpu.memory_space<vmem_shared>>) target(%dma_start3A_227 : memref<128x32xf32, #tpu.memory_space<vmem>>) offsets(%dma_start3A_230 : memref<128xi32, #tpu.memory_space<vmem>>) semaphore(%arg14 : memref<!tpu.dma_semaphore, #tpu.memory_space<semaphore_mem>>)
      } else {
      }
      %add3A_158 = arith.constant 3 : i32
      %add3A_159 = arith.addi %add3A_96, %add3A_158 : i32
      %dma_wait3A_160 = arith.constant 3 : i32
      %dma_wait3A_161 = arith.constant 0 : i32
      %dma_wait3A_162 = arith.constant 0 : i32
      %dma_wait3A_163 = tpu.memref_slice %arg9[%dma_wait3A_160, %dma_wait3A_161, %dma_wait3A_162] : memref<6x128x32xf32, #tpu.memory_space<vmem>> -> memref<1x128x32xf32, #tpu.memory_space<vmem>>
      %dma_wait3A_164 = tpu.memref_squeeze %dma_wait3A_163 : memref<1x128x32xf32, #tpu.memory_space<vmem>> -> memref<128x32xf32, #tpu.memory_space<vmem>>
      %dma_wait3A_165 = arith.constant 0 : i32
      %dma_wait3A_166 = tpu.memref_slice %arg7[%add3A_159, %dma_wait3A_165] : memref<79x128xi32, #tpu.memory_space<vmem>> -> memref<1x128xi32, #tpu.memory_space<vmem>>
      %dma_wait3A_167 = tpu.memref_squeeze %dma_wait3A_166 : memref<1x128xi32, #tpu.memory_space<vmem>> -> memref<128xi32, #tpu.memory_space<vmem>>
      %dma_wait3A_168 = arith.constant 0 : i32
      %dma_wait3A_169 = arith.constant 0 : i32
      %dma_wait3A_170 = tpu.memref_slice %arg11[%dma_wait3A_168, %dma_wait3A_169] : memref<10000x32xf32, #tpu.memory_space<vmem_shared>> -> memref<10000x32xf32, #tpu.memory_space<vmem_shared>>
      tpu.wait_indirect_dma semaphore(%arg15 : memref<!tpu.dma_semaphore, #tpu.memory_space<semaphore_mem>>) src(%dma_wait3A_170 : memref<10000x32xf32, #tpu.memory_space<vmem_shared>>) dst(%dma_wait3A_164 : memref<128x32xf32, #tpu.memory_space<vmem>>)
      %run_scoped3A_171 = arith.constant 3 : i32
      "tpu.region"() ({
        %run_scoped3A_221 = tpu.sem_alloc : memref<!tpu.dma_semaphore, #tpu.memory_space<semaphore_mem>>
        %dma_start3A_222 = arith.constant 0 : i32
        %dma_start3A_223 = arith.constant 0 : i32
        %dma_start3A_224 = tpu.memref_slice %arg9[%run_scoped3A_171, %dma_start3A_222, %dma_start3A_223] : memref<6x128x32xf32, #tpu.memory_space<vmem>> -> memref<1x128x32xf32, #tpu.memory_space<vmem>>
        %dma_start3A_225 = tpu.memref_squeeze %dma_start3A_224 : memref<1x128x32xf32, #tpu.memory_space<vmem>> -> memref<128x32xf32, #tpu.memory_space<vmem>>
        %dma_start3A_226 = arith.constant 0 : i32
        %dma_start3A_227 = tpu.memref_slice %arg8[%add3A_159, %dma_start3A_226] : memref<79x128xi32, #tpu.memory_space<vmem>> -> memref<1x128xi32, #tpu.memory_space<vmem>>
        %dma_start3A_228 = tpu.memref_squeeze %dma_start3A_227 : memref<1x128xi32, #tpu.memory_space<vmem>> -> memref<128xi32, #tpu.memory_space<vmem>>
        %dma_start3A_229 = arith.constant 0 : i32
        %dma_start3A_230 = arith.constant 0 : i32
        %dma_start3A_231 = tpu.memref_slice %arg10[%dma_start3A_229, %dma_start3A_230] : memref<10000x32xf32, #tpu.memory_space<vmem_shared>> -> memref<10000x32xf32, #tpu.memory_space<vmem_shared>>
        tpu.enqueue_indirect_dma source(%dma_start3A_225 : memref<128x32xf32, #tpu.memory_space<vmem>>) target(%dma_start3A_231 : memref<10000x32xf32, #tpu.memory_space<vmem_shared>>) offsets(%dma_start3A_228 : memref<128xi32, #tpu.memory_space<vmem>>) semaphore(%run_scoped3A_221 : memref<!tpu.dma_semaphore, #tpu.memory_space<semaphore_mem>>) {add = true}
        %dma_wait3A_232 = arith.constant 0 : i32
        %dma_wait3A_233 = arith.constant 0 : i32
        %dma_wait3A_234 = tpu.memref_slice %arg9[%run_scoped3A_171, %dma_wait3A_232, %dma_wait3A_233] : memref<6x128x32xf32, #tpu.memory_space<vmem>> -> memref<1x128x32xf32, #tpu.memory_space<vmem>>
        %dma_wait3A_235 = tpu.memref_squeeze %dma_wait3A_234 : memref<1x128x32xf32, #tpu.memory_space<vmem>> -> memref<128x32xf32, #tpu.memory_space<vmem>>
        %dma_wait3A_236 = arith.constant 0 : i32
        %dma_wait3A_237 = tpu.memref_slice %arg8[%add3A_159, %dma_wait3A_236] : memref<79x128xi32, #tpu.memory_space<vmem>> -> memref<1x128xi32, #tpu.memory_space<vmem>>
        %dma_wait3A_238 = tpu.memref_squeeze %dma_wait3A_237 : memref<1x128xi32, #tpu.memory_space<vmem>> -> memref<128xi32, #tpu.memory_space<vmem>>
        %dma_wait3A_239 = arith.constant 0 : i32
        %dma_wait3A_240 = arith.constant 0 : i32
        %dma_wait3A_241 = tpu.memref_slice %arg10[%dma_wait3A_239, %dma_wait3A_240] : memref<10000x32xf32, #tpu.memory_space<vmem_shared>> -> memref<10000x32xf32, #tpu.memory_space<vmem_shared>>
        tpu.wait_indirect_dma semaphore(%run_scoped3A_221 : memref<!tpu.dma_semaphore, #tpu.memory_space<semaphore_mem>>) src(%dma_wait3A_235 : memref<128x32xf32, #tpu.memory_space<vmem>>) dst(%dma_wait3A_241 : memref<10000x32xf32, #tpu.memory_space<vmem_shared>>)
        tpu.yield
      }) : () -> ()
      %add3A_172 = arith.constant 6 : i32
      %add3A_173 = arith.addi %add3A_159, %add3A_172 : i32
      %lt3A_174 = arith.constant 78 : i32
      %lt3A_175 = arith.cmpi slt, %add3A_173, %lt3A_174 : i32
      %convert_element_type3A_176 = arith.extui %lt3A_175 : i1 to i32
      %cond3A_177 = arith.constant 0 : i32
      %cond3A_178 = arith.cmpi ne, %convert_element_type3A_176, %cond3A_177 : i32
      scf.if %cond3A_178 {
        %add3A_221 = arith.constant 6 : i32
        %add3A_222 = arith.addi %add3A_159, %add3A_221 : i32
        %dma_start3A_223 = arith.constant 3 : i32
        %dma_start3A_224 = arith.constant 0 : i32
        %dma_start3A_225 = arith.constant 0 : i32
        %dma_start3A_226 = tpu.memref_slice %arg9[%dma_start3A_223, %dma_start3A_224, %dma_start3A_225] : memref<6x128x32xf32, #tpu.memory_space<vmem>> -> memref<1x128x32xf32, #tpu.memory_space<vmem>>
        %dma_start3A_227 = tpu.memref_squeeze %dma_start3A_226 : memref<1x128x32xf32, #tpu.memory_space<vmem>> -> memref<128x32xf32, #tpu.memory_space<vmem>>
        %dma_start3A_228 = arith.constant 0 : i32
        %dma_start3A_229 = tpu.memref_slice %arg7[%add3A_222, %dma_start3A_228] : memref<79x128xi32, #tpu.memory_space<vmem>> -> memref<1x128xi32, #tpu.memory_space<vmem>>
        %dma_start3A_230 = tpu.memref_squeeze %dma_start3A_229 : memref<1x128xi32, #tpu.memory_space<vmem>> -> memref<128xi32, #tpu.memory_space<vmem>>
        %dma_start3A_231 = arith.constant 0 : i32
        %dma_start3A_232 = arith.constant 0 : i32
        %dma_start3A_233 = tpu.memref_slice %arg11[%dma_start3A_231, %dma_start3A_232] : memref<10000x32xf32, #tpu.memory_space<vmem_shared>> -> memref<10000x32xf32, #tpu.memory_space<vmem_shared>>
        tpu.enqueue_indirect_dma source(%dma_start3A_233 : memref<10000x32xf32, #tpu.memory_space<vmem_shared>>) target(%dma_start3A_227 : memref<128x32xf32, #tpu.memory_space<vmem>>) offsets(%dma_start3A_230 : memref<128xi32, #tpu.memory_space<vmem>>) semaphore(%arg15 : memref<!tpu.dma_semaphore, #tpu.memory_space<semaphore_mem>>)
      } else {
      }
      %add3A_179 = arith.constant 4 : i32
      %add3A_180 = arith.addi %add3A_96, %add3A_179 : i32
      %dma_wait3A_181 = arith.constant 4 : i32
      %dma_wait3A_182 = arith.constant 0 : i32
      %dma_wait3A_183 = arith.constant 0 : i32
      %dma_wait3A_184 = tpu.memref_slice %arg9[%dma_wait3A_181, %dma_wait3A_182, %dma_wait3A_183] : memref<6x128x32xf32, #tpu.memory_space<vmem>> -> memref<1x128x32xf32, #tpu.memory_space<vmem>>
      %dma_wait3A_185 = tpu.memref_squeeze %dma_wait3A_184 : memref<1x128x32xf32, #tpu.memory_space<vmem>> -> memref<128x32xf32, #tpu.memory_space<vmem>>
      %dma_wait3A_186 = arith.constant 0 : i32
      %dma_wait3A_187 = tpu.memref_slice %arg7[%add3A_180, %dma_wait3A_186] : memref<79x128xi32, #tpu.memory_space<vmem>> -> memref<1x128xi32, #tpu.memory_space<vmem>>
      %dma_wait3A_188 = tpu.memref_squeeze %dma_wait3A_187 : memref<1x128xi32, #tpu.memory_space<vmem>> -> memref<128xi32, #tpu.memory_space<vmem>>
      %dma_wait3A_189 = arith.constant 0 : i32
      %dma_wait3A_190 = arith.constant 0 : i32
      %dma_wait3A_191 = tpu.memref_slice %arg11[%dma_wait3A_189, %dma_wait3A_190] : memref<10000x32xf32, #tpu.memory_space<vmem_shared>> -> memref<10000x32xf32, #tpu.memory_space<vmem_shared>>
      tpu.wait_indirect_dma semaphore(%arg16 : memref<!tpu.dma_semaphore, #tpu.memory_space<semaphore_mem>>) src(%dma_wait3A_191 : memref<10000x32xf32, #tpu.memory_space<vmem_shared>>) dst(%dma_wait3A_185 : memref<128x32xf32, #tpu.memory_space<vmem>>)
      %run_scoped3A_192 = arith.constant 4 : i32
      "tpu.region"() ({
        %run_scoped3A_221 = tpu.sem_alloc : memref<!tpu.dma_semaphore, #tpu.memory_space<semaphore_mem>>
        %dma_start3A_222 = arith.constant 0 : i32
        %dma_start3A_223 = arith.constant 0 : i32
        %dma_start3A_224 = tpu.memref_slice %arg9[%run_scoped3A_192, %dma_start3A_222, %dma_start3A_223] : memref<6x128x32xf32, #tpu.memory_space<vmem>> -> memref<1x128x32xf32, #tpu.memory_space<vmem>>
        %dma_start3A_225 = tpu.memref_squeeze %dma_start3A_224 : memref<1x128x32xf32, #tpu.memory_space<vmem>> -> memref<128x32xf32, #tpu.memory_space<vmem>>
        %dma_start3A_226 = arith.constant 0 : i32
        %dma_start3A_227 = tpu.memref_slice %arg8[%add3A_180, %dma_start3A_226] : memref<79x128xi32, #tpu.memory_space<vmem>> -> memref<1x128xi32, #tpu.memory_space<vmem>>
        %dma_start3A_228 = tpu.memref_squeeze %dma_start3A_227 : memref<1x128xi32, #tpu.memory_space<vmem>> -> memref<128xi32, #tpu.memory_space<vmem>>
        %dma_start3A_229 = arith.constant 0 : i32
        %dma_start3A_230 = arith.constant 0 : i32
        %dma_start3A_231 = tpu.memref_slice %arg10[%dma_start3A_229, %dma_start3A_230] : memref<10000x32xf32, #tpu.memory_space<vmem_shared>> -> memref<10000x32xf32, #tpu.memory_space<vmem_shared>>
        tpu.enqueue_indirect_dma source(%dma_start3A_225 : memref<128x32xf32, #tpu.memory_space<vmem>>) target(%dma_start3A_231 : memref<10000x32xf32, #tpu.memory_space<vmem_shared>>) offsets(%dma_start3A_228 : memref<128xi32, #tpu.memory_space<vmem>>) semaphore(%run_scoped3A_221 : memref<!tpu.dma_semaphore, #tpu.memory_space<semaphore_mem>>) {add = true}
        %dma_wait3A_232 = arith.constant 0 : i32
        %dma_wait3A_233 = arith.constant 0 : i32
        %dma_wait3A_234 = tpu.memref_slice %arg9[%run_scoped3A_192, %dma_wait3A_232, %dma_wait3A_233] : memref<6x128x32xf32, #tpu.memory_space<vmem>> -> memref<1x128x32xf32, #tpu.memory_space<vmem>>
        %dma_wait3A_235 = tpu.memref_squeeze %dma_wait3A_234 : memref<1x128x32xf32, #tpu.memory_space<vmem>> -> memref<128x32xf32, #tpu.memory_space<vmem>>
        %dma_wait3A_236 = arith.constant 0 : i32
        %dma_wait3A_237 = tpu.memref_slice %arg8[%add3A_180, %dma_wait3A_236] : memref<79x128xi32, #tpu.memory_space<vmem>> -> memref<1x128xi32, #tpu.memory_space<vmem>>
        %dma_wait3A_238 = tpu.memref_squeeze %dma_wait3A_237 : memref<1x128xi32, #tpu.memory_space<vmem>> -> memref<128xi32, #tpu.memory_space<vmem>>
        %dma_wait3A_239 = arith.constant 0 : i32
        %dma_wait3A_240 = arith.constant 0 : i32
        %dma_wait3A_241 = tpu.memref_slice %arg10[%dma_wait3A_239, %dma_wait3A_240] : memref<10000x32xf32, #tpu.memory_space<vmem_shared>> -> memref<10000x32xf32, #tpu.memory_space<vmem_shared>>
        tpu.wait_indirect_dma semaphore(%run_scoped3A_221 : memref<!tpu.dma_semaphore, #tpu.memory_space<semaphore_mem>>) src(%dma_wait3A_235 : memref<128x32xf32, #tpu.memory_space<vmem>>) dst(%dma_wait3A_241 : memref<10000x32xf32, #tpu.memory_space<vmem_shared>>)
        tpu.yield
      }) : () -> ()
      %add3A_193 = arith.constant 6 : i32
      %add3A_194 = arith.addi %add3A_180, %add3A_193 : i32
      %lt3A_195 = arith.constant 78 : i32
      %lt3A_196 = arith.cmpi slt, %add3A_194, %lt3A_195 : i32
      %convert_element_type3A_197 = arith.extui %lt3A_196 : i1 to i32
      %cond3A_198 = arith.constant 0 : i32
      %cond3A_199 = arith.cmpi ne, %convert_element_type3A_197, %cond3A_198 : i32
      scf.if %cond3A_199 {
        %add3A_221 = arith.constant 6 : i32
        %add3A_222 = arith.addi %add3A_180, %add3A_221 : i32
        %dma_start3A_223 = arith.constant 4 : i32
        %dma_start3A_224 = arith.constant 0 : i32
        %dma_start3A_225 = arith.constant 0 : i32
        %dma_start3A_226 = tpu.memref_slice %arg9[%dma_start3A_223, %dma_start3A_224, %dma_start3A_225] : memref<6x128x32xf32, #tpu.memory_space<vmem>> -> memref<1x128x32xf32, #tpu.memory_space<vmem>>
        %dma_start3A_227 = tpu.memref_squeeze %dma_start3A_226 : memref<1x128x32xf32, #tpu.memory_space<vmem>> -> memref<128x32xf32, #tpu.memory_space<vmem>>
        %dma_start3A_228 = arith.constant 0 : i32
        %dma_start3A_229 = tpu.memref_slice %arg7[%add3A_222, %dma_start3A_228] : memref<79x128xi32, #tpu.memory_space<vmem>> -> memref<1x128xi32, #tpu.memory_space<vmem>>
        %dma_start3A_230 = tpu.memref_squeeze %dma_start3A_229 : memref<1x128xi32, #tpu.memory_space<vmem>> -> memref<128xi32, #tpu.memory_space<vmem>>
        %dma_start3A_231 = arith.constant 0 : i32
        %dma_start3A_232 = arith.constant 0 : i32
        %dma_start3A_233 = tpu.memref_slice %arg11[%dma_start3A_231, %dma_start3A_232] : memref<10000x32xf32, #tpu.memory_space<vmem_shared>> -> memref<10000x32xf32, #tpu.memory_space<vmem_shared>>
        tpu.enqueue_indirect_dma source(%dma_start3A_233 : memref<10000x32xf32, #tpu.memory_space<vmem_shared>>) target(%dma_start3A_227 : memref<128x32xf32, #tpu.memory_space<vmem>>) offsets(%dma_start3A_230 : memref<128xi32, #tpu.memory_space<vmem>>) semaphore(%arg16 : memref<!tpu.dma_semaphore, #tpu.memory_space<semaphore_mem>>)
      } else {
      }
      %add3A_200 = arith.constant 5 : i32
      %add3A_201 = arith.addi %add3A_96, %add3A_200 : i32
      %dma_wait3A_202 = arith.constant 5 : i32
      %dma_wait3A_203 = arith.constant 0 : i32
      %dma_wait3A_204 = arith.constant 0 : i32
      %dma_wait3A_205 = tpu.memref_slice %arg9[%dma_wait3A_202, %dma_wait3A_203, %dma_wait3A_204] : memref<6x128x32xf32, #tpu.memory_space<vmem>> -> memref<1x128x32xf32, #tpu.memory_space<vmem>>
      %dma_wait3A_206 = tpu.memref_squeeze %dma_wait3A_205 : memref<1x128x32xf32, #tpu.memory_space<vmem>> -> memref<128x32xf32, #tpu.memory_space<vmem>>
      %dma_wait3A_207 = arith.constant 0 : i32
      %dma_wait3A_208 = tpu.memref_slice %arg7[%add3A_201, %dma_wait3A_207] : memref<79x128xi32, #tpu.memory_space<vmem>> -> memref<1x128xi32, #tpu.memory_space<vmem>>
      %dma_wait3A_209 = tpu.memref_squeeze %dma_wait3A_208 : memref<1x128xi32, #tpu.memory_space<vmem>> -> memref<128xi32, #tpu.memory_space<vmem>>
      %dma_wait3A_210 = arith.constant 0 : i32
      %dma_wait3A_211 = arith.constant 0 : i32
      %dma_wait3A_212 = tpu.memref_slice %arg11[%dma_wait3A_210, %dma_wait3A_211] : memref<10000x32xf32, #tpu.memory_space<vmem_shared>> -> memref<10000x32xf32, #tpu.memory_space<vmem_shared>>
      tpu.wait_indirect_dma semaphore(%arg17 : memref<!tpu.dma_semaphore, #tpu.memory_space<semaphore_mem>>) src(%dma_wait3A_212 : memref<10000x32xf32, #tpu.memory_space<vmem_shared>>) dst(%dma_wait3A_206 : memref<128x32xf32, #tpu.memory_space<vmem>>)
      %run_scoped3A_213 = arith.constant 5 : i32
      "tpu.region"() ({
        %run_scoped3A_221 = tpu.sem_alloc : memref<!tpu.dma_semaphore, #tpu.memory_space<semaphore_mem>>
        %dma_start3A_222 = arith.constant 0 : i32
        %dma_start3A_223 = arith.constant 0 : i32
        %dma_start3A_224 = tpu.memref_slice %arg9[%run_scoped3A_213, %dma_start3A_222, %dma_start3A_223] : memref<6x128x32xf32, #tpu.memory_space<vmem>> -> memref<1x128x32xf32, #tpu.memory_space<vmem>>
        %dma_start3A_225 = tpu.memref_squeeze %dma_start3A_224 : memref<1x128x32xf32, #tpu.memory_space<vmem>> -> memref<128x32xf32, #tpu.memory_space<vmem>>
        %dma_start3A_226 = arith.constant 0 : i32
        %dma_start3A_227 = tpu.memref_slice %arg8[%add3A_201, %dma_start3A_226] : memref<79x128xi32, #tpu.memory_space<vmem>> -> memref<1x128xi32, #tpu.memory_space<vmem>>
        %dma_start3A_228 = tpu.memref_squeeze %dma_start3A_227 : memref<1x128xi32, #tpu.memory_space<vmem>> -> memref<128xi32, #tpu.memory_space<vmem>>
        %dma_start3A_229 = arith.constant 0 : i32
        %dma_start3A_230 = arith.constant 0 : i32
        %dma_start3A_231 = tpu.memref_slice %arg10[%dma_start3A_229, %dma_start3A_230] : memref<10000x32xf32, #tpu.memory_space<vmem_shared>> -> memref<10000x32xf32, #tpu.memory_space<vmem_shared>>
        tpu.enqueue_indirect_dma source(%dma_start3A_225 : memref<128x32xf32, #tpu.memory_space<vmem>>) target(%dma_start3A_231 : memref<10000x32xf32, #tpu.memory_space<vmem_shared>>) offsets(%dma_start3A_228 : memref<128xi32, #tpu.memory_space<vmem>>) semaphore(%run_scoped3A_221 : memref<!tpu.dma_semaphore, #tpu.memory_space<semaphore_mem>>) {add = true}
        %dma_wait3A_232 = arith.constant 0 : i32
        %dma_wait3A_233 = arith.constant 0 : i32
        %dma_wait3A_234 = tpu.memref_slice %arg9[%run_scoped3A_213, %dma_wait3A_232, %dma_wait3A_233] : memref<6x128x32xf32, #tpu.memory_space<vmem>> -> memref<1x128x32xf32, #tpu.memory_space<vmem>>
        %dma_wait3A_235 = tpu.memref_squeeze %dma_wait3A_234 : memref<1x128x32xf32, #tpu.memory_space<vmem>> -> memref<128x32xf32, #tpu.memory_space<vmem>>
        %dma_wait3A_236 = arith.constant 0 : i32
        %dma_wait3A_237 = tpu.memref_slice %arg8[%add3A_201, %dma_wait3A_236] : memref<79x128xi32, #tpu.memory_space<vmem>> -> memref<1x128xi32, #tpu.memory_space<vmem>>
        %dma_wait3A_238 = tpu.memref_squeeze %dma_wait3A_237 : memref<1x128xi32, #tpu.memory_space<vmem>> -> memref<128xi32, #tpu.memory_space<vmem>>
        %dma_wait3A_239 = arith.constant 0 : i32
        %dma_wait3A_240 = arith.constant 0 : i32
        %dma_wait3A_241 = tpu.memref_slice %arg10[%dma_wait3A_239, %dma_wait3A_240] : memref<10000x32xf32, #tpu.memory_space<vmem_shared>> -> memref<10000x32xf32, #tpu.memory_space<vmem_shared>>
        tpu.wait_indirect_dma semaphore(%run_scoped3A_221 : memref<!tpu.dma_semaphore, #tpu.memory_space<semaphore_mem>>) src(%dma_wait3A_235 : memref<128x32xf32, #tpu.memory_space<vmem>>) dst(%dma_wait3A_241 : memref<10000x32xf32, #tpu.memory_space<vmem_shared>>)
        tpu.yield
      }) : () -> ()
      %add3A_214 = arith.constant 6 : i32
      %add3A_215 = arith.addi %add3A_201, %add3A_214 : i32
      %lt3A_216 = arith.constant 78 : i32
      %lt3A_217 = arith.cmpi slt, %add3A_215, %lt3A_216 : i32
      %convert_element_type3A_218 = arith.extui %lt3A_217 : i1 to i32
      %cond3A_219 = arith.constant 0 : i32
      %cond3A_220 = arith.cmpi ne, %convert_element_type3A_218, %cond3A_219 : i32
      scf.if %cond3A_220 {
        %add3A_221 = arith.constant 6 : i32
        %add3A_222 = arith.addi %add3A_201, %add3A_221 : i32
        %dma_start3A_223 = arith.constant 5 : i32
        %dma_start3A_224 = arith.constant 0 : i32
        %dma_start3A_225 = arith.constant 0 : i32
        %dma_start3A_226 = tpu.memref_slice %arg9[%dma_start3A_223, %dma_start3A_224, %dma_start3A_225] : memref<6x128x32xf32, #tpu.memory_space<vmem>> -> memref<1x128x32xf32, #tpu.memory_space<vmem>>
        %dma_start3A_227 = tpu.memref_squeeze %dma_start3A_226 : memref<1x128x32xf32, #tpu.memory_space<vmem>> -> memref<128x32xf32, #tpu.memory_space<vmem>>
        %dma_start3A_228 = arith.constant 0 : i32
        %dma_start3A_229 = tpu.memref_slice %arg7[%add3A_222, %dma_start3A_228] : memref<79x128xi32, #tpu.memory_space<vmem>> -> memref<1x128xi32, #tpu.memory_space<vmem>>
        %dma_start3A_230 = tpu.memref_squeeze %dma_start3A_229 : memref<1x128xi32, #tpu.memory_space<vmem>> -> memref<128xi32, #tpu.memory_space<vmem>>
        %dma_start3A_231 = arith.constant 0 : i32
        %dma_start3A_232 = arith.constant 0 : i32
        %dma_start3A_233 = tpu.memref_slice %arg11[%dma_start3A_231, %dma_start3A_232] : memref<10000x32xf32, #tpu.memory_space<vmem_shared>> -> memref<10000x32xf32, #tpu.memory_space<vmem_shared>>
        tpu.enqueue_indirect_dma source(%dma_start3A_233 : memref<10000x32xf32, #tpu.memory_space<vmem_shared>>) target(%dma_start3A_227 : memref<128x32xf32, #tpu.memory_space<vmem>>) offsets(%dma_start3A_230 : memref<128xi32, #tpu.memory_space<vmem>>) semaphore(%arg17 : memref<!tpu.dma_semaphore, #tpu.memory_space<semaphore_mem>>)
      } else {
      }
    }
    %scan3A_83 = arith.constant 13 : i32
    %lt3A_84 = arith.constant 4 : i32
    %lt3A_85 = arith.cmpi slt, %add3A, %lt3A_84 : i32
    %convert_element_type3A_86 = arith.extui %lt3A_85 : i1 to i32
    %cond3A_87 = arith.constant 0 : i32
    %cond3A_88 = arith.cmpi ne, %convert_element_type3A_86, %cond3A_87 : i32
    scf.if %cond3A_88 {
      %dma_start3A_92 = arith.constant 78 : i32
      %dma_start3A_93 = arith.constant 0 : i32
      %dma_start3A_94 = arith.constant 0 : i32
      %dma_start3A_95 = arith.constant 0 : i32
      %dma_start3A_96 = tpu.memref_slice %arg9[%dma_start3A_93, %dma_start3A_94, %dma_start3A_95] : memref<6x128x32xf32, #tpu.memory_space<vmem>> -> memref<1x128x32xf32, #tpu.memory_space<vmem>>
      %dma_start3A_97 = tpu.memref_squeeze %dma_start3A_96 : memref<1x128x32xf32, #tpu.memory_space<vmem>> -> memref<128x32xf32, #tpu.memory_space<vmem>>
      %dma_start3A_98 = arith.constant 0 : i32
      %dma_start3A_99 = tpu.memref_slice %arg7[%dma_start3A_92, %dma_start3A_98] : memref<79x128xi32, #tpu.memory_space<vmem>> -> memref<1x128xi32, #tpu.memory_space<vmem>>
      %dma_start3A_100 = tpu.memref_squeeze %dma_start3A_99 : memref<1x128xi32, #tpu.memory_space<vmem>> -> memref<128xi32, #tpu.memory_space<vmem>>
      %dma_start3A_101 = arith.constant 0 : i32
      %dma_start3A_102 = arith.constant 0 : i32
      %dma_start3A_103 = tpu.memref_slice %arg11[%dma_start3A_101, %dma_start3A_102] : memref<10000x32xf32, #tpu.memory_space<vmem_shared>> -> memref<10000x32xf32, #tpu.memory_space<vmem_shared>>
      tpu.enqueue_indirect_dma source(%dma_start3A_103 : memref<10000x32xf32, #tpu.memory_space<vmem_shared>>) target(%dma_start3A_97 : memref<128x32xf32, #tpu.memory_space<vmem>>) offsets(%dma_start3A_100 : memref<128xi32, #tpu.memory_space<vmem>>) semaphore(%arg12 : memref<!tpu.dma_semaphore, #tpu.memory_space<semaphore_mem>>)
      %dma_wait3A = arith.constant 78 : i32
      %dma_wait3A_104 = arith.constant 0 : i32
      %dma_wait3A_105 = arith.constant 0 : i32
      %dma_wait3A_106 = arith.constant 0 : i32
      %dma_wait3A_107 = tpu.memref_slice %arg9[%dma_wait3A_104, %dma_wait3A_105, %dma_wait3A_106] : memref<6x128x32xf32, #tpu.memory_space<vmem>> -> memref<1x128x32xf32, #tpu.memory_space<vmem>>
      %dma_wait3A_108 = tpu.memref_squeeze %dma_wait3A_107 : memref<1x128x32xf32, #tpu.memory_space<vmem>> -> memref<128x32xf32, #tpu.memory_space<vmem>>
      %dma_wait3A_109 = arith.constant 0 : i32
      %dma_wait3A_110 = tpu.memref_slice %arg7[%dma_wait3A, %dma_wait3A_109] : memref<79x128xi32, #tpu.memory_space<vmem>> -> memref<1x128xi32, #tpu.memory_space<vmem>>
      %dma_wait3A_111 = tpu.memref_squeeze %dma_wait3A_110 : memref<1x128xi32, #tpu.memory_space<vmem>> -> memref<128xi32, #tpu.memory_space<vmem>>
      %dma_wait3A_112 = arith.constant 0 : i32
      %dma_wait3A_113 = arith.constant 0 : i32
      %dma_wait3A_114 = tpu.memref_slice %arg11[%dma_wait3A_112, %dma_wait3A_113] : memref<10000x32xf32, #tpu.memory_space<vmem_shared>> -> memref<10000x32xf32, #tpu.memory_space<vmem_shared>>
      tpu.wait_indirect_dma semaphore(%arg12 : memref<!tpu.dma_semaphore, #tpu.memory_space<semaphore_mem>>) src(%dma_wait3A_114 : memref<10000x32xf32, #tpu.memory_space<vmem_shared>>) dst(%dma_wait3A_108 : memref<128x32xf32, #tpu.memory_space<vmem>>)
      %run_scoped3A = arith.constant 0 : i32
      %run_scoped3A_115 = arith.constant 78 : i32
      "tpu.region"() ({
        %run_scoped3A_116 = tpu.sem_alloc : memref<!tpu.dma_semaphore, #tpu.memory_space<semaphore_mem>>
        %dma_start3A_117 = arith.constant 0 : i32
        %dma_start3A_118 = arith.constant 0 : i32
        %dma_start3A_119 = tpu.memref_slice %arg9[%run_scoped3A, %dma_start3A_117, %dma_start3A_118] : memref<6x128x32xf32, #tpu.memory_space<vmem>> -> memref<1x128x32xf32, #tpu.memory_space<vmem>>
        %dma_start3A_120 = tpu.memref_squeeze %dma_start3A_119 : memref<1x128x32xf32, #tpu.memory_space<vmem>> -> memref<128x32xf32, #tpu.memory_space<vmem>>
        %dma_start3A_121 = arith.constant 0 : i32
        %dma_start3A_122 = tpu.memref_slice %arg8[%run_scoped3A_115, %dma_start3A_121] : memref<79x128xi32, #tpu.memory_space<vmem>> -> memref<1x128xi32, #tpu.memory_space<vmem>>
        %dma_start3A_123 = tpu.memref_squeeze %dma_start3A_122 : memref<1x128xi32, #tpu.memory_space<vmem>> -> memref<128xi32, #tpu.memory_space<vmem>>
        %dma_start3A_124 = arith.constant 0 : i32
        %dma_start3A_125 = arith.constant 0 : i32
        %dma_start3A_126 = tpu.memref_slice %arg10[%dma_start3A_124, %dma_start3A_125] : memref<10000x32xf32, #tpu.memory_space<vmem_shared>> -> memref<10000x32xf32, #tpu.memory_space<vmem_shared>>
        tpu.enqueue_indirect_dma source(%dma_start3A_120 : memref<128x32xf32, #tpu.memory_space<vmem>>) target(%dma_start3A_126 : memref<10000x32xf32, #tpu.memory_space<vmem_shared>>) offsets(%dma_start3A_123 : memref<128xi32, #tpu.memory_space<vmem>>) semaphore(%run_scoped3A_116 : memref<!tpu.dma_semaphore, #tpu.memory_space<semaphore_mem>>) {add = true}
        %dma_wait3A_127 = arith.constant 0 : i32
        %dma_wait3A_128 = arith.constant 0 : i32
        %dma_wait3A_129 = tpu.memref_slice %arg9[%run_scoped3A, %dma_wait3A_127, %dma_wait3A_128] : memref<6x128x32xf32, #tpu.memory_space<vmem>> -> memref<1x128x32xf32, #tpu.memory_space<vmem>>
        %dma_wait3A_130 = tpu.memref_squeeze %dma_wait3A_129 : memref<1x128x32xf32, #tpu.memory_space<vmem>> -> memref<128x32xf32, #tpu.memory_space<vmem>>
        %dma_wait3A_131 = arith.constant 0 : i32
        %dma_wait3A_132 = tpu.memref_slice %arg8[%run_scoped3A_115, %dma_wait3A_131] : memref<79x128xi32, #tpu.memory_space<vmem>> -> memref<1x128xi32, #tpu.memory_space<vmem>>
        %dma_wait3A_133 = tpu.memref_squeeze %dma_wait3A_132 : memref<1x128xi32, #tpu.memory_space<vmem>> -> memref<128xi32, #tpu.memory_space<vmem>>
        %dma_wait3A_134 = arith.constant 0 : i32
        %dma_wait3A_135 = arith.constant 0 : i32
        %dma_wait3A_136 = tpu.memref_slice %arg10[%dma_wait3A_134, %dma_wait3A_135] : memref<10000x32xf32, #tpu.memory_space<vmem_shared>> -> memref<10000x32xf32, #tpu.memory_space<vmem_shared>>
        tpu.wait_indirect_dma semaphore(%run_scoped3A_116 : memref<!tpu.dma_semaphore, #tpu.memory_space<semaphore_mem>>) src(%dma_wait3A_130 : memref<128x32xf32, #tpu.memory_space<vmem>>) dst(%dma_wait3A_136 : memref<10000x32xf32, #tpu.memory_space<vmem_shared>>)
        tpu.yield
      }) : () -> ()
    } else {
    }
    %barrier3A_89 = arith.constant 0 : index
    tpu.barrier barrier_id(%barrier3A_89)
    %mul3A_90 = arith.constant 32 : i32
    %mul3A_91 = arith.muli %arg0, %mul3A_90 : i32
    "tpu.region"() ({
      %run_scoped3A = tpu.sem_alloc : memref<!tpu.dma_semaphore, #tpu.memory_space<semaphore_mem>>
      %dma_start3A_92 = tpu.memref_slice %arg6[%mul3A_2, %mul3A_91] : memref<10000x128xf32, #tpu.memory_space<hbm>> -> memref<625x32xf32, #tpu.memory_space<hbm>>
      %dma_start3A_93 = arith.constant 0 : i32
      %dma_start3A_94 = tpu.memref_slice %arg10[%mul3A_2, %dma_start3A_93] : memref<10000x32xf32, #tpu.memory_space<vmem_shared>> -> memref<625x32xf32, #tpu.memory_space<vmem_shared>>
      tpu.enqueue_dma source(%dma_start3A_94 : memref<625x32xf32, #tpu.memory_space<vmem_shared>>) target(%dma_start3A_92 : memref<625x32xf32, #tpu.memory_space<hbm>>) target_semaphore(%run_scoped3A : memref<!tpu.dma_semaphore, #tpu.memory_space<semaphore_mem>>)
      %dma_wait3A = tpu.memref_slice %arg6[%mul3A_2, %mul3A_91] : memref<10000x128xf32, #tpu.memory_space<hbm>> -> memref<625x32xf32, #tpu.memory_space<hbm>>
      %dma_wait3A_95 = arith.constant 0 : i32
      %dma_wait3A_96 = tpu.memref_slice %arg10[%mul3A_2, %dma_wait3A_95] : memref<10000x32xf32, #tpu.memory_space<vmem_shared>> -> memref<625x32xf32, #tpu.memory_space<vmem_shared>>
      tpu.wait_dma2 semaphore(%run_scoped3A : memref<!tpu.dma_semaphore, #tpu.memory_space<semaphore_mem>>) src(%dma_wait3A_96 : memref<625x32xf32, #tpu.memory_space<vmem_shared>>) dst(%dma_wait3A : memref<625x32xf32, #tpu.memory_space<hbm>>)
      tpu.yield
    }) : () -> ()
    return
  }
}

module attributes {stable_mosaic.version = 14 : i64} {
  func.func @body(%arg0: i32, %arg1: memref<2000x128xf32, #tpu.memory_space<vmem>>, %arg2: memref<2000x128xf32, #tpu.memory_space<vmem>>, %arg3: memref<128x128xf32, #tpu.memory_space<vmem>>, %arg4: memref<2000x128xf32, #tpu.memory_space<vmem>>, %arg5: memref<2000x1xf32, #tpu.memory_space<vmem>>) attributes {dimension_semantics = [#tpu.dimension_semantics<arbitrary>], iteration_bounds = array<i64: 5>, scalar_prefetch = 0 : i64, scratch_operands = 0 : i64, tpu.core_type = #tpu.core_type<tc>, window_params = [{transform_indices = @transform_0, window_bounds = array<i64: 2000, 128>}, {transform_indices = @transform_1, window_bounds = array<i64: 2000, 128>}, {pipeline_mode = #tpu.pipeline_mode<synchronous>, transform_indices = @transform_2, window_bounds = array<i64: 128, 128>}, {transform_indices = @transform_3, window_bounds = array<i64: 2000, 128>}, {transform_indices = @transform_4, window_bounds = array<i64: 2000, 1>}]} {
    %get3A = arith.constant 0 : index
    %get3A_0 = arith.constant 0 : index
    %get3A_1 = vector.load %arg1[%get3A, %get3A_0] : memref<2000x128xf32, #tpu.memory_space<vmem>>, vector<2000x1xf32>
    %get3A_2 = arith.constant 0 : index
    %get3A_3 = arith.constant 64 : index
    %get3A_4 = vector.load %arg1[%get3A_2, %get3A_3] : memref<2000x128xf32, #tpu.memory_space<vmem>>, vector<2000x1xf32>
    %add3A = arith.addf %get3A_1, %get3A_4 : vector<2000x1xf32>
    %add3A_5 = arith.constant 1.000000e+00 : f32
    %add3A_6 = vector.broadcast %add3A_5 : f32 to vector<2000x1xf32>
    %add3A_7 = arith.addf %add3A, %add3A_6 : vector<2000x1xf32>
    %rsqrt3A = math.rsqrt %add3A_7 : vector<2000x1xf32>
    %swap3A = arith.constant 0 : index
    %swap3A_8 = arith.constant 0 : index
    %swap3A_9 = vector.load %arg5[%swap3A, %swap3A_8] : memref<2000x1xf32, #tpu.memory_space<vmem>>, vector<2000x1xf32>
    tpu.vector_store %arg5[%swap3A, %swap3A_8], %rsqrt3A {strides = array<i32>} : memref<2000x1xf32, #tpu.memory_space<vmem>>, vector<2000x1xf32>,
    %get3A_10 = arith.constant 0 : index
    %get3A_11 = arith.constant 0 : index
    %get3A_12 = vector.load %arg2[%get3A_10, %get3A_11] : memref<2000x128xf32, #tpu.memory_space<vmem>>, vector<2000x128xf32>
    %get3A_13 = arith.constant 0 : index
    %get3A_14 = arith.constant 0 : index
    %get3A_15 = vector.load %arg3[%get3A_13, %get3A_14] : memref<128x128xf32, #tpu.memory_space<vmem>>, vector<128x128xf32>
    %dot_general3A = arith.constant dense<0.000000e+00> : vector<2000x128xf32>
    %dot_general3A_16 = tpu.matmul %get3A_12, %get3A_15, %dot_general3A {dimension_numbers = #tpu.dot_dimension_numbers<[1], [0], [0], [1], [0, 0, 1, 1], [], []>, transpose_lhs_hint = false} : vector<2000x128xf32>, vector<128x128xf32>, vector<2000x128xf32> -> vector<2000x128xf32>
    %mul3A = vector.broadcast %rsqrt3A : vector<2000x1xf32> to vector<2000x128xf32>
    %mul3A_17 = arith.mulf %mul3A, %dot_general3A_16 : vector<2000x128xf32>
    %swap3A_18 = arith.constant 0 : index
    %swap3A_19 = arith.constant 0 : index
    %swap3A_20 = vector.load %arg4[%swap3A_18, %swap3A_19] : memref<2000x128xf32, #tpu.memory_space<vmem>>, vector<2000x128xf32>
    tpu.vector_store %arg4[%swap3A_18, %swap3A_19], %mul3A_17 {strides = array<i32>} : memref<2000x128xf32, #tpu.memory_space<vmem>>, vector<2000x128xf32>,
    return
  }
  func.func @transform_0(%arg0: i32) -> (i32, i32) {
    %c0_i32 = arith.constant 0 : i32
    %c0_i32_0 = arith.constant 0 : i32
    return %arg0, %c0_i32 : i32, i32
  }
  func.func @transform_1(%arg0: i32) -> (i32, i32) {
    %c0_i32 = arith.constant 0 : i32
    %c0_i32_0 = arith.constant 0 : i32
    return %arg0, %c0_i32 : i32, i32
  }
  func.func @transform_2(%arg0: i32) -> (i32, i32) {
    %c0_i32 = arith.constant 0 : i32
    %c0_i32_0 = arith.constant 0 : i32
    %c0_i32_1 = arith.constant 0 : i32
    return %c0_i32, %c0_i32_0 : i32, i32
  }
  func.func @transform_3(%arg0: i32) -> (i32, i32) {
    %c0_i32 = arith.constant 0 : i32
    %c0_i32_0 = arith.constant 0 : i32
    return %arg0, %c0_i32 : i32, i32
  }
  func.func @transform_4(%arg0: i32) -> (i32, i32) {
    %c0_i32 = arith.constant 0 : i32
    %c0_i32_0 = arith.constant 0 : i32
    return %arg0, %c0_i32 : i32, i32
  }
}

module attributes {stable_mosaic.version = 14 : i64} {
  func.func @body(%arg0: i32, %arg1: memref<2000x128xf32, #tpu.memory_space<vmem>>, %arg2: memref<2000x128xf32, #tpu.memory_space<vmem>>, %arg3: memref<2000x1xf32, #tpu.memory_space<vmem>>, %arg4: memref<1x64xf32, #tpu.memory_space<vmem>>, %arg5: memref<64x128xf32, #tpu.memory_space<vmem>>, %arg6: memref<2000x64xf32, #tpu.memory_space<vmem>>, %arg7: memref<2000x128xf32, #tpu.memory_space<vmem>>) attributes {dimension_semantics = [#tpu.dimension_semantics<arbitrary>], iteration_bounds = array<i64: 5>, scalar_prefetch = 0 : i64, scratch_operands = 0 : i64, tpu.core_type = #tpu.core_type<tc>, window_params = [{transform_indices = @transform_0, window_bounds = array<i64: 2000, 128>}, {transform_indices = @transform_1, window_bounds = array<i64: 2000, 128>}, {transform_indices = @transform_2, window_bounds = array<i64: 2000, 1>}, {pipeline_mode = #tpu.pipeline_mode<synchronous>, transform_indices = @transform_3, window_bounds = array<i64: 1, 64>}, {pipeline_mode = #tpu.pipeline_mode<synchronous>, transform_indices = @transform_4, window_bounds = array<i64: 64, 128>}, {transform_indices = @transform_5, window_bounds = array<i64: 2000, 64>}, {transform_indices = @transform_6, window_bounds = array<i64: 2000, 128>}]} {
    %get3A = arith.constant 0 : index
    %get3A_0 = arith.constant 0 : index
    %get3A_1 = vector.load %arg1[%get3A, %get3A_0] : memref<2000x128xf32, #tpu.memory_space<vmem>>, vector<2000x64xf32>
    %get3A_2 = arith.constant 0 : index
    %get3A_3 = arith.constant 64 : index
    %get3A_4 = vector.load %arg1[%get3A_2, %get3A_3] : memref<2000x128xf32, #tpu.memory_space<vmem>>, vector<2000x64xf32>
    %add3A = arith.addf %get3A_1, %get3A_4 : vector<2000x64xf32>
    %get3A_5 = arith.constant 0 : index
    %get3A_6 = arith.constant 0 : index
    %get3A_7 = vector.load %arg2[%get3A_5, %get3A_6] : memref<2000x128xf32, #tpu.memory_space<vmem>>, vector<2000x64xf32>
    %add3A_8 = arith.addf %add3A, %get3A_7 : vector<2000x64xf32>
    %get3A_9 = arith.constant 0 : index
    %get3A_10 = arith.constant 0 : index
    %get3A_11 = vector.load %arg3[%get3A_9, %get3A_10] : memref<2000x1xf32, #tpu.memory_space<vmem>>, vector<2000x1xf32>
    %mul3A = vector.broadcast %get3A_11 : vector<2000x1xf32> to vector<2000x64xf32>
    %mul3A_12 = arith.mulf %mul3A, %add3A_8 : vector<2000x64xf32>
    %get3A_13 = arith.constant 0 : index
    %get3A_14 = arith.constant 0 : index
    %get3A_15 = vector.load %arg4[%get3A_13, %get3A_14] : memref<1x64xf32, #tpu.memory_space<vmem>>, vector<1x64xf32>
    %add3A_16 = vector.broadcast %get3A_15 : vector<1x64xf32> to vector<2000x64xf32>
    %add3A_17 = arith.addf %mul3A_12, %add3A_16 : vector<2000x64xf32>
    %max3A = arith.constant 0.000000e+00 : f32
    %max3A_18 = vector.broadcast %max3A : f32 to vector<2000x64xf32>
    %max3A_19 = arith.maximumf %add3A_17, %max3A_18 : vector<2000x64xf32>
    %swap3A = arith.constant 0 : index
    %swap3A_20 = arith.constant 0 : index
    %swap3A_21 = vector.load %arg6[%swap3A, %swap3A_20] : memref<2000x64xf32, #tpu.memory_space<vmem>>, vector<2000x64xf32>
    tpu.vector_store %arg6[%swap3A, %swap3A_20], %max3A_19 {strides = array<i32>} : memref<2000x64xf32, #tpu.memory_space<vmem>>, vector<2000x64xf32>,
    %get3A_22 = arith.constant 0 : index
    %get3A_23 = arith.constant 0 : index
    %get3A_24 = vector.load %arg3[%get3A_22, %get3A_23] : memref<2000x1xf32, #tpu.memory_space<vmem>>, vector<2000x1xf32>
    %get3A_25 = arith.constant 0 : index
    %get3A_26 = arith.constant 0 : index
    %get3A_27 = vector.load %arg5[%get3A_25, %get3A_26] : memref<64x128xf32, #tpu.memory_space<vmem>>, vector<64x128xf32>
    %dot_general3A = arith.constant dense<0.000000e+00> : vector<2000x128xf32>
    %dot_general3A_28 = tpu.matmul %max3A_19, %get3A_27, %dot_general3A {dimension_numbers = #tpu.dot_dimension_numbers<[1], [0], [0], [1], [0, 0, 1, 1], [], []>, transpose_lhs_hint = false} : vector<2000x64xf32>, vector<64x128xf32>, vector<2000x128xf32> -> vector<2000x128xf32>
    %mul3A_29 = vector.broadcast %get3A_24 : vector<2000x1xf32> to vector<2000x128xf32>
    %mul3A_30 = arith.mulf %mul3A_29, %dot_general3A_28 : vector<2000x128xf32>
    %swap3A_31 = arith.constant 0 : index
    %swap3A_32 = arith.constant 0 : index
    %swap3A_33 = vector.load %arg7[%swap3A_31, %swap3A_32] : memref<2000x128xf32, #tpu.memory_space<vmem>>, vector<2000x128xf32>
    tpu.vector_store %arg7[%swap3A_31, %swap3A_32], %mul3A_30 {strides = array<i32>} : memref<2000x128xf32, #tpu.memory_space<vmem>>, vector<2000x128xf32>,
    return
  }
  func.func @transform_0(%arg0: i32) -> (i32, i32) {
    %c0_i32 = arith.constant 0 : i32
    %c0_i32_0 = arith.constant 0 : i32
    return %arg0, %c0_i32 : i32, i32
  }
  func.func @transform_1(%arg0: i32) -> (i32, i32) {
    %c0_i32 = arith.constant 0 : i32
    %c0_i32_0 = arith.constant 0 : i32
    return %arg0, %c0_i32 : i32, i32
  }
  func.func @transform_2(%arg0: i32) -> (i32, i32) {
    %c0_i32 = arith.constant 0 : i32
    %c0_i32_0 = arith.constant 0 : i32
    return %arg0, %c0_i32 : i32, i32
  }
  func.func @transform_3(%arg0: i32) -> (i32, i32) {
    %c0_i32 = arith.constant 0 : i32
    %c0_i32_0 = arith.constant 0 : i32
    %c0_i32_1 = arith.constant 0 : i32
    return %c0_i32, %c0_i32_0 : i32, i32
  }
  func.func @transform_4(%arg0: i32) -> (i32, i32) {
    %c0_i32 = arith.constant 0 : i32
    %c0_i32_0 = arith.constant 0 : i32
    %c0_i32_1 = arith.constant 0 : i32
    return %c0_i32, %c0_i32_0 : i32, i32
  }
  func.func @transform_5(%arg0: i32) -> (i32, i32) {
    %c0_i32 = arith.constant 0 : i32
    %c0_i32_0 = arith.constant 0 : i32
    return %arg0, %c0_i32 : i32, i32
  }
  func.func @transform_6(%arg0: i32) -> (i32, i32) {
    %c0_i32 = arith.constant 0 : i32
    %c0_i32_0 = arith.constant 0 : i32
    return %arg0, %c0_i32 : i32, i32
  }
}

module attributes {stable_mosaic.version = 14 : i64} {
  func.func @body(%arg0: i32, %arg1: memref<2000x128xf32, #tpu.memory_space<vmem>>, %arg2: memref<2000x128xf32, #tpu.memory_space<vmem>>, %arg3: memref<2000x1xf32, #tpu.memory_space<vmem>>, %arg4: memref<1x32xf32, #tpu.memory_space<vmem>>, %arg5: memref<32x128xf32, #tpu.memory_space<vmem>>, %arg6: memref<2000x32xf32, #tpu.memory_space<vmem>>, %arg7: memref<2000x128xf32, #tpu.memory_space<vmem>>) attributes {dimension_semantics = [#tpu.dimension_semantics<arbitrary>], iteration_bounds = array<i64: 5>, scalar_prefetch = 0 : i64, scratch_operands = 0 : i64, tpu.core_type = #tpu.core_type<tc>, window_params = [{transform_indices = @transform_0, window_bounds = array<i64: 2000, 128>}, {transform_indices = @transform_1, window_bounds = array<i64: 2000, 128>}, {transform_indices = @transform_2, window_bounds = array<i64: 2000, 1>}, {pipeline_mode = #tpu.pipeline_mode<synchronous>, transform_indices = @transform_3, window_bounds = array<i64: 1, 32>}, {pipeline_mode = #tpu.pipeline_mode<synchronous>, transform_indices = @transform_4, window_bounds = array<i64: 32, 128>}, {transform_indices = @transform_5, window_bounds = array<i64: 2000, 32>}, {transform_indices = @transform_6, window_bounds = array<i64: 2000, 128>}]} {
    %get3A = arith.constant 0 : index
    %get3A_0 = arith.constant 0 : index
    %get3A_1 = vector.load %arg1[%get3A, %get3A_0] : memref<2000x128xf32, #tpu.memory_space<vmem>>, vector<2000x32xf32>
    %get3A_2 = arith.constant 0 : index
    %get3A_3 = arith.constant 32 : index
    %get3A_4 = vector.load %arg1[%get3A_2, %get3A_3] : memref<2000x128xf32, #tpu.memory_space<vmem>>, vector<2000x32xf32>
    %add3A = arith.addf %get3A_1, %get3A_4 : vector<2000x32xf32>
    %get3A_5 = arith.constant 0 : index
    %get3A_6 = arith.constant 0 : index
    %get3A_7 = vector.load %arg2[%get3A_5, %get3A_6] : memref<2000x128xf32, #tpu.memory_space<vmem>>, vector<2000x32xf32>
    %add3A_8 = arith.addf %add3A, %get3A_7 : vector<2000x32xf32>
    %get3A_9 = arith.constant 0 : index
    %get3A_10 = arith.constant 0 : index
    %get3A_11 = vector.load %arg3[%get3A_9, %get3A_10] : memref<2000x1xf32, #tpu.memory_space<vmem>>, vector<2000x1xf32>
    %mul3A = vector.broadcast %get3A_11 : vector<2000x1xf32> to vector<2000x32xf32>
    %mul3A_12 = arith.mulf %mul3A, %add3A_8 : vector<2000x32xf32>
    %get3A_13 = arith.constant 0 : index
    %get3A_14 = arith.constant 0 : index
    %get3A_15 = vector.load %arg4[%get3A_13, %get3A_14] : memref<1x32xf32, #tpu.memory_space<vmem>>, vector<1x32xf32>
    %add3A_16 = vector.broadcast %get3A_15 : vector<1x32xf32> to vector<2000x32xf32>
    %add3A_17 = arith.addf %mul3A_12, %add3A_16 : vector<2000x32xf32>
    %max3A = arith.constant 0.000000e+00 : f32
    %max3A_18 = vector.broadcast %max3A : f32 to vector<2000x32xf32>
    %max3A_19 = arith.maximumf %add3A_17, %max3A_18 : vector<2000x32xf32>
    %swap3A = arith.constant 0 : index
    %swap3A_20 = arith.constant 0 : index
    %swap3A_21 = vector.load %arg6[%swap3A, %swap3A_20] : memref<2000x32xf32, #tpu.memory_space<vmem>>, vector<2000x32xf32>
    tpu.vector_store %arg6[%swap3A, %swap3A_20], %max3A_19 {strides = array<i32>} : memref<2000x32xf32, #tpu.memory_space<vmem>>, vector<2000x32xf32>,
    %get3A_22 = arith.constant 0 : index
    %get3A_23 = arith.constant 0 : index
    %get3A_24 = vector.load %arg3[%get3A_22, %get3A_23] : memref<2000x1xf32, #tpu.memory_space<vmem>>, vector<2000x1xf32>
    %get3A_25 = arith.constant 0 : index
    %get3A_26 = arith.constant 0 : index
    %get3A_27 = vector.load %arg5[%get3A_25, %get3A_26] : memref<32x128xf32, #tpu.memory_space<vmem>>, vector<32x128xf32>
    %dot_general3A = arith.constant dense<0.000000e+00> : vector<2000x128xf32>
    %dot_general3A_28 = tpu.matmul %max3A_19, %get3A_27, %dot_general3A {dimension_numbers = #tpu.dot_dimension_numbers<[1], [0], [0], [1], [0, 0, 1, 1], [], []>, transpose_lhs_hint = false} : vector<2000x32xf32>, vector<32x128xf32>, vector<2000x128xf32> -> vector<2000x128xf32>
    %mul3A_29 = vector.broadcast %get3A_24 : vector<2000x1xf32> to vector<2000x128xf32>
    %mul3A_30 = arith.mulf %mul3A_29, %dot_general3A_28 : vector<2000x128xf32>
    %swap3A_31 = arith.constant 0 : index
    %swap3A_32 = arith.constant 0 : index
    %swap3A_33 = vector.load %arg7[%swap3A_31, %swap3A_32] : memref<2000x128xf32, #tpu.memory_space<vmem>>, vector<2000x128xf32>
    tpu.vector_store %arg7[%swap3A_31, %swap3A_32], %mul3A_30 {strides = array<i32>} : memref<2000x128xf32, #tpu.memory_space<vmem>>, vector<2000x128xf32>,
    return
  }
  func.func @transform_0(%arg0: i32) -> (i32, i32) {
    %c0_i32 = arith.constant 0 : i32
    %c0_i32_0 = arith.constant 0 : i32
    return %arg0, %c0_i32 : i32, i32
  }
  func.func @transform_1(%arg0: i32) -> (i32, i32) {
    %c0_i32 = arith.constant 0 : i32
    %c0_i32_0 = arith.constant 0 : i32
    return %arg0, %c0_i32 : i32, i32
  }
  func.func @transform_2(%arg0: i32) -> (i32, i32) {
    %c0_i32 = arith.constant 0 : i32
    %c0_i32_0 = arith.constant 0 : i32
    return %arg0, %c0_i32 : i32, i32
  }
  func.func @transform_3(%arg0: i32) -> (i32, i32) {
    %c0_i32 = arith.constant 0 : i32
    %c0_i32_0 = arith.constant 0 : i32
    %c0_i32_1 = arith.constant 0 : i32
    return %c0_i32, %c0_i32_0 : i32, i32
  }
  func.func @transform_4(%arg0: i32) -> (i32, i32) {
    %c0_i32 = arith.constant 0 : i32
    %c0_i32_0 = arith.constant 0 : i32
    %c0_i32_1 = arith.constant 0 : i32
    return %c0_i32, %c0_i32_0 : i32, i32
  }
  func.func @transform_5(%arg0: i32) -> (i32, i32) {
    %c0_i32 = arith.constant 0 : i32
    %c0_i32_0 = arith.constant 0 : i32
    return %arg0, %c0_i32 : i32, i32
  }
  func.func @transform_6(%arg0: i32) -> (i32, i32) {
    %c0_i32 = arith.constant 0 : i32
    %c0_i32_0 = arith.constant 0 : i32
    return %arg0, %c0_i32 : i32, i32
  }
}

module attributes {stable_mosaic.version = 14 : i64} {
  func.func @body(%arg0: i32, %arg1: memref<2000x128xf32, #tpu.memory_space<vmem>>, %arg2: memref<2000x128xf32, #tpu.memory_space<vmem>>, %arg3: memref<2000x1xf32, #tpu.memory_space<vmem>>, %arg4: memref<1x16xf32, #tpu.memory_space<vmem>>, %arg5: memref<2000x64xf32, #tpu.memory_space<vmem>>, %arg6: memref<2000x32xf32, #tpu.memory_space<vmem>>, %arg7: memref<64x16xf32, #tpu.memory_space<vmem>>, %arg8: memref<32x16xf32, #tpu.memory_space<vmem>>, %arg9: memref<16x16xf32, #tpu.memory_space<vmem>>, %arg10: memref<1x16xf32, #tpu.memory_space<vmem>>, %arg11: memref<2000x16xf32, #tpu.memory_space<vmem>>) attributes {dimension_semantics = [#tpu.dimension_semantics<arbitrary>], iteration_bounds = array<i64: 5>, scalar_prefetch = 0 : i64, scratch_operands = 0 : i64, tpu.core_type = #tpu.core_type<tc>, window_params = [{transform_indices = @transform_0, window_bounds = array<i64: 2000, 128>}, {transform_indices = @transform_1, window_bounds = array<i64: 2000, 128>}, {transform_indices = @transform_2, window_bounds = array<i64: 2000, 1>}, {pipeline_mode = #tpu.pipeline_mode<synchronous>, transform_indices = @transform_3, window_bounds = array<i64: 1, 16>}, {transform_indices = @transform_4, window_bounds = array<i64: 2000, 64>}, {transform_indices = @transform_5, window_bounds = array<i64: 2000, 32>}, {pipeline_mode = #tpu.pipeline_mode<synchronous>, transform_indices = @transform_6, window_bounds = array<i64: 64, 16>}, {pipeline_mode = #tpu.pipeline_mode<synchronous>, transform_indices = @transform_7, window_bounds = array<i64: 32, 16>}, {pipeline_mode = #tpu.pipeline_mode<synchronous>, transform_indices = @transform_8, window_bounds = array<i64: 16, 16>}, {pipeline_mode = #tpu.pipeline_mode<synchronous>, transform_indices = @transform_9, window_bounds = array<i64: 1, 16>}, {transform_indices = @transform_10, window_bounds = array<i64: 2000, 16>}]} {
    %get3A = arith.constant 0 : index
    %get3A_0 = arith.constant 0 : index
    %get3A_1 = vector.load %arg1[%get3A, %get3A_0] : memref<2000x128xf32, #tpu.memory_space<vmem>>, vector<2000x16xf32>
    %get3A_2 = arith.constant 0 : index
    %get3A_3 = arith.constant 16 : index
    %get3A_4 = vector.load %arg1[%get3A_2, %get3A_3] : memref<2000x128xf32, #tpu.memory_space<vmem>>, vector<2000x16xf32>
    %add3A = arith.addf %get3A_1, %get3A_4 : vector<2000x16xf32>
    %get3A_5 = arith.constant 0 : index
    %get3A_6 = arith.constant 0 : index
    %get3A_7 = vector.load %arg2[%get3A_5, %get3A_6] : memref<2000x128xf32, #tpu.memory_space<vmem>>, vector<2000x16xf32>
    %add3A_8 = arith.addf %add3A, %get3A_7 : vector<2000x16xf32>
    %get3A_9 = arith.constant 0 : index
    %get3A_10 = arith.constant 0 : index
    %get3A_11 = vector.load %arg3[%get3A_9, %get3A_10] : memref<2000x1xf32, #tpu.memory_space<vmem>>, vector<2000x1xf32>
    %mul3A = vector.broadcast %get3A_11 : vector<2000x1xf32> to vector<2000x16xf32>
    %mul3A_12 = arith.mulf %mul3A, %add3A_8 : vector<2000x16xf32>
    %get3A_13 = arith.constant 0 : index
    %get3A_14 = arith.constant 0 : index
    %get3A_15 = vector.load %arg4[%get3A_13, %get3A_14] : memref<1x16xf32, #tpu.memory_space<vmem>>, vector<1x16xf32>
    %add3A_16 = vector.broadcast %get3A_15 : vector<1x16xf32> to vector<2000x16xf32>
    %add3A_17 = arith.addf %mul3A_12, %add3A_16 : vector<2000x16xf32>
    %max3A = arith.constant 0.000000e+00 : f32
    %max3A_18 = vector.broadcast %max3A : f32 to vector<2000x16xf32>
    %max3A_19 = arith.maximumf %add3A_17, %max3A_18 : vector<2000x16xf32>
    %get3A_20 = arith.constant 0 : index
    %get3A_21 = arith.constant 0 : index
    %get3A_22 = vector.load %arg5[%get3A_20, %get3A_21] : memref<2000x64xf32, #tpu.memory_space<vmem>>, vector<2000x64xf32>
    %get3A_23 = arith.constant 0 : index
    %get3A_24 = arith.constant 0 : index
    %get3A_25 = vector.load %arg7[%get3A_23, %get3A_24] : memref<64x16xf32, #tpu.memory_space<vmem>>, vector<64x16xf32>
    %dot_general3A = arith.constant dense<0.000000e+00> : vector<2000x16xf32>
    %dot_general3A_26 = tpu.matmul %get3A_22, %get3A_25, %dot_general3A {dimension_numbers = #tpu.dot_dimension_numbers<[1], [0], [0], [1], [0, 0, 1, 1], [], []>, transpose_lhs_hint = false} : vector<2000x64xf32>, vector<64x16xf32>, vector<2000x16xf32> -> vector<2000x16xf32>
    %get3A_27 = arith.constant 0 : index
    %get3A_28 = arith.constant 0 : index
    %get3A_29 = vector.load %arg6[%get3A_27, %get3A_28] : memref<2000x32xf32, #tpu.memory_space<vmem>>, vector<2000x32xf32>
    %get3A_30 = arith.constant 0 : index
    %get3A_31 = arith.constant 0 : index
    %get3A_32 = vector.load %arg8[%get3A_30, %get3A_31] : memref<32x16xf32, #tpu.memory_space<vmem>>, vector<32x16xf32>
    %dot_general3A_33 = arith.constant dense<0.000000e+00> : vector<2000x16xf32>
    %dot_general3A_34 = tpu.matmul %get3A_29, %get3A_32, %dot_general3A_33 {dimension_numbers = #tpu.dot_dimension_numbers<[1], [0], [0], [1], [0, 0, 1, 1], [], []>, transpose_lhs_hint = false} : vector<2000x32xf32>, vector<32x16xf32>, vector<2000x16xf32> -> vector<2000x16xf32>
    %add3A_35 = arith.addf %dot_general3A_26, %dot_general3A_34 : vector<2000x16xf32>
    %get3A_36 = arith.constant 0 : index
    %get3A_37 = arith.constant 0 : index
    %get3A_38 = vector.load %arg9[%get3A_36, %get3A_37] : memref<16x16xf32, #tpu.memory_space<vmem>>, vector<16x16xf32>
    %dot_general3A_39 = arith.constant dense<0.000000e+00> : vector<2000x16xf32>
    %dot_general3A_40 = tpu.matmul %max3A_19, %get3A_38, %dot_general3A_39 {dimension_numbers = #tpu.dot_dimension_numbers<[1], [0], [0], [1], [0, 0, 1, 1], [], []>, transpose_lhs_hint = false} : vector<2000x16xf32>, vector<16x16xf32>, vector<2000x16xf32> -> vector<2000x16xf32>
    %add3A_41 = arith.addf %add3A_35, %dot_general3A_40 : vector<2000x16xf32>
    %get3A_42 = arith.constant 0 : index
    %get3A_43 = arith.constant 0 : index
    %get3A_44 = vector.load %arg10[%get3A_42, %get3A_43] : memref<1x16xf32, #tpu.memory_space<vmem>>, vector<1x16xf32>
    %add3A_45 = vector.broadcast %get3A_44 : vector<1x16xf32> to vector<2000x16xf32>
    %add3A_46 = arith.addf %add3A_41, %add3A_45 : vector<2000x16xf32>
    %max3A_47 = arith.constant 0.000000e+00 : f32
    %max3A_48 = vector.broadcast %max3A_47 : f32 to vector<2000x16xf32>
    %max3A_49 = arith.maximumf %add3A_46, %max3A_48 : vector<2000x16xf32>
    %swap3A = arith.constant 0 : index
    %swap3A_50 = arith.constant 0 : index
    %swap3A_51 = vector.load %arg11[%swap3A, %swap3A_50] : memref<2000x16xf32, #tpu.memory_space<vmem>>, vector<2000x16xf32>
    tpu.vector_store %arg11[%swap3A, %swap3A_50], %max3A_49 {strides = array<i32>} : memref<2000x16xf32, #tpu.memory_space<vmem>>, vector<2000x16xf32>,
    return
  }
  func.func @transform_0(%arg0: i32) -> (i32, i32) {
    %c0_i32 = arith.constant 0 : i32
    %c0_i32_0 = arith.constant 0 : i32
    return %arg0, %c0_i32 : i32, i32
  }
  func.func @transform_1(%arg0: i32) -> (i32, i32) {
    %c0_i32 = arith.constant 0 : i32
    %c0_i32_0 = arith.constant 0 : i32
    return %arg0, %c0_i32 : i32, i32
  }
  func.func @transform_2(%arg0: i32) -> (i32, i32) {
    %c0_i32 = arith.constant 0 : i32
    %c0_i32_0 = arith.constant 0 : i32
    return %arg0, %c0_i32 : i32, i32
  }
  func.func @transform_3(%arg0: i32) -> (i32, i32) {
    %c0_i32 = arith.constant 0 : i32
    %c0_i32_0 = arith.constant 0 : i32
    %c0_i32_1 = arith.constant 0 : i32
    return %c0_i32, %c0_i32_0 : i32, i32
  }
  func.func @transform_4(%arg0: i32) -> (i32, i32) {
    %c0_i32 = arith.constant 0 : i32
    %c0_i32_0 = arith.constant 0 : i32
    return %arg0, %c0_i32 : i32, i32
  }
  func.func @transform_5(%arg0: i32) -> (i32, i32) {
    %c0_i32 = arith.constant 0 : i32
    %c0_i32_0 = arith.constant 0 : i32
    return %arg0, %c0_i32 : i32, i32
  }
  func.func @transform_6(%arg0: i32) -> (i32, i32) {
    %c0_i32 = arith.constant 0 : i32
    %c0_i32_0 = arith.constant 0 : i32
    %c0_i32_1 = arith.constant 0 : i32
    return %c0_i32, %c0_i32_0 : i32, i32
  }
  func.func @transform_7(%arg0: i32) -> (i32, i32) {
    %c0_i32 = arith.constant 0 : i32
    %c0_i32_0 = arith.constant 0 : i32
    %c0_i32_1 = arith.constant 0 : i32
    return %c0_i32, %c0_i32_0 : i32, i32
  }
  func.func @transform_8(%arg0: i32) -> (i32, i32) {
    %c0_i32 = arith.constant 0 : i32
    %c0_i32_0 = arith.constant 0 : i32
    %c0_i32_1 = arith.constant 0 : i32
    return %c0_i32, %c0_i32_0 : i32, i32
  }
  func.func @transform_9(%arg0: i32) -> (i32, i32) {
    %c0_i32 = arith.constant 0 : i32
    %c0_i32_0 = arith.constant 0 : i32
    %c0_i32_1 = arith.constant 0 : i32
    return %c0_i32, %c0_i32_0 : i32, i32
  }
  func.func @transform_10(%arg0: i32) -> (i32, i32) {
    %c0_i32 = arith.constant 0 : i32
    %c0_i32_0 = arith.constant 0 : i32
    return %arg0, %c0_i32 : i32, i32
  }
}

</mosaic_0001>

<sc_bundles>
// kernel: kernel.10.cloned.1.call-start
scs
__scs_entry_jumppad:
0x0: {  	(pc) =	sbr.rel $0x88, $3  }
0x1: {  	(tag) =	ssettag $0x0;
	lr =	simm.s32 $0x1  }
0x2: {  	[smem:$0x3F97] =	sst lr;
	_ =	strace $0xD0000000  }
0x3: {  	_ = 	snop  }
0x4: {  	_ = 	snop  }
0x5: {  	_ = 	snop  }
0x6: {  	_ = 	snop  }
0x7: {  	_ = 	snop  }
__scs_overlays_trampoline_lowered:
0x8: {  	[smem:$0x3FA6] =	sst s0  }
0x9: {  	[smem:$0x3FA7] =	sst s1  }
0xa: {  	[smem:$0x3FA8] =	sst s2  }
0xb: {  	[smem:$0x3FA9] =	sst s3  }
0xc: {  	[smem:$0x3FAA] =	sst s4  }
0xd: {  	[smem:$0x3FAB] =	sst s5  }
0xe: {  	[smem:$0x3FAC] =	sst s6  }
0xf: {  	[smem:$0x3FAD] =	sst s7  }
0x10: {  	[smem:$0x3FAE] =	sst s8  }
0x11: {  	[smem:$0x3FAF] =	sst s9;
	s0 =	simm.s32 @!p0 $0x0  }
0x12: {  	s1 =	sld [smem:$0x3F95];
	s0 =	simm.s32 @p0 $0x1  }
0x13: {  	[smem:$0x3FB0] =	sst s0;
	s0 =	simm.s32 @!p1 $0x0  }
0x14: {  	s2 =	sld [smem:$0x3F94];
	s0 =	simm.s32 @p1 $0x1  }
0x15: {  	[smem:$0x3FB1] =	sst s0;
	s0 =	simm.s32 @!p2 $0x0  }
0x16: {  	s3 =	sld [smem:$0x3FDB];
	s0 =	simm.s32 @p2 $0x1  }
0x17: {  	s4 =	simm.s32 $0x1BF5;
	[smem:$0x3FB3] =	sst s0  }
0x18: {  	s0 =	sld [smem:$0x3F96];
	_ =	swait.ge [sflag:s4], $0x0  }
0x19: {  	s7 =	sld [smem:$0x3F97]  }
0x1a: {  	s8 =	sadd.s32 $0xFFFFE003, lr  }
0x1b: {  	s9 =	sadd.s32 $0xFFFFFEF7, lr;
	s5 =	simm.s32 $0xFFFFFFFF;
	p2 =	slt.u32 s8, $0xFFFFF086  }
0x1c: {  	p1 =	slt.u32 s9, $0xF7A;
	s5 =	simm.s32 @!p2 $0x0  }
0x1d: {  	s5 =	simm.s32 @p1 $0x1;
	p0 =	seq.s32 s7, s2  }
0x1e: {  	s7 =	smul.u32 @!p0 $0xF7A, s2;
	p2 =	seq.s32 @!p0 s5, $0x0  }
0x1f: {  	s9 =	smul.u32 $0xF7A, s1;
	s8 =	simm.s32 @!p0 $0x1BF5;
	p2 =	por !p2, p0  }
0x20: {  	[sflag:s8] =	ssyncset.s32 @!p0 $0xFFFFF086;
	s6 =	sadd.s32 @!p0 s3, s7;
	s7 =	simm.s32 @!p0 $0x108  }
0x21: {  	s3 =	sadd.s32 s3, s9;
	s6 =	sadd.s32 @!p0 $0x88, s6;
	s7 =	simm.s32 @p2 $0x1082  }
0x22: {  	[simem:s7], [sflag:s8] =	dma.local @!p0 [hbm:s6], $0xF7A  }
0x23: {  	s9 =	sor.u32 $0xD0000000, s2;
	s6 =	simm.s32 $0x108;
	_ =	swait.ge @!p0 [sflag:s8], $0x0  }
0x24: {  	s3 =	sadd.s32 $0x88, s3;
	s6 =	simm.s32 @!p1 $0x1082;
	[sflag:s4] =	ssyncset.s32 $0xFFFFF086  }
0x25: {  	[simem:s6], [sflag:s4] =	dma.local [hbm:s3], $0xF7A  }
0x26: {  	[smem:$0x3F97] =	sst s1;
	(tag) =	ssettag s2;
	_ =	strace s9  }
0x27: {  	s1 =	sld [smem:$0x3FA7]  }
0x28: {  	s2 =	sld [smem:$0x3FA8]  }
0x29: {  	s4 =	sld [smem:$0x3FAA]  }
0x2a: {  	p0 =	seq.s32 s5, $0x0;
	s5 =	sld [smem:$0x3FAB]  }
0x2b: {  	s6 =	sld [smem:$0x3FAC]  }
0x2c: {  	s7 =	sld [smem:$0x3FAD]  }
0x2d: {  	s3 =	simm.s32 $0x108;
	s8 =	sld [smem:$0x3FAE]  }
0x2e: {  	s3 =	simm.s32 @!p0 $0x1082;
	s9 =	sld [smem:$0x3FAF]  }
0x2f: {  	lr =	sadd.s32 s0, s3;
	s0 =	sld [smem:$0x3FA6]  }
0x30: {  	s3 =	sld [smem:$0x3FA9]  }
0x31: {  	[smem:$0x3FB2] =	sst s10  }
0x32: {  	s10 =	sld [smem:$0x3FB0];
	_ =	sdelay $0x3  }
0x33: {  	p0 =	seq.s32 s10, $0x1;
	s10 =	sld [smem:$0x3FB2];
	_ =	sdelay $0x3  }
0x34: {  	[smem:$0x3FB2] =	sst s10  }
0x35: {  	s10 =	sld [smem:$0x3FB1];
	_ =	sdelay $0x3  }
0x36: {  	p1 =	seq.s32 s10, $0x1;
	s10 =	sld [smem:$0x3FB2];
	_ =	sdelay $0x3  }
0x37: {  	[smem:$0x3FB2] =	sst s10  }
0x38: {  	s10 =	sld [smem:$0x3FB3]  }
0x39: {  	_ = 	snop;
	(pc) =	sbr.ind lr, $3  }
0x3a: {  	_ = 	snop  }
0x3b: {  	_ = 	snop  }
0x3c: {  	p2 =	seq.s32 s10, $0x1;
	s10 =	sld [smem:$0x3FB2]  }
0x3d: {  	_ =	shalt  }
0x3e: {  	_ =	shalt  }
0x3f: {  	_ =	shalt  }
0x40: {  	_ =	shalt  }
0x41: {  	_ =	shalt  }
0x42: {  	_ =	shalt  }
0x43: {  	_ =	shalt  }
0x44: {  	_ =	shalt  }
0x45: {  	_ =	shalt  }
0x46: {  	_ =	shalt  }
0x47: {  	_ =	shalt  }
0x48: {  	_ =	shalt  }
0x49: {  	_ =	shalt  }
0x4a: {  	_ =	shalt  }
0x4b: {  	_ =	shalt  }
0x4c: {  	_ =	shalt  }
0x4d: {  	_ =	shalt  }
0x4e: {  	_ =	shalt  }
0x4f: {  	_ =	shalt  }
0x50: {  	_ =	shalt  }
0x51: {  	_ =	shalt  }
0x52: {  	_ =	shalt  }
0x53: {  	_ =	shalt  }
0x54: {  	_ =	shalt  }
0x55: {  	_ =	shalt  }
0x56: {  	_ =	shalt  }
0x57: {  	_ =	shalt  }
0x58: {  	_ =	shalt  }
0x59: {  	_ =	shalt  }
0x5a: {  	_ =	shalt  }
0x5b: {  	_ =	shalt  }
0x5c: {  	_ =	shalt  }
0x5d: {  	_ =	shalt  }
0x5e: {  	_ =	shalt  }
0x5f: {  	_ =	shalt  }
0x60: {  	_ =	shalt  }
0x61: {  	_ =	shalt  }
0x62: {  	_ =	shalt  }
0x63: {  	_ =	shalt  }
0x64: {  	_ =	shalt  }
0x65: {  	_ =	shalt  }
0x66: {  	_ =	shalt  }
0x67: {  	_ =	shalt  }
0x68: {  	_ =	shalt  }
0x69: {  	_ =	shalt  }
0x6a: {  	_ =	shalt  }
0x6b: {  	_ =	shalt  }
0x6c: {  	_ =	shalt  }
0x6d: {  	_ =	shalt  }
0x6e: {  	_ =	shalt  }
0x6f: {  	_ =	shalt  }
0x70: {  	_ =	shalt  }
0x71: {  	_ =	shalt  }
0x72: {  	_ =	shalt  }
0x73: {  	_ =	shalt  }
0x74: {  	_ =	shalt  }
0x75: {  	_ =	shalt  }
0x76: {  	_ =	shalt  }
0x77: {  	_ =	shalt  }
0x78: {  	_ =	shalt  }
0x79: {  	_ =	shalt  }
0x7a: {  	_ =	shalt  }
0x7b: {  	_ =	shalt  }
0x7c: {  	_ =	shalt  }
0x7d: {  	_ =	shalt  }
0x7e: {  	_ =	shalt  }
0x7f: {  	_ =	shalt  }
0x80: {  	_ =	shalt  }
0x81: {  	_ =	shalt  }
0x82: {  	_ =	shalt  }
0x83: {  	_ =	shalt  }
0x84: {  	_ =	shalt  }
0x85: {  	_ =	shalt  }
0x86: {  	_ =	shalt  }
0x87: {  	_ =	shalt  }
.Lfunc_end0:
.L_simem_size_0:
called_computation_lowered:
.L_overlay_start_0:
0x88: {  	s2 =	sld [smem:$0x3FD9]  }
0x89: {  	s3 =	sld [smem:$0x3FFE];
	_ =	sdelay $0x1  }
0x8a: {  	s1 =	srdreg.scid  }
0x8b: {  	s0 =	sand.u32 $0x1, s1  }
0x8c: {  	s17 =	sshll.u32 s0, $0xA;
	s2 =	sadd.s32 s3, s2  }
0x8d: {  	s2 =	sadd.s32 s2, s17  }
0x8e: {  	[smem:$0x3FBE] =	sst s2  }
0x8f: {  	_ = 	snop  }
0x90: {  	s2 =	sld [smem:$0x3FD0];
	(tm) =	ssettm $0x1  }
0x91: {  	s18 =	sld [smem:$0x3FFB];
	_ =	sdelay $0x3  }
0x92: {  	_ =	strace s18  }
0x93: {  	s3 =	sld [smem:$0x3FFC];
	_ =	sdelay $0x3  }
0x94: {  	_ =	strace s3  }
0x95: {  	s3 =	sld [smem:$0x3FFD];
	_ =	sdelay $0x3  }
0x96: {  	_ =	strace s3  }
0x97: {  	_ =	strace $0x8FFFFFFF  }
0x98: {  	s19 =	sld [smem:$0x3FDB];
	_ =	sdelay $0x1  }
0x99: {  	s4 =	simm.s32 $_scs_section_size  }
0x9a: {  	s5 =	simm.s32 $_size__tile_overlayer_lowered;
	s6 =	simm.s32 $_tile_overlayer_lowered  }
0x9b: {  	s22 =	simm.s32 $0x1BFF;
	s21 =	sshll.u32 s6, $0x1;
	s3 =	sadd.s32 s4, s19  }
0x9c: {  	s7 =	simm.s32 $0x0;
	s20 =	sshll.u32 s5, $0x1;
	s5 =	sadd.s32 s21, s3  }
0x9d: {  	[timem:s7], [sflag:s22] =	dma.local [hbm:s5], s20  }
0x9e: {  	_ =	swait.ge [sflag:s22], s20  }
0x9f: {  	s4 =	ssub.s32 $0x0, s20;
	[sflag:s22] =	ssyncset.done $0x0  }
0xa0: {  	[sflag:s22] =	ssyncadd.s32 s4;
	_ =	sdelay $0x1  }
0xa1: {  	s23 =	simm.s32 $0x1B8B  }
0xa2: {  	_ =	swait.ge [sflag:s23], $0x1  }
0xa3: {  	[sflag:s23] =	ssyncset.done $0x0  }
0xa4: {  	s25 =	simm.s32 $0x1B8E;
	s24 =	sld [smem:$0x3FFE];
	[sflag:s23] =	ssyncadd.s32 $0xFFFFFFFF  }
0xa5: {  	s26 =	simm.s32 $execute0_lowered;
	[smem:$0x3FD2] =	sst s25  }
0xa6: {  	s5 =	sshll.u32 s26, $0x1;
	_ =	strace $0x80000046;
	[dreg:$0x1] =	wrdreg $0xFFFFFFFF  }
0xa7: {  	s28 =	simm.s32 $_size_execute0_lowered;
	s3 =	sadd.s32 s3, s5;
	[dreg:$0x0] =	wrdreg $0x0  }
0xa8: {  	s5 =	sshll.u32 s28, $0x1;
	[dreg:$0x2] =	wrdreg s3  }
0xa9: {  	[dreg:$0x3] =	wrdreg s5  }
0xaa: {  	[dreg:$0x4] =	wrdreg $0xC0  }
0xab: {  	_ =	task [dreg:s7], $0x5FFFF  }
0xac: {  	[dreg:$0x1] =	wrdreg $0xFFFFFFFF  }
0xad: {  	[dreg:$0x0] =	wrdreg $0x60  }
0xae: {  	[dreg:$0x2] =	wrdreg s24  }
0xaf: {  	[dreg:$0x3] =	wrdreg s2  }
0xb0: {  	[dreg:$0x4] =	wrdreg $0x2B800  }
0xb1: {  	[dreg:$0x5] =	wrdreg $0x9  }
0xb2: {  	_ =	task.clear_ibuf [dreg:s7], $0x6FFFF;
	_ =	strace $0x90000046  }
0xb3: {  	s29 =	simm.s32 $0x9;
	_ =	strace $0x80000048  }
0xb4: {  	_ =	swait.ge [sflag:s29], $0x1  }
0xb5: {  	[sflag:s29] =	ssyncadd.s32 $0xFFFFFFFF  }
0xb6: {  	_ =	strace $0x90000048  }
0xb7: {  	_ =	sfence  }
0xb8: {  	s30 =	sld [smem:$0x0];
	_ =	sdelay $0x2  }
0xb9: {  	s31 =	sshll.u32 s1, $0xD;
	s1 =	sshrl.u32 s1, $0x2  }
0xba: {  	s3 =	sand.u32 $0x4000, s31;
	s1 =	sadd.s32 s1, s30  }
0xbb: {  	s0 =	sor.u32 s3, s0;
	s1 =	sshll.u32 s1, $0x11  }
0xbc: {  	s0 =	sor.u32 s1, s0  }
0xbd: {  	s0 =	sadd.s32 $0x8F2B, s0  }
0xbe: {  	[sflag:s0] =	ssyncadd.remote.s32 $0x1  }
0xbf: {  	_ =	sfence.sel $0xFFFF  }
0xc0: {  	[dreg:$0x0] =	wrdreg $0xFFFFFFFF;
	(pc) =	sbr.abs _section_cstart, $3  }
0xc1: {  	[dreg:$0x1] =	wrdreg $0xFFFFFFFF  }
0xc2: {  	_ =	task.clear_ibuf [dreg:s7], $0x2FFFF;
	_ =	strace $0x9FFFFFFF  }
0xc3: {  	(tm) =	ssettm $0x7FFFFFFF  }
tec
execute0_lowered:
.L_overlay_start_1:
0x0: {  	(tag) =	ssettag $0x1  }
0x1: {  	s6 =	rddreg [dreg:$0x0]  }
0x2: {  	s2 =	rddreg [dreg:$0x1];
	s1 =	srdreg.scid  }
0x3: {  	s0 =	stileid.u32;
	s3 =	rddreg [dreg:$0x2];
	s4 =	simm.s32 $0x0  }
0x4: {  	s14 =	simm.s32 $0x80;
	s15 =	simm.s32 $0x1;
	s16 =	simm.s32 $0x10  }
0x5: {  	s17 =	simm.s32 $0x0;
	s7 =	sand.u32 $0x1, s1;
	s1 =	rddreg [dreg:$0x3]  }
0x6: {  	s5 =	smul.u32 $0x13880, s0;
	[smem:$0x7FF] =	sst s4;
	s25 =	sadd.s32 $0x4800, s6  }
0x7: {  	s28 =	smul.u32 $0x4E20, s0;
	s13 =	sshll.u32 s0, $0x4;
	s31 =	sshll.u32 s0, $0x6  }
0x8: {  	s8 =	sshll.u32 s7, $0x6;
	_ =	strace $0x80000047;
	s26 =	sshll.u32 s7, $0x4  }
0x9: {  	s7 =	ssub.s32 $0x2, s7;
	s29 =	sadd.s32 s13, s25;
	s5 =	sor.u32 s8, s5  }
0xa: {  	s10 =	sor.u32 s0, s26;
	s11 =	sshrl.u32 s7, $0x1;
	s30 =	sshrl.u32 s28, $0x2  }
0xb: {  	s9 =	sshrl.u32 s5, $0x3;
	s5 =	sadd.s32 $0x18400, s6;
	s12 =	smul.u32 $0x4E0, s10  }
0xc: {  	s11 =	ssub.s32 s7, s11;
	s7 =	sadd.s32 $0x9C00, s29;
	s13 =	sadd.s32 s30, s3  }
0xd: {  	p0 =	sgt.u32 s10, $0x3;
	s10 =	simm.s32 $0x2;
	s9 =	sadd.s32 s9, s6  }
0xe: {  	s13 =	sshrl.u32 s13, $0x3;
	s6 =	sadd.s32 s25, s12;
	s8 =	sadd.s32 $0x18600, s9  }
0xf: {  	s9 =	smax.u32 s11, $0x1;
	s11 =	simm.s32 $0x2780;
	s12 =	sor.u32 $0x1C02, s31  }
.LBB2_1:
0x10: {  	[tilespmem:s4], [sflag:$0x2] =	stream.linear.gather [hbm4b:s6+s4], $0x2700, $0x38;
	[tilespmem:$0x3F08] =	vst v63  }
0x11: {  	_ =	swait.ge [sflag:s10], $0x2700  }
0x12: {  	[sflag:s10] =	ssyncset.done $0x0  }
0x13: {  	s18 =	simm.s32 @!p0 $0x0;
	s19 =	simm.s32 @!p0 $0x2700;
	[sflag:s10] =	ssyncadd.s32 $0xFFFFD900  }
0x14: {  	[tilespmem:s19], [sflag:$0x2] =	stream.linear.gather @!p0 [hbm4b:s7+s18], $0x80, $0x38;
	[tilespmem:$0x3F08] =	vst v63  }
0x15: {  	s18 =	simm.s32 @!p0 $0x2  }
0x16: {  	_ =	swait.ge @!p0 [sflag:s18], $0x80  }
0x17: {  	[sflag:s18] =	ssyncset.done @!p0 $0x0  }
0x18: {  	[sflag:s18] =	ssyncadd.s32 @!p0 $0xFFFFFF80  }
0x19: {  	[tilespmem:s11], [sflag:$0x2] =	stream.linear.gather [hbm4b:s5+s4], $0x400, $0x38;
	[tilespmem:$0x3F08] =	vst v63  }
0x1a: {  	_ =	swait.ge [sflag:s10], $0x400  }
0x1b: {  	[sflag:s10] =	ssyncset.done $0x0  }
0x1c: {  	[sflag:s10] =	ssyncadd.s32 $0xFFFFFC00  }
0x1d: {  	[spmem:s13], [sflag:s12] =	dma.local [hbm:s2], $0x271  }
0x1e: {  	_ =	swait.ge [sflag:s10], $0x271  }
0x1f: {  	[sflag:s10] =	ssyncset.done $0x0  }
0x20: {  	[sflag:s10] =	ssyncadd.s32 $0xFFFFFD8F  }
0x21: {  	s19 =	simm.s32 $0x0;
	s18 =	simm.s32 $0x200;
	[bflag:$0x0] =	sbarrier.arrive $0xFFFF  }
.LBB2_2:
0x22: {  	[spmem:s3] =	stream.indirect.scatter.add.f32 [tilespmem:s11], [sflag:$0x1], $0x8, s19, s14, $0xb8;
	[tilespmem:$0x3F08] =	vst v63  }
0x23: {  	s19 =	smov.u32 s18;
	p1 =	sne.s32 s18, $0x9A00  }
.Ltmp0:
0x24: {  	s18 =	sadd.s32 $0x200, s18;
	(pc) =	sbr.rel @p1 .LBB2_2-.Ltmp0, $2  }
0x25: {  	_ =	sdelay $0x2  }
0x26: {  	s19 =	sshra.s32 s19, $0x2  }
0x27: {  	[spmem:s3] =	stream.indirect.scatter.add.f32 [tilespmem:s11], [sflag:$0x1], $0x8, s19, s14, $0xb8;
	[tilespmem:$0x3F08] =	vst v63  }
0x28: {  	s18 =	simm.s32 @!p0 $0x80;
	s19 =	simm.s32 @!p0 $0x2700;
	s20 =	simm.s32 @!p0 $0x2780  }
0x29: {  	[spmem:s3] =	stream.indirect.scatter.add.f32 @!p0 [tilespmem:s20], [sflag:$0x1], $0x8, s19, s18, $0xb8;
	[tilespmem:$0x3F08] =	vst v63  }
0x2a: {  	_ =	swait.ge [sflag:s15], $0x400  }
0x2b: {  	s18 =	simm.s32 $0x4D;
	[sflag:s15] =	ssyncset.done $0x0  }
.LBB2_4:
0x2c: {  	p1 =	sne.s32 s18, $0x1;
	s18 =	sadd.s32 $0xFFFFFFFF, s18;
	[sflag:s15] =	ssyncadd.s32 $0xFFFFFC00  }
.Ltmp1:
0x2d: {  	(pc) =	sbr.rel @p1 .LBB2_4-.Ltmp1, $3  }
0x2e: {  	_ =	sdelay $0x1  }
0x2f: {  	_ =	swait.ge [sflag:s15], $0x400  }
0x30: {  	[sflag:s15] =	ssyncset.done $0x0  }
0x31: {  	[sflag:s15] =	ssyncadd.s32 $0xFFFFFC00;
	s18 =	simm.s32 @!p0 $0x1  }
0x32: {  	_ =	swait.ge @!p0 [sflag:s18], $0x400  }
0x33: {  	s17 =	sadd.s32 $0x1, s17;
	[sflag:s18] =	ssyncset.done @!p0 $0x0  }
0x34: {  	p1 =	sne.s32 s17, s9;
	[sflag:s18] =	ssyncadd.s32 @!p0 $0xFFFFFC00  }
.Ltmp2:
0x35: {  	[bflag:$0x0] =	sbarrier.arrive $0xFFFF;
	(pc) =	sbr.rel @p1 .LBB2_1-.Ltmp2, $4  }
0x36: {  	[hbm:s8@s16], [sflag:s12] =	dma.strided [spmem:s13@s15], $0x271, s15, $0x1   }
0x37: {  	_ =	swait.ge [sflag:s10], $0x271  }
0x38: {  	[sflag:s10] =	ssyncset.done $0x0  }
0x39: {  	[sflag:s10] =	ssyncadd.s32 $0xFFFFFD8F  }
0x3a: {  	_ =	sfence.sel $0x180000  }
0x3b: {  	[bflag:$0x0] =	sbarrier.arrive $0xFFFF  }
0x3c: {  	p0 =	sne.s32 s0, $0x0;
	_ =	strace $0x90000047  }
0x3d: {  	s0 =	sadd.s32 @!p0 $0x100000, s1;
	[bflag:$0x2] =	sbarrier.arrive $0xFFFF  }
0x3e: {  	[sflag:s0] =	ssyncadd.tile.s32 @!p0 $0x1;
	_ =	shalt  }
.Lfunc_end2:
_tile_overlayer_lowered:
.L_overlay_start_2:
0x3f: {  	(tag) =	ssettag $0x2  }
0x40: {  	s0 =	rddreg [dreg:$0x0];
	s2 =	stileid.u32  }
0x41: {  	s1 =	rddreg [dreg:$0x1];
	p0 =	sne.s32 s2, $0x0  }
0x42: {  	s3 =	rddreg [dreg:$0x2];
	[bflag:$0x3] =	sbarrier.arrive $0xFFFF;
	s2 =	simm.s32 @!p0 $0x1C02  }
0x43: {  	[timem:s3], [sflag:s2] =	dma.local @!p0 [hbm:s0], s1  }
0x44: {  	s0 =	simm.s32 @!p0 $0x2  }
0x45: {  	_ =	swait.ge @!p0 [sflag:s0], s1  }
0x46: {  	s1 =	ssub.s32 @!p0 $0x0, s1;
	[sflag:s0] =	ssyncset.done @!p0 $0x0  }
0x47: {  	[sflag:s0] =	ssyncadd.s32 @!p0 s1  }
0x48: {  	[bflag:$0x3] =	sbarrier.arrive $0xFFFF  }
0x49: {  	_ =	shalt  }

// kernel: kernel.13.cloned.1.call-start
scs
__scs_entry_jumppad:
0x0: {  	(pc) =	sbr.rel $0x88, $3  }
0x1: {  	(tag) =	ssettag $0x0;
	lr =	simm.s32 $0x1  }
0x2: {  	[smem:$0x3F97] =	sst lr;
	_ =	strace $0xD0000000  }
0x3: {  	_ = 	snop  }
0x4: {  	_ = 	snop  }
0x5: {  	_ = 	snop  }
0x6: {  	_ = 	snop  }
0x7: {  	_ = 	snop  }
__scs_overlays_trampoline_lowered:
0x8: {  	[smem:$0x3FA6] =	sst s0  }
0x9: {  	[smem:$0x3FA7] =	sst s1  }
0xa: {  	[smem:$0x3FA8] =	sst s2  }
0xb: {  	[smem:$0x3FA9] =	sst s3  }
0xc: {  	[smem:$0x3FAA] =	sst s4  }
0xd: {  	[smem:$0x3FAB] =	sst s5  }
0xe: {  	[smem:$0x3FAC] =	sst s6  }
0xf: {  	[smem:$0x3FAD] =	sst s7  }
0x10: {  	[smem:$0x3FAE] =	sst s8  }
0x11: {  	[smem:$0x3FAF] =	sst s9;
	s0 =	simm.s32 @!p0 $0x0  }
0x12: {  	s1 =	sld [smem:$0x3F95];
	s0 =	simm.s32 @p0 $0x1  }
0x13: {  	[smem:$0x3FB0] =	sst s0;
	s0 =	simm.s32 @!p1 $0x0  }
0x14: {  	s2 =	sld [smem:$0x3F94];
	s0 =	simm.s32 @p1 $0x1  }
0x15: {  	[smem:$0x3FB1] =	sst s0;
	s0 =	simm.s32 @!p2 $0x0  }
0x16: {  	s3 =	sld [smem:$0x3FDB];
	s0 =	simm.s32 @p2 $0x1  }
0x17: {  	s4 =	simm.s32 $0x1BF5;
	[smem:$0x3FB3] =	sst s0  }
0x18: {  	s0 =	sld [smem:$0x3F96];
	_ =	swait.ge [sflag:s4], $0x0  }
0x19: {  	s7 =	sld [smem:$0x3F97]  }
0x1a: {  	s8 =	sadd.s32 $0xFFFFE003, lr  }
0x1b: {  	s9 =	sadd.s32 $0xFFFFFEF7, lr;
	s5 =	simm.s32 $0xFFFFFFFF;
	p2 =	slt.u32 s8, $0xFFFFF086  }
0x1c: {  	p1 =	slt.u32 s9, $0xF7A;
	s5 =	simm.s32 @!p2 $0x0  }
0x1d: {  	s5 =	simm.s32 @p1 $0x1;
	p0 =	seq.s32 s7, s2  }
0x1e: {  	s7 =	smul.u32 @!p0 $0xF7A, s2;
	p2 =	seq.s32 @!p0 s5, $0x0  }
0x1f: {  	s9 =	smul.u32 $0xF7A, s1;
	s8 =	simm.s32 @!p0 $0x1BF5;
	p2 =	por !p2, p0  }
0x20: {  	[sflag:s8] =	ssyncset.s32 @!p0 $0xFFFFF086;
	s6 =	sadd.s32 @!p0 s3, s7;
	s7 =	simm.s32 @!p0 $0x108  }
0x21: {  	s3 =	sadd.s32 s3, s9;
	s6 =	sadd.s32 @!p0 $0x88, s6;
	s7 =	simm.s32 @p2 $0x1082  }
0x22: {  	[simem:s7], [sflag:s8] =	dma.local @!p0 [hbm:s6], $0xF7A  }
0x23: {  	s9 =	sor.u32 $0xD0000000, s2;
	s6 =	simm.s32 $0x108;
	_ =	swait.ge @!p0 [sflag:s8], $0x0  }
0x24: {  	s3 =	sadd.s32 $0x88, s3;
	s6 =	simm.s32 @!p1 $0x1082;
	[sflag:s4] =	ssyncset.s32 $0xFFFFF086  }
0x25: {  	[simem:s6], [sflag:s4] =	dma.local [hbm:s3], $0xF7A  }
0x26: {  	[smem:$0x3F97] =	sst s1;
	(tag) =	ssettag s2;
	_ =	strace s9  }
0x27: {  	s1 =	sld [smem:$0x3FA7]  }
0x28: {  	s2 =	sld [smem:$0x3FA8]  }
0x29: {  	s4 =	sld [smem:$0x3FAA]  }
0x2a: {  	p0 =	seq.s32 s5, $0x0;
	s5 =	sld [smem:$0x3FAB]  }
0x2b: {  	s6 =	sld [smem:$0x3FAC]  }
0x2c: {  	s7 =	sld [smem:$0x3FAD]  }
0x2d: {  	s3 =	simm.s32 $0x108;
	s8 =	sld [smem:$0x3FAE]  }
0x2e: {  	s3 =	simm.s32 @!p0 $0x1082;
	s9 =	sld [smem:$0x3FAF]  }
0x2f: {  	lr =	sadd.s32 s0, s3;
	s0 =	sld [smem:$0x3FA6]  }
0x30: {  	s3 =	sld [smem:$0x3FA9]  }
0x31: {  	[smem:$0x3FB2] =	sst s10  }
0x32: {  	s10 =	sld [smem:$0x3FB0];
	_ =	sdelay $0x3  }
0x33: {  	p0 =	seq.s32 s10, $0x1;
	s10 =	sld [smem:$0x3FB2];
	_ =	sdelay $0x3  }
0x34: {  	[smem:$0x3FB2] =	sst s10  }
0x35: {  	s10 =	sld [smem:$0x3FB1];
	_ =	sdelay $0x3  }
0x36: {  	p1 =	seq.s32 s10, $0x1;
	s10 =	sld [smem:$0x3FB2];
	_ =	sdelay $0x3  }
0x37: {  	[smem:$0x3FB2] =	sst s10  }
0x38: {  	s10 =	sld [smem:$0x3FB3]  }
0x39: {  	_ = 	snop;
	(pc) =	sbr.ind lr, $3  }
0x3a: {  	_ = 	snop  }
0x3b: {  	_ = 	snop  }
0x3c: {  	p2 =	seq.s32 s10, $0x1;
	s10 =	sld [smem:$0x3FB2]  }
0x3d: {  	_ =	shalt  }
0x3e: {  	_ =	shalt  }
0x3f: {  	_ =	shalt  }
0x40: {  	_ =	shalt  }
0x41: {  	_ =	shalt  }
0x42: {  	_ =	shalt  }
0x43: {  	_ =	shalt  }
0x44: {  	_ =	shalt  }
0x45: {  	_ =	shalt  }
0x46: {  	_ =	shalt  }
0x47: {  	_ =	shalt  }
0x48: {  	_ =	shalt  }
0x49: {  	_ =	shalt  }
0x4a: {  	_ =	shalt  }
0x4b: {  	_ =	shalt  }
0x4c: {  	_ =	shalt  }
0x4d: {  	_ =	shalt  }
0x4e: {  	_ =	shalt  }
0x4f: {  	_ =	shalt  }
0x50: {  	_ =	shalt  }
0x51: {  	_ =	shalt  }
0x52: {  	_ =	shalt  }
0x53: {  	_ =	shalt  }
0x54: {  	_ =	shalt  }
0x55: {  	_ =	shalt  }
0x56: {  	_ =	shalt  }
0x57: {  	_ =	shalt  }
0x58: {  	_ =	shalt  }
0x59: {  	_ =	shalt  }
0x5a: {  	_ =	shalt  }
0x5b: {  	_ =	shalt  }
0x5c: {  	_ =	shalt  }
0x5d: {  	_ =	shalt  }
0x5e: {  	_ =	shalt  }
0x5f: {  	_ =	shalt  }
0x60: {  	_ =	shalt  }
0x61: {  	_ =	shalt  }
0x62: {  	_ =	shalt  }
0x63: {  	_ =	shalt  }
0x64: {  	_ =	shalt  }
0x65: {  	_ =	shalt  }
0x66: {  	_ =	shalt  }
0x67: {  	_ =	shalt  }
0x68: {  	_ =	shalt  }
0x69: {  	_ =	shalt  }
0x6a: {  	_ =	shalt  }
0x6b: {  	_ =	shalt  }
0x6c: {  	_ =	shalt  }
0x6d: {  	_ =	shalt  }
0x6e: {  	_ =	shalt  }
0x6f: {  	_ =	shalt  }
0x70: {  	_ =	shalt  }
0x71: {  	_ =	shalt  }
0x72: {  	_ =	shalt  }
0x73: {  	_ =	shalt  }
0x74: {  	_ =	shalt  }
0x75: {  	_ =	shalt  }
0x76: {  	_ =	shalt  }
0x77: {  	_ =	shalt  }
0x78: {  	_ =	shalt  }
0x79: {  	_ =	shalt  }
0x7a: {  	_ =	shalt  }
0x7b: {  	_ =	shalt  }
0x7c: {  	_ =	shalt  }
0x7d: {  	_ =	shalt  }
0x7e: {  	_ =	shalt  }
0x7f: {  	_ =	shalt  }
0x80: {  	_ =	shalt  }
0x81: {  	_ =	shalt  }
0x82: {  	_ =	shalt  }
0x83: {  	_ =	shalt  }
0x84: {  	_ =	shalt  }
0x85: {  	_ =	shalt  }
0x86: {  	_ =	shalt  }
0x87: {  	_ =	shalt  }
.Lfunc_end0:
.L_simem_size_0:
called_computation.1_lowered:
.L_overlay_start_0:
0x88: {  	s2 =	sld [smem:$0x3FD9]  }
0x89: {  	s3 =	sld [smem:$0x3FFE];
	_ =	sdelay $0x1  }
0x8a: {  	s1 =	srdreg.scid  }
0x8b: {  	s0 =	sand.u32 $0x1, s1  }
0x8c: {  	s17 =	sshll.u32 s0, $0xA;
	s2 =	sadd.s32 s3, s2  }
0x8d: {  	s2 =	sadd.s32 s2, s17  }
0x8e: {  	[smem:$0x3FBE] =	sst s2  }
0x8f: {  	_ = 	snop  }
0x90: {  	s2 =	sld [smem:$0x3FD0];
	(tm) =	ssettm $0x1  }
0x91: {  	s18 =	sld [smem:$0x3FFB];
	_ =	sdelay $0x3  }
0x92: {  	_ =	strace s18  }
0x93: {  	s3 =	sld [smem:$0x3FFC];
	_ =	sdelay $0x3  }
0x94: {  	_ =	strace s3  }
0x95: {  	s3 =	sld [smem:$0x3FFD];
	_ =	sdelay $0x3  }
0x96: {  	_ =	strace s3  }
0x97: {  	_ =	strace $0x8FFFFFFF  }
0x98: {  	s19 =	sld [smem:$0x3FDB];
	_ =	sdelay $0x1  }
0x99: {  	s4 =	simm.s32 $_scs_section_size  }
0x9a: {  	s5 =	simm.s32 $_size__tile_overlayer_lowered;
	s6 =	simm.s32 $_tile_overlayer_lowered  }
0x9b: {  	s22 =	simm.s32 $0x1BFF;
	s21 =	sshll.u32 s6, $0x1;
	s3 =	sadd.s32 s4, s19  }
0x9c: {  	s7 =	simm.s32 $0x0;
	s20 =	sshll.u32 s5, $0x1;
	s5 =	sadd.s32 s21, s3  }
0x9d: {  	[timem:s7], [sflag:s22] =	dma.local [hbm:s5], s20  }
0x9e: {  	_ =	swait.ge [sflag:s22], s20  }
0x9f: {  	s4 =	ssub.s32 $0x0, s20;
	[sflag:s22] =	ssyncset.done $0x0  }
0xa0: {  	[sflag:s22] =	ssyncadd.s32 s4;
	_ =	sdelay $0x1  }
0xa1: {  	s23 =	simm.s32 $0x1B8B  }
0xa2: {  	_ =	swait.ge [sflag:s23], $0x1  }
0xa3: {  	[sflag:s23] =	ssyncset.done $0x0  }
0xa4: {  	s25 =	simm.s32 $0x1B8E;
	s24 =	sld [smem:$0x3FFE];
	[sflag:s23] =	ssyncadd.s32 $0xFFFFFFFF  }
0xa5: {  	s26 =	simm.s32 $execute0_lowered;
	[smem:$0x3FD2] =	sst s25  }
0xa6: {  	s5 =	sshll.u32 s26, $0x1;
	_ =	strace $0x80000049;
	[dreg:$0x1] =	wrdreg $0xFFFFFFFF  }
0xa7: {  	s28 =	simm.s32 $_size_execute0_lowered;
	s3 =	sadd.s32 s3, s5;
	[dreg:$0x0] =	wrdreg $0x0  }
0xa8: {  	s5 =	sshll.u32 s28, $0x1;
	[dreg:$0x2] =	wrdreg s3  }
0xa9: {  	[dreg:$0x3] =	wrdreg s5  }
0xaa: {  	[dreg:$0x4] =	wrdreg $0xC0  }
0xab: {  	_ =	task [dreg:s7], $0x5FFFF  }
0xac: {  	[dreg:$0x1] =	wrdreg $0xFFFFFFFF  }
0xad: {  	[dreg:$0x0] =	wrdreg $0x60  }
0xae: {  	[dreg:$0x2] =	wrdreg s24  }
0xaf: {  	[dreg:$0x3] =	wrdreg s2  }
0xb0: {  	[dreg:$0x4] =	wrdreg $0x14B400  }
0xb1: {  	[dreg:$0x5] =	wrdreg $0xAF000  }
0xb2: {  	[dreg:$0x6] =	wrdreg $0x9  }
0xb3: {  	_ =	task.clear_ibuf [dreg:s7], $0x7FFFF;
	_ =	strace $0x90000049  }
0xb4: {  	s29 =	simm.s32 $0x9;
	_ =	strace $0x8000004B  }
0xb5: {  	_ =	swait.ge [sflag:s29], $0x1  }
0xb6: {  	[sflag:s29] =	ssyncadd.s32 $0xFFFFFFFF  }
0xb7: {  	_ =	strace $0x9000004B  }
0xb8: {  	_ =	sfence  }
0xb9: {  	s30 =	sld [smem:$0x0];
	_ =	sdelay $0x2  }
0xba: {  	s31 =	sshll.u32 s1, $0xD;
	s1 =	sshrl.u32 s1, $0x2  }
0xbb: {  	s3 =	sand.u32 $0x4000, s31;
	s1 =	sadd.s32 s1, s30  }
0xbc: {  	s0 =	sor.u32 s3, s0;
	s1 =	sshll.u32 s1, $0x11  }
0xbd: {  	s0 =	sor.u32 s1, s0  }
0xbe: {  	s0 =	sadd.s32 $0x8F2B, s0  }
0xbf: {  	[sflag:s0] =	ssyncadd.remote.s32 $0x1  }
0xc0: {  	_ =	sfence.sel $0xFFFF  }
0xc1: {  	[dreg:$0x0] =	wrdreg $0xFFFFFFFF;
	(pc) =	sbr.abs _section_cstart, $3  }
0xc2: {  	[dreg:$0x1] =	wrdreg $0xFFFFFFFF  }
0xc3: {  	_ =	task.clear_ibuf [dreg:s7], $0x2FFFF;
	_ =	strace $0x9FFFFFFF  }
0xc4: {  	(tm) =	ssettm $0x7FFFFFFF  }
0xc5: {  	_ =	shalt  }
tec
execute0_lowered:
.L_overlay_start_1:
0x0: {  	(tag) =	ssettag $0x1  }
0x1: {  	s0 =	rddreg [dreg:$0x0]  }
0x2: {  	s2 =	rddreg [dreg:$0x2]  }
0x3: {  	s4 =	rddreg [dreg:$0x3]  }
0x4: {  	s5 =	simm.s32 $0x0;
	s15 =	stileid.u32;
	s3 =	srdreg.scid  }
0x5: {  	s18 =	simm.s32 $0x1;
	s19 =	simm.s32 $0x8;
	s20 =	simm.s32 $0x10  }
0x6: {  	s28 =	simm.s32 $0x3;
	s29 =	simm.s32 $0x4D00;
	s30 =	simm.s32 $0x4D80  }
0x7: {  	s31 =	simm.s32 $0x4E00;
	[smem:$0x7FF] =	sst s5;
	s1 =	smul.u32 $0x13880, s15  }
0x8: {  	s8 =	sadd.s32 $0xE600, s0;
	s3 =	sand.u32 $0x1, s3;
	s9 =	sadd.s32 $0x4800, s0  }
0x9: {  	s24 =	sshll.u32 s15, $0x4;
	s11 =	smul.u32 $0x9C40, s15;
	s26 =	sshll.u32 s15, $0x6  }
0xa: {  	_ =	strace $0x8000004A;
	s7 =	sshll.u32 s3, $0x6;
	s21 =	sshll.u32 s3, $0x4  }
0xb: {  	s3 =	ssub.s32 $0x2, s3;
	s16 =	sor.u32 $0x1C04, s26;
	s26 =	simm.s32 $0x2  }
0xc: {  	s6 =	sshrl.u32 s1, $0x3;
	s1 =	sor.u32 s7, s1;
	s14 =	sor.u32 s15, s21  }
0xd: {  	s22 =	sshrl.u32 s3, $0x1;
	s25 =	sadd.s32 s11, s2;
	s11 =	sadd.s32 s11, s4  }
0xe: {  	s21 =	simm.s32 $0x80;
	s10 =	sadd.s32 s6, s0;
	s1 =	sshrl.u32 s1, $0x3  }
0xf: {  	s23 =	smul.u32 $0x4E0, s14;
	p0 =	sgt.u32 s14, $0x3;
	s14 =	simm.s32 $0x4  }
0x10: {  	s17 =	sshrl.u32 s25, $0x3;
	s25 =	simm.s32 $0x8F00;
	s0 =	sadd.s32 s1, s0  }
0x11: {  	s1 =	ssub.s32 s3, s22;
	s3 =	sor.u32 $0x9C00, s24;
	s10 =	sadd.s32 $0x18400, s10  }
0x12: {  	s22 =	simm.s32 $0x4F00;
	s6 =	sadd.s32 s8, s23;
	s7 =	sadd.s32 s9, s23  }
0x13: {  	s8 =	sadd.s32 s8, s3;
	s9 =	sadd.s32 s9, s3;
	s12 =	sadd.s32 $0x66800, s0  }
0x14: {  	s13 =	smax.u32 s1, $0x1;
	s23 =	simm.s32 $0x6F00;
	s0 =	simm.s32 $0x0  }
.LBB2_1:
0x15: {  	[tilespmem:s5], [sflag:$0x4] =	stream.linear.gather [hbm4b:s6+s5], $0x2700, $0x38;
	[tilespmem:$0x1E780] =	vst v63  }
0x16: {  	_ =	swait.ge [sflag:s14], $0x2700  }
0x17: {  	[sflag:s14] =	ssyncset.done $0x0  }
0x18: {  	s1 =	simm.s32 $0x2780;
	[sflag:s14] =	ssyncadd.s32 $0xFFFFD900  }
0x19: {  	[tilespmem:s1], [sflag:$0x4] =	stream.linear.gather [hbm4b:s7+s5], $0x2700, $0x38;
	[tilespmem:$0x1E780] =	vst v63  }
0x1a: {  	_ =	swait.ge [sflag:s14], $0x2700  }
0x1b: {  	[sflag:s14] =	ssyncset.done $0x0  }
0x1c: {  	s3 =	simm.s32 @!p0 $0x2700;
	s1 =	simm.s32 @!p0 $0x0;
	[sflag:s14] =	ssyncadd.s32 $0xFFFFD900  }
0x1d: {  	[tilespmem:s3], [sflag:$0x4] =	stream.linear.gather @!p0 [hbm4b:s8+s1], $0x80, $0x38;
	[tilespmem:$0x1E780] =	vst v63  }
0x1e: {  	s3 =	simm.s32 @!p0 $0x4  }
0x1f: {  	_ =	swait.ge @!p0 [sflag:s3], $0x80  }
0x20: {  	[sflag:s3] =	ssyncset.done @!p0 $0x0  }
0x21: {  	s15 =	simm.s32 @!p0 $0x4E80;
	[sflag:s3] =	ssyncadd.s32 @!p0 $0xFFFFFF80  }
0x22: {  	[tilespmem:s15], [sflag:$0x4] =	stream.linear.gather @!p0 [hbm4b:s9+s1], $0x80, $0x38;
	[tilespmem:$0x1E780] =	vst v63  }
0x23: {  	_ =	swait.ge @!p0 [sflag:s3], $0x80  }
0x24: {  	[sflag:s3] =	ssyncset.done @!p0 $0x0  }
0x25: {  	[sflag:s3] =	ssyncadd.s32 @!p0 $0xFFFFFF80  }
0x26: {  	[spmem:s17@s19], [sflag:s16] =	dma.strided [hbm:s10@s20], $0x1388, s18, $0x8   }
0x27: {  	_ =	swait.ge [sflag:s14], $0x1388  }
0x28: {  	[sflag:s14] =	ssyncset.done $0x0  }
0x29: {  	[sflag:s14] =	ssyncadd.s32 $0xFFFFEC78  }
0x2a: {  	s3 =	sshrl.u32 s11, $0x3;
	s24 =	rddreg [dreg:$0x1]  }
0x2b: {  	[spmem:s3], [sflag:s16] =	dma.local [hbm:s24], $0x1388  }
0x2c: {  	_ =	swait.ge [sflag:s14], $0x1388  }
0x2d: {  	[sflag:s14] =	ssyncset.done $0x0  }
0x2e: {  	[sflag:s14] =	ssyncadd.s32 $0xFFFFEC78  }
0x2f: {  	[bflag:$0x0] =	sbarrier.arrive $0xFFFF  }
0x30: {  	[tilespmem:s22], [sflag:$0x1] =	stream.indirect.gather [spmem:s2], $0x40, s5, s21, $0xb8;
	[tilespmem:$0x1E780] =	vst v63  }
0x31: {  	_ = 	snop  }
0x32: {  	[tilespmem:s23], [sflag:$0x2] =	stream.indirect.gather [spmem:s2], $0x40, s21, s21, $0xb8;
	[tilespmem:$0x1E780] =	vst v63  }
0x33: {  	s15 =	simm.s32 $0x100  }
0x34: {  	[tilespmem:s25], [sflag:$0x3] =	stream.indirect.gather [spmem:s2], $0x40, s15, s21, $0xb8;
	[tilespmem:$0x1E780] =	vst v63  }
0x35: {  	_ =	swait.ge [sflag:s18], $0x2000  }
0x36: {  	[sflag:s18] =	ssyncset.done $0x0  }
0x37: {  	s24 =	simm.s32 $0x2780;
	[sflag:s18] =	ssyncadd.s32 $0xFFFFE000  }
0x38: {  	[spmem:s4] =	stream.indirect.scatter.add.f32 [tilespmem:s22], [sflag:$0x4], $0x40, s24, s21, $0xb8;
	[tilespmem:$0x1E780] =	vst v63  }
0x39: {  	_ =	swait.ge [sflag:s14], $0x2000  }
0x3a: {  	[sflag:s14] =	ssyncset.done $0x0  }
0x3b: {  	s15 =	simm.s32 $0x180;
	[sflag:s14] =	ssyncadd.s32 $0xFFFFE000  }
0x3c: {  	[tilespmem:s22], [sflag:$0x1] =	stream.indirect.gather [spmem:s2], $0x40, s15, s21, $0xb8;
	[tilespmem:$0x1E780] =	vst v63  }
0x3d: {  	_ =	swait.ge [sflag:s26], $0x2000  }
0x3e: {  	[sflag:s26] =	ssyncset.done $0x0  }
0x3f: {  	s24 =	simm.s32 $0x2800;
	[sflag:s26] =	ssyncadd.s32 $0xFFFFE000  }
0x40: {  	[spmem:s4] =	stream.indirect.scatter.add.f32 [tilespmem:s23], [sflag:$0x4], $0x40, s24, s21, $0xb8;
	[tilespmem:$0x1E780] =	vst v63  }
0x41: {  	_ =	swait.ge [sflag:s14], $0x2000  }
0x42: {  	[sflag:s14] =	ssyncset.done $0x0  }
0x43: {  	s15 =	simm.s32 $0x200;
	[sflag:s14] =	ssyncadd.s32 $0xFFFFE000  }
0x44: {  	[tilespmem:s23], [sflag:$0x2] =	stream.indirect.gather [spmem:s2], $0x40, s15, s21, $0xb8;
	[tilespmem:$0x1E780] =	vst v63  }
0x45: {  	_ =	swait.ge [sflag:s28], $0x2000  }
0x46: {  	[sflag:s28] =	ssyncset.done $0x0  }
0x47: {  	s24 =	simm.s32 $0x2880;
	[sflag:s28] =	ssyncadd.s32 $0xFFFFE000  }
0x48: {  	[spmem:s4] =	stream.indirect.scatter.add.f32 [tilespmem:s25], [sflag:$0x4], $0x40, s24, s21, $0xb8;
	[tilespmem:$0x1E780] =	vst v63  }
0x49: {  	_ =	swait.ge [sflag:s14], $0x2000  }
0x4a: {  	[sflag:s14] =	ssyncset.done $0x0  }
0x4b: {  	s1 =	simm.s32 $0x600;
	s15 =	simm.s32 $0x280;
	[sflag:s14] =	ssyncadd.s32 $0xFFFFE000  }
.LBB2_2:
0x4c: {  	[tilespmem:s25], [sflag:$0x3] =	stream.indirect.gather [spmem:s2], $0x40, s15, s21, $0xb8;
	[tilespmem:$0x1E780] =	vst v63  }
0x4d: {  	s15 =	smov.u32 s1  }
0x4e: {  	p1 =	sne.s32 s1, $0x9000;
	s1 =	sadd.s32 $0x600, s1;
	_ =	swait.ge [sflag:s18], $0x2000  }
0x4f: {  	s15 =	sshra.s32 s15, $0x2;
	[sflag:s18] =	ssyncset.done $0x0  }
0x50: {  	s24 =	sadd.s32 $0x2780, s15;
	[sflag:s18] =	ssyncadd.s32 $0xFFFFE000  }
0x51: {  	[spmem:s4] =	stream.indirect.scatter.add.f32 [tilespmem:s22], [sflag:$0x4], $0x40, s24, s21, $0xb8;
	[tilespmem:$0x1E780] =	vst v63  }
0x52: {  	_ =	swait.ge [sflag:s14], $0x2000  }
0x53: {  	[sflag:s14] =	ssyncset.done $0x0  }
0x54: {  	s24 =	sadd.s32 $0x180, s15;
	[sflag:s14] =	ssyncadd.s32 $0xFFFFE000  }
0x55: {  	[tilespmem:s22], [sflag:$0x1] =	stream.indirect.gather [spmem:s2], $0x40, s24, s21, $0xb8;
	[tilespmem:$0x1E780] =	vst v63  }
0x56: {  	_ =	swait.ge [sflag:s26], $0x2000  }
0x57: {  	[sflag:s26] =	ssyncset.done $0x0  }
0x58: {  	s24 =	sadd.s32 $0x2800, s15;
	[sflag:s26] =	ssyncadd.s32 $0xFFFFE000  }
0x59: {  	[spmem:s4] =	stream.indirect.scatter.add.f32 [tilespmem:s23], [sflag:$0x4], $0x40, s24, s21, $0xb8;
	[tilespmem:$0x1E780] =	vst v63  }
0x5a: {  	_ =	swait.ge [sflag:s14], $0x2000  }
0x5b: {  	[sflag:s14] =	ssyncset.done $0x0  }
0x5c: {  	s24 =	sadd.s32 $0x200, s15;
	[sflag:s14] =	ssyncadd.s32 $0xFFFFE000  }
0x5d: {  	[tilespmem:s23], [sflag:$0x2] =	stream.indirect.gather [spmem:s2], $0x40, s24, s21, $0xb8;
	[tilespmem:$0x1E780] =	vst v63  }
0x5e: {  	_ =	swait.ge [sflag:s28], $0x2000  }
0x5f: {  	[sflag:s28] =	ssyncset.done $0x0  }
.Ltmp0:
0x60: {  	s24 =	sadd.s32 $0x2880, s15;
	[sflag:s28] =	ssyncadd.s32 $0xFFFFE000;
	(pc) =	sbr.rel @p1 .LBB2_2-.Ltmp0, $4  }
0x61: {  	[spmem:s4] =	stream.indirect.scatter.add.f32 [tilespmem:s25], [sflag:$0x4], $0x40, s24, s21, $0xb8;
	[tilespmem:$0x1E780] =	vst v63  }
0x62: {  	_ =	swait.ge [sflag:s14], $0x2000  }
0x63: {  	[sflag:s14] =	ssyncset.done $0x0  }
0x64: {  	s15 =	sadd.s32 $0x280, s15;
	[sflag:s14] =	ssyncadd.s32 $0xFFFFE000  }
0x65: {  	[tilespmem:s25], [sflag:$0x3] =	stream.indirect.gather [spmem:s2], $0x40, s15, s21, $0xb8;
	[tilespmem:$0x1E780] =	vst v63  }
0x66: {  	_ =	swait.ge [sflag:s18], $0x2000  }
0x67: {  	[sflag:s18] =	ssyncset.done $0x0  }
0x68: {  	[sflag:s18] =	ssyncadd.s32 $0xFFFFE000  }
0x69: {  	[spmem:s4] =	stream.indirect.scatter.add.f32 [tilespmem:s22], [sflag:$0x4], $0x40, s29, s21, $0xb8;
	[tilespmem:$0x1E780] =	vst v63  }
0x6a: {  	_ =	swait.ge [sflag:s14], $0x2000  }
0x6b: {  	[sflag:s14] =	ssyncset.done $0x0  }
0x6c: {  	[sflag:s14] =	ssyncadd.s32 $0xFFFFE000  }
0x6d: {  	_ =	swait.ge [sflag:s26], $0x2000  }
0x6e: {  	[sflag:s26] =	ssyncset.done $0x0  }
0x6f: {  	[sflag:s26] =	ssyncadd.s32 $0xFFFFE000  }
0x70: {  	[spmem:s4] =	stream.indirect.scatter.add.f32 [tilespmem:s23], [sflag:$0x4], $0x40, s30, s21, $0xb8;
	[tilespmem:$0x1E780] =	vst v63  }
0x71: {  	_ =	swait.ge [sflag:s14], $0x2000  }
0x72: {  	[sflag:s14] =	ssyncset.done $0x0  }
0x73: {  	[sflag:s14] =	ssyncadd.s32 $0xFFFFE000  }
0x74: {  	_ =	swait.ge [sflag:s28], $0x2000  }
0x75: {  	[sflag:s28] =	ssyncset.done $0x0  }
0x76: {  	[sflag:s28] =	ssyncadd.s32 $0xFFFFE000  }
0x77: {  	[spmem:s4] =	stream.indirect.scatter.add.f32 [tilespmem:s25], [sflag:$0x4], $0x40, s31, s21, $0xb8;
	[tilespmem:$0x1E780] =	vst v63  }
0x78: {  	_ =	swait.ge [sflag:s14], $0x2000  }
0x79: {  	s1 =	simm.s32 @!p0 $0x80;
	[sflag:s14] =	ssyncset.done $0x0  }
0x7a: {  	s15 =	simm.s32 @!p0 $0x2700;
	s24 =	simm.s32 @!p0 $0x4F00;
	[sflag:s14] =	ssyncadd.s32 $0xFFFFE000  }
0x7b: {  	[tilespmem:s24], [sflag:$0x1] =	stream.indirect.gather @!p0 [spmem:s2], $0x40, s15, s1, $0xb8;
	[tilespmem:$0x1E780] =	vst v63  }
0x7c: {  	s15 =	simm.s32 @!p0 $0x1  }
0x7d: {  	_ =	swait.ge @!p0 [sflag:s15], $0x2000  }
0x7e: {  	[sflag:s15] =	ssyncset.done @!p0 $0x0  }
0x7f: {  	[sflag:s15] =	ssyncadd.s32 @!p0 $0xFFFFE000;
	s15 =	simm.s32 @!p0 $0x4E80  }
0x80: {  	[spmem:s4] =	stream.indirect.scatter.add.f32 @!p0 [tilespmem:s24], [sflag:$0x4], $0x40, s15, s1, $0xb8;
	[tilespmem:$0x1E780] =	vst v63  }
0x81: {  	s1 =	simm.s32 @!p0 $0x4  }
0x82: {  	_ =	swait.ge @!p0 [sflag:s1], $0x2000  }
0x83: {  	s0 =	sadd.s32 $0x1, s0;
	[sflag:s1] =	ssyncset.done @!p0 $0x0  }
0x84: {  	p1 =	sne.s32 s0, s13;
	[sflag:s1] =	ssyncadd.s32 @!p0 $0xFFFFE000  }
.Ltmp1:
0x85: {  	[bflag:$0x0] =	sbarrier.arrive $0xFFFF;
	(pc) =	sbr.rel @p1 .LBB2_1-.Ltmp1, $4  }
0x86: {  	[hbm:s12@s20], [sflag:s16] =	dma.strided [spmem:s3@s19], $0x1388, s18, $0x8   }
0x87: {  	_ =	swait.ge [sflag:s14], $0x1388  }
0x88: {  	[sflag:s14] =	ssyncset.done $0x0  }
0x89: {  	[sflag:s14] =	ssyncadd.s32 $0xFFFFEC78  }
0x8a: {  	_ =	sfence.sel $0x180000  }
0x8b: {  	[bflag:$0x0] =	sbarrier.arrive $0xFFFF  }
0x8c: {  	_ =	strace $0x9000004A  }
0x8d: {  	s0 =	stileid.u32;
	[bflag:$0x2] =	sbarrier.arrive $0xFFFF  }
0x8e: {  	p0 =	sne.s32 s0, $0x0;
	s0 =	rddreg [dreg:$0x4]  }
0x8f: {  	s0 =	sadd.s32 @!p0 $0x100000, s0  }
0x90: {  	[sflag:s0] =	ssyncadd.tile.s32 @!p0 $0x1;
	_ =	shalt  }
.Lfunc_end2:
_tile_overlayer_lowered:
.L_overlay_start_2:
0x91: {  	(tag) =	ssettag $0x2  }
0x92: {  	s0 =	rddreg [dreg:$0x0];
	s2 =	stileid.u32  }
0x93: {  	s1 =	rddreg [dreg:$0x1];
	p0 =	sne.s32 s2, $0x0  }
0x94: {  	s3 =	rddreg [dreg:$0x2];
	[bflag:$0x3] =	sbarrier.arrive $0xFFFF;
	s2 =	simm.s32 @!p0 $0x1C04  }
0x95: {  	[timem:s3], [sflag:s2] =	dma.local @!p0 [hbm:s0], s1  }
0x96: {  	s0 =	simm.s32 @!p0 $0x4  }
0x97: {  	_ =	swait.ge @!p0 [sflag:s0], s1  }
0x98: {  	s1 =	ssub.s32 @!p0 $0x0, s1;
	[sflag:s0] =	ssyncset.done @!p0 $0x0  }
0x99: {  	[sflag:s0] =	ssyncadd.s32 @!p0 s1  }
0x9a: {  	[bflag:$0x3] =	sbarrier.arrive $0xFFFF  }
0x9b: {  	_ =	shalt  }

// kernel: kernel.16.cloned.1.call-start
scs
__scs_entry_jumppad:
0x0: {  	(pc) =	sbr.rel $0x88, $3  }
0x1: {  	(tag) =	ssettag $0x0;
	lr =	simm.s32 $0x1  }
0x2: {  	[smem:$0x3F97] =	sst lr;
	_ =	strace $0xD0000000  }
0x3: {  	_ = 	snop  }
0x4: {  	_ = 	snop  }
0x5: {  	_ = 	snop  }
0x6: {  	_ = 	snop  }
0x7: {  	_ = 	snop  }
__scs_overlays_trampoline_lowered:
0x8: {  	[smem:$0x3FA6] =	sst s0  }
0x9: {  	[smem:$0x3FA7] =	sst s1  }
0xa: {  	[smem:$0x3FA8] =	sst s2  }
0xb: {  	[smem:$0x3FA9] =	sst s3  }
0xc: {  	[smem:$0x3FAA] =	sst s4  }
0xd: {  	[smem:$0x3FAB] =	sst s5  }
0xe: {  	[smem:$0x3FAC] =	sst s6  }
0xf: {  	[smem:$0x3FAD] =	sst s7  }
0x10: {  	[smem:$0x3FAE] =	sst s8  }
0x11: {  	[smem:$0x3FAF] =	sst s9;
	s0 =	simm.s32 @!p0 $0x0  }
0x12: {  	s1 =	sld [smem:$0x3F95];
	s0 =	simm.s32 @p0 $0x1  }
0x13: {  	[smem:$0x3FB0] =	sst s0;
	s0 =	simm.s32 @!p1 $0x0  }
0x14: {  	s2 =	sld [smem:$0x3F94];
	s0 =	simm.s32 @p1 $0x1  }
0x15: {  	[smem:$0x3FB1] =	sst s0;
	s0 =	simm.s32 @!p2 $0x0  }
0x16: {  	s3 =	sld [smem:$0x3FDB];
	s0 =	simm.s32 @p2 $0x1  }
0x17: {  	s4 =	simm.s32 $0x1BF5;
	[smem:$0x3FB3] =	sst s0  }
0x18: {  	s0 =	sld [smem:$0x3F96];
	_ =	swait.ge [sflag:s4], $0x0  }
0x19: {  	s7 =	sld [smem:$0x3F97]  }
0x1a: {  	s8 =	sadd.s32 $0xFFFFE003, lr  }
0x1b: {  	s9 =	sadd.s32 $0xFFFFFEF7, lr;
	s5 =	simm.s32 $0xFFFFFFFF;
	p2 =	slt.u32 s8, $0xFFFFF086  }
0x1c: {  	p1 =	slt.u32 s9, $0xF7A;
	s5 =	simm.s32 @!p2 $0x0  }
0x1d: {  	s5 =	simm.s32 @p1 $0x1;
	p0 =	seq.s32 s7, s2  }
0x1e: {  	s7 =	smul.u32 @!p0 $0xF7A, s2;
	p2 =	seq.s32 @!p0 s5, $0x0  }
0x1f: {  	s9 =	smul.u32 $0xF7A, s1;
	s8 =	simm.s32 @!p0 $0x1BF5;
	p2 =	por !p2, p0  }
0x20: {  	[sflag:s8] =	ssyncset.s32 @!p0 $0xFFFFF086;
	s6 =	sadd.s32 @!p0 s3, s7;
	s7 =	simm.s32 @!p0 $0x108  }
0x21: {  	s3 =	sadd.s32 s3, s9;
	s6 =	sadd.s32 @!p0 $0x88, s6;
	s7 =	simm.s32 @p2 $0x1082  }
0x22: {  	[simem:s7], [sflag:s8] =	dma.local @!p0 [hbm:s6], $0xF7A  }
0x23: {  	s9 =	sor.u32 $0xD0000000, s2;
	s6 =	simm.s32 $0x108;
	_ =	swait.ge @!p0 [sflag:s8], $0x0  }
0x24: {  	s3 =	sadd.s32 $0x88, s3;
	s6 =	simm.s32 @!p1 $0x1082;
	[sflag:s4] =	ssyncset.s32 $0xFFFFF086  }
0x25: {  	[simem:s6], [sflag:s4] =	dma.local [hbm:s3], $0xF7A  }
0x26: {  	[smem:$0x3F97] =	sst s1;
	(tag) =	ssettag s2;
	_ =	strace s9  }
0x27: {  	s1 =	sld [smem:$0x3FA7]  }
0x28: {  	s2 =	sld [smem:$0x3FA8]  }
0x29: {  	s4 =	sld [smem:$0x3FAA]  }
0x2a: {  	p0 =	seq.s32 s5, $0x0;
	s5 =	sld [smem:$0x3FAB]  }
0x2b: {  	s6 =	sld [smem:$0x3FAC]  }
0x2c: {  	s7 =	sld [smem:$0x3FAD]  }
0x2d: {  	s3 =	simm.s32 $0x108;
	s8 =	sld [smem:$0x3FAE]  }
0x2e: {  	s3 =	simm.s32 @!p0 $0x1082;
	s9 =	sld [smem:$0x3FAF]  }
0x2f: {  	lr =	sadd.s32 s0, s3;
	s0 =	sld [smem:$0x3FA6]  }
0x30: {  	s3 =	sld [smem:$0x3FA9]  }
0x31: {  	[smem:$0x3FB2] =	sst s10  }
0x32: {  	s10 =	sld [smem:$0x3FB0];
	_ =	sdelay $0x3  }
0x33: {  	p0 =	seq.s32 s10, $0x1;
	s10 =	sld [smem:$0x3FB2];
	_ =	sdelay $0x3  }
0x34: {  	[smem:$0x3FB2] =	sst s10  }
0x35: {  	s10 =	sld [smem:$0x3FB1];
	_ =	sdelay $0x3  }
0x36: {  	p1 =	seq.s32 s10, $0x1;
	s10 =	sld [smem:$0x3FB2];
	_ =	sdelay $0x3  }
0x37: {  	[smem:$0x3FB2] =	sst s10  }
0x38: {  	s10 =	sld [smem:$0x3FB3]  }
0x39: {  	_ = 	snop;
	(pc) =	sbr.ind lr, $3  }
0x3a: {  	_ = 	snop  }
0x3b: {  	_ = 	snop  }
0x3c: {  	p2 =	seq.s32 s10, $0x1;
	s10 =	sld [smem:$0x3FB2]  }
0x3d: {  	_ =	shalt  }
0x3e: {  	_ =	shalt  }
0x3f: {  	_ =	shalt  }
0x40: {  	_ =	shalt  }
0x41: {  	_ =	shalt  }
0x42: {  	_ =	shalt  }
0x43: {  	_ =	shalt  }
0x44: {  	_ =	shalt  }
0x45: {  	_ =	shalt  }
0x46: {  	_ =	shalt  }
0x47: {  	_ =	shalt  }
0x48: {  	_ =	shalt  }
0x49: {  	_ =	shalt  }
0x4a: {  	_ =	shalt  }
0x4b: {  	_ =	shalt  }
0x4c: {  	_ =	shalt  }
0x4d: {  	_ =	shalt  }
0x4e: {  	_ =	shalt  }
0x4f: {  	_ =	shalt  }
0x50: {  	_ =	shalt  }
0x51: {  	_ =	shalt  }
0x52: {  	_ =	shalt  }
0x53: {  	_ =	shalt  }
0x54: {  	_ =	shalt  }
0x55: {  	_ =	shalt  }
0x56: {  	_ =	shalt  }
0x57: {  	_ =	shalt  }
0x58: {  	_ =	shalt  }
0x59: {  	_ =	shalt  }
0x5a: {  	_ =	shalt  }
0x5b: {  	_ =	shalt  }
0x5c: {  	_ =	shalt  }
0x5d: {  	_ =	shalt  }
0x5e: {  	_ =	shalt  }
0x5f: {  	_ =	shalt  }
0x60: {  	_ =	shalt  }
0x61: {  	_ =	shalt  }
0x62: {  	_ =	shalt  }
0x63: {  	_ =	shalt  }
0x64: {  	_ =	shalt  }
0x65: {  	_ =	shalt  }
0x66: {  	_ =	shalt  }
0x67: {  	_ =	shalt  }
0x68: {  	_ =	shalt  }
0x69: {  	_ =	shalt  }
0x6a: {  	_ =	shalt  }
0x6b: {  	_ =	shalt  }
0x6c: {  	_ =	shalt  }
0x6d: {  	_ =	shalt  }
0x6e: {  	_ =	shalt  }
0x6f: {  	_ =	shalt  }
0x70: {  	_ =	shalt  }
0x71: {  	_ =	shalt  }
0x72: {  	_ =	shalt  }
0x73: {  	_ =	shalt  }
0x74: {  	_ =	shalt  }
0x75: {  	_ =	shalt  }
0x76: {  	_ =	shalt  }
0x77: {  	_ =	shalt  }
0x78: {  	_ =	shalt  }
0x79: {  	_ =	shalt  }
0x7a: {  	_ =	shalt  }
0x7b: {  	_ =	shalt  }
0x7c: {  	_ =	shalt  }
0x7d: {  	_ =	shalt  }
0x7e: {  	_ =	shalt  }
0x7f: {  	_ =	shalt  }
0x80: {  	_ =	shalt  }
0x81: {  	_ =	shalt  }
0x82: {  	_ =	shalt  }
0x83: {  	_ =	shalt  }
0x84: {  	_ =	shalt  }
0x85: {  	_ =	shalt  }
0x86: {  	_ =	shalt  }
0x87: {  	_ =	shalt  }
.Lfunc_end0:
.L_simem_size_0:
called_computation.2_lowered:
.L_overlay_start_0:
0x88: {  	s2 =	sld [smem:$0x3FD9]  }
0x89: {  	s3 =	sld [smem:$0x3FFE];
	_ =	sdelay $0x1  }
0x8a: {  	s1 =	srdreg.scid  }
0x8b: {  	s0 =	sand.u32 $0x1, s1  }
0x8c: {  	s17 =	sshll.u32 s0, $0xA;
	s2 =	sadd.s32 s3, s2  }
0x8d: {  	s2 =	sadd.s32 s2, s17  }
0x8e: {  	[smem:$0x3FBE] =	sst s2  }
0x8f: {  	_ = 	snop  }
0x90: {  	s2 =	sld [smem:$0x3FD0];
	(tm) =	ssettm $0x1  }
0x91: {  	s18 =	sld [smem:$0x3FFB];
	_ =	sdelay $0x3  }
0x92: {  	_ =	strace s18  }
0x93: {  	s3 =	sld [smem:$0x3FFC];
	_ =	sdelay $0x3  }
0x94: {  	_ =	strace s3  }
0x95: {  	s3 =	sld [smem:$0x3FFD];
	_ =	sdelay $0x3  }
0x96: {  	_ =	strace s3  }
0x97: {  	_ =	strace $0x8FFFFFFF  }
0x98: {  	s19 =	sld [smem:$0x3FDB];
	_ =	sdelay $0x1  }
0x99: {  	s4 =	simm.s32 $_scs_section_size  }
0x9a: {  	s5 =	simm.s32 $_size__tile_overlayer_lowered;
	s6 =	simm.s32 $_tile_overlayer_lowered  }
0x9b: {  	s22 =	simm.s32 $0x1BFF;
	s21 =	sshll.u32 s6, $0x1;
	s3 =	sadd.s32 s4, s19  }
0x9c: {  	s7 =	simm.s32 $0x0;
	s20 =	sshll.u32 s5, $0x1;
	s5 =	sadd.s32 s21, s3  }
0x9d: {  	[timem:s7], [sflag:s22] =	dma.local [hbm:s5], s20  }
0x9e: {  	_ =	swait.ge [sflag:s22], s20  }
0x9f: {  	s4 =	ssub.s32 $0x0, s20;
	[sflag:s22] =	ssyncset.done $0x0  }
0xa0: {  	[sflag:s22] =	ssyncadd.s32 s4;
	_ =	sdelay $0x1  }
0xa1: {  	s23 =	simm.s32 $0x1B8B  }
0xa2: {  	_ =	swait.ge [sflag:s23], $0x1  }
0xa3: {  	[sflag:s23] =	ssyncset.done $0x0  }
0xa4: {  	s25 =	simm.s32 $0x1B8E;
	s24 =	sld [smem:$0x3FFE];
	[sflag:s23] =	ssyncadd.s32 $0xFFFFFFFF  }
0xa5: {  	s26 =	simm.s32 $execute0_lowered;
	[smem:$0x3FD2] =	sst s25  }
0xa6: {  	s5 =	sshll.u32 s26, $0x1;
	_ =	strace $0x8000004C;
	[dreg:$0x1] =	wrdreg $0xFFFFFFFF  }
0xa7: {  	s28 =	simm.s32 $_size_execute0_lowered;
	s3 =	sadd.s32 s3, s5;
	[dreg:$0x0] =	wrdreg $0x0  }
0xa8: {  	s5 =	sshll.u32 s28, $0x1;
	[dreg:$0x2] =	wrdreg s3  }
0xa9: {  	[dreg:$0x3] =	wrdreg s5  }
0xaa: {  	[dreg:$0x4] =	wrdreg $0xC0  }
0xab: {  	_ =	task [dreg:s7], $0x5FFFF  }
0xac: {  	[dreg:$0x1] =	wrdreg $0xFFFFFFFF  }
0xad: {  	[dreg:$0x0] =	wrdreg $0x60  }
0xae: {  	[dreg:$0x2] =	wrdreg s24  }
0xaf: {  	[dreg:$0x3] =	wrdreg s2  }
0xb0: {  	[dreg:$0x4] =	wrdreg $0xFD200  }
0xb1: {  	[dreg:$0x5] =	wrdreg $0xAF000  }
0xb2: {  	[dreg:$0x6] =	wrdreg $0x9  }
0xb3: {  	_ =	task.clear_ibuf [dreg:s7], $0x7FFFF;
	_ =	strace $0x9000004C  }
0xb4: {  	s29 =	simm.s32 $0x9;
	_ =	strace $0x8000004E  }
0xb5: {  	_ =	swait.ge [sflag:s29], $0x1  }
0xb6: {  	[sflag:s29] =	ssyncadd.s32 $0xFFFFFFFF  }
0xb7: {  	_ =	strace $0x9000004E  }
0xb8: {  	_ =	sfence  }
0xb9: {  	s30 =	sld [smem:$0x0];
	_ =	sdelay $0x2  }
0xba: {  	s31 =	sshll.u32 s1, $0xD;
	s1 =	sshrl.u32 s1, $0x2  }
0xbb: {  	s3 =	sand.u32 $0x4000, s31;
	s1 =	sadd.s32 s1, s30  }
0xbc: {  	s0 =	sor.u32 s3, s0;
	s1 =	sshll.u32 s1, $0x11  }
0xbd: {  	s0 =	sor.u32 s1, s0  }
0xbe: {  	s0 =	sadd.s32 $0x8F2B, s0  }
0xbf: {  	[sflag:s0] =	ssyncadd.remote.s32 $0x1  }
0xc0: {  	_ =	sfence.sel $0xFFFF  }
0xc1: {  	[dreg:$0x0] =	wrdreg $0xFFFFFFFF;
	(pc) =	sbr.abs _section_cstart, $3  }
0xc2: {  	[dreg:$0x1] =	wrdreg $0xFFFFFFFF  }
0xc3: {  	_ =	task.clear_ibuf [dreg:s7], $0x2FFFF;
	_ =	strace $0x9FFFFFFF  }
0xc4: {  	(tm) =	ssettm $0x7FFFFFFF  }
0xc5: {  	_ =	shalt  }
tec
execute0_lowered:
.L_overlay_start_1:
0x0: {  	(tag) =	ssettag $0x1  }
0x1: {  	s0 =	rddreg [dreg:$0x0]  }
0x2: {  	s3 =	rddreg [dreg:$0x2]  }
0x3: {  	s4 =	rddreg [dreg:$0x3]  }
0x4: {  	s5 =	simm.s32 $0x0;
	s16 =	stileid.u32;
	s1 =	srdreg.scid  }
0x5: {  	s14 =	simm.s32 $0x7;
	s18 =	simm.s32 $0x1;
	s30 =	simm.s32 $0x8F00  }
0x6: {  	[smem:$0x7FF] =	sst s5;
	s2 =	smul.u32 $0x13880, s16;
	s1 =	sand.u32 $0x1, s1  }
0x7: {  	s8 =	sadd.s32 $0xE600, s0;
	s9 =	sadd.s32 $0x4800, s0;
	s11 =	sshll.u32 s16, $0x4  }
0x8: {  	s12 =	smul.u32 $0x4E20, s16;
	s31 =	sshll.u32 s16, $0x6;
	_ =	strace $0x8000004D  }
0x9: {  	s6 =	sshll.u32 s1, $0x5;
	s19 =	sshll.u32 s1, $0x4;
	s1 =	ssub.s32 $0x2, s1  }
0xa: {  	s11 =	sor.u32 $0x9C00, s11;
	s7 =	sshrl.u32 s2, $0x3;
	s2 =	sor.u32 s6, s2  }
0xb: {  	s20 =	sor.u32 s16, s19;
	s21 =	sshrl.u32 s1, $0x1;
	s25 =	sadd.s32 s8, s11  }
0xc: {  	s26 =	sadd.s32 s9, s11;
	s15 =	sadd.s32 s12, s3;
	s29 =	sadd.s32 s12, s4  }
0xd: {  	s16 =	sor.u32 $0x1C07, s31;
	s19 =	simm.s32 $0x4;
	[dreg:$0x7] =	wrdreg s25  }
0xe: {  	s10 =	sadd.s32 s7, s0;
	s2 =	sshrl.u32 s2, $0x3;
	[dreg:$0x8] =	wrdreg s26  }
0xf: {  	s22 =	smul.u32 $0x4E0, s20;
	s1 =	ssub.s32 s1, s21;
	[dreg:$0xa] =	wrdreg s29  }
0x10: {  	p0 =	sgt.u32 s20, $0x3;
	s17 =	sshrl.u32 s15, $0x3;
	s20 =	simm.s32 $0x10  }
0x11: {  	s21 =	simm.s32 $0x80;
	s25 =	simm.s32 $0x6F00;
	s15 =	simm.s32 $0x6  }
.Ltmp0:
0x12: {  	s0 =	sadd.s32 s2, s0;
	s28 =	sadd.s32 $0x18400, s10;
	(pc) =	sbr.rel .LBB2_1-.Ltmp0, $4  }
0x13: {  	s13 =	smax.u32 s1, $0x1;
	s2 =	simm.s32 $0x3;
	s1 =	simm.s32 $0x5  }
0x14: {  	s23 =	sadd.s32 s8, s22;
	s24 =	sadd.s32 s9, s22;
	[dreg:$0x9] =	wrdreg s28  }
0x15: {  	s12 =	sadd.s32 $0x8DA00, s0;
	s22 =	simm.s32 $0x4F00;
	[dreg:$0x5] =	wrdreg s23  }
0x16: {  	s0 =	simm.s32 $0x9F00;
	[dreg:$0x6] =	wrdreg s24;
	s23 =	simm.s32 $0x0  }
.LBB2_4:
0x17: {  	_ =	swait.ge [sflag:s15], $0x1000  }
0x18: {  	[sflag:s15] =	ssyncset.done $0x0  }
0x19: {  	[sflag:s15] =	ssyncadd.s32 $0xFFFFF000  }
0x1a: {  	[spmem:s4] =	stream.indirect.scatter.add.f32 [tilespmem:s0], [sflag:$0x7], $0x20, s29, s21, $0xb8;
	[tilespmem:$0x14B40] =	vst v63  }
0x1b: {  	_ =	swait.ge [sflag:s14], $0x1000  }
0x1c: {  	s6 =	simm.s32 @!p0 $0x80;
	[sflag:s14] =	ssyncset.done $0x0  }
0x1d: {  	s7 =	simm.s32 @!p0 $0x2700;
	s8 =	simm.s32 @!p0 $0x4F00;
	[sflag:s14] =	ssyncadd.s32 $0xFFFFF000  }
0x1e: {  	[tilespmem:s8], [sflag:$0x1] =	stream.indirect.gather @!p0 [spmem:s3], $0x20, s7, s6, $0xb8;
	[tilespmem:$0x14B40] =	vst v63  }
0x1f: {  	s7 =	simm.s32 @!p0 $0x1  }
0x20: {  	_ =	swait.ge @!p0 [sflag:s7], $0x1000  }
0x21: {  	[sflag:s7] =	ssyncset.done @!p0 $0x0  }
0x22: {  	[sflag:s7] =	ssyncadd.s32 @!p0 $0xFFFFF000;
	s7 =	simm.s32 @!p0 $0x4E80  }
0x23: {  	[spmem:s4] =	stream.indirect.scatter.add.f32 @!p0 [tilespmem:s8], [sflag:$0x7], $0x20, s7, s6, $0xb8;
	[tilespmem:$0x14B40] =	vst v63  }
0x24: {  	s6 =	simm.s32 @!p0 $0x7  }
0x25: {  	_ =	swait.ge @!p0 [sflag:s6], $0x1000  }
0x26: {  	s23 =	sadd.s32 $0x1, s23;
	[sflag:s6] =	ssyncset.done @!p0 $0x0  }
0x27: {  	p1 =	sne.s32 s23, s13;
	[sflag:s6] =	ssyncadd.s32 @!p0 $0xFFFFF000  }
.Ltmp1:
0x28: {  	[bflag:$0x0] =	sbarrier.arrive $0xFFFF;
	(pc) =	sbr.rel @!p1 .LBB2_5-.Ltmp1, $4  }
0x29: {  	[hbm:s12@s20], [sflag:s16] =	dma.strided [spmem:s24@s19], $0x9C4, s18, $0x4   }
0x2a: {  	_ =	swait.ge [sflag:s14], $0x9C4  }
0x2b: {  	[sflag:s14] =	ssyncset.done $0x0  }
0x2c: {  	[sflag:s14] =	ssyncadd.s32 $0xFFFFF63C  }
.LBB2_1:
0x2d: {  	s6 =	rddreg [dreg:$0x5]  }
0x2e: {  	[tilespmem:s5], [sflag:$0x7] =	stream.linear.gather [hbm4b:s6+s5], $0x2700, $0x38;
	[tilespmem:$0x14B40] =	vst v63  }
0x2f: {  	_ =	swait.ge [sflag:s14], $0x2700  }
0x30: {  	[sflag:s14] =	ssyncset.done $0x0  }
0x31: {  	s7 =	simm.s32 $0x2780;
	s31 =	rddreg [dreg:$0x6];
	[sflag:s14] =	ssyncadd.s32 $0xFFFFD900  }
0x32: {  	[tilespmem:s7], [sflag:$0x7] =	stream.linear.gather [hbm4b:s31+s5], $0x2700, $0x38;
	[tilespmem:$0x14B40] =	vst v63  }
0x33: {  	_ =	swait.ge [sflag:s14], $0x2700  }
0x34: {  	s24 =	simm.s32 @!p0 $0x0;
	[sflag:s14] =	ssyncset.done $0x0  }
0x35: {  	s26 =	simm.s32 @!p0 $0x2700;
	s6 =	rddreg [dreg:$0x7];
	[sflag:s14] =	ssyncadd.s32 $0xFFFFD900  }
0x36: {  	[tilespmem:s26], [sflag:$0x7] =	stream.linear.gather @!p0 [hbm4b:s6+s24], $0x80, $0x38;
	[tilespmem:$0x14B40] =	vst v63  }
0x37: {  	s26 =	simm.s32 @!p0 $0x7  }
0x38: {  	_ =	swait.ge @!p0 [sflag:s26], $0x80  }
0x39: {  	[sflag:s26] =	ssyncset.done @!p0 $0x0  }
0x3a: {  	s28 =	simm.s32 @!p0 $0x4E80;
	s6 =	rddreg [dreg:$0x8];
	[sflag:s26] =	ssyncadd.s32 @!p0 $0xFFFFFF80  }
0x3b: {  	[tilespmem:s28], [sflag:$0x7] =	stream.linear.gather @!p0 [hbm4b:s6+s24], $0x80, $0x38;
	[tilespmem:$0x14B40] =	vst v63  }
0x3c: {  	_ =	swait.ge @!p0 [sflag:s26], $0x80  }
0x3d: {  	[sflag:s26] =	ssyncset.done @!p0 $0x0  }
0x3e: {  	s7 =	rddreg [dreg:$0x9];
	[sflag:s26] =	ssyncadd.s32 @!p0 $0xFFFFFF80  }
0x3f: {  	[spmem:s17@s19], [sflag:s16] =	dma.strided [hbm:s7@s20], $0x9C4, s18, $0x4   }
0x40: {  	_ =	swait.ge [sflag:s14], $0x9C4  }
0x41: {  	[sflag:s14] =	ssyncset.done $0x0  }
0x42: {  	s8 =	rddreg [dreg:$0xa];
	[sflag:s14] =	ssyncadd.s32 $0xFFFFF63C  }
0x43: {  	s24 =	sshrl.u32 s8, $0x3;
	s9 =	rddreg [dreg:$0x1]  }
0x44: {  	[spmem:s24], [sflag:s16] =	dma.local [hbm:s9], $0x9C4  }
0x45: {  	_ =	swait.ge [sflag:s14], $0x9C4  }
0x46: {  	[sflag:s14] =	ssyncset.done $0x0  }
0x47: {  	[sflag:s14] =	ssyncadd.s32 $0xFFFFF63C  }
0x48: {  	[bflag:$0x0] =	sbarrier.arrive $0xFFFF  }
0x49: {  	[tilespmem:s22], [sflag:$0x1] =	stream.indirect.gather [spmem:s3], $0x20, s5, s21, $0xb8;
	[tilespmem:$0x14B40] =	vst v63  }
0x4a: {  	s10 =	simm.s32 $0x5F00  }
0x4b: {  	[tilespmem:s10], [sflag:$0x2] =	stream.indirect.gather [spmem:s3], $0x20, s21, s21, $0xb8;
	[tilespmem:$0x14B40] =	vst v63  }
0x4c: {  	s11 =	simm.s32 $0x100  }
0x4d: {  	[tilespmem:s25], [sflag:$0x3] =	stream.indirect.gather [spmem:s3], $0x20, s11, s21, $0xb8;
	[tilespmem:$0x14B40] =	vst v63  }
0x4e: {  	s28 =	simm.s32 $0x7F00;
	s26 =	simm.s32 $0x180  }
0x4f: {  	[tilespmem:s28], [sflag:$0x4] =	stream.indirect.gather [spmem:s3], $0x20, s26, s21, $0xb8;
	[tilespmem:$0x14B40] =	vst v63  }
0x50: {  	s29 =	simm.s32 $0x200  }
0x51: {  	[tilespmem:s30], [sflag:$0x5] =	stream.indirect.gather [spmem:s3], $0x20, s29, s21, $0xb8;
	[tilespmem:$0x14B40] =	vst v63  }
0x52: {  	s31 =	simm.s32 $0x280;
	s26 =	simm.s32 $0x0  }
0x53: {  	[tilespmem:s0], [sflag:$0x6] =	stream.indirect.gather [spmem:s3], $0x20, s31, s21, $0xb8;
	[tilespmem:$0x14B40] =	vst v63  }
.LBB2_2:
0x54: {  	_ =	swait.ge [sflag:s18], $0x1000  }
0x55: {  	s28 =	sshra.s32 s26, $0x2;
	[sflag:s18] =	ssyncset.done $0x0  }
0x56: {  	s29 =	sadd.s32 $0x2780, s28;
	[sflag:s18] =	ssyncadd.s32 $0xFFFFF000  }
0x57: {  	[spmem:s4] =	stream.indirect.scatter.add.f32 [tilespmem:s22], [sflag:$0x7], $0x20, s29, s21, $0xb8;
	[tilespmem:$0x14B40] =	vst v63  }
0x58: {  	_ =	swait.ge [sflag:s14], $0x1000  }
0x59: {  	p1 =	seq.s32 s26, $0x9000;
	[sflag:s14] =	ssyncset.done $0x0  }
0x5a: {  	s29 =	simm.s32 @p1 $0x2;
	[sflag:s14] =	ssyncadd.s32 $0xFFFFF000  }
0x5b: {  	_ =	swait.ge @p1 [sflag:s29], $0x1000  }
0x5c: {  	[sflag:s29] =	ssyncset.done @p1 $0x0  }
0x5d: {  	[sflag:s29] =	ssyncadd.s32 @p1 $0xFFFFF000;
	s29 =	sshra.s32 @p1 s26, $0x2  }
0x5e: {  	s6 =	simm.s32 @p1 $0x80;
	s7 =	simm.s32 @p1 $0x5F00;
	s31 =	sadd.s32 @p1 $0x2800, s29  }
0x5f: {  	[spmem:s4] =	stream.indirect.scatter.add.f32 @p1 [tilespmem:s7], [sflag:$0x7], $0x20, s31, s6, $0xb8;
	[tilespmem:$0x14B40] =	vst v63  }
0x60: {  	s7 =	simm.s32 @p1 $0x7  }
0x61: {  	_ =	swait.ge @p1 [sflag:s7], $0x1000  }
0x62: {  	s9 =	simm.s32 @!p1 $0x80;
	s31 =	sshra.s32 @!p1 s26, $0x2;
	[sflag:s7] =	ssyncset.done @p1 $0x0  }
0x63: {  	s10 =	simm.s32 @!p1 $0x4F00;
	s8 =	sadd.s32 @!p1 $0x300, s31;
	[sflag:s7] =	ssyncadd.s32 @p1 $0xFFFFF000  }
0x64: {  	[tilespmem:s10], [sflag:$0x1] =	stream.indirect.gather @!p1 [spmem:s3], $0x20, s8, s9, $0xb8;
	[tilespmem:$0x14B40] =	vst v63  }
0x65: {  	s8 =	simm.s32 @!p1 $0x2  }
0x66: {  	_ =	swait.ge @!p1 [sflag:s8], $0x1000  }
0x67: {  	[sflag:s8] =	ssyncset.done @!p1 $0x0  }
0x68: {  	s10 =	simm.s32 @!p1 $0x5F00;
	[sflag:s8] =	ssyncadd.s32 @!p1 $0xFFFFF000;
	s8 =	sadd.s32 @!p1 $0x2800, s31  }
0x69: {  	[spmem:s4] =	stream.indirect.scatter.add.f32 @!p1 [tilespmem:s10], [sflag:$0x7], $0x20, s8, s9, $0xb8;
	[tilespmem:$0x14B40] =	vst v63  }
0x6a: {  	s8 =	simm.s32 @!p1 $0x7  }
0x6b: {  	_ =	swait.ge @!p1 [sflag:s8], $0x1000  }
0x6c: {  	[sflag:s8] =	ssyncset.done @!p1 $0x0  }
0x6d: {  	s11 =	sadd.s32 @!p1 $0x380, s31;
	[sflag:s8] =	ssyncadd.s32 @!p1 $0xFFFFF000  }
0x6e: {  	[tilespmem:s10], [sflag:$0x2] =	stream.indirect.gather @!p1 [spmem:s3], $0x20, s11, s9, $0xb8;
	[tilespmem:$0x14B40] =	vst v63  }
0x6f: {  	_ =	swait.ge [sflag:s2], $0x1000  }
0x70: {  	[sflag:s2] =	ssyncset.done $0x0  }
0x71: {  	s11 =	sadd.s32 $0x2880, s28;
	[sflag:s2] =	ssyncadd.s32 $0xFFFFF000  }
0x72: {  	[spmem:s4] =	stream.indirect.scatter.add.f32 [tilespmem:s25], [sflag:$0x7], $0x20, s11, s21, $0xb8;
	[tilespmem:$0x14B40] =	vst v63  }
0x73: {  	_ =	swait.ge [sflag:s14], $0x1000  }
0x74: {  	[sflag:s14] =	ssyncset.done $0x0  }
0x75: {  	s10 =	simm.s32 @p1 $0x4;
	[sflag:s14] =	ssyncadd.s32 $0xFFFFF000  }
0x76: {  	_ =	swait.ge @p1 [sflag:s10], $0x1000  }
0x77: {  	[sflag:s10] =	ssyncset.done @p1 $0x0  }
0x78: {  	s11 =	simm.s32 @p1 $0x7F00;
	[sflag:s10] =	ssyncadd.s32 @p1 $0xFFFFF000;
	s10 =	sadd.s32 @p1 $0x2900, s29  }
0x79: {  	[spmem:s4] =	stream.indirect.scatter.add.f32 @p1 [tilespmem:s11], [sflag:$0x7], $0x20, s10, s6, $0xb8;
	[tilespmem:$0x14B40] =	vst v63  }
0x7a: {  	_ =	swait.ge @p1 [sflag:s7], $0x1000  }
0x7b: {  	[sflag:s7] =	ssyncset.done @p1 $0x0  }
0x7c: {  	s6 =	sadd.s32 @!p1 $0x400, s31;
	[sflag:s7] =	ssyncadd.s32 @p1 $0xFFFFF000;
	s7 =	simm.s32 @!p1 $0x6F00  }
0x7d: {  	[tilespmem:s7], [sflag:$0x3] =	stream.indirect.gather @!p1 [spmem:s3], $0x20, s6, s9, $0xb8;
	[tilespmem:$0x14B40] =	vst v63  }
0x7e: {  	s6 =	simm.s32 @!p1 $0x4  }
0x7f: {  	_ =	swait.ge @!p1 [sflag:s6], $0x1000  }
0x80: {  	[sflag:s6] =	ssyncset.done @!p1 $0x0  }
0x81: {  	s7 =	simm.s32 @!p1 $0x7F00;
	[sflag:s6] =	ssyncadd.s32 @!p1 $0xFFFFF000;
	s6 =	sadd.s32 @!p1 $0x2900, s31  }
0x82: {  	[spmem:s4] =	stream.indirect.scatter.add.f32 @!p1 [tilespmem:s7], [sflag:$0x7], $0x20, s6, s9, $0xb8;
	[tilespmem:$0x14B40] =	vst v63  }
0x83: {  	_ =	swait.ge @!p1 [sflag:s8], $0x1000  }
0x84: {  	[sflag:s8] =	ssyncset.done @!p1 $0x0  }
0x85: {  	s6 =	sadd.s32 @!p1 $0x480, s31;
	[sflag:s8] =	ssyncadd.s32 @!p1 $0xFFFFF000  }
0x86: {  	[tilespmem:s7], [sflag:$0x4] =	stream.indirect.gather @!p1 [spmem:s3], $0x20, s6, s9, $0xb8;
	[tilespmem:$0x14B40] =	vst v63  }
0x87: {  	_ =	swait.ge [sflag:s1], $0x1000  }
0x88: {  	[sflag:s1] =	ssyncset.done $0x0  }
.Ltmp2:
0x89: {  	s31 =	sadd.s32 $0x2980, s28;
	[sflag:s1] =	ssyncadd.s32 $0xFFFFF000;
	(pc) =	sbr.rel @p1 .LBB2_4-.Ltmp2, $4  }
0x8a: {  	[spmem:s4] =	stream.indirect.scatter.add.f32 [tilespmem:s30], [sflag:$0x7], $0x20, s31, s21, $0xb8;
	[tilespmem:$0x14B40] =	vst v63  }
0x8b: {  	_ =	swait.ge [sflag:s14], $0x1000  }
0x8c: {  	[sflag:s14] =	ssyncset.done $0x0  }
0x8d: {  	s29 =	sadd.s32 $0x2A00, s28;
	[sflag:s14] =	ssyncadd.s32 $0xFFFFF000  }
0x8e: {  	s6 =	sadd.s32 $0x500, s28  }
0x8f: {  	[tilespmem:s30], [sflag:$0x5] =	stream.indirect.gather [spmem:s3], $0x20, s6, s21, $0xb8;
	[tilespmem:$0x14B40] =	vst v63  }
0x90: {  	_ =	swait.ge [sflag:s15], $0x1000  }
0x91: {  	[sflag:s15] =	ssyncset.done $0x0  }
0x92: {  	[sflag:s15] =	ssyncadd.s32 $0xFFFFF000  }
0x93: {  	[spmem:s4] =	stream.indirect.scatter.add.f32 [tilespmem:s0], [sflag:$0x7], $0x20, s29, s21, $0xb8;
	[tilespmem:$0x14B40] =	vst v63  }
.Ltmp3:
0x94: {  	_ = 	snop;
	(pc) =	sbr.rel .LBB2_2-.Ltmp3, $4  }
0x95: {  	_ =	swait.ge [sflag:s14], $0x1000  }
0x96: {  	[sflag:s14] =	ssyncset.done $0x0  }
0x97: {  	s31 =	sadd.s32 $0x580, s28;
	s26 =	sadd.s32 $0xC00, s26;
	[sflag:s14] =	ssyncadd.s32 $0xFFFFF000  }
0x98: {  	[tilespmem:s0], [sflag:$0x6] =	stream.indirect.gather [spmem:s3], $0x20, s31, s21, $0xb8;
	[tilespmem:$0x14B40] =	vst v63  }
.LBB2_5:
0x99: {  	_ =	sfence.sel $0x180000  }
0x9a: {  	[bflag:$0x0] =	sbarrier.arrive $0xFFFF  }
0x9b: {  	_ =	strace $0x9000004D  }
0x9c: {  	s0 =	stileid.u32;
	[bflag:$0x2] =	sbarrier.arrive $0xFFFF  }
0x9d: {  	p0 =	sne.s32 s0, $0x0;
	s0 =	rddreg [dreg:$0x4]  }
0x9e: {  	s0 =	sadd.s32 @!p0 $0x100000, s0  }
0x9f: {  	[sflag:s0] =	ssyncadd.tile.s32 @!p0 $0x1;
	_ =	shalt  }
.Lfunc_end2:
_tile_overlayer_lowered:
.L_overlay_start_2:
0xa0: {  	(tag) =	ssettag $0x2  }
0xa1: {  	s0 =	rddreg [dreg:$0x0];
	s2 =	stileid.u32  }
0xa2: {  	s1 =	rddreg [dreg:$0x1];
	p0 =	sne.s32 s2, $0x0  }
0xa3: {  	s3 =	rddreg [dreg:$0x2];
	[bflag:$0x3] =	sbarrier.arrive $0xFFFF;
	s2 =	simm.s32 @!p0 $0x1C07  }
0xa4: {  	[timem:s3], [sflag:s2] =	dma.local @!p0 [hbm:s0], s1  }
0xa5: {  	s0 =	simm.s32 @!p0 $0x7  }
0xa6: {  	_ =	swait.ge @!p0 [sflag:s0], s1  }
0xa7: {  	s1 =	ssub.s32 @!p0 $0x0, s1;
	[sflag:s0] =	ssyncset.done @!p0 $0x0  }
0xa8: {  	[sflag:s0] =	ssyncadd.s32 @!p0 s1  }
0xa9: {  	[bflag:$0x3] =	sbarrier.arrive $0xFFFF  }
0xaa: {  	_ =	shalt  }

// kernel: kernel.19.cloned.1.call-start
scs
__scs_entry_jumppad:
0x0: {  	(pc) =	sbr.rel $0x88, $3  }
0x1: {  	(tag) =	ssettag $0x0;
	lr =	simm.s32 $0x1  }
0x2: {  	[smem:$0x3F97] =	sst lr;
	_ =	strace $0xD0000000  }
0x3: {  	_ = 	snop  }
0x4: {  	_ = 	snop  }
0x5: {  	_ = 	snop  }
0x6: {  	_ = 	snop  }
0x7: {  	_ = 	snop  }
__scs_overlays_trampoline_lowered:
0x8: {  	[smem:$0x3FA6] =	sst s0  }
0x9: {  	[smem:$0x3FA7] =	sst s1  }
0xa: {  	[smem:$0x3FA8] =	sst s2  }
0xb: {  	[smem:$0x3FA9] =	sst s3  }
0xc: {  	[smem:$0x3FAA] =	sst s4  }
0xd: {  	[smem:$0x3FAB] =	sst s5  }
0xe: {  	[smem:$0x3FAC] =	sst s6  }
0xf: {  	[smem:$0x3FAD] =	sst s7  }
0x10: {  	[smem:$0x3FAE] =	sst s8  }
0x11: {  	[smem:$0x3FAF] =	sst s9;
	s0 =	simm.s32 @!p0 $0x0  }
0x12: {  	s1 =	sld [smem:$0x3F95];
	s0 =	simm.s32 @p0 $0x1  }
0x13: {  	[smem:$0x3FB0] =	sst s0;
	s0 =	simm.s32 @!p1 $0x0  }
0x14: {  	s2 =	sld [smem:$0x3F94];
	s0 =	simm.s32 @p1 $0x1  }
0x15: {  	[smem:$0x3FB1] =	sst s0;
	s0 =	simm.s32 @!p2 $0x0  }
0x16: {  	s3 =	sld [smem:$0x3FDB];
	s0 =	simm.s32 @p2 $0x1  }
0x17: {  	s4 =	simm.s32 $0x1BF5;
	[smem:$0x3FB3] =	sst s0  }
0x18: {  	s0 =	sld [smem:$0x3F96];
	_ =	swait.ge [sflag:s4], $0x0  }
0x19: {  	s7 =	sld [smem:$0x3F97]  }
0x1a: {  	s8 =	sadd.s32 $0xFFFFE003, lr  }
0x1b: {  	s9 =	sadd.s32 $0xFFFFFEF7, lr;
	s5 =	simm.s32 $0xFFFFFFFF;
	p2 =	slt.u32 s8, $0xFFFFF086  }
0x1c: {  	p1 =	slt.u32 s9, $0xF7A;
	s5 =	simm.s32 @!p2 $0x0  }
0x1d: {  	s5 =	simm.s32 @p1 $0x1;
	p0 =	seq.s32 s7, s2  }
0x1e: {  	s7 =	smul.u32 @!p0 $0xF7A, s2;
	p2 =	seq.s32 @!p0 s5, $0x0  }
0x1f: {  	s9 =	smul.u32 $0xF7A, s1;
	s8 =	simm.s32 @!p0 $0x1BF5;
	p2 =	por !p2, p0  }
0x20: {  	[sflag:s8] =	ssyncset.s32 @!p0 $0xFFFFF086;
	s6 =	sadd.s32 @!p0 s3, s7;
	s7 =	simm.s32 @!p0 $0x108  }
0x21: {  	s3 =	sadd.s32 s3, s9;
	s6 =	sadd.s32 @!p0 $0x88, s6;
	s7 =	simm.s32 @p2 $0x1082  }
0x22: {  	[simem:s7], [sflag:s8] =	dma.local @!p0 [hbm:s6], $0xF7A  }
0x23: {  	s9 =	sor.u32 $0xD0000000, s2;
	s6 =	simm.s32 $0x108;
	_ =	swait.ge @!p0 [sflag:s8], $0x0  }
0x24: {  	s3 =	sadd.s32 $0x88, s3;
	s6 =	simm.s32 @!p1 $0x1082;
	[sflag:s4] =	ssyncset.s32 $0xFFFFF086  }
0x25: {  	[simem:s6], [sflag:s4] =	dma.local [hbm:s3], $0xF7A  }
0x26: {  	[smem:$0x3F97] =	sst s1;
	(tag) =	ssettag s2;
	_ =	strace s9  }
0x27: {  	s1 =	sld [smem:$0x3FA7]  }
0x28: {  	s2 =	sld [smem:$0x3FA8]  }
0x29: {  	s4 =	sld [smem:$0x3FAA]  }
0x2a: {  	p0 =	seq.s32 s5, $0x0;
	s5 =	sld [smem:$0x3FAB]  }
0x2b: {  	s6 =	sld [smem:$0x3FAC]  }
0x2c: {  	s7 =	sld [smem:$0x3FAD]  }
0x2d: {  	s3 =	simm.s32 $0x108;
	s8 =	sld [smem:$0x3FAE]  }
0x2e: {  	s3 =	simm.s32 @!p0 $0x1082;
	s9 =	sld [smem:$0x3FAF]  }
0x2f: {  	lr =	sadd.s32 s0, s3;
	s0 =	sld [smem:$0x3FA6]  }
0x30: {  	s3 =	sld [smem:$0x3FA9]  }
0x31: {  	[smem:$0x3FB2] =	sst s10  }
0x32: {  	s10 =	sld [smem:$0x3FB0];
	_ =	sdelay $0x3  }
0x33: {  	p0 =	seq.s32 s10, $0x1;
	s10 =	sld [smem:$0x3FB2];
	_ =	sdelay $0x3  }
0x34: {  	[smem:$0x3FB2] =	sst s10  }
0x35: {  	s10 =	sld [smem:$0x3FB1];
	_ =	sdelay $0x3  }
0x36: {  	p1 =	seq.s32 s10, $0x1;
	s10 =	sld [smem:$0x3FB2];
	_ =	sdelay $0x3  }
0x37: {  	[smem:$0x3FB2] =	sst s10  }
0x38: {  	s10 =	sld [smem:$0x3FB3]  }
0x39: {  	_ = 	snop;
	(pc) =	sbr.ind lr, $3  }
0x3a: {  	_ = 	snop  }
0x3b: {  	_ = 	snop  }
0x3c: {  	p2 =	seq.s32 s10, $0x1;
	s10 =	sld [smem:$0x3FB2]  }
0x3d: {  	_ =	shalt  }
0x3e: {  	_ =	shalt  }
0x3f: {  	_ =	shalt  }
0x40: {  	_ =	shalt  }
0x41: {  	_ =	shalt  }
0x42: {  	_ =	shalt  }
0x43: {  	_ =	shalt  }
0x44: {  	_ =	shalt  }
0x45: {  	_ =	shalt  }
0x46: {  	_ =	shalt  }
0x47: {  	_ =	shalt  }
0x48: {  	_ =	shalt  }
0x49: {  	_ =	shalt  }
0x4a: {  	_ =	shalt  }
0x4b: {  	_ =	shalt  }
0x4c: {  	_ =	shalt  }
0x4d: {  	_ =	shalt  }
0x4e: {  	_ =	shalt  }
0x4f: {  	_ =	shalt  }
0x50: {  	_ =	shalt  }
0x51: {  	_ =	shalt  }
0x52: {  	_ =	shalt  }
0x53: {  	_ =	shalt  }
0x54: {  	_ =	shalt  }
0x55: {  	_ =	shalt  }
0x56: {  	_ =	shalt  }
0x57: {  	_ =	shalt  }
0x58: {  	_ =	shalt  }
0x59: {  	_ =	shalt  }
0x5a: {  	_ =	shalt  }
0x5b: {  	_ =	shalt  }
0x5c: {  	_ =	shalt  }
0x5d: {  	_ =	shalt  }
0x5e: {  	_ =	shalt  }
0x5f: {  	_ =	shalt  }
0x60: {  	_ =	shalt  }
0x61: {  	_ =	shalt  }
0x62: {  	_ =	shalt  }
0x63: {  	_ =	shalt  }
0x64: {  	_ =	shalt  }
0x65: {  	_ =	shalt  }
0x66: {  	_ =	shalt  }
0x67: {  	_ =	shalt  }
0x68: {  	_ =	shalt  }
0x69: {  	_ =	shalt  }
0x6a: {  	_ =	shalt  }
0x6b: {  	_ =	shalt  }
0x6c: {  	_ =	shalt  }
0x6d: {  	_ =	shalt  }
0x6e: {  	_ =	shalt  }
0x6f: {  	_ =	shalt  }
0x70: {  	_ =	shalt  }
0x71: {  	_ =	shalt  }
0x72: {  	_ =	shalt  }
0x73: {  	_ =	shalt  }
0x74: {  	_ =	shalt  }
0x75: {  	_ =	shalt  }
0x76: {  	_ =	shalt  }
0x77: {  	_ =	shalt  }
0x78: {  	_ =	shalt  }
0x79: {  	_ =	shalt  }
0x7a: {  	_ =	shalt  }
0x7b: {  	_ =	shalt  }
0x7c: {  	_ =	shalt  }
0x7d: {  	_ =	shalt  }
0x7e: {  	_ =	shalt  }
0x7f: {  	_ =	shalt  }
0x80: {  	_ =	shalt  }
0x81: {  	_ =	shalt  }
0x82: {  	_ =	shalt  }
0x83: {  	_ =	shalt  }
0x84: {  	_ =	shalt  }
0x85: {  	_ =	shalt  }
0x86: {  	_ =	shalt  }
0x87: {  	_ =	shalt  }
.Lfunc_end0:
.L_simem_size_0:
called_computation.3_lowered:
.L_overlay_start_0:
0x88: {  	s2 =	sld [smem:$0x3FD9]  }
0x89: {  	s3 =	sld [smem:$0x3FFE];
	_ =	sdelay $0x1  }
0x8a: {  	s1 =	srdreg.scid  }
0x8b: {  	s0 =	sand.u32 $0x1, s1  }
0x8c: {  	s17 =	sshll.u32 s0, $0xA;
	s2 =	sadd.s32 s3, s2  }
0x8d: {  	s2 =	sadd.s32 s2, s17  }
0x8e: {  	[smem:$0x3FBE] =	sst s2  }
0x8f: {  	_ = 	snop  }
0x90: {  	s2 =	sld [smem:$0x3FD0];
	(tm) =	ssettm $0x1  }
0x91: {  	s18 =	sld [smem:$0x3FFB];
	_ =	sdelay $0x3  }
0x92: {  	_ =	strace s18  }
0x93: {  	s3 =	sld [smem:$0x3FFC];
	_ =	sdelay $0x3  }
0x94: {  	_ =	strace s3  }
0x95: {  	s3 =	sld [smem:$0x3FFD];
	_ =	sdelay $0x3  }
0x96: {  	_ =	strace s3  }
0x97: {  	_ =	strace $0x8FFFFFFF  }
0x98: {  	s19 =	sld [smem:$0x3FDB];
	_ =	sdelay $0x1  }
0x99: {  	s4 =	simm.s32 $_scs_section_size  }
0x9a: {  	s5 =	simm.s32 $_size__tile_overlayer_lowered;
	s6 =	simm.s32 $_tile_overlayer_lowered  }
0x9b: {  	s22 =	simm.s32 $0x1BFF;
	s21 =	sshll.u32 s6, $0x1;
	s3 =	sadd.s32 s4, s19  }
0x9c: {  	s7 =	simm.s32 $0x0;
	s20 =	sshll.u32 s5, $0x1;
	s5 =	sadd.s32 s21, s3  }
0x9d: {  	[timem:s7], [sflag:s22] =	dma.local [hbm:s5], s20  }
0x9e: {  	_ =	swait.ge [sflag:s22], s20  }
0x9f: {  	s4 =	ssub.s32 $0x0, s20;
	[sflag:s22] =	ssyncset.done $0x0  }
0xa0: {  	[sflag:s22] =	ssyncadd.s32 s4;
	_ =	sdelay $0x1  }
0xa1: {  	s23 =	simm.s32 $0x1B8B  }
0xa2: {  	_ =	swait.ge [sflag:s23], $0x1  }
0xa3: {  	[sflag:s23] =	ssyncset.done $0x0  }
0xa4: {  	s25 =	simm.s32 $0x1B8E;
	s24 =	sld [smem:$0x3FFE];
	[sflag:s23] =	ssyncadd.s32 $0xFFFFFFFF  }
0xa5: {  	s26 =	simm.s32 $execute0_lowered;
	[smem:$0x3FD2] =	sst s25  }
0xa6: {  	s5 =	sshll.u32 s26, $0x1;
	_ =	strace $0x8000004F;
	[dreg:$0x1] =	wrdreg $0xFFFFFFFF  }
0xa7: {  	s28 =	simm.s32 $_size_execute0_lowered;
	s3 =	sadd.s32 s3, s5;
	[dreg:$0x0] =	wrdreg $0x0  }
0xa8: {  	s5 =	sshll.u32 s28, $0x1;
	[dreg:$0x2] =	wrdreg s3  }
0xa9: {  	[dreg:$0x3] =	wrdreg s5  }
0xaa: {  	[dreg:$0x4] =	wrdreg $0xC0  }
0xab: {  	_ =	task [dreg:s7], $0x5FFFF  }
0xac: {  	[dreg:$0x1] =	wrdreg $0xFFFFFFFF  }
0xad: {  	[dreg:$0x0] =	wrdreg $0x60  }
0xae: {  	[dreg:$0x2] =	wrdreg s24  }
0xaf: {  	[dreg:$0x3] =	wrdreg s2  }
0xb0: {  	[dreg:$0x4] =	wrdreg $0xA6100  }
0xb1: {  	[dreg:$0x5] =	wrdreg $0x7F000  }
0xb2: {  	[dreg:$0x6] =	wrdreg $0x9  }
0xb3: {  	_ =	task.clear_ibuf [dreg:s7], $0x7FFFF;
	_ =	strace $0x9000004F  }
0xb4: {  	s29 =	simm.s32 $0x9;
	_ =	strace $0x80000051  }
0xb5: {  	_ =	swait.ge [sflag:s29], $0x1  }
0xb6: {  	[sflag:s29] =	ssyncadd.s32 $0xFFFFFFFF  }
0xb7: {  	_ =	strace $0x90000051  }
0xb8: {  	_ =	sfence  }
0xb9: {  	s30 =	sld [smem:$0x0];
	_ =	sdelay $0x2  }
0xba: {  	s31 =	sshll.u32 s1, $0xD;
	s1 =	sshrl.u32 s1, $0x2  }
0xbb: {  	s3 =	sand.u32 $0x4000, s31;
	s1 =	sadd.s32 s1, s30  }
0xbc: {  	s0 =	sor.u32 s3, s0;
	s1 =	sshll.u32 s1, $0x11  }
0xbd: {  	s0 =	sor.u32 s1, s0  }
0xbe: {  	s0 =	sadd.s32 $0x8F2B, s0  }
0xbf: {  	[sflag:s0] =	ssyncadd.remote.s32 $0x1  }
0xc0: {  	_ =	sfence.sel $0xFFFF  }
0xc1: {  	[dreg:$0x0] =	wrdreg $0xFFFFFFFF;
	(pc) =	sbr.abs _section_cstart, $3  }
0xc2: {  	[dreg:$0x1] =	wrdreg $0xFFFFFFFF  }
0xc3: {  	_ =	task.clear_ibuf [dreg:s7], $0x2FFFF;
	_ =	strace $0x9FFFFFFF  }
0xc4: {  	(tm) =	ssettm $0x7FFFFFFF  }
0xc5: {  	_ =	shalt  }
tec
execute0_lowered:
.L_overlay_start_1:
0x0: {  	(tag) =	ssettag $0x1  }
0x1: {  	s0 =	rddreg [dreg:$0x0]  }
0x2: {  	s3 =	rddreg [dreg:$0x2]  }
0x3: {  	s4 =	rddreg [dreg:$0x3];
	s5 =	simm.s32 $0x0;
	s16 =	stileid.u32  }
0x4: {  	s1 =	srdreg.scid;
	s14 =	simm.s32 $0x7;
	s18 =	simm.s32 $0x1  }
0x5: {  	s19 =	simm.s32 $0x2;
	s30 =	simm.s32 $0x6F00;
	[smem:$0x7FF] =	sst s5  }
0x6: {  	s2 =	smul.u32 $0x13880, s16;
	s1 =	sand.u32 $0x1, s1;
	s8 =	sadd.s32 $0xE600, s0  }
0x7: {  	s9 =	sadd.s32 $0x4800, s0;
	s11 =	sshll.u32 s16, $0x4;
	s12 =	smul.u32 $0x2710, s16  }
0x8: {  	s31 =	sshll.u32 s16, $0x6;
	_ =	strace $0x80000050;
	s6 =	sshll.u32 s1, $0x4  }
0x9: {  	s1 =	ssub.s32 $0x2, s1;
	s11 =	sor.u32 $0x9C00, s11;
	s7 =	sshrl.u32 s2, $0x3  }
0xa: {  	s2 =	sor.u32 s6, s2;
	s20 =	sor.u32 s16, s6;
	s21 =	sshrl.u32 s1, $0x1  }
0xb: {  	s25 =	sadd.s32 s8, s11;
	s26 =	sadd.s32 s9, s11;
	s15 =	sadd.s32 s12, s3  }
0xc: {  	s29 =	sadd.s32 s12, s4;
	s16 =	sor.u32 $0x1C07, s31;
	[dreg:$0x7] =	wrdreg s25  }
0xd: {  	s10 =	sadd.s32 s7, s0;
	s2 =	sshrl.u32 s2, $0x3;
	[dreg:$0x8] =	wrdreg s26  }
0xe: {  	s22 =	smul.u32 $0x4E0, s20;
	s1 =	ssub.s32 s1, s21;
	[dreg:$0xa] =	wrdreg s29  }
0xf: {  	p0 =	sgt.u32 s20, $0x3;
	s17 =	sshrl.u32 s15, $0x3;
	s20 =	simm.s32 $0x10  }
0x10: {  	s21 =	simm.s32 $0x80;
	s25 =	simm.s32 $0x5F00;
	s15 =	simm.s32 $0x6  }
.Ltmp0:
0x11: {  	s0 =	sadd.s32 s2, s0;
	s28 =	sadd.s32 $0x18400, s10;
	(pc) =	sbr.rel .LBB2_1-.Ltmp0, $4  }
0x12: {  	s13 =	smax.u32 s1, $0x1;
	s2 =	simm.s32 $0x3;
	s1 =	simm.s32 $0x5  }
0x13: {  	s23 =	sadd.s32 s8, s22;
	s24 =	sadd.s32 s9, s22;
	[dreg:$0x9] =	wrdreg s28  }
0x14: {  	s12 =	sadd.s32 $0xB4C00, s0;
	s22 =	simm.s32 $0x4F00;
	[dreg:$0x5] =	wrdreg s23  }
0x15: {  	s0 =	simm.s32 $0x7700;
	[dreg:$0x6] =	wrdreg s24;
	s23 =	simm.s32 $0x0  }
.LBB2_4:
0x16: {  	_ =	swait.ge [sflag:s15], $0x800  }
0x17: {  	[sflag:s15] =	ssyncset.done $0x0  }
0x18: {  	[sflag:s15] =	ssyncadd.s32 $0xFFFFF800  }
0x19: {  	[spmem:s4] =	stream.indirect.scatter.add.f32 [tilespmem:s0], [sflag:$0x7], $0x10, s29, s21, $0xb8;
	[tilespmem:$0xCD20] =	vst v63  }
0x1a: {  	_ =	swait.ge [sflag:s14], $0x800  }
0x1b: {  	s6 =	simm.s32 @!p0 $0x80;
	[sflag:s14] =	ssyncset.done $0x0  }
0x1c: {  	s7 =	simm.s32 @!p0 $0x2700;
	s8 =	simm.s32 @!p0 $0x4F00;
	[sflag:s14] =	ssyncadd.s32 $0xFFFFF800  }
0x1d: {  	[tilespmem:s8], [sflag:$0x1] =	stream.indirect.gather @!p0 [spmem:s3], $0x10, s7, s6, $0xb8;
	[tilespmem:$0xCD20] =	vst v63  }
0x1e: {  	s7 =	simm.s32 @!p0 $0x1  }
0x1f: {  	_ =	swait.ge @!p0 [sflag:s7], $0x800  }
0x20: {  	[sflag:s7] =	ssyncset.done @!p0 $0x0  }
0x21: {  	[sflag:s7] =	ssyncadd.s32 @!p0 $0xFFFFF800;
	s7 =	simm.s32 @!p0 $0x4E80  }
0x22: {  	[spmem:s4] =	stream.indirect.scatter.add.f32 @!p0 [tilespmem:s8], [sflag:$0x7], $0x10, s7, s6, $0xb8;
	[tilespmem:$0xCD20] =	vst v63  }
0x23: {  	s6 =	simm.s32 @!p0 $0x7  }
0x24: {  	_ =	swait.ge @!p0 [sflag:s6], $0x800  }
0x25: {  	s23 =	sadd.s32 $0x1, s23;
	[sflag:s6] =	ssyncset.done @!p0 $0x0  }
0x26: {  	p1 =	sne.s32 s23, s13;
	[sflag:s6] =	ssyncadd.s32 @!p0 $0xFFFFF800  }
.Ltmp1:
0x27: {  	[bflag:$0x0] =	sbarrier.arrive $0xFFFF;
	(pc) =	sbr.rel @!p1 .LBB2_5-.Ltmp1, $4  }
0x28: {  	[hbm:s12@s20], [sflag:s16] =	dma.strided [spmem:s24@s19], $0x4E2, s18, $0x2   }
0x29: {  	_ =	swait.ge [sflag:s14], $0x4E2  }
0x2a: {  	[sflag:s14] =	ssyncset.done $0x0  }
0x2b: {  	[sflag:s14] =	ssyncadd.s32 $0xFFFFFB1E  }
.LBB2_1:
0x2c: {  	s6 =	rddreg [dreg:$0x5]  }
0x2d: {  	[tilespmem:s5], [sflag:$0x7] =	stream.linear.gather [hbm4b:s6+s5], $0x2700, $0x38;
	[tilespmem:$0xCD20] =	vst v63  }
0x2e: {  	_ =	swait.ge [sflag:s14], $0x2700  }
0x2f: {  	[sflag:s14] =	ssyncset.done $0x0  }
0x30: {  	s7 =	simm.s32 $0x2780;
	s31 =	rddreg [dreg:$0x6];
	[sflag:s14] =	ssyncadd.s32 $0xFFFFD900  }
0x31: {  	[tilespmem:s7], [sflag:$0x7] =	stream.linear.gather [hbm4b:s31+s5], $0x2700, $0x38;
	[tilespmem:$0xCD20] =	vst v63  }
0x32: {  	_ =	swait.ge [sflag:s14], $0x2700  }
0x33: {  	s24 =	simm.s32 @!p0 $0x0;
	[sflag:s14] =	ssyncset.done $0x0  }
0x34: {  	s26 =	simm.s32 @!p0 $0x2700;
	s6 =	rddreg [dreg:$0x7];
	[sflag:s14] =	ssyncadd.s32 $0xFFFFD900  }
0x35: {  	[tilespmem:s26], [sflag:$0x7] =	stream.linear.gather @!p0 [hbm4b:s6+s24], $0x80, $0x38;
	[tilespmem:$0xCD20] =	vst v63  }
0x36: {  	s26 =	simm.s32 @!p0 $0x7  }
0x37: {  	_ =	swait.ge @!p0 [sflag:s26], $0x80  }
0x38: {  	[sflag:s26] =	ssyncset.done @!p0 $0x0  }
0x39: {  	s28 =	simm.s32 @!p0 $0x4E80;
	s6 =	rddreg [dreg:$0x8];
	[sflag:s26] =	ssyncadd.s32 @!p0 $0xFFFFFF80  }
0x3a: {  	[tilespmem:s28], [sflag:$0x7] =	stream.linear.gather @!p0 [hbm4b:s6+s24], $0x80, $0x38;
	[tilespmem:$0xCD20] =	vst v63  }
0x3b: {  	_ =	swait.ge @!p0 [sflag:s26], $0x80  }
0x3c: {  	[sflag:s26] =	ssyncset.done @!p0 $0x0  }
0x3d: {  	s7 =	rddreg [dreg:$0x9];
	[sflag:s26] =	ssyncadd.s32 @!p0 $0xFFFFFF80  }
0x3e: {  	[spmem:s17@s19], [sflag:s16] =	dma.strided [hbm:s7@s20], $0x4E2, s18, $0x2   }
0x3f: {  	_ =	swait.ge [sflag:s14], $0x4E2  }
0x40: {  	[sflag:s14] =	ssyncset.done $0x0  }
0x41: {  	s8 =	rddreg [dreg:$0xa];
	[sflag:s14] =	ssyncadd.s32 $0xFFFFFB1E  }
0x42: {  	s24 =	sshrl.u32 s8, $0x3;
	s9 =	rddreg [dreg:$0x1]  }
0x43: {  	[spmem:s24], [sflag:s16] =	dma.local [hbm:s9], $0x4E2  }
0x44: {  	_ =	swait.ge [sflag:s14], $0x4E2  }
0x45: {  	[sflag:s14] =	ssyncset.done $0x0  }
0x46: {  	[sflag:s14] =	ssyncadd.s32 $0xFFFFFB1E  }
0x47: {  	[bflag:$0x0] =	sbarrier.arrive $0xFFFF  }
0x48: {  	[tilespmem:s22], [sflag:$0x1] =	stream.indirect.gather [spmem:s3], $0x10, s5, s21, $0xb8;
	[tilespmem:$0xCD20] =	vst v63  }
0x49: {  	s10 =	simm.s32 $0x5700  }
0x4a: {  	[tilespmem:s10], [sflag:$0x2] =	stream.indirect.gather [spmem:s3], $0x10, s21, s21, $0xb8;
	[tilespmem:$0xCD20] =	vst v63  }
0x4b: {  	s11 =	simm.s32 $0x100  }
0x4c: {  	[tilespmem:s25], [sflag:$0x3] =	stream.indirect.gather [spmem:s3], $0x10, s11, s21, $0xb8;
	[tilespmem:$0xCD20] =	vst v63  }
0x4d: {  	s28 =	simm.s32 $0x6700;
	s26 =	simm.s32 $0x180  }
0x4e: {  	[tilespmem:s28], [sflag:$0x4] =	stream.indirect.gather [spmem:s3], $0x10, s26, s21, $0xb8;
	[tilespmem:$0xCD20] =	vst v63  }
0x4f: {  	s29 =	simm.s32 $0x200  }
0x50: {  	[tilespmem:s30], [sflag:$0x5] =	stream.indirect.gather [spmem:s3], $0x10, s29, s21, $0xb8;
	[tilespmem:$0xCD20] =	vst v63  }
0x51: {  	s31 =	simm.s32 $0x280;
	s26 =	simm.s32 $0x0  }
0x52: {  	[tilespmem:s0], [sflag:$0x6] =	stream.indirect.gather [spmem:s3], $0x10, s31, s21, $0xb8;
	[tilespmem:$0xCD20] =	vst v63  }
.LBB2_2:
0x53: {  	_ =	swait.ge [sflag:s18], $0x800  }
0x54: {  	s28 =	sshra.s32 s26, $0x2;
	[sflag:s18] =	ssyncset.done $0x0  }
0x55: {  	s29 =	sadd.s32 $0x2780, s28;
	[sflag:s18] =	ssyncadd.s32 $0xFFFFF800  }
0x56: {  	[spmem:s4] =	stream.indirect.scatter.add.f32 [tilespmem:s22], [sflag:$0x7], $0x10, s29, s21, $0xb8;
	[tilespmem:$0xCD20] =	vst v63  }
0x57: {  	_ =	swait.ge [sflag:s14], $0x800  }
0x58: {  	p1 =	seq.s32 s26, $0x9000;
	[sflag:s14] =	ssyncset.done $0x0  }
0x59: {  	s29 =	simm.s32 @p1 $0x2;
	[sflag:s14] =	ssyncadd.s32 $0xFFFFF800  }
0x5a: {  	_ =	swait.ge @p1 [sflag:s29], $0x800  }
0x5b: {  	[sflag:s29] =	ssyncset.done @p1 $0x0  }
0x5c: {  	[sflag:s29] =	ssyncadd.s32 @p1 $0xFFFFF800;
	s29 =	sshra.s32 @p1 s26, $0x2  }
0x5d: {  	s6 =	simm.s32 @p1 $0x80;
	s7 =	simm.s32 @p1 $0x5700;
	s31 =	sadd.s32 @p1 $0x2800, s29  }
0x5e: {  	[spmem:s4] =	stream.indirect.scatter.add.f32 @p1 [tilespmem:s7], [sflag:$0x7], $0x10, s31, s6, $0xb8;
	[tilespmem:$0xCD20] =	vst v63  }
0x5f: {  	s7 =	simm.s32 @p1 $0x7  }
0x60: {  	_ =	swait.ge @p1 [sflag:s7], $0x800  }
0x61: {  	s9 =	simm.s32 @!p1 $0x80;
	s31 =	sshra.s32 @!p1 s26, $0x2;
	[sflag:s7] =	ssyncset.done @p1 $0x0  }
0x62: {  	s10 =	simm.s32 @!p1 $0x4F00;
	s8 =	sadd.s32 @!p1 $0x300, s31;
	[sflag:s7] =	ssyncadd.s32 @p1 $0xFFFFF800  }
0x63: {  	[tilespmem:s10], [sflag:$0x1] =	stream.indirect.gather @!p1 [spmem:s3], $0x10, s8, s9, $0xb8;
	[tilespmem:$0xCD20] =	vst v63  }
0x64: {  	s8 =	simm.s32 @!p1 $0x2  }
0x65: {  	_ =	swait.ge @!p1 [sflag:s8], $0x800  }
0x66: {  	[sflag:s8] =	ssyncset.done @!p1 $0x0  }
0x67: {  	s10 =	simm.s32 @!p1 $0x5700;
	[sflag:s8] =	ssyncadd.s32 @!p1 $0xFFFFF800;
	s8 =	sadd.s32 @!p1 $0x2800, s31  }
0x68: {  	[spmem:s4] =	stream.indirect.scatter.add.f32 @!p1 [tilespmem:s10], [sflag:$0x7], $0x10, s8, s9, $0xb8;
	[tilespmem:$0xCD20] =	vst v63  }
0x69: {  	s8 =	simm.s32 @!p1 $0x7  }
0x6a: {  	_ =	swait.ge @!p1 [sflag:s8], $0x800  }
0x6b: {  	[sflag:s8] =	ssyncset.done @!p1 $0x0  }
0x6c: {  	s11 =	sadd.s32 @!p1 $0x380, s31;
	[sflag:s8] =	ssyncadd.s32 @!p1 $0xFFFFF800  }
0x6d: {  	[tilespmem:s10], [sflag:$0x2] =	stream.indirect.gather @!p1 [spmem:s3], $0x10, s11, s9, $0xb8;
	[tilespmem:$0xCD20] =	vst v63  }
0x6e: {  	_ =	swait.ge [sflag:s2], $0x800  }
0x6f: {  	[sflag:s2] =	ssyncset.done $0x0  }
0x70: {  	s11 =	sadd.s32 $0x2880, s28;
	[sflag:s2] =	ssyncadd.s32 $0xFFFFF800  }
0x71: {  	[spmem:s4] =	stream.indirect.scatter.add.f32 [tilespmem:s25], [sflag:$0x7], $0x10, s11, s21, $0xb8;
	[tilespmem:$0xCD20] =	vst v63  }
0x72: {  	_ =	swait.ge [sflag:s14], $0x800  }
0x73: {  	[sflag:s14] =	ssyncset.done $0x0  }
0x74: {  	s10 =	simm.s32 @p1 $0x4;
	[sflag:s14] =	ssyncadd.s32 $0xFFFFF800  }
0x75: {  	_ =	swait.ge @p1 [sflag:s10], $0x800  }
0x76: {  	[sflag:s10] =	ssyncset.done @p1 $0x0  }
0x77: {  	s11 =	simm.s32 @p1 $0x6700;
	[sflag:s10] =	ssyncadd.s32 @p1 $0xFFFFF800;
	s10 =	sadd.s32 @p1 $0x2900, s29  }
0x78: {  	[spmem:s4] =	stream.indirect.scatter.add.f32 @p1 [tilespmem:s11], [sflag:$0x7], $0x10, s10, s6, $0xb8;
	[tilespmem:$0xCD20] =	vst v63  }
0x79: {  	_ =	swait.ge @p1 [sflag:s7], $0x800  }
0x7a: {  	[sflag:s7] =	ssyncset.done @p1 $0x0  }
0x7b: {  	s6 =	sadd.s32 @!p1 $0x400, s31;
	[sflag:s7] =	ssyncadd.s32 @p1 $0xFFFFF800;
	s7 =	simm.s32 @!p1 $0x5F00  }
0x7c: {  	[tilespmem:s7], [sflag:$0x3] =	stream.indirect.gather @!p1 [spmem:s3], $0x10, s6, s9, $0xb8;
	[tilespmem:$0xCD20] =	vst v63  }
0x7d: {  	s6 =	simm.s32 @!p1 $0x4  }
0x7e: {  	_ =	swait.ge @!p1 [sflag:s6], $0x800  }
0x7f: {  	[sflag:s6] =	ssyncset.done @!p1 $0x0  }
0x80: {  	s7 =	simm.s32 @!p1 $0x6700;
	[sflag:s6] =	ssyncadd.s32 @!p1 $0xFFFFF800;
	s6 =	sadd.s32 @!p1 $0x2900, s31  }
0x81: {  	[spmem:s4] =	stream.indirect.scatter.add.f32 @!p1 [tilespmem:s7], [sflag:$0x7], $0x10, s6, s9, $0xb8;
	[tilespmem:$0xCD20] =	vst v63  }
0x82: {  	_ =	swait.ge @!p1 [sflag:s8], $0x800  }
0x83: {  	[sflag:s8] =	ssyncset.done @!p1 $0x0  }
0x84: {  	s6 =	sadd.s32 @!p1 $0x480, s31;
	[sflag:s8] =	ssyncadd.s32 @!p1 $0xFFFFF800  }
0x85: {  	[tilespmem:s7], [sflag:$0x4] =	stream.indirect.gather @!p1 [spmem:s3], $0x10, s6, s9, $0xb8;
	[tilespmem:$0xCD20] =	vst v63  }
0x86: {  	_ =	swait.ge [sflag:s1], $0x800  }
0x87: {  	[sflag:s1] =	ssyncset.done $0x0  }
.Ltmp2:
0x88: {  	s31 =	sadd.s32 $0x2980, s28;
	[sflag:s1] =	ssyncadd.s32 $0xFFFFF800;
	(pc) =	sbr.rel @p1 .LBB2_4-.Ltmp2, $4  }
0x89: {  	[spmem:s4] =	stream.indirect.scatter.add.f32 [tilespmem:s30], [sflag:$0x7], $0x10, s31, s21, $0xb8;
	[tilespmem:$0xCD20] =	vst v63  }
0x8a: {  	_ =	swait.ge [sflag:s14], $0x800  }
0x8b: {  	[sflag:s14] =	ssyncset.done $0x0  }
0x8c: {  	s29 =	sadd.s32 $0x2A00, s28;
	[sflag:s14] =	ssyncadd.s32 $0xFFFFF800  }
0x8d: {  	s6 =	sadd.s32 $0x500, s28  }
0x8e: {  	[tilespmem:s30], [sflag:$0x5] =	stream.indirect.gather [spmem:s3], $0x10, s6, s21, $0xb8;
	[tilespmem:$0xCD20] =	vst v63  }
0x8f: {  	_ =	swait.ge [sflag:s15], $0x800  }
0x90: {  	[sflag:s15] =	ssyncset.done $0x0  }
0x91: {  	[sflag:s15] =	ssyncadd.s32 $0xFFFFF800  }
0x92: {  	[spmem:s4] =	stream.indirect.scatter.add.f32 [tilespmem:s0], [sflag:$0x7], $0x10, s29, s21, $0xb8;
	[tilespmem:$0xCD20] =	vst v63  }
.Ltmp3:
0x93: {  	_ = 	snop;
	(pc) =	sbr.rel .LBB2_2-.Ltmp3, $4  }
0x94: {  	_ =	swait.ge [sflag:s14], $0x800  }
0x95: {  	[sflag:s14] =	ssyncset.done $0x0  }
0x96: {  	s31 =	sadd.s32 $0x580, s28;
	s26 =	sadd.s32 $0xC00, s26;
	[sflag:s14] =	ssyncadd.s32 $0xFFFFF800  }
0x97: {  	[tilespmem:s0], [sflag:$0x6] =	stream.indirect.gather [spmem:s3], $0x10, s31, s21, $0xb8;
	[tilespmem:$0xCD20] =	vst v63  }
.LBB2_5:
0x98: {  	_ =	sfence.sel $0x180000  }
0x99: {  	[bflag:$0x0] =	sbarrier.arrive $0xFFFF  }
0x9a: {  	_ =	strace $0x90000050  }
0x9b: {  	s0 =	stileid.u32;
	[bflag:$0x2] =	sbarrier.arrive $0xFFFF  }
0x9c: {  	p0 =	sne.s32 s0, $0x0;
	s0 =	rddreg [dreg:$0x4]  }
0x9d: {  	s0 =	sadd.s32 @!p0 $0x100000, s0  }
0x9e: {  	[sflag:s0] =	ssyncadd.tile.s32 @!p0 $0x1;
	_ =	shalt  }
.Lfunc_end2:
_tile_overlayer_lowered:
.L_overlay_start_2:
0x9f: {  	(tag) =	ssettag $0x2  }
0xa0: {  	s0 =	rddreg [dreg:$0x0];
	s2 =	stileid.u32  }
0xa1: {  	s1 =	rddreg [dreg:$0x1];
	p0 =	sne.s32 s2, $0x0  }
0xa2: {  	s3 =	rddreg [dreg:$0x2];
	[bflag:$0x3] =	sbarrier.arrive $0xFFFF;
	s2 =	simm.s32 @!p0 $0x1C07  }
0xa3: {  	[timem:s3], [sflag:s2] =	dma.local @!p0 [hbm:s0], s1  }
0xa4: {  	s0 =	simm.s32 @!p0 $0x7  }
0xa5: {  	_ =	swait.ge @!p0 [sflag:s0], s1  }
0xa6: {  	s1 =	ssub.s32 @!p0 $0x0, s1;
	[sflag:s0] =	ssyncset.done @!p0 $0x0  }
0xa7: {  	[sflag:s0] =	ssyncadd.s32 @!p0 s1  }
0xa8: {  	[bflag:$0x3] =	sbarrier.arrive $0xFFFF  }
0xa9: {  	_ =	shalt  }

</sc_bundles>
